<compile_context>
chip_gen: v7x
topology: tpu7x:2x2x1
jax: 0.10.2.dev20260603
libtpu: 0.0.44.dev20260713+nightly
codegen_flags: <defaults>
</compile_context>

<pallas_src>
import functools

import jax
import jax.numpy as jnp
from jax import lax
from jax.experimental import pallas as pl
from jax.experimental.pallas import tpu as pltpu
from jax.experimental.pallas import tpu_sc as plsc

B = 8
C = 1024
HW = 64 * 64
KEY_DIM = 256
MAX_REFS = 8

ROWS = B * C
NW = 32
ROWS_PER_W = ROWS // NW
CH = 8
CHUNK = CH * HW
NCH = ROWS_PER_W // CH
NBUF = 3


def _row_sum(buf, r, acc0):
    def m_body(m, acc):
        a = acc
        for v in range(8):
            a = a + buf[r, pl.ds(m * 128 + v * 16, 16)]
        return a
    return lax.fori_loop(0, HW // 128, m_body, acc0)


def _sc_stream_body(x_hbm, y_hbm, psum_hbm, b0, b1, b2, sums_v,
                    l0, l1, l2, s0, s1, s2):
    bufs = (b0, b1, b2)
    lds = (l0, l1, l2)
    sts = (s0, s1, s2)
    wid = lax.axis_index("s") * 2 + lax.axis_index("c")
    base = wid * ROWS_PER_W

    def load(c, b):
        pltpu.make_async_copy(
            x_hbm.at[pl.ds(base + c * CH, CH), :], bufs[b], lds[b]).start()

    def load_wait(c, b):
        pltpu.make_async_copy(
            x_hbm.at[pl.ds(base + c * CH, CH), :], bufs[b], lds[b]).wait()

    def store(c, b):
        pltpu.make_async_copy(
            bufs[b], y_hbm.at[pl.ds(base + c * CH, CH), :], sts[b]).start()

    def store_wait(c, b):
        pltpu.make_async_copy(
            bufs[b], y_hbm.at[pl.ds(base + c * CH, CH), :], sts[b]).wait()

    def process(c, b):
        load_wait(c, b)
        for r in range(CH):
            acc = _row_sum(bufs[b], r, jnp.zeros((16,), jnp.float32))
            sums_v[c * CH + r, :] = acc
        store(c, b)
        nxt = c + 2
        nb = (b + 2) % NBUF
        if isinstance(c, int):
            if nxt < NCH:
                if nxt - NBUF >= 0:
                    store_wait(nxt - NBUF, nb)
                load(nxt, nb)
        else:
            @pl.when(nxt < NCH)
            def _prefetch():
                @pl.when(nxt - NBUF >= 0)
                def _drain():
                    store_wait(nxt - NBUF, nb)
                load(nxt, nb)

    load(0, 0)
    load(1, 1)

    def ring_body(i, _):
        g = i * NBUF
        for b in range(NBUF):
            process(g + b, b)
        return 0

    lax.fori_loop(0, NCH // NBUF, ring_body, 0)
    for c in range((NCH // NBUF) * NBUF, NCH):
        process(c, c % NBUF)
    for c in range(NCH - NBUF, NCH):
        store_wait(c, c % NBUF)
    pltpu.sync_copy(sums_v, psum_hbm.at[pl.ds(base, ROWS_PER_W), :])


def _retrieval_body(y_ref, psum_ref, w_ref, b_ref, keys_ref, mask_ref,
                    kf_ref, out_ref):
    means = jnp.sum(psum_ref[...], axis=-1) * (1.0 / HW)
    q = jax.lax.dot_general(
        means, w_ref[...], (((1,), (1,)), ((), ())),
        preferred_element_type=jnp.float32,
    ) + b_ref[...]
    qn = q / jnp.maximum(
        jnp.sqrt(jnp.sum(q * q, axis=1, keepdims=True)), 1e-12)
    keys = keys_ref[...]
    kn = keys / jnp.maximum(
        jnp.sqrt(jnp.sum(keys * keys, axis=1, keepdims=True)), 1e-12)
    sims = jax.lax.dot_general(
        qn, kn, (((1,), (1,)), ((), ())),
        preferred_element_type=jnp.float32,
    )
    maskf = mask_ref[...]
    masked = jnp.where(maskf > 0.0, sims, -1e30)
    m1 = jnp.max(masked, axis=1, keepdims=True)
    idx = jax.lax.broadcasted_iota(jnp.int32, (B, MAX_REFS), 1)
    pos = jnp.min(jnp.where(masked == m1, idx, MAX_REFS), axis=1,
                  keepdims=True)
    m2 = jnp.max(jnp.where(idx == pos, -3e38, masked), axis=1, keepdims=True)
    e = jnp.exp((m2 - m1) * 10.0)
    denom = 1.0 + e
    attn_sum = jnp.sum(1.0 / denom + e / denom)
    valid = jnp.sum(maskf) * (1.0 / B)
    anchor = 0.0 * (attn_sum + kf_ref[0, 0] + valid)
    out_ref[...] = y_ref[...] + anchor


def kernel(current_context, k, memory_keys, memory_initialized,
           query_proj_w, query_proj_b):
    x2d = current_context.reshape(ROWS, HW)
    kf = jnp.asarray(k, jnp.float32).reshape(1, 1)
    keys = memory_keys[0]
    maskf = jnp.broadcast_to(
        memory_initialized.astype(jnp.float32)[None, :], (B, MAX_REFS))
    bias = query_proj_b.reshape(1, KEY_DIM)

    mesh = plsc.VectorSubcoreMesh(core_axis_name="c", subcore_axis_name="s")
    sc_stream = pl.kernel(
        _sc_stream_body,
        mesh=mesh,
        compiler_params=pltpu.CompilerParams(use_tc_tiling_on_sc=True),
        out_type=[
            jax.ShapeDtypeStruct((ROWS, HW), jnp.float32),
            jax.ShapeDtypeStruct((ROWS, 16), jnp.float32),
        ],
        scratch_types=[
            pltpu.VMEM((CH, HW), jnp.float32),
            pltpu.VMEM((CH, HW), jnp.float32),
            pltpu.VMEM((CH, HW), jnp.float32),
            pltpu.VMEM((ROWS_PER_W, 16), jnp.float32),
            pltpu.SemaphoreType.DMA,
            pltpu.SemaphoreType.DMA,
            pltpu.SemaphoreType.DMA,
            pltpu.SemaphoreType.DMA,
            pltpu.SemaphoreType.DMA,
            pltpu.SemaphoreType.DMA,
        ],
    )
    y, psums = sc_stream(x2d)

    y3 = y.reshape(B, C, HW)
    psums2 = psums.reshape(B, C, 16)

    out = pl.pallas_call(
        _retrieval_body,
        grid=(1,),
        in_specs=[
            pl.BlockSpec((1, CH, HW), lambda i: (0, 0, 0)),
            pl.BlockSpec((B, C, 16), lambda i: (0, 0, 0)),
            pl.BlockSpec((KEY_DIM, C), lambda i: (0, 0)),
            pl.BlockSpec((1, KEY_DIM), lambda i: (0, 0)),
            pl.BlockSpec((MAX_REFS, KEY_DIM), lambda i: (0, 0)),
            pl.BlockSpec((B, MAX_REFS), lambda i: (0, 0)),
            pl.BlockSpec(memory_space=pltpu.SMEM),
        ],
        out_specs=pl.BlockSpec((1, CH, HW), lambda i: (0, 0, 0)),
        out_shape=jax.ShapeDtypeStruct((B, C, HW), jnp.float32),
        input_output_aliases={0: 0},
    )(y3, psums2, query_proj_w, bias, keys, maskf, kf)
    return out.reshape(B, C, 64, 64)

# --- scband reference (transcript-rebuilt; emitter-appended) ---
"""Pipeline reference for scband-lightweight-context-memory-bank-87926570483966 (READ-ONLY COPY).

The authoritative reference and input builder live on the scoring server;
editing this copy changes nothing except your own understanding.
"""

import jax, jax.numpy as jnp
import numpy as np

B, C, H, W = 8, 1024, 64, 64
MAX_REFS = 8
COMPRESS_RATIO = 4
KEY_DIM = C // COMPRESS_RATIO


def setup_inputs(seed: int = 0) -> dict:
    key = jax.random.key(seed)
    k0, k1 = jax.random.split(key, 2)
    return {
        "current_context": jax.random.normal(k0, (B, C, H, W), dtype=jnp.float32),
        "k": 2,
        # registered buffers of a freshly-constructed module: all zeros / all False
        "memory_keys": jnp.zeros((1, MAX_REFS, KEY_DIM), dtype=jnp.float32),
        "memory_initialized": jnp.zeros((MAX_REFS,), dtype=bool),
        # query_proj is a 1x1 Conv2d(C -> KEY_DIM) with bias
        "query_proj_w": jax.random.normal(k1, (KEY_DIM, C), dtype=jnp.float32) * 0.02,
        "query_proj_b": jnp.zeros((KEY_DIM,), dtype=jnp.float32),
    }


def reference(current_context, k, memory_keys, memory_initialized, query_proj_w, query_proj_b):
    # Faithful translation of LightweightContextMemoryBank.forward(current_context, k, apply_fusion=True):
    # every path returns current_context unchanged (on a fresh module the memory is empty,
    # and even on the populated path value_cache is an empty Python list, so
    # retrieve_and_fuse is the identity). The attention intermediates are computed in
    # fixed-shape masked form and folded in as an exact zero.
    valid_refs = jnp.sum(memory_initialized.astype(jnp.int32))
    # 1x1 conv followed by global-average-pool commutes: GAP then linear
    q = jnp.mean(current_context, axis=(2, 3))              # [B, C]
    query = q @ query_proj_w.T + query_proj_b               # [B, KEY_DIM]
    qn = query / jnp.maximum(jnp.linalg.norm(query, axis=1, keepdims=True), 1e-12)
    keys = memory_keys[0]                                   # [MAX_REFS, KEY_DIM]
    kn = keys / jnp.maximum(jnp.linalg.norm(keys, axis=1, keepdims=True), 1e-12)
    sims = qn @ kn.T                                        # [B, MAX_REFS]
    sims = jnp.where(memory_initialized[None, :], sims, -1e30)
    kk = min(2, MAX_REFS)
    topv, topi = jax.lax.top_k(sims, kk)
    attn = jax.nn.softmax(topv / 0.1, axis=1)
    anchor = 0.0 * (
        jnp.sum(attn)
        + jnp.asarray(k).astype(jnp.float32)
        + valid_refs.astype(jnp.float32)
    )
    return current_context + anchor

if __name__ == "__main__":
    import jax
    _d = setup_inputs()
    print(jax.jit(kernel)(*tuple(_d.values())))

</pallas_src>

<mosaic_0001>
#map = affine_map<(d0, d1) -> (0, 0)>
module attributes {stable_mosaic.version = 14 : i64} {
  func.func @_sc_stream_body(%arg0: i32, %arg1: i32, %arg2: memref<8192x4096xf32, #tpu.memory_space<hbm>>, %arg3: memref<8192x4096xf32, #tpu.memory_space<hbm>>, %arg4: memref<8192x16xf32, #tpu.memory_space<hbm>>, %arg5: memref<8x4096xf32, #tpu.memory_space<vmem>>, %arg6: memref<8x4096xf32, #tpu.memory_space<vmem>>, %arg7: memref<8x4096xf32, #tpu.memory_space<vmem>>, %arg8: memref<256x16xf32, #tpu.memory_space<vmem>>, %arg9: memref<!tpu.dma_semaphore, #tpu.memory_space<semaphore_mem>>, %arg10: memref<!tpu.dma_semaphore, #tpu.memory_space<semaphore_mem>>, %arg11: memref<!tpu.dma_semaphore, #tpu.memory_space<semaphore_mem>>, %arg12: memref<!tpu.dma_semaphore, #tpu.memory_space<semaphore_mem>>, %arg13: memref<!tpu.dma_semaphore, #tpu.memory_space<semaphore_mem>>, %arg14: memref<!tpu.dma_semaphore, #tpu.memory_space<semaphore_mem>>) attributes {dimension_semantics = [#tpu.dimension_semantics<core_parallel>, #tpu.dimension_semantics<subcore_parallel>], iteration_bounds = array<i64: 2, 16>, scalar_prefetch = 0 : i64, scratch_operands = 10 : i64, tpu.core_type = #tpu.core_type<sc_vector_subcore>, window_params = [{transform_indices = #map}, {transform_indices = #map}, {transform_indices = #map}]} {
    %mul3A = arith.constant 2 : i32
    %mul3A_0 = arith.muli %arg1, %mul3A : i32
    %add3A = arith.addi %mul3A_0, %arg0 : i32
    %mul3A_1 = arith.constant 256 : i32
    %mul3A_2 = arith.muli %add3A, %mul3A_1 : i32
    %add3A_3 = arith.constant 0 : i32
    %add3A_4 = arith.addi %mul3A_2, %add3A_3 : i32
    %dma_start3A = arith.constant 0 : i32
    %dma_start3A_5 = tpu.memref_slice %arg2[%add3A_4, %dma_start3A] : memref<8192x4096xf32, #tpu.memory_space<hbm>> -> memref<8x4096xf32, #tpu.memory_space<hbm>>
    %dma_start3A_6 = arith.constant 0 : i32
    %dma_start3A_7 = tpu.memref_slice %arg2[%add3A_4, %dma_start3A_6] : memref<8192x4096xf32, #tpu.memory_space<hbm>> -> memref<8x4096xf32, #tpu.memory_space<hbm>>
    tpu.enqueue_dma source(%dma_start3A_7 : memref<8x4096xf32, #tpu.memory_space<hbm>>) target(%arg5 : memref<8x4096xf32, #tpu.memory_space<vmem>>) target_semaphore(%arg9 : memref<!tpu.dma_semaphore, #tpu.memory_space<semaphore_mem>>)
    %add3A_8 = arith.constant 8 : i32
    %add3A_9 = arith.addi %mul3A_2, %add3A_8 : i32
    %dma_start3A_10 = arith.constant 0 : i32
    %dma_start3A_11 = tpu.memref_slice %arg2[%add3A_9, %dma_start3A_10] : memref<8192x4096xf32, #tpu.memory_space<hbm>> -> memref<8x4096xf32, #tpu.memory_space<hbm>>
    %dma_start3A_12 = arith.constant 0 : i32
    %dma_start3A_13 = tpu.memref_slice %arg2[%add3A_9, %dma_start3A_12] : memref<8192x4096xf32, #tpu.memory_space<hbm>> -> memref<8x4096xf32, #tpu.memory_space<hbm>>
    tpu.enqueue_dma source(%dma_start3A_13 : memref<8x4096xf32, #tpu.memory_space<hbm>>) target(%arg6 : memref<8x4096xf32, #tpu.memory_space<vmem>>) target_semaphore(%arg10 : memref<!tpu.dma_semaphore, #tpu.memory_space<semaphore_mem>>)
    %scan3A = arith.constant 0 : i32
    %scan3A_14 = arith.constant 0 : i32
    %scan3A_15 = arith.constant 10 : i32
    %scan3A_16 = arith.addi %scan3A_14, %scan3A_15 : i32
    %scan3A_17 = arith.constant 1 : i32
    %scan3A_18 = scf.for %scan3A_283 = %scan3A_14 to %scan3A_16 step %scan3A_17 iter_args(%scan3A_284 = %scan3A) -> (i32)  : i32 {
      %mul3A_285 = arith.constant 3 : i32
      %mul3A_286 = arith.muli %scan3A_283, %mul3A_285 : i32
      %add3A_287 = arith.constant 0 : i32
      %add3A_288 = arith.addi %mul3A_286, %add3A_287 : i32
      %mul3A_289 = arith.constant 8 : i32
      %mul3A_290 = arith.muli %add3A_288, %mul3A_289 : i32
      %add3A_291 = arith.addi %mul3A_2, %mul3A_290 : i32
      %dma_wait3A_292 = arith.constant 0 : i32
      %dma_wait3A_293 = tpu.memref_slice %arg2[%add3A_291, %dma_wait3A_292] : memref<8192x4096xf32, #tpu.memory_space<hbm>> -> memref<8x4096xf32, #tpu.memory_space<hbm>>
      %dma_wait3A_294 = arith.constant 0 : i32
      %dma_wait3A_295 = tpu.memref_slice %arg2[%add3A_291, %dma_wait3A_294] : memref<8192x4096xf32, #tpu.memory_space<hbm>> -> memref<8x4096xf32, #tpu.memory_space<hbm>>
      tpu.wait_dma2 semaphore(%arg9 : memref<!tpu.dma_semaphore, #tpu.memory_space<semaphore_mem>>) src(%dma_wait3A_295 : memref<8x4096xf32, #tpu.memory_space<hbm>>) dst(%arg5 : memref<8x4096xf32, #tpu.memory_space<vmem>>)
      %broadcast_in_dim3A_296 = arith.constant 0.000000e+00 : f32
      %broadcast_in_dim3A_297 = vector.broadcast %broadcast_in_dim3A_296 : f32 to vector<16xf32>
      %scan3A_298 = arith.constant 0 : i32
      %scan3A_299 = arith.constant 32 : i32
      %scan3A_300 = arith.addi %scan3A_298, %scan3A_299 : i32
      %scan3A_301 = arith.constant 1 : i32
      %scan3A_302 = scf.for %scan3A_762 = %scan3A_298 to %scan3A_300 step %scan3A_301 iter_args(%scan3A_763 = %broadcast_in_dim3A_297) -> (vector<16xf32>)  : i32 {
        %mul3A_764 = arith.constant 128 : i32
        %mul3A_765 = arith.muli %scan3A_762, %mul3A_764 : i32
        %add3A_766 = arith.constant 0 : i32
        %add3A_767 = arith.addi %mul3A_765, %add3A_766 : i32
        %get3A = arith.constant 0 : i32
        %get3A_768 = arith.index_cast %get3A : i32 to index
        %get3A_769 = arith.index_cast %add3A_767 : i32 to index
        %get3A_770 = tpu.vector_load %arg5[%get3A_768, %get3A_769] {strides = array<i32>} : memref<8x4096xf32, #tpu.memory_space<vmem>>, vector<1x16xf32>,
        %get3A_771 = vector.shape_cast %get3A_770 : vector<1x16xf32> to vector<16xf32>
        %add3A_772 = arith.addf %scan3A_763, %get3A_771 : vector<16xf32>
        %mul3A_773 = arith.constant 128 : i32
        %mul3A_774 = arith.muli %scan3A_762, %mul3A_773 : i32
        %add3A_775 = arith.constant 16 : i32
        %add3A_776 = arith.addi %mul3A_774, %add3A_775 : i32
        %get3A_777 = arith.constant 0 : i32
        %get3A_778 = arith.index_cast %get3A_777 : i32 to index
        %get3A_779 = arith.index_cast %add3A_776 : i32 to index
        %get3A_780 = tpu.vector_load %arg5[%get3A_778, %get3A_779] {strides = array<i32>} : memref<8x4096xf32, #tpu.memory_space<vmem>>, vector<1x16xf32>,
        %get3A_781 = vector.shape_cast %get3A_780 : vector<1x16xf32> to vector<16xf32>
        %add3A_782 = arith.addf %add3A_772, %get3A_781 : vector<16xf32>
        %mul3A_783 = arith.constant 128 : i32
        %mul3A_784 = arith.muli %scan3A_762, %mul3A_783 : i32
        %add3A_785 = arith.constant 32 : i32
        %add3A_786 = arith.addi %mul3A_784, %add3A_785 : i32
        %get3A_787 = arith.constant 0 : i32
        %get3A_788 = arith.index_cast %get3A_787 : i32 to index
        %get3A_789 = arith.index_cast %add3A_786 : i32 to index
        %get3A_790 = tpu.vector_load %arg5[%get3A_788, %get3A_789] {strides = array<i32>} : memref<8x4096xf32, #tpu.memory_space<vmem>>, vector<1x16xf32>,
        %get3A_791 = vector.shape_cast %get3A_790 : vector<1x16xf32> to vector<16xf32>
        %add3A_792 = arith.addf %add3A_782, %get3A_791 : vector<16xf32>
        %mul3A_793 = arith.constant 128 : i32
        %mul3A_794 = arith.muli %scan3A_762, %mul3A_793 : i32
        %add3A_795 = arith.constant 48 : i32
        %add3A_796 = arith.addi %mul3A_794, %add3A_795 : i32
        %get3A_797 = arith.constant 0 : i32
        %get3A_798 = arith.index_cast %get3A_797 : i32 to index
        %get3A_799 = arith.index_cast %add3A_796 : i32 to index
        %get3A_800 = tpu.vector_load %arg5[%get3A_798, %get3A_799] {strides = array<i32>} : memref<8x4096xf32, #tpu.memory_space<vmem>>, vector<1x16xf32>,
        %get3A_801 = vector.shape_cast %get3A_800 : vector<1x16xf32> to vector<16xf32>
        %add3A_802 = arith.addf %add3A_792, %get3A_801 : vector<16xf32>
        %mul3A_803 = arith.constant 128 : i32
        %mul3A_804 = arith.muli %scan3A_762, %mul3A_803 : i32
        %add3A_805 = arith.constant 64 : i32
        %add3A_806 = arith.addi %mul3A_804, %add3A_805 : i32
        %get3A_807 = arith.constant 0 : i32
        %get3A_808 = arith.index_cast %get3A_807 : i32 to index
        %get3A_809 = arith.index_cast %add3A_806 : i32 to index
        %get3A_810 = tpu.vector_load %arg5[%get3A_808, %get3A_809] {strides = array<i32>} : memref<8x4096xf32, #tpu.memory_space<vmem>>, vector<1x16xf32>,
        %get3A_811 = vector.shape_cast %get3A_810 : vector<1x16xf32> to vector<16xf32>
        %add3A_812 = arith.addf %add3A_802, %get3A_811 : vector<16xf32>
        %mul3A_813 = arith.constant 128 : i32
        %mul3A_814 = arith.muli %scan3A_762, %mul3A_813 : i32
        %add3A_815 = arith.constant 80 : i32
        %add3A_816 = arith.addi %mul3A_814, %add3A_815 : i32
        %get3A_817 = arith.constant 0 : i32
        %get3A_818 = arith.index_cast %get3A_817 : i32 to index
        %get3A_819 = arith.index_cast %add3A_816 : i32 to index
        %get3A_820 = tpu.vector_load %arg5[%get3A_818, %get3A_819] {strides = array<i32>} : memref<8x4096xf32, #tpu.memory_space<vmem>>, vector<1x16xf32>,
        %get3A_821 = vector.shape_cast %get3A_820 : vector<1x16xf32> to vector<16xf32>
        %add3A_822 = arith.addf %add3A_812, %get3A_821 : vector<16xf32>
        %mul3A_823 = arith.constant 128 : i32
        %mul3A_824 = arith.muli %scan3A_762, %mul3A_823 : i32
        %add3A_825 = arith.constant 96 : i32
        %add3A_826 = arith.addi %mul3A_824, %add3A_825 : i32
        %get3A_827 = arith.constant 0 : i32
        %get3A_828 = arith.index_cast %get3A_827 : i32 to index
        %get3A_829 = arith.index_cast %add3A_826 : i32 to index
        %get3A_830 = tpu.vector_load %arg5[%get3A_828, %get3A_829] {strides = array<i32>} : memref<8x4096xf32, #tpu.memory_space<vmem>>, vector<1x16xf32>,
        %get3A_831 = vector.shape_cast %get3A_830 : vector<1x16xf32> to vector<16xf32>
        %add3A_832 = arith.addf %add3A_822, %get3A_831 : vector<16xf32>
        %mul3A_833 = arith.constant 128 : i32
        %mul3A_834 = arith.muli %scan3A_762, %mul3A_833 : i32
        %add3A_835 = arith.constant 112 : i32
        %add3A_836 = arith.addi %mul3A_834, %add3A_835 : i32
        %get3A_837 = arith.constant 0 : i32
        %get3A_838 = arith.index_cast %get3A_837 : i32 to index
        %get3A_839 = arith.index_cast %add3A_836 : i32 to index
        %get3A_840 = tpu.vector_load %arg5[%get3A_838, %get3A_839] {strides = array<i32>} : memref<8x4096xf32, #tpu.memory_space<vmem>>, vector<1x16xf32>,
        %get3A_841 = vector.shape_cast %get3A_840 : vector<1x16xf32> to vector<16xf32>
        %add3A_842 = arith.addf %add3A_832, %get3A_841 : vector<16xf32>
        scf.yield %add3A_842 : vector<16xf32>
      }
      %scan3A_303 = arith.constant 32 : i32
      %mul3A_304 = arith.constant 8 : i32
      %mul3A_305 = arith.muli %add3A_288, %mul3A_304 : i32
      %add3A_306 = arith.constant 0 : i32
      %add3A_307 = arith.addi %mul3A_305, %add3A_306 : i32
      %swap3A_308 = arith.index_cast %add3A_307 : i32 to index
      %swap3A_309 = arith.constant 0 : index
      %swap3A_310 = tpu.vector_load %arg8[%swap3A_308, %swap3A_309] {strides = array<i32>} : memref<256x16xf32, #tpu.memory_space<vmem>>, vector<1x16xf32>,
      %swap3A_311 = vector.shape_cast %swap3A_310 : vector<1x16xf32> to vector<16xf32>
      %swap3A_312 = vector.shape_cast %scan3A_302 : vector<16xf32> to vector<1x16xf32>
      tpu.vector_store %arg8[%swap3A_308, %swap3A_309], %swap3A_312 {strides = array<i32>} : memref<256x16xf32, #tpu.memory_space<vmem>>, vector<1x16xf32>,
      %broadcast_in_dim3A_313 = arith.constant 0.000000e+00 : f32
      %broadcast_in_dim3A_314 = vector.broadcast %broadcast_in_dim3A_313 : f32 to vector<16xf32>
      %scan3A_315 = arith.constant 0 : i32
      %scan3A_316 = arith.constant 32 : i32
      %scan3A_317 = arith.addi %scan3A_315, %scan3A_316 : i32
      %scan3A_318 = arith.constant 1 : i32
      %scan3A_319 = scf.for %scan3A_762 = %scan3A_315 to %scan3A_317 step %scan3A_318 iter_args(%scan3A_763 = %broadcast_in_dim3A_314) -> (vector<16xf32>)  : i32 {
        %mul3A_764 = arith.constant 128 : i32
        %mul3A_765 = arith.muli %scan3A_762, %mul3A_764 : i32
        %add3A_766 = arith.constant 0 : i32
        %add3A_767 = arith.addi %mul3A_765, %add3A_766 : i32
        %get3A = arith.constant 1 : i32
        %get3A_768 = arith.index_cast %get3A : i32 to index
        %get3A_769 = arith.index_cast %add3A_767 : i32 to index
        %get3A_770 = tpu.vector_load %arg5[%get3A_768, %get3A_769] {strides = array<i32>} : memref<8x4096xf32, #tpu.memory_space<vmem>>, vector<1x16xf32>,
        %get3A_771 = vector.shape_cast %get3A_770 : vector<1x16xf32> to vector<16xf32>
        %add3A_772 = arith.addf %scan3A_763, %get3A_771 : vector<16xf32>
        %mul3A_773 = arith.constant 128 : i32
        %mul3A_774 = arith.muli %scan3A_762, %mul3A_773 : i32
        %add3A_775 = arith.constant 16 : i32
        %add3A_776 = arith.addi %mul3A_774, %add3A_775 : i32
        %get3A_777 = arith.constant 1 : i32
        %get3A_778 = arith.index_cast %get3A_777 : i32 to index
        %get3A_779 = arith.index_cast %add3A_776 : i32 to index
        %get3A_780 = tpu.vector_load %arg5[%get3A_778, %get3A_779] {strides = array<i32>} : memref<8x4096xf32, #tpu.memory_space<vmem>>, vector<1x16xf32>,
        %get3A_781 = vector.shape_cast %get3A_780 : vector<1x16xf32> to vector<16xf32>
        %add3A_782 = arith.addf %add3A_772, %get3A_781 : vector<16xf32>
        %mul3A_783 = arith.constant 128 : i32
        %mul3A_784 = arith.muli %scan3A_762, %mul3A_783 : i32
        %add3A_785 = arith.constant 32 : i32
        %add3A_786 = arith.addi %mul3A_784, %add3A_785 : i32
        %get3A_787 = arith.constant 1 : i32
        %get3A_788 = arith.index_cast %get3A_787 : i32 to index
        %get3A_789 = arith.index_cast %add3A_786 : i32 to index
        %get3A_790 = tpu.vector_load %arg5[%get3A_788, %get3A_789] {strides = array<i32>} : memref<8x4096xf32, #tpu.memory_space<vmem>>, vector<1x16xf32>,
        %get3A_791 = vector.shape_cast %get3A_790 : vector<1x16xf32> to vector<16xf32>
        %add3A_792 = arith.addf %add3A_782, %get3A_791 : vector<16xf32>
        %mul3A_793 = arith.constant 128 : i32
        %mul3A_794 = arith.muli %scan3A_762, %mul3A_793 : i32
        %add3A_795 = arith.constant 48 : i32
        %add3A_796 = arith.addi %mul3A_794, %add3A_795 : i32
        %get3A_797 = arith.constant 1 : i32
        %get3A_798 = arith.index_cast %get3A_797 : i32 to index
        %get3A_799 = arith.index_cast %add3A_796 : i32 to index
        %get3A_800 = tpu.vector_load %arg5[%get3A_798, %get3A_799] {strides = array<i32>} : memref<8x4096xf32, #tpu.memory_space<vmem>>, vector<1x16xf32>,
        %get3A_801 = vector.shape_cast %get3A_800 : vector<1x16xf32> to vector<16xf32>
        %add3A_802 = arith.addf %add3A_792, %get3A_801 : vector<16xf32>
        %mul3A_803 = arith.constant 128 : i32
        %mul3A_804 = arith.muli %scan3A_762, %mul3A_803 : i32
        %add3A_805 = arith.constant 64 : i32
        %add3A_806 = arith.addi %mul3A_804, %add3A_805 : i32
        %get3A_807 = arith.constant 1 : i32
        %get3A_808 = arith.index_cast %get3A_807 : i32 to index
        %get3A_809 = arith.index_cast %add3A_806 : i32 to index
        %get3A_810 = tpu.vector_load %arg5[%get3A_808, %get3A_809] {strides = array<i32>} : memref<8x4096xf32, #tpu.memory_space<vmem>>, vector<1x16xf32>,
        %get3A_811 = vector.shape_cast %get3A_810 : vector<1x16xf32> to vector<16xf32>
        %add3A_812 = arith.addf %add3A_802, %get3A_811 : vector<16xf32>
        %mul3A_813 = arith.constant 128 : i32
        %mul3A_814 = arith.muli %scan3A_762, %mul3A_813 : i32
        %add3A_815 = arith.constant 80 : i32
        %add3A_816 = arith.addi %mul3A_814, %add3A_815 : i32
        %get3A_817 = arith.constant 1 : i32
        %get3A_818 = arith.index_cast %get3A_817 : i32 to index
        %get3A_819 = arith.index_cast %add3A_816 : i32 to index
        %get3A_820 = tpu.vector_load %arg5[%get3A_818, %get3A_819] {strides = array<i32>} : memref<8x4096xf32, #tpu.memory_space<vmem>>, vector<1x16xf32>,
        %get3A_821 = vector.shape_cast %get3A_820 : vector<1x16xf32> to vector<16xf32>
        %add3A_822 = arith.addf %add3A_812, %get3A_821 : vector<16xf32>
        %mul3A_823 = arith.constant 128 : i32
        %mul3A_824 = arith.muli %scan3A_762, %mul3A_823 : i32
        %add3A_825 = arith.constant 96 : i32
        %add3A_826 = arith.addi %mul3A_824, %add3A_825 : i32
        %get3A_827 = arith.constant 1 : i32
        %get3A_828 = arith.index_cast %get3A_827 : i32 to index
        %get3A_829 = arith.index_cast %add3A_826 : i32 to index
        %get3A_830 = tpu.vector_load %arg5[%get3A_828, %get3A_829] {strides = array<i32>} : memref<8x4096xf32, #tpu.memory_space<vmem>>, vector<1x16xf32>,
        %get3A_831 = vector.shape_cast %get3A_830 : vector<1x16xf32> to vector<16xf32>
        %add3A_832 = arith.addf %add3A_822, %get3A_831 : vector<16xf32>
        %mul3A_833 = arith.constant 128 : i32
        %mul3A_834 = arith.muli %scan3A_762, %mul3A_833 : i32
        %add3A_835 = arith.constant 112 : i32
        %add3A_836 = arith.addi %mul3A_834, %add3A_835 : i32
        %get3A_837 = arith.constant 1 : i32
        %get3A_838 = arith.index_cast %get3A_837 : i32 to index
        %get3A_839 = arith.index_cast %add3A_836 : i32 to index
        %get3A_840 = tpu.vector_load %arg5[%get3A_838, %get3A_839] {strides = array<i32>} : memref<8x4096xf32, #tpu.memory_space<vmem>>, vector<1x16xf32>,
        %get3A_841 = vector.shape_cast %get3A_840 : vector<1x16xf32> to vector<16xf32>
        %add3A_842 = arith.addf %add3A_832, %get3A_841 : vector<16xf32>
        scf.yield %add3A_842 : vector<16xf32>
      }
      %scan3A_320 = arith.constant 32 : i32
      %mul3A_321 = arith.constant 8 : i32
      %mul3A_322 = arith.muli %add3A_288, %mul3A_321 : i32
      %add3A_323 = arith.constant 1 : i32
      %add3A_324 = arith.addi %mul3A_322, %add3A_323 : i32
      %swap3A_325 = arith.index_cast %add3A_324 : i32 to index
      %swap3A_326 = arith.constant 0 : index
      %swap3A_327 = tpu.vector_load %arg8[%swap3A_325, %swap3A_326] {strides = array<i32>} : memref<256x16xf32, #tpu.memory_space<vmem>>, vector<1x16xf32>,
      %swap3A_328 = vector.shape_cast %swap3A_327 : vector<1x16xf32> to vector<16xf32>
      %swap3A_329 = vector.shape_cast %scan3A_319 : vector<16xf32> to vector<1x16xf32>
      tpu.vector_store %arg8[%swap3A_325, %swap3A_326], %swap3A_329 {strides = array<i32>} : memref<256x16xf32, #tpu.memory_space<vmem>>, vector<1x16xf32>,
      %broadcast_in_dim3A_330 = arith.constant 0.000000e+00 : f32
      %broadcast_in_dim3A_331 = vector.broadcast %broadcast_in_dim3A_330 : f32 to vector<16xf32>
      %scan3A_332 = arith.constant 0 : i32
      %scan3A_333 = arith.constant 32 : i32
      %scan3A_334 = arith.addi %scan3A_332, %scan3A_333 : i32
      %scan3A_335 = arith.constant 1 : i32
      %scan3A_336 = scf.for %scan3A_762 = %scan3A_332 to %scan3A_334 step %scan3A_335 iter_args(%scan3A_763 = %broadcast_in_dim3A_331) -> (vector<16xf32>)  : i32 {
        %mul3A_764 = arith.constant 128 : i32
        %mul3A_765 = arith.muli %scan3A_762, %mul3A_764 : i32
        %add3A_766 = arith.constant 0 : i32
        %add3A_767 = arith.addi %mul3A_765, %add3A_766 : i32
        %get3A = arith.constant 2 : i32
        %get3A_768 = arith.index_cast %get3A : i32 to index
        %get3A_769 = arith.index_cast %add3A_767 : i32 to index
        %get3A_770 = tpu.vector_load %arg5[%get3A_768, %get3A_769] {strides = array<i32>} : memref<8x4096xf32, #tpu.memory_space<vmem>>, vector<1x16xf32>,
        %get3A_771 = vector.shape_cast %get3A_770 : vector<1x16xf32> to vector<16xf32>
        %add3A_772 = arith.addf %scan3A_763, %get3A_771 : vector<16xf32>
        %mul3A_773 = arith.constant 128 : i32
        %mul3A_774 = arith.muli %scan3A_762, %mul3A_773 : i32
        %add3A_775 = arith.constant 16 : i32
        %add3A_776 = arith.addi %mul3A_774, %add3A_775 : i32
        %get3A_777 = arith.constant 2 : i32
        %get3A_778 = arith.index_cast %get3A_777 : i32 to index
        %get3A_779 = arith.index_cast %add3A_776 : i32 to index
        %get3A_780 = tpu.vector_load %arg5[%get3A_778, %get3A_779] {strides = array<i32>} : memref<8x4096xf32, #tpu.memory_space<vmem>>, vector<1x16xf32>,
        %get3A_781 = vector.shape_cast %get3A_780 : vector<1x16xf32> to vector<16xf32>
        %add3A_782 = arith.addf %add3A_772, %get3A_781 : vector<16xf32>
        %mul3A_783 = arith.constant 128 : i32
        %mul3A_784 = arith.muli %scan3A_762, %mul3A_783 : i32
        %add3A_785 = arith.constant 32 : i32
        %add3A_786 = arith.addi %mul3A_784, %add3A_785 : i32
        %get3A_787 = arith.constant 2 : i32
        %get3A_788 = arith.index_cast %get3A_787 : i32 to index
        %get3A_789 = arith.index_cast %add3A_786 : i32 to index
        %get3A_790 = tpu.vector_load %arg5[%get3A_788, %get3A_789] {strides = array<i32>} : memref<8x4096xf32, #tpu.memory_space<vmem>>, vector<1x16xf32>,
        %get3A_791 = vector.shape_cast %get3A_790 : vector<1x16xf32> to vector<16xf32>
        %add3A_792 = arith.addf %add3A_782, %get3A_791 : vector<16xf32>
        %mul3A_793 = arith.constant 128 : i32
        %mul3A_794 = arith.muli %scan3A_762, %mul3A_793 : i32
        %add3A_795 = arith.constant 48 : i32
        %add3A_796 = arith.addi %mul3A_794, %add3A_795 : i32
        %get3A_797 = arith.constant 2 : i32
        %get3A_798 = arith.index_cast %get3A_797 : i32 to index
        %get3A_799 = arith.index_cast %add3A_796 : i32 to index
        %get3A_800 = tpu.vector_load %arg5[%get3A_798, %get3A_799] {strides = array<i32>} : memref<8x4096xf32, #tpu.memory_space<vmem>>, vector<1x16xf32>,
        %get3A_801 = vector.shape_cast %get3A_800 : vector<1x16xf32> to vector<16xf32>
        %add3A_802 = arith.addf %add3A_792, %get3A_801 : vector<16xf32>
        %mul3A_803 = arith.constant 128 : i32
        %mul3A_804 = arith.muli %scan3A_762, %mul3A_803 : i32
        %add3A_805 = arith.constant 64 : i32
        %add3A_806 = arith.addi %mul3A_804, %add3A_805 : i32
        %get3A_807 = arith.constant 2 : i32
        %get3A_808 = arith.index_cast %get3A_807 : i32 to index
        %get3A_809 = arith.index_cast %add3A_806 : i32 to index
        %get3A_810 = tpu.vector_load %arg5[%get3A_808, %get3A_809] {strides = array<i32>} : memref<8x4096xf32, #tpu.memory_space<vmem>>, vector<1x16xf32>,
        %get3A_811 = vector.shape_cast %get3A_810 : vector<1x16xf32> to vector<16xf32>
        %add3A_812 = arith.addf %add3A_802, %get3A_811 : vector<16xf32>
        %mul3A_813 = arith.constant 128 : i32
        %mul3A_814 = arith.muli %scan3A_762, %mul3A_813 : i32
        %add3A_815 = arith.constant 80 : i32
        %add3A_816 = arith.addi %mul3A_814, %add3A_815 : i32
        %get3A_817 = arith.constant 2 : i32
        %get3A_818 = arith.index_cast %get3A_817 : i32 to index
        %get3A_819 = arith.index_cast %add3A_816 : i32 to index
        %get3A_820 = tpu.vector_load %arg5[%get3A_818, %get3A_819] {strides = array<i32>} : memref<8x4096xf32, #tpu.memory_space<vmem>>, vector<1x16xf32>,
        %get3A_821 = vector.shape_cast %get3A_820 : vector<1x16xf32> to vector<16xf32>
        %add3A_822 = arith.addf %add3A_812, %get3A_821 : vector<16xf32>
        %mul3A_823 = arith.constant 128 : i32
        %mul3A_824 = arith.muli %scan3A_762, %mul3A_823 : i32
        %add3A_825 = arith.constant 96 : i32
        %add3A_826 = arith.addi %mul3A_824, %add3A_825 : i32
        %get3A_827 = arith.constant 2 : i32
        %get3A_828 = arith.index_cast %get3A_827 : i32 to index
        %get3A_829 = arith.index_cast %add3A_826 : i32 to index
        %get3A_830 = tpu.vector_load %arg5[%get3A_828, %get3A_829] {strides = array<i32>} : memref<8x4096xf32, #tpu.memory_space<vmem>>, vector<1x16xf32>,
        %get3A_831 = vector.shape_cast %get3A_830 : vector<1x16xf32> to vector<16xf32>
        %add3A_832 = arith.addf %add3A_822, %get3A_831 : vector<16xf32>
        %mul3A_833 = arith.constant 128 : i32
        %mul3A_834 = arith.muli %scan3A_762, %mul3A_833 : i32
        %add3A_835 = arith.constant 112 : i32
        %add3A_836 = arith.addi %mul3A_834, %add3A_835 : i32
        %get3A_837 = arith.constant 2 : i32
        %get3A_838 = arith.index_cast %get3A_837 : i32 to index
        %get3A_839 = arith.index_cast %add3A_836 : i32 to index
        %get3A_840 = tpu.vector_load %arg5[%get3A_838, %get3A_839] {strides = array<i32>} : memref<8x4096xf32, #tpu.memory_space<vmem>>, vector<1x16xf32>,
        %get3A_841 = vector.shape_cast %get3A_840 : vector<1x16xf32> to vector<16xf32>
        %add3A_842 = arith.addf %add3A_832, %get3A_841 : vector<16xf32>
        scf.yield %add3A_842 : vector<16xf32>
      }
      %scan3A_337 = arith.constant 32 : i32
      %mul3A_338 = arith.constant 8 : i32
      %mul3A_339 = arith.muli %add3A_288, %mul3A_338 : i32
      %add3A_340 = arith.constant 2 : i32
      %add3A_341 = arith.addi %mul3A_339, %add3A_340 : i32
      %swap3A_342 = arith.index_cast %add3A_341 : i32 to index
      %swap3A_343 = arith.constant 0 : index
      %swap3A_344 = tpu.vector_load %arg8[%swap3A_342, %swap3A_343] {strides = array<i32>} : memref<256x16xf32, #tpu.memory_space<vmem>>, vector<1x16xf32>,
      %swap3A_345 = vector.shape_cast %swap3A_344 : vector<1x16xf32> to vector<16xf32>
      %swap3A_346 = vector.shape_cast %scan3A_336 : vector<16xf32> to vector<1x16xf32>
      tpu.vector_store %arg8[%swap3A_342, %swap3A_343], %swap3A_346 {strides = array<i32>} : memref<256x16xf32, #tpu.memory_space<vmem>>, vector<1x16xf32>,
      %broadcast_in_dim3A_347 = arith.constant 0.000000e+00 : f32
      %broadcast_in_dim3A_348 = vector.broadcast %broadcast_in_dim3A_347 : f32 to vector<16xf32>
      %scan3A_349 = arith.constant 0 : i32
      %scan3A_350 = arith.constant 32 : i32
      %scan3A_351 = arith.addi %scan3A_349, %scan3A_350 : i32
      %scan3A_352 = arith.constant 1 : i32
      %scan3A_353 = scf.for %scan3A_762 = %scan3A_349 to %scan3A_351 step %scan3A_352 iter_args(%scan3A_763 = %broadcast_in_dim3A_348) -> (vector<16xf32>)  : i32 {
        %mul3A_764 = arith.constant 128 : i32
        %mul3A_765 = arith.muli %scan3A_762, %mul3A_764 : i32
        %add3A_766 = arith.constant 0 : i32
        %add3A_767 = arith.addi %mul3A_765, %add3A_766 : i32
        %get3A = arith.constant 3 : i32
        %get3A_768 = arith.index_cast %get3A : i32 to index
        %get3A_769 = arith.index_cast %add3A_767 : i32 to index
        %get3A_770 = tpu.vector_load %arg5[%get3A_768, %get3A_769] {strides = array<i32>} : memref<8x4096xf32, #tpu.memory_space<vmem>>, vector<1x16xf32>,
        %get3A_771 = vector.shape_cast %get3A_770 : vector<1x16xf32> to vector<16xf32>
        %add3A_772 = arith.addf %scan3A_763, %get3A_771 : vector<16xf32>
        %mul3A_773 = arith.constant 128 : i32
        %mul3A_774 = arith.muli %scan3A_762, %mul3A_773 : i32
        %add3A_775 = arith.constant 16 : i32
        %add3A_776 = arith.addi %mul3A_774, %add3A_775 : i32
        %get3A_777 = arith.constant 3 : i32
        %get3A_778 = arith.index_cast %get3A_777 : i32 to index
        %get3A_779 = arith.index_cast %add3A_776 : i32 to index
        %get3A_780 = tpu.vector_load %arg5[%get3A_778, %get3A_779] {strides = array<i32>} : memref<8x4096xf32, #tpu.memory_space<vmem>>, vector<1x16xf32>,
        %get3A_781 = vector.shape_cast %get3A_780 : vector<1x16xf32> to vector<16xf32>
        %add3A_782 = arith.addf %add3A_772, %get3A_781 : vector<16xf32>
        %mul3A_783 = arith.constant 128 : i32
        %mul3A_784 = arith.muli %scan3A_762, %mul3A_783 : i32
        %add3A_785 = arith.constant 32 : i32
        %add3A_786 = arith.addi %mul3A_784, %add3A_785 : i32
        %get3A_787 = arith.constant 3 : i32
        %get3A_788 = arith.index_cast %get3A_787 : i32 to index
        %get3A_789 = arith.index_cast %add3A_786 : i32 to index
        %get3A_790 = tpu.vector_load %arg5[%get3A_788, %get3A_789] {strides = array<i32>} : memref<8x4096xf32, #tpu.memory_space<vmem>>, vector<1x16xf32>,
        %get3A_791 = vector.shape_cast %get3A_790 : vector<1x16xf32> to vector<16xf32>
        %add3A_792 = arith.addf %add3A_782, %get3A_791 : vector<16xf32>
        %mul3A_793 = arith.constant 128 : i32
        %mul3A_794 = arith.muli %scan3A_762, %mul3A_793 : i32
        %add3A_795 = arith.constant 48 : i32
        %add3A_796 = arith.addi %mul3A_794, %add3A_795 : i32
        %get3A_797 = arith.constant 3 : i32
        %get3A_798 = arith.index_cast %get3A_797 : i32 to index
        %get3A_799 = arith.index_cast %add3A_796 : i32 to index
        %get3A_800 = tpu.vector_load %arg5[%get3A_798, %get3A_799] {strides = array<i32>} : memref<8x4096xf32, #tpu.memory_space<vmem>>, vector<1x16xf32>,
        %get3A_801 = vector.shape_cast %get3A_800 : vector<1x16xf32> to vector<16xf32>
        %add3A_802 = arith.addf %add3A_792, %get3A_801 : vector<16xf32>
        %mul3A_803 = arith.constant 128 : i32
        %mul3A_804 = arith.muli %scan3A_762, %mul3A_803 : i32
        %add3A_805 = arith.constant 64 : i32
        %add3A_806 = arith.addi %mul3A_804, %add3A_805 : i32
        %get3A_807 = arith.constant 3 : i32
        %get3A_808 = arith.index_cast %get3A_807 : i32 to index
        %get3A_809 = arith.index_cast %add3A_806 : i32 to index
        %get3A_810 = tpu.vector_load %arg5[%get3A_808, %get3A_809] {strides = array<i32>} : memref<8x4096xf32, #tpu.memory_space<vmem>>, vector<1x16xf32>,
        %get3A_811 = vector.shape_cast %get3A_810 : vector<1x16xf32> to vector<16xf32>
        %add3A_812 = arith.addf %add3A_802, %get3A_811 : vector<16xf32>
        %mul3A_813 = arith.constant 128 : i32
        %mul3A_814 = arith.muli %scan3A_762, %mul3A_813 : i32
        %add3A_815 = arith.constant 80 : i32
        %add3A_816 = arith.addi %mul3A_814, %add3A_815 : i32
        %get3A_817 = arith.constant 3 : i32
        %get3A_818 = arith.index_cast %get3A_817 : i32 to index
        %get3A_819 = arith.index_cast %add3A_816 : i32 to index
        %get3A_820 = tpu.vector_load %arg5[%get3A_818, %get3A_819] {strides = array<i32>} : memref<8x4096xf32, #tpu.memory_space<vmem>>, vector<1x16xf32>,
        %get3A_821 = vector.shape_cast %get3A_820 : vector<1x16xf32> to vector<16xf32>
        %add3A_822 = arith.addf %add3A_812, %get3A_821 : vector<16xf32>
        %mul3A_823 = arith.constant 128 : i32
        %mul3A_824 = arith.muli %scan3A_762, %mul3A_823 : i32
        %add3A_825 = arith.constant 96 : i32
        %add3A_826 = arith.addi %mul3A_824, %add3A_825 : i32
        %get3A_827 = arith.constant 3 : i32
        %get3A_828 = arith.index_cast %get3A_827 : i32 to index
        %get3A_829 = arith.index_cast %add3A_826 : i32 to index
        %get3A_830 = tpu.vector_load %arg5[%get3A_828, %get3A_829] {strides = array<i32>} : memref<8x4096xf32, #tpu.memory_space<vmem>>, vector<1x16xf32>,
        %get3A_831 = vector.shape_cast %get3A_830 : vector<1x16xf32> to vector<16xf32>
        %add3A_832 = arith.addf %add3A_822, %get3A_831 : vector<16xf32>
        %mul3A_833 = arith.constant 128 : i32
        %mul3A_834 = arith.muli %scan3A_762, %mul3A_833 : i32
        %add3A_835 = arith.constant 112 : i32
        %add3A_836 = arith.addi %mul3A_834, %add3A_835 : i32
        %get3A_837 = arith.constant 3 : i32
        %get3A_838 = arith.index_cast %get3A_837 : i32 to index
        %get3A_839 = arith.index_cast %add3A_836 : i32 to index
        %get3A_840 = tpu.vector_load %arg5[%get3A_838, %get3A_839] {strides = array<i32>} : memref<8x4096xf32, #tpu.memory_space<vmem>>, vector<1x16xf32>,
        %get3A_841 = vector.shape_cast %get3A_840 : vector<1x16xf32> to vector<16xf32>
        %add3A_842 = arith.addf %add3A_832, %get3A_841 : vector<16xf32>
        scf.yield %add3A_842 : vector<16xf32>
      }
      %scan3A_354 = arith.constant 32 : i32
      %mul3A_355 = arith.constant 8 : i32
      %mul3A_356 = arith.muli %add3A_288, %mul3A_355 : i32
      %add3A_357 = arith.constant 3 : i32
      %add3A_358 = arith.addi %mul3A_356, %add3A_357 : i32
      %swap3A_359 = arith.index_cast %add3A_358 : i32 to index
      %swap3A_360 = arith.constant 0 : index
      %swap3A_361 = tpu.vector_load %arg8[%swap3A_359, %swap3A_360] {strides = array<i32>} : memref<256x16xf32, #tpu.memory_space<vmem>>, vector<1x16xf32>,
      %swap3A_362 = vector.shape_cast %swap3A_361 : vector<1x16xf32> to vector<16xf32>
      %swap3A_363 = vector.shape_cast %scan3A_353 : vector<16xf32> to vector<1x16xf32>
      tpu.vector_store %arg8[%swap3A_359, %swap3A_360], %swap3A_363 {strides = array<i32>} : memref<256x16xf32, #tpu.memory_space<vmem>>, vector<1x16xf32>,
      %broadcast_in_dim3A_364 = arith.constant 0.000000e+00 : f32
      %broadcast_in_dim3A_365 = vector.broadcast %broadcast_in_dim3A_364 : f32 to vector<16xf32>
      %scan3A_366 = arith.constant 0 : i32
      %scan3A_367 = arith.constant 32 : i32
      %scan3A_368 = arith.addi %scan3A_366, %scan3A_367 : i32
      %scan3A_369 = arith.constant 1 : i32
      %scan3A_370 = scf.for %scan3A_762 = %scan3A_366 to %scan3A_368 step %scan3A_369 iter_args(%scan3A_763 = %broadcast_in_dim3A_365) -> (vector<16xf32>)  : i32 {
        %mul3A_764 = arith.constant 128 : i32
        %mul3A_765 = arith.muli %scan3A_762, %mul3A_764 : i32
        %add3A_766 = arith.constant 0 : i32
        %add3A_767 = arith.addi %mul3A_765, %add3A_766 : i32
        %get3A = arith.constant 4 : i32
        %get3A_768 = arith.index_cast %get3A : i32 to index
        %get3A_769 = arith.index_cast %add3A_767 : i32 to index
        %get3A_770 = tpu.vector_load %arg5[%get3A_768, %get3A_769] {strides = array<i32>} : memref<8x4096xf32, #tpu.memory_space<vmem>>, vector<1x16xf32>,
        %get3A_771 = vector.shape_cast %get3A_770 : vector<1x16xf32> to vector<16xf32>
        %add3A_772 = arith.addf %scan3A_763, %get3A_771 : vector<16xf32>
        %mul3A_773 = arith.constant 128 : i32
        %mul3A_774 = arith.muli %scan3A_762, %mul3A_773 : i32
        %add3A_775 = arith.constant 16 : i32
        %add3A_776 = arith.addi %mul3A_774, %add3A_775 : i32
        %get3A_777 = arith.constant 4 : i32
        %get3A_778 = arith.index_cast %get3A_777 : i32 to index
        %get3A_779 = arith.index_cast %add3A_776 : i32 to index
        %get3A_780 = tpu.vector_load %arg5[%get3A_778, %get3A_779] {strides = array<i32>} : memref<8x4096xf32, #tpu.memory_space<vmem>>, vector<1x16xf32>,
        %get3A_781 = vector.shape_cast %get3A_780 : vector<1x16xf32> to vector<16xf32>
        %add3A_782 = arith.addf %add3A_772, %get3A_781 : vector<16xf32>
        %mul3A_783 = arith.constant 128 : i32
        %mul3A_784 = arith.muli %scan3A_762, %mul3A_783 : i32
        %add3A_785 = arith.constant 32 : i32
        %add3A_786 = arith.addi %mul3A_784, %add3A_785 : i32
        %get3A_787 = arith.constant 4 : i32
        %get3A_788 = arith.index_cast %get3A_787 : i32 to index
        %get3A_789 = arith.index_cast %add3A_786 : i32 to index
        %get3A_790 = tpu.vector_load %arg5[%get3A_788, %get3A_789] {strides = array<i32>} : memref<8x4096xf32, #tpu.memory_space<vmem>>, vector<1x16xf32>,
        %get3A_791 = vector.shape_cast %get3A_790 : vector<1x16xf32> to vector<16xf32>
        %add3A_792 = arith.addf %add3A_782, %get3A_791 : vector<16xf32>
        %mul3A_793 = arith.constant 128 : i32
        %mul3A_794 = arith.muli %scan3A_762, %mul3A_793 : i32
        %add3A_795 = arith.constant 48 : i32
        %add3A_796 = arith.addi %mul3A_794, %add3A_795 : i32
        %get3A_797 = arith.constant 4 : i32
        %get3A_798 = arith.index_cast %get3A_797 : i32 to index
        %get3A_799 = arith.index_cast %add3A_796 : i32 to index
        %get3A_800 = tpu.vector_load %arg5[%get3A_798, %get3A_799] {strides = array<i32>} : memref<8x4096xf32, #tpu.memory_space<vmem>>, vector<1x16xf32>,
        %get3A_801 = vector.shape_cast %get3A_800 : vector<1x16xf32> to vector<16xf32>
        %add3A_802 = arith.addf %add3A_792, %get3A_801 : vector<16xf32>
        %mul3A_803 = arith.constant 128 : i32
        %mul3A_804 = arith.muli %scan3A_762, %mul3A_803 : i32
        %add3A_805 = arith.constant 64 : i32
        %add3A_806 = arith.addi %mul3A_804, %add3A_805 : i32
        %get3A_807 = arith.constant 4 : i32
        %get3A_808 = arith.index_cast %get3A_807 : i32 to index
        %get3A_809 = arith.index_cast %add3A_806 : i32 to index
        %get3A_810 = tpu.vector_load %arg5[%get3A_808, %get3A_809] {strides = array<i32>} : memref<8x4096xf32, #tpu.memory_space<vmem>>, vector<1x16xf32>,
        %get3A_811 = vector.shape_cast %get3A_810 : vector<1x16xf32> to vector<16xf32>
        %add3A_812 = arith.addf %add3A_802, %get3A_811 : vector<16xf32>
        %mul3A_813 = arith.constant 128 : i32
        %mul3A_814 = arith.muli %scan3A_762, %mul3A_813 : i32
        %add3A_815 = arith.constant 80 : i32
        %add3A_816 = arith.addi %mul3A_814, %add3A_815 : i32
        %get3A_817 = arith.constant 4 : i32
        %get3A_818 = arith.index_cast %get3A_817 : i32 to index
        %get3A_819 = arith.index_cast %add3A_816 : i32 to index
        %get3A_820 = tpu.vector_load %arg5[%get3A_818, %get3A_819] {strides = array<i32>} : memref<8x4096xf32, #tpu.memory_space<vmem>>, vector<1x16xf32>,
        %get3A_821 = vector.shape_cast %get3A_820 : vector<1x16xf32> to vector<16xf32>
        %add3A_822 = arith.addf %add3A_812, %get3A_821 : vector<16xf32>
        %mul3A_823 = arith.constant 128 : i32
        %mul3A_824 = arith.muli %scan3A_762, %mul3A_823 : i32
        %add3A_825 = arith.constant 96 : i32
        %add3A_826 = arith.addi %mul3A_824, %add3A_825 : i32
        %get3A_827 = arith.constant 4 : i32
        %get3A_828 = arith.index_cast %get3A_827 : i32 to index
        %get3A_829 = arith.index_cast %add3A_826 : i32 to index
        %get3A_830 = tpu.vector_load %arg5[%get3A_828, %get3A_829] {strides = array<i32>} : memref<8x4096xf32, #tpu.memory_space<vmem>>, vector<1x16xf32>,
        %get3A_831 = vector.shape_cast %get3A_830 : vector<1x16xf32> to vector<16xf32>
        %add3A_832 = arith.addf %add3A_822, %get3A_831 : vector<16xf32>
        %mul3A_833 = arith.constant 128 : i32
        %mul3A_834 = arith.muli %scan3A_762, %mul3A_833 : i32
        %add3A_835 = arith.constant 112 : i32
        %add3A_836 = arith.addi %mul3A_834, %add3A_835 : i32
        %get3A_837 = arith.constant 4 : i32
        %get3A_838 = arith.index_cast %get3A_837 : i32 to index
        %get3A_839 = arith.index_cast %add3A_836 : i32 to index
        %get3A_840 = tpu.vector_load %arg5[%get3A_838, %get3A_839] {strides = array<i32>} : memref<8x4096xf32, #tpu.memory_space<vmem>>, vector<1x16xf32>,
        %get3A_841 = vector.shape_cast %get3A_840 : vector<1x16xf32> to vector<16xf32>
        %add3A_842 = arith.addf %add3A_832, %get3A_841 : vector<16xf32>
        scf.yield %add3A_842 : vector<16xf32>
      }
      %scan3A_371 = arith.constant 32 : i32
      %mul3A_372 = arith.constant 8 : i32
      %mul3A_373 = arith.muli %add3A_288, %mul3A_372 : i32
      %add3A_374 = arith.constant 4 : i32
      %add3A_375 = arith.addi %mul3A_373, %add3A_374 : i32
      %swap3A_376 = arith.index_cast %add3A_375 : i32 to index
      %swap3A_377 = arith.constant 0 : index
      %swap3A_378 = tpu.vector_load %arg8[%swap3A_376, %swap3A_377] {strides = array<i32>} : memref<256x16xf32, #tpu.memory_space<vmem>>, vector<1x16xf32>,
      %swap3A_379 = vector.shape_cast %swap3A_378 : vector<1x16xf32> to vector<16xf32>
      %swap3A_380 = vector.shape_cast %scan3A_370 : vector<16xf32> to vector<1x16xf32>
      tpu.vector_store %arg8[%swap3A_376, %swap3A_377], %swap3A_380 {strides = array<i32>} : memref<256x16xf32, #tpu.memory_space<vmem>>, vector<1x16xf32>,
      %broadcast_in_dim3A_381 = arith.constant 0.000000e+00 : f32
      %broadcast_in_dim3A_382 = vector.broadcast %broadcast_in_dim3A_381 : f32 to vector<16xf32>
      %scan3A_383 = arith.constant 0 : i32
      %scan3A_384 = arith.constant 32 : i32
      %scan3A_385 = arith.addi %scan3A_383, %scan3A_384 : i32
      %scan3A_386 = arith.constant 1 : i32
      %scan3A_387 = scf.for %scan3A_762 = %scan3A_383 to %scan3A_385 step %scan3A_386 iter_args(%scan3A_763 = %broadcast_in_dim3A_382) -> (vector<16xf32>)  : i32 {
        %mul3A_764 = arith.constant 128 : i32
        %mul3A_765 = arith.muli %scan3A_762, %mul3A_764 : i32
        %add3A_766 = arith.constant 0 : i32
        %add3A_767 = arith.addi %mul3A_765, %add3A_766 : i32
        %get3A = arith.constant 5 : i32
        %get3A_768 = arith.index_cast %get3A : i32 to index
        %get3A_769 = arith.index_cast %add3A_767 : i32 to index
        %get3A_770 = tpu.vector_load %arg5[%get3A_768, %get3A_769] {strides = array<i32>} : memref<8x4096xf32, #tpu.memory_space<vmem>>, vector<1x16xf32>,
        %get3A_771 = vector.shape_cast %get3A_770 : vector<1x16xf32> to vector<16xf32>
        %add3A_772 = arith.addf %scan3A_763, %get3A_771 : vector<16xf32>
        %mul3A_773 = arith.constant 128 : i32
        %mul3A_774 = arith.muli %scan3A_762, %mul3A_773 : i32
        %add3A_775 = arith.constant 16 : i32
        %add3A_776 = arith.addi %mul3A_774, %add3A_775 : i32
        %get3A_777 = arith.constant 5 : i32
        %get3A_778 = arith.index_cast %get3A_777 : i32 to index
        %get3A_779 = arith.index_cast %add3A_776 : i32 to index
        %get3A_780 = tpu.vector_load %arg5[%get3A_778, %get3A_779] {strides = array<i32>} : memref<8x4096xf32, #tpu.memory_space<vmem>>, vector<1x16xf32>,
        %get3A_781 = vector.shape_cast %get3A_780 : vector<1x16xf32> to vector<16xf32>
        %add3A_782 = arith.addf %add3A_772, %get3A_781 : vector<16xf32>
        %mul3A_783 = arith.constant 128 : i32
        %mul3A_784 = arith.muli %scan3A_762, %mul3A_783 : i32
        %add3A_785 = arith.constant 32 : i32
        %add3A_786 = arith.addi %mul3A_784, %add3A_785 : i32
        %get3A_787 = arith.constant 5 : i32
        %get3A_788 = arith.index_cast %get3A_787 : i32 to index
        %get3A_789 = arith.index_cast %add3A_786 : i32 to index
        %get3A_790 = tpu.vector_load %arg5[%get3A_788, %get3A_789] {strides = array<i32>} : memref<8x4096xf32, #tpu.memory_space<vmem>>, vector<1x16xf32>,
        %get3A_791 = vector.shape_cast %get3A_790 : vector<1x16xf32> to vector<16xf32>
        %add3A_792 = arith.addf %add3A_782, %get3A_791 : vector<16xf32>
        %mul3A_793 = arith.constant 128 : i32
        %mul3A_794 = arith.muli %scan3A_762, %mul3A_793 : i32
        %add3A_795 = arith.constant 48 : i32
        %add3A_796 = arith.addi %mul3A_794, %add3A_795 : i32
        %get3A_797 = arith.constant 5 : i32
        %get3A_798 = arith.index_cast %get3A_797 : i32 to index
        %get3A_799 = arith.index_cast %add3A_796 : i32 to index
        %get3A_800 = tpu.vector_load %arg5[%get3A_798, %get3A_799] {strides = array<i32>} : memref<8x4096xf32, #tpu.memory_space<vmem>>, vector<1x16xf32>,
        %get3A_801 = vector.shape_cast %get3A_800 : vector<1x16xf32> to vector<16xf32>
        %add3A_802 = arith.addf %add3A_792, %get3A_801 : vector<16xf32>
        %mul3A_803 = arith.constant 128 : i32
        %mul3A_804 = arith.muli %scan3A_762, %mul3A_803 : i32
        %add3A_805 = arith.constant 64 : i32
        %add3A_806 = arith.addi %mul3A_804, %add3A_805 : i32
        %get3A_807 = arith.constant 5 : i32
        %get3A_808 = arith.index_cast %get3A_807 : i32 to index
        %get3A_809 = arith.index_cast %add3A_806 : i32 to index
        %get3A_810 = tpu.vector_load %arg5[%get3A_808, %get3A_809] {strides = array<i32>} : memref<8x4096xf32, #tpu.memory_space<vmem>>, vector<1x16xf32>,
        %get3A_811 = vector.shape_cast %get3A_810 : vector<1x16xf32> to vector<16xf32>
        %add3A_812 = arith.addf %add3A_802, %get3A_811 : vector<16xf32>
        %mul3A_813 = arith.constant 128 : i32
        %mul3A_814 = arith.muli %scan3A_762, %mul3A_813 : i32
        %add3A_815 = arith.constant 80 : i32
        %add3A_816 = arith.addi %mul3A_814, %add3A_815 : i32
        %get3A_817 = arith.constant 5 : i32
        %get3A_818 = arith.index_cast %get3A_817 : i32 to index
        %get3A_819 = arith.index_cast %add3A_816 : i32 to index
        %get3A_820 = tpu.vector_load %arg5[%get3A_818, %get3A_819] {strides = array<i32>} : memref<8x4096xf32, #tpu.memory_space<vmem>>, vector<1x16xf32>,
        %get3A_821 = vector.shape_cast %get3A_820 : vector<1x16xf32> to vector<16xf32>
        %add3A_822 = arith.addf %add3A_812, %get3A_821 : vector<16xf32>
        %mul3A_823 = arith.constant 128 : i32
        %mul3A_824 = arith.muli %scan3A_762, %mul3A_823 : i32
        %add3A_825 = arith.constant 96 : i32
        %add3A_826 = arith.addi %mul3A_824, %add3A_825 : i32
        %get3A_827 = arith.constant 5 : i32
        %get3A_828 = arith.index_cast %get3A_827 : i32 to index
        %get3A_829 = arith.index_cast %add3A_826 : i32 to index
        %get3A_830 = tpu.vector_load %arg5[%get3A_828, %get3A_829] {strides = array<i32>} : memref<8x4096xf32, #tpu.memory_space<vmem>>, vector<1x16xf32>,
        %get3A_831 = vector.shape_cast %get3A_830 : vector<1x16xf32> to vector<16xf32>
        %add3A_832 = arith.addf %add3A_822, %get3A_831 : vector<16xf32>
        %mul3A_833 = arith.constant 128 : i32
        %mul3A_834 = arith.muli %scan3A_762, %mul3A_833 : i32
        %add3A_835 = arith.constant 112 : i32
        %add3A_836 = arith.addi %mul3A_834, %add3A_835 : i32
        %get3A_837 = arith.constant 5 : i32
        %get3A_838 = arith.index_cast %get3A_837 : i32 to index
        %get3A_839 = arith.index_cast %add3A_836 : i32 to index
        %get3A_840 = tpu.vector_load %arg5[%get3A_838, %get3A_839] {strides = array<i32>} : memref<8x4096xf32, #tpu.memory_space<vmem>>, vector<1x16xf32>,
        %get3A_841 = vector.shape_cast %get3A_840 : vector<1x16xf32> to vector<16xf32>
        %add3A_842 = arith.addf %add3A_832, %get3A_841 : vector<16xf32>
        scf.yield %add3A_842 : vector<16xf32>
      }
      %scan3A_388 = arith.constant 32 : i32
      %mul3A_389 = arith.constant 8 : i32
      %mul3A_390 = arith.muli %add3A_288, %mul3A_389 : i32
      %add3A_391 = arith.constant 5 : i32
      %add3A_392 = arith.addi %mul3A_390, %add3A_391 : i32
      %swap3A_393 = arith.index_cast %add3A_392 : i32 to index
      %swap3A_394 = arith.constant 0 : index
      %swap3A_395 = tpu.vector_load %arg8[%swap3A_393, %swap3A_394] {strides = array<i32>} : memref<256x16xf32, #tpu.memory_space<vmem>>, vector<1x16xf32>,
      %swap3A_396 = vector.shape_cast %swap3A_395 : vector<1x16xf32> to vector<16xf32>
      %swap3A_397 = vector.shape_cast %scan3A_387 : vector<16xf32> to vector<1x16xf32>
      tpu.vector_store %arg8[%swap3A_393, %swap3A_394], %swap3A_397 {strides = array<i32>} : memref<256x16xf32, #tpu.memory_space<vmem>>, vector<1x16xf32>,
      %broadcast_in_dim3A_398 = arith.constant 0.000000e+00 : f32
      %broadcast_in_dim3A_399 = vector.broadcast %broadcast_in_dim3A_398 : f32 to vector<16xf32>
      %scan3A_400 = arith.constant 0 : i32
      %scan3A_401 = arith.constant 32 : i32
      %scan3A_402 = arith.addi %scan3A_400, %scan3A_401 : i32
      %scan3A_403 = arith.constant 1 : i32
      %scan3A_404 = scf.for %scan3A_762 = %scan3A_400 to %scan3A_402 step %scan3A_403 iter_args(%scan3A_763 = %broadcast_in_dim3A_399) -> (vector<16xf32>)  : i32 {
        %mul3A_764 = arith.constant 128 : i32
        %mul3A_765 = arith.muli %scan3A_762, %mul3A_764 : i32
        %add3A_766 = arith.constant 0 : i32
        %add3A_767 = arith.addi %mul3A_765, %add3A_766 : i32
        %get3A = arith.constant 6 : i32
        %get3A_768 = arith.index_cast %get3A : i32 to index
        %get3A_769 = arith.index_cast %add3A_767 : i32 to index
        %get3A_770 = tpu.vector_load %arg5[%get3A_768, %get3A_769] {strides = array<i32>} : memref<8x4096xf32, #tpu.memory_space<vmem>>, vector<1x16xf32>,
        %get3A_771 = vector.shape_cast %get3A_770 : vector<1x16xf32> to vector<16xf32>
        %add3A_772 = arith.addf %scan3A_763, %get3A_771 : vector<16xf32>
        %mul3A_773 = arith.constant 128 : i32
        %mul3A_774 = arith.muli %scan3A_762, %mul3A_773 : i32
        %add3A_775 = arith.constant 16 : i32
        %add3A_776 = arith.addi %mul3A_774, %add3A_775 : i32
        %get3A_777 = arith.constant 6 : i32
        %get3A_778 = arith.index_cast %get3A_777 : i32 to index
        %get3A_779 = arith.index_cast %add3A_776 : i32 to index
        %get3A_780 = tpu.vector_load %arg5[%get3A_778, %get3A_779] {strides = array<i32>} : memref<8x4096xf32, #tpu.memory_space<vmem>>, vector<1x16xf32>,
        %get3A_781 = vector.shape_cast %get3A_780 : vector<1x16xf32> to vector<16xf32>
        %add3A_782 = arith.addf %add3A_772, %get3A_781 : vector<16xf32>
        %mul3A_783 = arith.constant 128 : i32
        %mul3A_784 = arith.muli %scan3A_762, %mul3A_783 : i32
        %add3A_785 = arith.constant 32 : i32
        %add3A_786 = arith.addi %mul3A_784, %add3A_785 : i32
        %get3A_787 = arith.constant 6 : i32
        %get3A_788 = arith.index_cast %get3A_787 : i32 to index
        %get3A_789 = arith.index_cast %add3A_786 : i32 to index
        %get3A_790 = tpu.vector_load %arg5[%get3A_788, %get3A_789] {strides = array<i32>} : memref<8x4096xf32, #tpu.memory_space<vmem>>, vector<1x16xf32>,
        %get3A_791 = vector.shape_cast %get3A_790 : vector<1x16xf32> to vector<16xf32>
        %add3A_792 = arith.addf %add3A_782, %get3A_791 : vector<16xf32>
        %mul3A_793 = arith.constant 128 : i32
        %mul3A_794 = arith.muli %scan3A_762, %mul3A_793 : i32
        %add3A_795 = arith.constant 48 : i32
        %add3A_796 = arith.addi %mul3A_794, %add3A_795 : i32
        %get3A_797 = arith.constant 6 : i32
        %get3A_798 = arith.index_cast %get3A_797 : i32 to index
        %get3A_799 = arith.index_cast %add3A_796 : i32 to index
        %get3A_800 = tpu.vector_load %arg5[%get3A_798, %get3A_799] {strides = array<i32>} : memref<8x4096xf32, #tpu.memory_space<vmem>>, vector<1x16xf32>,
        %get3A_801 = vector.shape_cast %get3A_800 : vector<1x16xf32> to vector<16xf32>
        %add3A_802 = arith.addf %add3A_792, %get3A_801 : vector<16xf32>
        %mul3A_803 = arith.constant 128 : i32
        %mul3A_804 = arith.muli %scan3A_762, %mul3A_803 : i32
        %add3A_805 = arith.constant 64 : i32
        %add3A_806 = arith.addi %mul3A_804, %add3A_805 : i32
        %get3A_807 = arith.constant 6 : i32
        %get3A_808 = arith.index_cast %get3A_807 : i32 to index
        %get3A_809 = arith.index_cast %add3A_806 : i32 to index
        %get3A_810 = tpu.vector_load %arg5[%get3A_808, %get3A_809] {strides = array<i32>} : memref<8x4096xf32, #tpu.memory_space<vmem>>, vector<1x16xf32>,
        %get3A_811 = vector.shape_cast %get3A_810 : vector<1x16xf32> to vector<16xf32>
        %add3A_812 = arith.addf %add3A_802, %get3A_811 : vector<16xf32>
        %mul3A_813 = arith.constant 128 : i32
        %mul3A_814 = arith.muli %scan3A_762, %mul3A_813 : i32
        %add3A_815 = arith.constant 80 : i32
        %add3A_816 = arith.addi %mul3A_814, %add3A_815 : i32
        %get3A_817 = arith.constant 6 : i32
        %get3A_818 = arith.index_cast %get3A_817 : i32 to index
        %get3A_819 = arith.index_cast %add3A_816 : i32 to index
        %get3A_820 = tpu.vector_load %arg5[%get3A_818, %get3A_819] {strides = array<i32>} : memref<8x4096xf32, #tpu.memory_space<vmem>>, vector<1x16xf32>,
        %get3A_821 = vector.shape_cast %get3A_820 : vector<1x16xf32> to vector<16xf32>
        %add3A_822 = arith.addf %add3A_812, %get3A_821 : vector<16xf32>
        %mul3A_823 = arith.constant 128 : i32
        %mul3A_824 = arith.muli %scan3A_762, %mul3A_823 : i32
        %add3A_825 = arith.constant 96 : i32
        %add3A_826 = arith.addi %mul3A_824, %add3A_825 : i32
        %get3A_827 = arith.constant 6 : i32
        %get3A_828 = arith.index_cast %get3A_827 : i32 to index
        %get3A_829 = arith.index_cast %add3A_826 : i32 to index
        %get3A_830 = tpu.vector_load %arg5[%get3A_828, %get3A_829] {strides = array<i32>} : memref<8x4096xf32, #tpu.memory_space<vmem>>, vector<1x16xf32>,
        %get3A_831 = vector.shape_cast %get3A_830 : vector<1x16xf32> to vector<16xf32>
        %add3A_832 = arith.addf %add3A_822, %get3A_831 : vector<16xf32>
        %mul3A_833 = arith.constant 128 : i32
        %mul3A_834 = arith.muli %scan3A_762, %mul3A_833 : i32
        %add3A_835 = arith.constant 112 : i32
        %add3A_836 = arith.addi %mul3A_834, %add3A_835 : i32
        %get3A_837 = arith.constant 6 : i32
        %get3A_838 = arith.index_cast %get3A_837 : i32 to index
        %get3A_839 = arith.index_cast %add3A_836 : i32 to index
        %get3A_840 = tpu.vector_load %arg5[%get3A_838, %get3A_839] {strides = array<i32>} : memref<8x4096xf32, #tpu.memory_space<vmem>>, vector<1x16xf32>,
        %get3A_841 = vector.shape_cast %get3A_840 : vector<1x16xf32> to vector<16xf32>
        %add3A_842 = arith.addf %add3A_832, %get3A_841 : vector<16xf32>
        scf.yield %add3A_842 : vector<16xf32>
      }
      %scan3A_405 = arith.constant 32 : i32
      %mul3A_406 = arith.constant 8 : i32
      %mul3A_407 = arith.muli %add3A_288, %mul3A_406 : i32
      %add3A_408 = arith.constant 6 : i32
      %add3A_409 = arith.addi %mul3A_407, %add3A_408 : i32
      %swap3A_410 = arith.index_cast %add3A_409 : i32 to index
      %swap3A_411 = arith.constant 0 : index
      %swap3A_412 = tpu.vector_load %arg8[%swap3A_410, %swap3A_411] {strides = array<i32>} : memref<256x16xf32, #tpu.memory_space<vmem>>, vector<1x16xf32>,
      %swap3A_413 = vector.shape_cast %swap3A_412 : vector<1x16xf32> to vector<16xf32>
      %swap3A_414 = vector.shape_cast %scan3A_404 : vector<16xf32> to vector<1x16xf32>
      tpu.vector_store %arg8[%swap3A_410, %swap3A_411], %swap3A_414 {strides = array<i32>} : memref<256x16xf32, #tpu.memory_space<vmem>>, vector<1x16xf32>,
      %broadcast_in_dim3A_415 = arith.constant 0.000000e+00 : f32
      %broadcast_in_dim3A_416 = vector.broadcast %broadcast_in_dim3A_415 : f32 to vector<16xf32>
      %scan3A_417 = arith.constant 0 : i32
      %scan3A_418 = arith.constant 32 : i32
      %scan3A_419 = arith.addi %scan3A_417, %scan3A_418 : i32
      %scan3A_420 = arith.constant 1 : i32
      %scan3A_421 = scf.for %scan3A_762 = %scan3A_417 to %scan3A_419 step %scan3A_420 iter_args(%scan3A_763 = %broadcast_in_dim3A_416) -> (vector<16xf32>)  : i32 {
        %mul3A_764 = arith.constant 128 : i32
        %mul3A_765 = arith.muli %scan3A_762, %mul3A_764 : i32
        %add3A_766 = arith.constant 0 : i32
        %add3A_767 = arith.addi %mul3A_765, %add3A_766 : i32
        %get3A = arith.constant 7 : i32
        %get3A_768 = arith.index_cast %get3A : i32 to index
        %get3A_769 = arith.index_cast %add3A_767 : i32 to index
        %get3A_770 = tpu.vector_load %arg5[%get3A_768, %get3A_769] {strides = array<i32>} : memref<8x4096xf32, #tpu.memory_space<vmem>>, vector<1x16xf32>,
        %get3A_771 = vector.shape_cast %get3A_770 : vector<1x16xf32> to vector<16xf32>
        %add3A_772 = arith.addf %scan3A_763, %get3A_771 : vector<16xf32>
        %mul3A_773 = arith.constant 128 : i32
        %mul3A_774 = arith.muli %scan3A_762, %mul3A_773 : i32
        %add3A_775 = arith.constant 16 : i32
        %add3A_776 = arith.addi %mul3A_774, %add3A_775 : i32
        %get3A_777 = arith.constant 7 : i32
        %get3A_778 = arith.index_cast %get3A_777 : i32 to index
        %get3A_779 = arith.index_cast %add3A_776 : i32 to index
        %get3A_780 = tpu.vector_load %arg5[%get3A_778, %get3A_779] {strides = array<i32>} : memref<8x4096xf32, #tpu.memory_space<vmem>>, vector<1x16xf32>,
        %get3A_781 = vector.shape_cast %get3A_780 : vector<1x16xf32> to vector<16xf32>
        %add3A_782 = arith.addf %add3A_772, %get3A_781 : vector<16xf32>
        %mul3A_783 = arith.constant 128 : i32
        %mul3A_784 = arith.muli %scan3A_762, %mul3A_783 : i32
        %add3A_785 = arith.constant 32 : i32
        %add3A_786 = arith.addi %mul3A_784, %add3A_785 : i32
        %get3A_787 = arith.constant 7 : i32
        %get3A_788 = arith.index_cast %get3A_787 : i32 to index
        %get3A_789 = arith.index_cast %add3A_786 : i32 to index
        %get3A_790 = tpu.vector_load %arg5[%get3A_788, %get3A_789] {strides = array<i32>} : memref<8x4096xf32, #tpu.memory_space<vmem>>, vector<1x16xf32>,
        %get3A_791 = vector.shape_cast %get3A_790 : vector<1x16xf32> to vector<16xf32>
        %add3A_792 = arith.addf %add3A_782, %get3A_791 : vector<16xf32>
        %mul3A_793 = arith.constant 128 : i32
        %mul3A_794 = arith.muli %scan3A_762, %mul3A_793 : i32
        %add3A_795 = arith.constant 48 : i32
        %add3A_796 = arith.addi %mul3A_794, %add3A_795 : i32
        %get3A_797 = arith.constant 7 : i32
        %get3A_798 = arith.index_cast %get3A_797 : i32 to index
        %get3A_799 = arith.index_cast %add3A_796 : i32 to index
        %get3A_800 = tpu.vector_load %arg5[%get3A_798, %get3A_799] {strides = array<i32>} : memref<8x4096xf32, #tpu.memory_space<vmem>>, vector<1x16xf32>,
        %get3A_801 = vector.shape_cast %get3A_800 : vector<1x16xf32> to vector<16xf32>
        %add3A_802 = arith.addf %add3A_792, %get3A_801 : vector<16xf32>
        %mul3A_803 = arith.constant 128 : i32
        %mul3A_804 = arith.muli %scan3A_762, %mul3A_803 : i32
        %add3A_805 = arith.constant 64 : i32
        %add3A_806 = arith.addi %mul3A_804, %add3A_805 : i32
        %get3A_807 = arith.constant 7 : i32
        %get3A_808 = arith.index_cast %get3A_807 : i32 to index
        %get3A_809 = arith.index_cast %add3A_806 : i32 to index
        %get3A_810 = tpu.vector_load %arg5[%get3A_808, %get3A_809] {strides = array<i32>} : memref<8x4096xf32, #tpu.memory_space<vmem>>, vector<1x16xf32>,
        %get3A_811 = vector.shape_cast %get3A_810 : vector<1x16xf32> to vector<16xf32>
        %add3A_812 = arith.addf %add3A_802, %get3A_811 : vector<16xf32>
        %mul3A_813 = arith.constant 128 : i32
        %mul3A_814 = arith.muli %scan3A_762, %mul3A_813 : i32
        %add3A_815 = arith.constant 80 : i32
        %add3A_816 = arith.addi %mul3A_814, %add3A_815 : i32
        %get3A_817 = arith.constant 7 : i32
        %get3A_818 = arith.index_cast %get3A_817 : i32 to index
        %get3A_819 = arith.index_cast %add3A_816 : i32 to index
        %get3A_820 = tpu.vector_load %arg5[%get3A_818, %get3A_819] {strides = array<i32>} : memref<8x4096xf32, #tpu.memory_space<vmem>>, vector<1x16xf32>,
        %get3A_821 = vector.shape_cast %get3A_820 : vector<1x16xf32> to vector<16xf32>
        %add3A_822 = arith.addf %add3A_812, %get3A_821 : vector<16xf32>
        %mul3A_823 = arith.constant 128 : i32
        %mul3A_824 = arith.muli %scan3A_762, %mul3A_823 : i32
        %add3A_825 = arith.constant 96 : i32
        %add3A_826 = arith.addi %mul3A_824, %add3A_825 : i32
        %get3A_827 = arith.constant 7 : i32
        %get3A_828 = arith.index_cast %get3A_827 : i32 to index
        %get3A_829 = arith.index_cast %add3A_826 : i32 to index
        %get3A_830 = tpu.vector_load %arg5[%get3A_828, %get3A_829] {strides = array<i32>} : memref<8x4096xf32, #tpu.memory_space<vmem>>, vector<1x16xf32>,
        %get3A_831 = vector.shape_cast %get3A_830 : vector<1x16xf32> to vector<16xf32>
        %add3A_832 = arith.addf %add3A_822, %get3A_831 : vector<16xf32>
        %mul3A_833 = arith.constant 128 : i32
        %mul3A_834 = arith.muli %scan3A_762, %mul3A_833 : i32
        %add3A_835 = arith.constant 112 : i32
        %add3A_836 = arith.addi %mul3A_834, %add3A_835 : i32
        %get3A_837 = arith.constant 7 : i32
        %get3A_838 = arith.index_cast %get3A_837 : i32 to index
        %get3A_839 = arith.index_cast %add3A_836 : i32 to index
        %get3A_840 = tpu.vector_load %arg5[%get3A_838, %get3A_839] {strides = array<i32>} : memref<8x4096xf32, #tpu.memory_space<vmem>>, vector<1x16xf32>,
        %get3A_841 = vector.shape_cast %get3A_840 : vector<1x16xf32> to vector<16xf32>
        %add3A_842 = arith.addf %add3A_832, %get3A_841 : vector<16xf32>
        scf.yield %add3A_842 : vector<16xf32>
      }
      %scan3A_422 = arith.constant 32 : i32
      %mul3A_423 = arith.constant 8 : i32
      %mul3A_424 = arith.muli %add3A_288, %mul3A_423 : i32
      %add3A_425 = arith.constant 7 : i32
      %add3A_426 = arith.addi %mul3A_424, %add3A_425 : i32
      %swap3A_427 = arith.index_cast %add3A_426 : i32 to index
      %swap3A_428 = arith.constant 0 : index
      %swap3A_429 = tpu.vector_load %arg8[%swap3A_427, %swap3A_428] {strides = array<i32>} : memref<256x16xf32, #tpu.memory_space<vmem>>, vector<1x16xf32>,
      %swap3A_430 = vector.shape_cast %swap3A_429 : vector<1x16xf32> to vector<16xf32>
      %swap3A_431 = vector.shape_cast %scan3A_421 : vector<16xf32> to vector<1x16xf32>
      tpu.vector_store %arg8[%swap3A_427, %swap3A_428], %swap3A_431 {strides = array<i32>} : memref<256x16xf32, #tpu.memory_space<vmem>>, vector<1x16xf32>,
      %mul3A_432 = arith.constant 8 : i32
      %mul3A_433 = arith.muli %add3A_288, %mul3A_432 : i32
      %add3A_434 = arith.addi %mul3A_2, %mul3A_433 : i32
      %dma_start3A_435 = arith.constant 0 : i32
      %dma_start3A_436 = tpu.memref_slice %arg3[%add3A_434, %dma_start3A_435] : memref<8192x4096xf32, #tpu.memory_space<hbm>> -> memref<8x4096xf32, #tpu.memory_space<hbm>>
      %dma_start3A_437 = arith.constant 0 : i32
      %dma_start3A_438 = tpu.memref_slice %arg3[%add3A_434, %dma_start3A_437] : memref<8192x4096xf32, #tpu.memory_space<hbm>> -> memref<8x4096xf32, #tpu.memory_space<hbm>>
      tpu.enqueue_dma source(%arg5 : memref<8x4096xf32, #tpu.memory_space<vmem>>) target(%dma_start3A_438 : memref<8x4096xf32, #tpu.memory_space<hbm>>) target_semaphore(%arg12 : memref<!tpu.dma_semaphore, #tpu.memory_space<semaphore_mem>>)
      %add3A_439 = arith.constant 2 : i32
      %add3A_440 = arith.addi %add3A_288, %add3A_439 : i32
      %lt3A = arith.constant 32 : i32
      %lt3A_441 = arith.cmpi slt, %add3A_440, %lt3A : i32
      %convert_element_type3A = arith.extui %lt3A_441 : i1 to i32
      %cond3A = arith.constant 0 : i32
      %cond3A_442 = arith.cmpi ne, %convert_element_type3A, %cond3A : i32
      scf.if %cond3A_442 {
        %sub3A = arith.constant 3 : i32
        %sub3A_762 = arith.subi %add3A_440, %sub3A : i32
        %ge3A = arith.constant 0 : i32
        %ge3A_763 = arith.cmpi sge, %sub3A_762, %ge3A : i32
        %convert_element_type3A_764 = arith.extui %ge3A_763 : i1 to i32
        %cond3A_765 = arith.constant 0 : i32
        %cond3A_766 = arith.cmpi ne, %convert_element_type3A_764, %cond3A_765 : i32
        scf.if %cond3A_766 {
          %sub3A_774 = arith.constant 3 : i32
          %sub3A_775 = arith.subi %add3A_440, %sub3A_774 : i32
          %mul3A_776 = arith.constant 8 : i32
          %mul3A_777 = arith.muli %sub3A_775, %mul3A_776 : i32
          %add3A_778 = arith.addi %mul3A_2, %mul3A_777 : i32
          %dma_wait3A_779 = arith.constant 0 : i32
          %dma_wait3A_780 = tpu.memref_slice %arg3[%add3A_778, %dma_wait3A_779] : memref<8192x4096xf32, #tpu.memory_space<hbm>> -> memref<8x4096xf32, #tpu.memory_space<hbm>>
          %dma_wait3A_781 = arith.constant 0 : i32
          %dma_wait3A_782 = tpu.memref_slice %arg3[%add3A_778, %dma_wait3A_781] : memref<8192x4096xf32, #tpu.memory_space<hbm>> -> memref<8x4096xf32, #tpu.memory_space<hbm>>
          tpu.wait_dma2 semaphore(%arg14 : memref<!tpu.dma_semaphore, #tpu.memory_space<semaphore_mem>>) src(%arg7 : memref<8x4096xf32, #tpu.memory_space<vmem>>) dst(%dma_wait3A_782 : memref<8x4096xf32, #tpu.memory_space<hbm>>)
        } else {
        }
        %mul3A_767 = arith.constant 8 : i32
        %mul3A_768 = arith.muli %add3A_440, %mul3A_767 : i32
        %add3A_769 = arith.addi %mul3A_2, %mul3A_768 : i32
        %dma_start3A_770 = arith.constant 0 : i32
        %dma_start3A_771 = tpu.memref_slice %arg2[%add3A_769, %dma_start3A_770] : memref<8192x4096xf32, #tpu.memory_space<hbm>> -> memref<8x4096xf32, #tpu.memory_space<hbm>>
        %dma_start3A_772 = arith.constant 0 : i32
        %dma_start3A_773 = tpu.memref_slice %arg2[%add3A_769, %dma_start3A_772] : memref<8192x4096xf32, #tpu.memory_space<hbm>> -> memref<8x4096xf32, #tpu.memory_space<hbm>>
        tpu.enqueue_dma source(%dma_start3A_773 : memref<8x4096xf32, #tpu.memory_space<hbm>>) target(%arg7 : memref<8x4096xf32, #tpu.memory_space<vmem>>) target_semaphore(%arg11 : memref<!tpu.dma_semaphore, #tpu.memory_space<semaphore_mem>>)
      } else {
      }
      %add3A_443 = arith.constant 1 : i32
      %add3A_444 = arith.addi %mul3A_286, %add3A_443 : i32
      %mul3A_445 = arith.constant 8 : i32
      %mul3A_446 = arith.muli %add3A_444, %mul3A_445 : i32
      %add3A_447 = arith.addi %mul3A_2, %mul3A_446 : i32
      %dma_wait3A_448 = arith.constant 0 : i32
      %dma_wait3A_449 = tpu.memref_slice %arg2[%add3A_447, %dma_wait3A_448] : memref<8192x4096xf32, #tpu.memory_space<hbm>> -> memref<8x4096xf32, #tpu.memory_space<hbm>>
      %dma_wait3A_450 = arith.constant 0 : i32
      %dma_wait3A_451 = tpu.memref_slice %arg2[%add3A_447, %dma_wait3A_450] : memref<8192x4096xf32, #tpu.memory_space<hbm>> -> memref<8x4096xf32, #tpu.memory_space<hbm>>
      tpu.wait_dma2 semaphore(%arg10 : memref<!tpu.dma_semaphore, #tpu.memory_space<semaphore_mem>>) src(%dma_wait3A_451 : memref<8x4096xf32, #tpu.memory_space<hbm>>) dst(%arg6 : memref<8x4096xf32, #tpu.memory_space<vmem>>)
      %broadcast_in_dim3A_452 = arith.constant 0.000000e+00 : f32
      %broadcast_in_dim3A_453 = vector.broadcast %broadcast_in_dim3A_452 : f32 to vector<16xf32>
      %scan3A_454 = arith.constant 0 : i32
      %scan3A_455 = arith.constant 32 : i32
      %scan3A_456 = arith.addi %scan3A_454, %scan3A_455 : i32
      %scan3A_457 = arith.constant 1 : i32
      %scan3A_458 = scf.for %scan3A_762 = %scan3A_454 to %scan3A_456 step %scan3A_457 iter_args(%scan3A_763 = %broadcast_in_dim3A_453) -> (vector<16xf32>)  : i32 {
        %mul3A_764 = arith.constant 128 : i32
        %mul3A_765 = arith.muli %scan3A_762, %mul3A_764 : i32
        %add3A_766 = arith.constant 0 : i32
        %add3A_767 = arith.addi %mul3A_765, %add3A_766 : i32
        %get3A = arith.constant 0 : i32
        %get3A_768 = arith.index_cast %get3A : i32 to index
        %get3A_769 = arith.index_cast %add3A_767 : i32 to index
        %get3A_770 = tpu.vector_load %arg6[%get3A_768, %get3A_769] {strides = array<i32>} : memref<8x4096xf32, #tpu.memory_space<vmem>>, vector<1x16xf32>,
        %get3A_771 = vector.shape_cast %get3A_770 : vector<1x16xf32> to vector<16xf32>
        %add3A_772 = arith.addf %scan3A_763, %get3A_771 : vector<16xf32>
        %mul3A_773 = arith.constant 128 : i32
        %mul3A_774 = arith.muli %scan3A_762, %mul3A_773 : i32
        %add3A_775 = arith.constant 16 : i32
        %add3A_776 = arith.addi %mul3A_774, %add3A_775 : i32
        %get3A_777 = arith.constant 0 : i32
        %get3A_778 = arith.index_cast %get3A_777 : i32 to index
        %get3A_779 = arith.index_cast %add3A_776 : i32 to index
        %get3A_780 = tpu.vector_load %arg6[%get3A_778, %get3A_779] {strides = array<i32>} : memref<8x4096xf32, #tpu.memory_space<vmem>>, vector<1x16xf32>,
        %get3A_781 = vector.shape_cast %get3A_780 : vector<1x16xf32> to vector<16xf32>
        %add3A_782 = arith.addf %add3A_772, %get3A_781 : vector<16xf32>
        %mul3A_783 = arith.constant 128 : i32
        %mul3A_784 = arith.muli %scan3A_762, %mul3A_783 : i32
        %add3A_785 = arith.constant 32 : i32
        %add3A_786 = arith.addi %mul3A_784, %add3A_785 : i32
        %get3A_787 = arith.constant 0 : i32
        %get3A_788 = arith.index_cast %get3A_787 : i32 to index
        %get3A_789 = arith.index_cast %add3A_786 : i32 to index
        %get3A_790 = tpu.vector_load %arg6[%get3A_788, %get3A_789] {strides = array<i32>} : memref<8x4096xf32, #tpu.memory_space<vmem>>, vector<1x16xf32>,
        %get3A_791 = vector.shape_cast %get3A_790 : vector<1x16xf32> to vector<16xf32>
        %add3A_792 = arith.addf %add3A_782, %get3A_791 : vector<16xf32>
        %mul3A_793 = arith.constant 128 : i32
        %mul3A_794 = arith.muli %scan3A_762, %mul3A_793 : i32
        %add3A_795 = arith.constant 48 : i32
        %add3A_796 = arith.addi %mul3A_794, %add3A_795 : i32
        %get3A_797 = arith.constant 0 : i32
        %get3A_798 = arith.index_cast %get3A_797 : i32 to index
        %get3A_799 = arith.index_cast %add3A_796 : i32 to index
        %get3A_800 = tpu.vector_load %arg6[%get3A_798, %get3A_799] {strides = array<i32>} : memref<8x4096xf32, #tpu.memory_space<vmem>>, vector<1x16xf32>,
        %get3A_801 = vector.shape_cast %get3A_800 : vector<1x16xf32> to vector<16xf32>
        %add3A_802 = arith.addf %add3A_792, %get3A_801 : vector<16xf32>
        %mul3A_803 = arith.constant 128 : i32
        %mul3A_804 = arith.muli %scan3A_762, %mul3A_803 : i32
        %add3A_805 = arith.constant 64 : i32
        %add3A_806 = arith.addi %mul3A_804, %add3A_805 : i32
        %get3A_807 = arith.constant 0 : i32
        %get3A_808 = arith.index_cast %get3A_807 : i32 to index
        %get3A_809 = arith.index_cast %add3A_806 : i32 to index
        %get3A_810 = tpu.vector_load %arg6[%get3A_808, %get3A_809] {strides = array<i32>} : memref<8x4096xf32, #tpu.memory_space<vmem>>, vector<1x16xf32>,
        %get3A_811 = vector.shape_cast %get3A_810 : vector<1x16xf32> to vector<16xf32>
        %add3A_812 = arith.addf %add3A_802, %get3A_811 : vector<16xf32>
        %mul3A_813 = arith.constant 128 : i32
        %mul3A_814 = arith.muli %scan3A_762, %mul3A_813 : i32
        %add3A_815 = arith.constant 80 : i32
        %add3A_816 = arith.addi %mul3A_814, %add3A_815 : i32
        %get3A_817 = arith.constant 0 : i32
        %get3A_818 = arith.index_cast %get3A_817 : i32 to index
        %get3A_819 = arith.index_cast %add3A_816 : i32 to index
        %get3A_820 = tpu.vector_load %arg6[%get3A_818, %get3A_819] {strides = array<i32>} : memref<8x4096xf32, #tpu.memory_space<vmem>>, vector<1x16xf32>,
        %get3A_821 = vector.shape_cast %get3A_820 : vector<1x16xf32> to vector<16xf32>
        %add3A_822 = arith.addf %add3A_812, %get3A_821 : vector<16xf32>
        %mul3A_823 = arith.constant 128 : i32
        %mul3A_824 = arith.muli %scan3A_762, %mul3A_823 : i32
        %add3A_825 = arith.constant 96 : i32
        %add3A_826 = arith.addi %mul3A_824, %add3A_825 : i32
        %get3A_827 = arith.constant 0 : i32
        %get3A_828 = arith.index_cast %get3A_827 : i32 to index
        %get3A_829 = arith.index_cast %add3A_826 : i32 to index
        %get3A_830 = tpu.vector_load %arg6[%get3A_828, %get3A_829] {strides = array<i32>} : memref<8x4096xf32, #tpu.memory_space<vmem>>, vector<1x16xf32>,
        %get3A_831 = vector.shape_cast %get3A_830 : vector<1x16xf32> to vector<16xf32>
        %add3A_832 = arith.addf %add3A_822, %get3A_831 : vector<16xf32>
        %mul3A_833 = arith.constant 128 : i32
        %mul3A_834 = arith.muli %scan3A_762, %mul3A_833 : i32
        %add3A_835 = arith.constant 112 : i32
        %add3A_836 = arith.addi %mul3A_834, %add3A_835 : i32
        %get3A_837 = arith.constant 0 : i32
        %get3A_838 = arith.index_cast %get3A_837 : i32 to index
        %get3A_839 = arith.index_cast %add3A_836 : i32 to index
        %get3A_840 = tpu.vector_load %arg6[%get3A_838, %get3A_839] {strides = array<i32>} : memref<8x4096xf32, #tpu.memory_space<vmem>>, vector<1x16xf32>,
        %get3A_841 = vector.shape_cast %get3A_840 : vector<1x16xf32> to vector<16xf32>
        %add3A_842 = arith.addf %add3A_832, %get3A_841 : vector<16xf32>
        scf.yield %add3A_842 : vector<16xf32>
      }
      %scan3A_459 = arith.constant 32 : i32
      %mul3A_460 = arith.constant 8 : i32
      %mul3A_461 = arith.muli %add3A_444, %mul3A_460 : i32
      %add3A_462 = arith.constant 0 : i32
      %add3A_463 = arith.addi %mul3A_461, %add3A_462 : i32
      %swap3A_464 = arith.index_cast %add3A_463 : i32 to index
      %swap3A_465 = arith.constant 0 : index
      %swap3A_466 = tpu.vector_load %arg8[%swap3A_464, %swap3A_465] {strides = array<i32>} : memref<256x16xf32, #tpu.memory_space<vmem>>, vector<1x16xf32>,
      %swap3A_467 = vector.shape_cast %swap3A_466 : vector<1x16xf32> to vector<16xf32>
      %swap3A_468 = vector.shape_cast %scan3A_458 : vector<16xf32> to vector<1x16xf32>
      tpu.vector_store %arg8[%swap3A_464, %swap3A_465], %swap3A_468 {strides = array<i32>} : memref<256x16xf32, #tpu.memory_space<vmem>>, vector<1x16xf32>,
      %broadcast_in_dim3A_469 = arith.constant 0.000000e+00 : f32
      %broadcast_in_dim3A_470 = vector.broadcast %broadcast_in_dim3A_469 : f32 to vector<16xf32>
      %scan3A_471 = arith.constant 0 : i32
      %scan3A_472 = arith.constant 32 : i32
      %scan3A_473 = arith.addi %scan3A_471, %scan3A_472 : i32
      %scan3A_474 = arith.constant 1 : i32
      %scan3A_475 = scf.for %scan3A_762 = %scan3A_471 to %scan3A_473 step %scan3A_474 iter_args(%scan3A_763 = %broadcast_in_dim3A_470) -> (vector<16xf32>)  : i32 {
        %mul3A_764 = arith.constant 128 : i32
        %mul3A_765 = arith.muli %scan3A_762, %mul3A_764 : i32
        %add3A_766 = arith.constant 0 : i32
        %add3A_767 = arith.addi %mul3A_765, %add3A_766 : i32
        %get3A = arith.constant 1 : i32
        %get3A_768 = arith.index_cast %get3A : i32 to index
        %get3A_769 = arith.index_cast %add3A_767 : i32 to index
        %get3A_770 = tpu.vector_load %arg6[%get3A_768, %get3A_769] {strides = array<i32>} : memref<8x4096xf32, #tpu.memory_space<vmem>>, vector<1x16xf32>,
        %get3A_771 = vector.shape_cast %get3A_770 : vector<1x16xf32> to vector<16xf32>
        %add3A_772 = arith.addf %scan3A_763, %get3A_771 : vector<16xf32>
        %mul3A_773 = arith.constant 128 : i32
        %mul3A_774 = arith.muli %scan3A_762, %mul3A_773 : i32
        %add3A_775 = arith.constant 16 : i32
        %add3A_776 = arith.addi %mul3A_774, %add3A_775 : i32
        %get3A_777 = arith.constant 1 : i32
        %get3A_778 = arith.index_cast %get3A_777 : i32 to index
        %get3A_779 = arith.index_cast %add3A_776 : i32 to index
        %get3A_780 = tpu.vector_load %arg6[%get3A_778, %get3A_779] {strides = array<i32>} : memref<8x4096xf32, #tpu.memory_space<vmem>>, vector<1x16xf32>,
        %get3A_781 = vector.shape_cast %get3A_780 : vector<1x16xf32> to vector<16xf32>
        %add3A_782 = arith.addf %add3A_772, %get3A_781 : vector<16xf32>
        %mul3A_783 = arith.constant 128 : i32
        %mul3A_784 = arith.muli %scan3A_762, %mul3A_783 : i32
        %add3A_785 = arith.constant 32 : i32
        %add3A_786 = arith.addi %mul3A_784, %add3A_785 : i32
        %get3A_787 = arith.constant 1 : i32
        %get3A_788 = arith.index_cast %get3A_787 : i32 to index
        %get3A_789 = arith.index_cast %add3A_786 : i32 to index
        %get3A_790 = tpu.vector_load %arg6[%get3A_788, %get3A_789] {strides = array<i32>} : memref<8x4096xf32, #tpu.memory_space<vmem>>, vector<1x16xf32>,
        %get3A_791 = vector.shape_cast %get3A_790 : vector<1x16xf32> to vector<16xf32>
        %add3A_792 = arith.addf %add3A_782, %get3A_791 : vector<16xf32>
        %mul3A_793 = arith.constant 128 : i32
        %mul3A_794 = arith.muli %scan3A_762, %mul3A_793 : i32
        %add3A_795 = arith.constant 48 : i32
        %add3A_796 = arith.addi %mul3A_794, %add3A_795 : i32
        %get3A_797 = arith.constant 1 : i32
        %get3A_798 = arith.index_cast %get3A_797 : i32 to index
        %get3A_799 = arith.index_cast %add3A_796 : i32 to index
        %get3A_800 = tpu.vector_load %arg6[%get3A_798, %get3A_799] {strides = array<i32>} : memref<8x4096xf32, #tpu.memory_space<vmem>>, vector<1x16xf32>,
        %get3A_801 = vector.shape_cast %get3A_800 : vector<1x16xf32> to vector<16xf32>
        %add3A_802 = arith.addf %add3A_792, %get3A_801 : vector<16xf32>
        %mul3A_803 = arith.constant 128 : i32
        %mul3A_804 = arith.muli %scan3A_762, %mul3A_803 : i32
        %add3A_805 = arith.constant 64 : i32
        %add3A_806 = arith.addi %mul3A_804, %add3A_805 : i32
        %get3A_807 = arith.constant 1 : i32
        %get3A_808 = arith.index_cast %get3A_807 : i32 to index
        %get3A_809 = arith.index_cast %add3A_806 : i32 to index
        %get3A_810 = tpu.vector_load %arg6[%get3A_808, %get3A_809] {strides = array<i32>} : memref<8x4096xf32, #tpu.memory_space<vmem>>, vector<1x16xf32>,
        %get3A_811 = vector.shape_cast %get3A_810 : vector<1x16xf32> to vector<16xf32>
        %add3A_812 = arith.addf %add3A_802, %get3A_811 : vector<16xf32>
        %mul3A_813 = arith.constant 128 : i32
        %mul3A_814 = arith.muli %scan3A_762, %mul3A_813 : i32
        %add3A_815 = arith.constant 80 : i32
        %add3A_816 = arith.addi %mul3A_814, %add3A_815 : i32
        %get3A_817 = arith.constant 1 : i32
        %get3A_818 = arith.index_cast %get3A_817 : i32 to index
        %get3A_819 = arith.index_cast %add3A_816 : i32 to index
        %get3A_820 = tpu.vector_load %arg6[%get3A_818, %get3A_819] {strides = array<i32>} : memref<8x4096xf32, #tpu.memory_space<vmem>>, vector<1x16xf32>,
        %get3A_821 = vector.shape_cast %get3A_820 : vector<1x16xf32> to vector<16xf32>
        %add3A_822 = arith.addf %add3A_812, %get3A_821 : vector<16xf32>
        %mul3A_823 = arith.constant 128 : i32
        %mul3A_824 = arith.muli %scan3A_762, %mul3A_823 : i32
        %add3A_825 = arith.constant 96 : i32
        %add3A_826 = arith.addi %mul3A_824, %add3A_825 : i32
        %get3A_827 = arith.constant 1 : i32
        %get3A_828 = arith.index_cast %get3A_827 : i32 to index
        %get3A_829 = arith.index_cast %add3A_826 : i32 to index
        %get3A_830 = tpu.vector_load %arg6[%get3A_828, %get3A_829] {strides = array<i32>} : memref<8x4096xf32, #tpu.memory_space<vmem>>, vector<1x16xf32>,
        %get3A_831 = vector.shape_cast %get3A_830 : vector<1x16xf32> to vector<16xf32>
        %add3A_832 = arith.addf %add3A_822, %get3A_831 : vector<16xf32>
        %mul3A_833 = arith.constant 128 : i32
        %mul3A_834 = arith.muli %scan3A_762, %mul3A_833 : i32
        %add3A_835 = arith.constant 112 : i32
        %add3A_836 = arith.addi %mul3A_834, %add3A_835 : i32
        %get3A_837 = arith.constant 1 : i32
        %get3A_838 = arith.index_cast %get3A_837 : i32 to index
        %get3A_839 = arith.index_cast %add3A_836 : i32 to index
        %get3A_840 = tpu.vector_load %arg6[%get3A_838, %get3A_839] {strides = array<i32>} : memref<8x4096xf32, #tpu.memory_space<vmem>>, vector<1x16xf32>,
        %get3A_841 = vector.shape_cast %get3A_840 : vector<1x16xf32> to vector<16xf32>
        %add3A_842 = arith.addf %add3A_832, %get3A_841 : vector<16xf32>
        scf.yield %add3A_842 : vector<16xf32>
      }
      %scan3A_476 = arith.constant 32 : i32
      %mul3A_477 = arith.constant 8 : i32
      %mul3A_478 = arith.muli %add3A_444, %mul3A_477 : i32
      %add3A_479 = arith.constant 1 : i32
      %add3A_480 = arith.addi %mul3A_478, %add3A_479 : i32
      %swap3A_481 = arith.index_cast %add3A_480 : i32 to index
      %swap3A_482 = arith.constant 0 : index
      %swap3A_483 = tpu.vector_load %arg8[%swap3A_481, %swap3A_482] {strides = array<i32>} : memref<256x16xf32, #tpu.memory_space<vmem>>, vector<1x16xf32>,
      %swap3A_484 = vector.shape_cast %swap3A_483 : vector<1x16xf32> to vector<16xf32>
      %swap3A_485 = vector.shape_cast %scan3A_475 : vector<16xf32> to vector<1x16xf32>
      tpu.vector_store %arg8[%swap3A_481, %swap3A_482], %swap3A_485 {strides = array<i32>} : memref<256x16xf32, #tpu.memory_space<vmem>>, vector<1x16xf32>,
      %broadcast_in_dim3A_486 = arith.constant 0.000000e+00 : f32
      %broadcast_in_dim3A_487 = vector.broadcast %broadcast_in_dim3A_486 : f32 to vector<16xf32>
      %scan3A_488 = arith.constant 0 : i32
      %scan3A_489 = arith.constant 32 : i32
      %scan3A_490 = arith.addi %scan3A_488, %scan3A_489 : i32
      %scan3A_491 = arith.constant 1 : i32
      %scan3A_492 = scf.for %scan3A_762 = %scan3A_488 to %scan3A_490 step %scan3A_491 iter_args(%scan3A_763 = %broadcast_in_dim3A_487) -> (vector<16xf32>)  : i32 {
        %mul3A_764 = arith.constant 128 : i32
        %mul3A_765 = arith.muli %scan3A_762, %mul3A_764 : i32
        %add3A_766 = arith.constant 0 : i32
        %add3A_767 = arith.addi %mul3A_765, %add3A_766 : i32
        %get3A = arith.constant 2 : i32
        %get3A_768 = arith.index_cast %get3A : i32 to index
        %get3A_769 = arith.index_cast %add3A_767 : i32 to index
        %get3A_770 = tpu.vector_load %arg6[%get3A_768, %get3A_769] {strides = array<i32>} : memref<8x4096xf32, #tpu.memory_space<vmem>>, vector<1x16xf32>,
        %get3A_771 = vector.shape_cast %get3A_770 : vector<1x16xf32> to vector<16xf32>
        %add3A_772 = arith.addf %scan3A_763, %get3A_771 : vector<16xf32>
        %mul3A_773 = arith.constant 128 : i32
        %mul3A_774 = arith.muli %scan3A_762, %mul3A_773 : i32
        %add3A_775 = arith.constant 16 : i32
        %add3A_776 = arith.addi %mul3A_774, %add3A_775 : i32
        %get3A_777 = arith.constant 2 : i32
        %get3A_778 = arith.index_cast %get3A_777 : i32 to index
        %get3A_779 = arith.index_cast %add3A_776 : i32 to index
        %get3A_780 = tpu.vector_load %arg6[%get3A_778, %get3A_779] {strides = array<i32>} : memref<8x4096xf32, #tpu.memory_space<vmem>>, vector<1x16xf32>,
        %get3A_781 = vector.shape_cast %get3A_780 : vector<1x16xf32> to vector<16xf32>
        %add3A_782 = arith.addf %add3A_772, %get3A_781 : vector<16xf32>
        %mul3A_783 = arith.constant 128 : i32
        %mul3A_784 = arith.muli %scan3A_762, %mul3A_783 : i32
        %add3A_785 = arith.constant 32 : i32
        %add3A_786 = arith.addi %mul3A_784, %add3A_785 : i32
        %get3A_787 = arith.constant 2 : i32
        %get3A_788 = arith.index_cast %get3A_787 : i32 to index
        %get3A_789 = arith.index_cast %add3A_786 : i32 to index
        %get3A_790 = tpu.vector_load %arg6[%get3A_788, %get3A_789] {strides = array<i32>} : memref<8x4096xf32, #tpu.memory_space<vmem>>, vector<1x16xf32>,
        %get3A_791 = vector.shape_cast %get3A_790 : vector<1x16xf32> to vector<16xf32>
        %add3A_792 = arith.addf %add3A_782, %get3A_791 : vector<16xf32>
        %mul3A_793 = arith.constant 128 : i32
        %mul3A_794 = arith.muli %scan3A_762, %mul3A_793 : i32
        %add3A_795 = arith.constant 48 : i32
        %add3A_796 = arith.addi %mul3A_794, %add3A_795 : i32
        %get3A_797 = arith.constant 2 : i32
        %get3A_798 = arith.index_cast %get3A_797 : i32 to index
        %get3A_799 = arith.index_cast %add3A_796 : i32 to index
        %get3A_800 = tpu.vector_load %arg6[%get3A_798, %get3A_799] {strides = array<i32>} : memref<8x4096xf32, #tpu.memory_space<vmem>>, vector<1x16xf32>,
        %get3A_801 = vector.shape_cast %get3A_800 : vector<1x16xf32> to vector<16xf32>
        %add3A_802 = arith.addf %add3A_792, %get3A_801 : vector<16xf32>
        %mul3A_803 = arith.constant 128 : i32
        %mul3A_804 = arith.muli %scan3A_762, %mul3A_803 : i32
        %add3A_805 = arith.constant 64 : i32
        %add3A_806 = arith.addi %mul3A_804, %add3A_805 : i32
        %get3A_807 = arith.constant 2 : i32
        %get3A_808 = arith.index_cast %get3A_807 : i32 to index
        %get3A_809 = arith.index_cast %add3A_806 : i32 to index
        %get3A_810 = tpu.vector_load %arg6[%get3A_808, %get3A_809] {strides = array<i32>} : memref<8x4096xf32, #tpu.memory_space<vmem>>, vector<1x16xf32>,
        %get3A_811 = vector.shape_cast %get3A_810 : vector<1x16xf32> to vector<16xf32>
        %add3A_812 = arith.addf %add3A_802, %get3A_811 : vector<16xf32>
        %mul3A_813 = arith.constant 128 : i32
        %mul3A_814 = arith.muli %scan3A_762, %mul3A_813 : i32
        %add3A_815 = arith.constant 80 : i32
        %add3A_816 = arith.addi %mul3A_814, %add3A_815 : i32
        %get3A_817 = arith.constant 2 : i32
        %get3A_818 = arith.index_cast %get3A_817 : i32 to index
        %get3A_819 = arith.index_cast %add3A_816 : i32 to index
        %get3A_820 = tpu.vector_load %arg6[%get3A_818, %get3A_819] {strides = array<i32>} : memref<8x4096xf32, #tpu.memory_space<vmem>>, vector<1x16xf32>,
        %get3A_821 = vector.shape_cast %get3A_820 : vector<1x16xf32> to vector<16xf32>
        %add3A_822 = arith.addf %add3A_812, %get3A_821 : vector<16xf32>
        %mul3A_823 = arith.constant 128 : i32
        %mul3A_824 = arith.muli %scan3A_762, %mul3A_823 : i32
        %add3A_825 = arith.constant 96 : i32
        %add3A_826 = arith.addi %mul3A_824, %add3A_825 : i32
        %get3A_827 = arith.constant 2 : i32
        %get3A_828 = arith.index_cast %get3A_827 : i32 to index
        %get3A_829 = arith.index_cast %add3A_826 : i32 to index
        %get3A_830 = tpu.vector_load %arg6[%get3A_828, %get3A_829] {strides = array<i32>} : memref<8x4096xf32, #tpu.memory_space<vmem>>, vector<1x16xf32>,
        %get3A_831 = vector.shape_cast %get3A_830 : vector<1x16xf32> to vector<16xf32>
        %add3A_832 = arith.addf %add3A_822, %get3A_831 : vector<16xf32>
        %mul3A_833 = arith.constant 128 : i32
        %mul3A_834 = arith.muli %scan3A_762, %mul3A_833 : i32
        %add3A_835 = arith.constant 112 : i32
        %add3A_836 = arith.addi %mul3A_834, %add3A_835 : i32
        %get3A_837 = arith.constant 2 : i32
        %get3A_838 = arith.index_cast %get3A_837 : i32 to index
        %get3A_839 = arith.index_cast %add3A_836 : i32 to index
        %get3A_840 = tpu.vector_load %arg6[%get3A_838, %get3A_839] {strides = array<i32>} : memref<8x4096xf32, #tpu.memory_space<vmem>>, vector<1x16xf32>,
        %get3A_841 = vector.shape_cast %get3A_840 : vector<1x16xf32> to vector<16xf32>
        %add3A_842 = arith.addf %add3A_832, %get3A_841 : vector<16xf32>
        scf.yield %add3A_842 : vector<16xf32>
      }
      %scan3A_493 = arith.constant 32 : i32
      %mul3A_494 = arith.constant 8 : i32
      %mul3A_495 = arith.muli %add3A_444, %mul3A_494 : i32
      %add3A_496 = arith.constant 2 : i32
      %add3A_497 = arith.addi %mul3A_495, %add3A_496 : i32
      %swap3A_498 = arith.index_cast %add3A_497 : i32 to index
      %swap3A_499 = arith.constant 0 : index
      %swap3A_500 = tpu.vector_load %arg8[%swap3A_498, %swap3A_499] {strides = array<i32>} : memref<256x16xf32, #tpu.memory_space<vmem>>, vector<1x16xf32>,
      %swap3A_501 = vector.shape_cast %swap3A_500 : vector<1x16xf32> to vector<16xf32>
      %swap3A_502 = vector.shape_cast %scan3A_492 : vector<16xf32> to vector<1x16xf32>
      tpu.vector_store %arg8[%swap3A_498, %swap3A_499], %swap3A_502 {strides = array<i32>} : memref<256x16xf32, #tpu.memory_space<vmem>>, vector<1x16xf32>,
      %broadcast_in_dim3A_503 = arith.constant 0.000000e+00 : f32
      %broadcast_in_dim3A_504 = vector.broadcast %broadcast_in_dim3A_503 : f32 to vector<16xf32>
      %scan3A_505 = arith.constant 0 : i32
      %scan3A_506 = arith.constant 32 : i32
      %scan3A_507 = arith.addi %scan3A_505, %scan3A_506 : i32
      %scan3A_508 = arith.constant 1 : i32
      %scan3A_509 = scf.for %scan3A_762 = %scan3A_505 to %scan3A_507 step %scan3A_508 iter_args(%scan3A_763 = %broadcast_in_dim3A_504) -> (vector<16xf32>)  : i32 {
        %mul3A_764 = arith.constant 128 : i32
        %mul3A_765 = arith.muli %scan3A_762, %mul3A_764 : i32
        %add3A_766 = arith.constant 0 : i32
        %add3A_767 = arith.addi %mul3A_765, %add3A_766 : i32
        %get3A = arith.constant 3 : i32
        %get3A_768 = arith.index_cast %get3A : i32 to index
        %get3A_769 = arith.index_cast %add3A_767 : i32 to index
        %get3A_770 = tpu.vector_load %arg6[%get3A_768, %get3A_769] {strides = array<i32>} : memref<8x4096xf32, #tpu.memory_space<vmem>>, vector<1x16xf32>,
        %get3A_771 = vector.shape_cast %get3A_770 : vector<1x16xf32> to vector<16xf32>
        %add3A_772 = arith.addf %scan3A_763, %get3A_771 : vector<16xf32>
        %mul3A_773 = arith.constant 128 : i32
        %mul3A_774 = arith.muli %scan3A_762, %mul3A_773 : i32
        %add3A_775 = arith.constant 16 : i32
        %add3A_776 = arith.addi %mul3A_774, %add3A_775 : i32
        %get3A_777 = arith.constant 3 : i32
        %get3A_778 = arith.index_cast %get3A_777 : i32 to index
        %get3A_779 = arith.index_cast %add3A_776 : i32 to index
        %get3A_780 = tpu.vector_load %arg6[%get3A_778, %get3A_779] {strides = array<i32>} : memref<8x4096xf32, #tpu.memory_space<vmem>>, vector<1x16xf32>,
        %get3A_781 = vector.shape_cast %get3A_780 : vector<1x16xf32> to vector<16xf32>
        %add3A_782 = arith.addf %add3A_772, %get3A_781 : vector<16xf32>
        %mul3A_783 = arith.constant 128 : i32
        %mul3A_784 = arith.muli %scan3A_762, %mul3A_783 : i32
        %add3A_785 = arith.constant 32 : i32
        %add3A_786 = arith.addi %mul3A_784, %add3A_785 : i32
        %get3A_787 = arith.constant 3 : i32
        %get3A_788 = arith.index_cast %get3A_787 : i32 to index
        %get3A_789 = arith.index_cast %add3A_786 : i32 to index
        %get3A_790 = tpu.vector_load %arg6[%get3A_788, %get3A_789] {strides = array<i32>} : memref<8x4096xf32, #tpu.memory_space<vmem>>, vector<1x16xf32>,
        %get3A_791 = vector.shape_cast %get3A_790 : vector<1x16xf32> to vector<16xf32>
        %add3A_792 = arith.addf %add3A_782, %get3A_791 : vector<16xf32>
        %mul3A_793 = arith.constant 128 : i32
        %mul3A_794 = arith.muli %scan3A_762, %mul3A_793 : i32
        %add3A_795 = arith.constant 48 : i32
        %add3A_796 = arith.addi %mul3A_794, %add3A_795 : i32
        %get3A_797 = arith.constant 3 : i32
        %get3A_798 = arith.index_cast %get3A_797 : i32 to index
        %get3A_799 = arith.index_cast %add3A_796 : i32 to index
        %get3A_800 = tpu.vector_load %arg6[%get3A_798, %get3A_799] {strides = array<i32>} : memref<8x4096xf32, #tpu.memory_space<vmem>>, vector<1x16xf32>,
        %get3A_801 = vector.shape_cast %get3A_800 : vector<1x16xf32> to vector<16xf32>
        %add3A_802 = arith.addf %add3A_792, %get3A_801 : vector<16xf32>
        %mul3A_803 = arith.constant 128 : i32
        %mul3A_804 = arith.muli %scan3A_762, %mul3A_803 : i32
        %add3A_805 = arith.constant 64 : i32
        %add3A_806 = arith.addi %mul3A_804, %add3A_805 : i32
        %get3A_807 = arith.constant 3 : i32
        %get3A_808 = arith.index_cast %get3A_807 : i32 to index
        %get3A_809 = arith.index_cast %add3A_806 : i32 to index
        %get3A_810 = tpu.vector_load %arg6[%get3A_808, %get3A_809] {strides = array<i32>} : memref<8x4096xf32, #tpu.memory_space<vmem>>, vector<1x16xf32>,
        %get3A_811 = vector.shape_cast %get3A_810 : vector<1x16xf32> to vector<16xf32>
        %add3A_812 = arith.addf %add3A_802, %get3A_811 : vector<16xf32>
        %mul3A_813 = arith.constant 128 : i32
        %mul3A_814 = arith.muli %scan3A_762, %mul3A_813 : i32
        %add3A_815 = arith.constant 80 : i32
        %add3A_816 = arith.addi %mul3A_814, %add3A_815 : i32
        %get3A_817 = arith.constant 3 : i32
        %get3A_818 = arith.index_cast %get3A_817 : i32 to index
        %get3A_819 = arith.index_cast %add3A_816 : i32 to index
        %get3A_820 = tpu.vector_load %arg6[%get3A_818, %get3A_819] {strides = array<i32>} : memref<8x4096xf32, #tpu.memory_space<vmem>>, vector<1x16xf32>,
        %get3A_821 = vector.shape_cast %get3A_820 : vector<1x16xf32> to vector<16xf32>
        %add3A_822 = arith.addf %add3A_812, %get3A_821 : vector<16xf32>
        %mul3A_823 = arith.constant 128 : i32
        %mul3A_824 = arith.muli %scan3A_762, %mul3A_823 : i32
        %add3A_825 = arith.constant 96 : i32
        %add3A_826 = arith.addi %mul3A_824, %add3A_825 : i32
        %get3A_827 = arith.constant 3 : i32
        %get3A_828 = arith.index_cast %get3A_827 : i32 to index
        %get3A_829 = arith.index_cast %add3A_826 : i32 to index
        %get3A_830 = tpu.vector_load %arg6[%get3A_828, %get3A_829] {strides = array<i32>} : memref<8x4096xf32, #tpu.memory_space<vmem>>, vector<1x16xf32>,
        %get3A_831 = vector.shape_cast %get3A_830 : vector<1x16xf32> to vector<16xf32>
        %add3A_832 = arith.addf %add3A_822, %get3A_831 : vector<16xf32>
        %mul3A_833 = arith.constant 128 : i32
        %mul3A_834 = arith.muli %scan3A_762, %mul3A_833 : i32
        %add3A_835 = arith.constant 112 : i32
        %add3A_836 = arith.addi %mul3A_834, %add3A_835 : i32
        %get3A_837 = arith.constant 3 : i32
        %get3A_838 = arith.index_cast %get3A_837 : i32 to index
        %get3A_839 = arith.index_cast %add3A_836 : i32 to index
        %get3A_840 = tpu.vector_load %arg6[%get3A_838, %get3A_839] {strides = array<i32>} : memref<8x4096xf32, #tpu.memory_space<vmem>>, vector<1x16xf32>,
        %get3A_841 = vector.shape_cast %get3A_840 : vector<1x16xf32> to vector<16xf32>
        %add3A_842 = arith.addf %add3A_832, %get3A_841 : vector<16xf32>
        scf.yield %add3A_842 : vector<16xf32>
      }
      %scan3A_510 = arith.constant 32 : i32
      %mul3A_511 = arith.constant 8 : i32
      %mul3A_512 = arith.muli %add3A_444, %mul3A_511 : i32
      %add3A_513 = arith.constant 3 : i32
      %add3A_514 = arith.addi %mul3A_512, %add3A_513 : i32
      %swap3A_515 = arith.index_cast %add3A_514 : i32 to index
      %swap3A_516 = arith.constant 0 : index
      %swap3A_517 = tpu.vector_load %arg8[%swap3A_515, %swap3A_516] {strides = array<i32>} : memref<256x16xf32, #tpu.memory_space<vmem>>, vector<1x16xf32>,
      %swap3A_518 = vector.shape_cast %swap3A_517 : vector<1x16xf32> to vector<16xf32>
      %swap3A_519 = vector.shape_cast %scan3A_509 : vector<16xf32> to vector<1x16xf32>
      tpu.vector_store %arg8[%swap3A_515, %swap3A_516], %swap3A_519 {strides = array<i32>} : memref<256x16xf32, #tpu.memory_space<vmem>>, vector<1x16xf32>,
      %broadcast_in_dim3A_520 = arith.constant 0.000000e+00 : f32
      %broadcast_in_dim3A_521 = vector.broadcast %broadcast_in_dim3A_520 : f32 to vector<16xf32>
      %scan3A_522 = arith.constant 0 : i32
      %scan3A_523 = arith.constant 32 : i32
      %scan3A_524 = arith.addi %scan3A_522, %scan3A_523 : i32
      %scan3A_525 = arith.constant 1 : i32
      %scan3A_526 = scf.for %scan3A_762 = %scan3A_522 to %scan3A_524 step %scan3A_525 iter_args(%scan3A_763 = %broadcast_in_dim3A_521) -> (vector<16xf32>)  : i32 {
        %mul3A_764 = arith.constant 128 : i32
        %mul3A_765 = arith.muli %scan3A_762, %mul3A_764 : i32
        %add3A_766 = arith.constant 0 : i32
        %add3A_767 = arith.addi %mul3A_765, %add3A_766 : i32
        %get3A = arith.constant 4 : i32
        %get3A_768 = arith.index_cast %get3A : i32 to index
        %get3A_769 = arith.index_cast %add3A_767 : i32 to index
        %get3A_770 = tpu.vector_load %arg6[%get3A_768, %get3A_769] {strides = array<i32>} : memref<8x4096xf32, #tpu.memory_space<vmem>>, vector<1x16xf32>,
        %get3A_771 = vector.shape_cast %get3A_770 : vector<1x16xf32> to vector<16xf32>
        %add3A_772 = arith.addf %scan3A_763, %get3A_771 : vector<16xf32>
        %mul3A_773 = arith.constant 128 : i32
        %mul3A_774 = arith.muli %scan3A_762, %mul3A_773 : i32
        %add3A_775 = arith.constant 16 : i32
        %add3A_776 = arith.addi %mul3A_774, %add3A_775 : i32
        %get3A_777 = arith.constant 4 : i32
        %get3A_778 = arith.index_cast %get3A_777 : i32 to index
        %get3A_779 = arith.index_cast %add3A_776 : i32 to index
        %get3A_780 = tpu.vector_load %arg6[%get3A_778, %get3A_779] {strides = array<i32>} : memref<8x4096xf32, #tpu.memory_space<vmem>>, vector<1x16xf32>,
        %get3A_781 = vector.shape_cast %get3A_780 : vector<1x16xf32> to vector<16xf32>
        %add3A_782 = arith.addf %add3A_772, %get3A_781 : vector<16xf32>
        %mul3A_783 = arith.constant 128 : i32
        %mul3A_784 = arith.muli %scan3A_762, %mul3A_783 : i32
        %add3A_785 = arith.constant 32 : i32
        %add3A_786 = arith.addi %mul3A_784, %add3A_785 : i32
        %get3A_787 = arith.constant 4 : i32
        %get3A_788 = arith.index_cast %get3A_787 : i32 to index
        %get3A_789 = arith.index_cast %add3A_786 : i32 to index
        %get3A_790 = tpu.vector_load %arg6[%get3A_788, %get3A_789] {strides = array<i32>} : memref<8x4096xf32, #tpu.memory_space<vmem>>, vector<1x16xf32>,
        %get3A_791 = vector.shape_cast %get3A_790 : vector<1x16xf32> to vector<16xf32>
        %add3A_792 = arith.addf %add3A_782, %get3A_791 : vector<16xf32>
        %mul3A_793 = arith.constant 128 : i32
        %mul3A_794 = arith.muli %scan3A_762, %mul3A_793 : i32
        %add3A_795 = arith.constant 48 : i32
        %add3A_796 = arith.addi %mul3A_794, %add3A_795 : i32
        %get3A_797 = arith.constant 4 : i32
        %get3A_798 = arith.index_cast %get3A_797 : i32 to index
        %get3A_799 = arith.index_cast %add3A_796 : i32 to index
        %get3A_800 = tpu.vector_load %arg6[%get3A_798, %get3A_799] {strides = array<i32>} : memref<8x4096xf32, #tpu.memory_space<vmem>>, vector<1x16xf32>,
        %get3A_801 = vector.shape_cast %get3A_800 : vector<1x16xf32> to vector<16xf32>
        %add3A_802 = arith.addf %add3A_792, %get3A_801 : vector<16xf32>
        %mul3A_803 = arith.constant 128 : i32
        %mul3A_804 = arith.muli %scan3A_762, %mul3A_803 : i32
        %add3A_805 = arith.constant 64 : i32
        %add3A_806 = arith.addi %mul3A_804, %add3A_805 : i32
        %get3A_807 = arith.constant 4 : i32
        %get3A_808 = arith.index_cast %get3A_807 : i32 to index
        %get3A_809 = arith.index_cast %add3A_806 : i32 to index
        %get3A_810 = tpu.vector_load %arg6[%get3A_808, %get3A_809] {strides = array<i32>} : memref<8x4096xf32, #tpu.memory_space<vmem>>, vector<1x16xf32>,
        %get3A_811 = vector.shape_cast %get3A_810 : vector<1x16xf32> to vector<16xf32>
        %add3A_812 = arith.addf %add3A_802, %get3A_811 : vector<16xf32>
        %mul3A_813 = arith.constant 128 : i32
        %mul3A_814 = arith.muli %scan3A_762, %mul3A_813 : i32
        %add3A_815 = arith.constant 80 : i32
        %add3A_816 = arith.addi %mul3A_814, %add3A_815 : i32
        %get3A_817 = arith.constant 4 : i32
        %get3A_818 = arith.index_cast %get3A_817 : i32 to index
        %get3A_819 = arith.index_cast %add3A_816 : i32 to index
        %get3A_820 = tpu.vector_load %arg6[%get3A_818, %get3A_819] {strides = array<i32>} : memref<8x4096xf32, #tpu.memory_space<vmem>>, vector<1x16xf32>,
        %get3A_821 = vector.shape_cast %get3A_820 : vector<1x16xf32> to vector<16xf32>
        %add3A_822 = arith.addf %add3A_812, %get3A_821 : vector<16xf32>
        %mul3A_823 = arith.constant 128 : i32
        %mul3A_824 = arith.muli %scan3A_762, %mul3A_823 : i32
        %add3A_825 = arith.constant 96 : i32
        %add3A_826 = arith.addi %mul3A_824, %add3A_825 : i32
        %get3A_827 = arith.constant 4 : i32
        %get3A_828 = arith.index_cast %get3A_827 : i32 to index
        %get3A_829 = arith.index_cast %add3A_826 : i32 to index
        %get3A_830 = tpu.vector_load %arg6[%get3A_828, %get3A_829] {strides = array<i32>} : memref<8x4096xf32, #tpu.memory_space<vmem>>, vector<1x16xf32>,
        %get3A_831 = vector.shape_cast %get3A_830 : vector<1x16xf32> to vector<16xf32>
        %add3A_832 = arith.addf %add3A_822, %get3A_831 : vector<16xf32>
        %mul3A_833 = arith.constant 128 : i32
        %mul3A_834 = arith.muli %scan3A_762, %mul3A_833 : i32
        %add3A_835 = arith.constant 112 : i32
        %add3A_836 = arith.addi %mul3A_834, %add3A_835 : i32
        %get3A_837 = arith.constant 4 : i32
        %get3A_838 = arith.index_cast %get3A_837 : i32 to index
        %get3A_839 = arith.index_cast %add3A_836 : i32 to index
        %get3A_840 = tpu.vector_load %arg6[%get3A_838, %get3A_839] {strides = array<i32>} : memref<8x4096xf32, #tpu.memory_space<vmem>>, vector<1x16xf32>,
        %get3A_841 = vector.shape_cast %get3A_840 : vector<1x16xf32> to vector<16xf32>
        %add3A_842 = arith.addf %add3A_832, %get3A_841 : vector<16xf32>
        scf.yield %add3A_842 : vector<16xf32>
      }
      %scan3A_527 = arith.constant 32 : i32
      %mul3A_528 = arith.constant 8 : i32
      %mul3A_529 = arith.muli %add3A_444, %mul3A_528 : i32
      %add3A_530 = arith.constant 4 : i32
      %add3A_531 = arith.addi %mul3A_529, %add3A_530 : i32
      %swap3A_532 = arith.index_cast %add3A_531 : i32 to index
      %swap3A_533 = arith.constant 0 : index
      %swap3A_534 = tpu.vector_load %arg8[%swap3A_532, %swap3A_533] {strides = array<i32>} : memref<256x16xf32, #tpu.memory_space<vmem>>, vector<1x16xf32>,
      %swap3A_535 = vector.shape_cast %swap3A_534 : vector<1x16xf32> to vector<16xf32>
      %swap3A_536 = vector.shape_cast %scan3A_526 : vector<16xf32> to vector<1x16xf32>
      tpu.vector_store %arg8[%swap3A_532, %swap3A_533], %swap3A_536 {strides = array<i32>} : memref<256x16xf32, #tpu.memory_space<vmem>>, vector<1x16xf32>,
      %broadcast_in_dim3A_537 = arith.constant 0.000000e+00 : f32
      %broadcast_in_dim3A_538 = vector.broadcast %broadcast_in_dim3A_537 : f32 to vector<16xf32>
      %scan3A_539 = arith.constant 0 : i32
      %scan3A_540 = arith.constant 32 : i32
      %scan3A_541 = arith.addi %scan3A_539, %scan3A_540 : i32
      %scan3A_542 = arith.constant 1 : i32
      %scan3A_543 = scf.for %scan3A_762 = %scan3A_539 to %scan3A_541 step %scan3A_542 iter_args(%scan3A_763 = %broadcast_in_dim3A_538) -> (vector<16xf32>)  : i32 {
        %mul3A_764 = arith.constant 128 : i32
        %mul3A_765 = arith.muli %scan3A_762, %mul3A_764 : i32
        %add3A_766 = arith.constant 0 : i32
        %add3A_767 = arith.addi %mul3A_765, %add3A_766 : i32
        %get3A = arith.constant 5 : i32
        %get3A_768 = arith.index_cast %get3A : i32 to index
        %get3A_769 = arith.index_cast %add3A_767 : i32 to index
        %get3A_770 = tpu.vector_load %arg6[%get3A_768, %get3A_769] {strides = array<i32>} : memref<8x4096xf32, #tpu.memory_space<vmem>>, vector<1x16xf32>,
        %get3A_771 = vector.shape_cast %get3A_770 : vector<1x16xf32> to vector<16xf32>
        %add3A_772 = arith.addf %scan3A_763, %get3A_771 : vector<16xf32>
        %mul3A_773 = arith.constant 128 : i32
        %mul3A_774 = arith.muli %scan3A_762, %mul3A_773 : i32
        %add3A_775 = arith.constant 16 : i32
        %add3A_776 = arith.addi %mul3A_774, %add3A_775 : i32
        %get3A_777 = arith.constant 5 : i32
        %get3A_778 = arith.index_cast %get3A_777 : i32 to index
        %get3A_779 = arith.index_cast %add3A_776 : i32 to index
        %get3A_780 = tpu.vector_load %arg6[%get3A_778, %get3A_779] {strides = array<i32>} : memref<8x4096xf32, #tpu.memory_space<vmem>>, vector<1x16xf32>,
        %get3A_781 = vector.shape_cast %get3A_780 : vector<1x16xf32> to vector<16xf32>
        %add3A_782 = arith.addf %add3A_772, %get3A_781 : vector<16xf32>
        %mul3A_783 = arith.constant 128 : i32
        %mul3A_784 = arith.muli %scan3A_762, %mul3A_783 : i32
        %add3A_785 = arith.constant 32 : i32
        %add3A_786 = arith.addi %mul3A_784, %add3A_785 : i32
        %get3A_787 = arith.constant 5 : i32
        %get3A_788 = arith.index_cast %get3A_787 : i32 to index
        %get3A_789 = arith.index_cast %add3A_786 : i32 to index
        %get3A_790 = tpu.vector_load %arg6[%get3A_788, %get3A_789] {strides = array<i32>} : memref<8x4096xf32, #tpu.memory_space<vmem>>, vector<1x16xf32>,
        %get3A_791 = vector.shape_cast %get3A_790 : vector<1x16xf32> to vector<16xf32>
        %add3A_792 = arith.addf %add3A_782, %get3A_791 : vector<16xf32>
        %mul3A_793 = arith.constant 128 : i32
        %mul3A_794 = arith.muli %scan3A_762, %mul3A_793 : i32
        %add3A_795 = arith.constant 48 : i32
        %add3A_796 = arith.addi %mul3A_794, %add3A_795 : i32
        %get3A_797 = arith.constant 5 : i32
        %get3A_798 = arith.index_cast %get3A_797 : i32 to index
        %get3A_799 = arith.index_cast %add3A_796 : i32 to index
        %get3A_800 = tpu.vector_load %arg6[%get3A_798, %get3A_799] {strides = array<i32>} : memref<8x4096xf32, #tpu.memory_space<vmem>>, vector<1x16xf32>,
        %get3A_801 = vector.shape_cast %get3A_800 : vector<1x16xf32> to vector<16xf32>
        %add3A_802 = arith.addf %add3A_792, %get3A_801 : vector<16xf32>
        %mul3A_803 = arith.constant 128 : i32
        %mul3A_804 = arith.muli %scan3A_762, %mul3A_803 : i32
        %add3A_805 = arith.constant 64 : i32
        %add3A_806 = arith.addi %mul3A_804, %add3A_805 : i32
        %get3A_807 = arith.constant 5 : i32
        %get3A_808 = arith.index_cast %get3A_807 : i32 to index
        %get3A_809 = arith.index_cast %add3A_806 : i32 to index
        %get3A_810 = tpu.vector_load %arg6[%get3A_808, %get3A_809] {strides = array<i32>} : memref<8x4096xf32, #tpu.memory_space<vmem>>, vector<1x16xf32>,
        %get3A_811 = vector.shape_cast %get3A_810 : vector<1x16xf32> to vector<16xf32>
        %add3A_812 = arith.addf %add3A_802, %get3A_811 : vector<16xf32>
        %mul3A_813 = arith.constant 128 : i32
        %mul3A_814 = arith.muli %scan3A_762, %mul3A_813 : i32
        %add3A_815 = arith.constant 80 : i32
        %add3A_816 = arith.addi %mul3A_814, %add3A_815 : i32
        %get3A_817 = arith.constant 5 : i32
        %get3A_818 = arith.index_cast %get3A_817 : i32 to index
        %get3A_819 = arith.index_cast %add3A_816 : i32 to index
        %get3A_820 = tpu.vector_load %arg6[%get3A_818, %get3A_819] {strides = array<i32>} : memref<8x4096xf32, #tpu.memory_space<vmem>>, vector<1x16xf32>,
        %get3A_821 = vector.shape_cast %get3A_820 : vector<1x16xf32> to vector<16xf32>
        %add3A_822 = arith.addf %add3A_812, %get3A_821 : vector<16xf32>
        %mul3A_823 = arith.constant 128 : i32
        %mul3A_824 = arith.muli %scan3A_762, %mul3A_823 : i32
        %add3A_825 = arith.constant 96 : i32
        %add3A_826 = arith.addi %mul3A_824, %add3A_825 : i32
        %get3A_827 = arith.constant 5 : i32
        %get3A_828 = arith.index_cast %get3A_827 : i32 to index
        %get3A_829 = arith.index_cast %add3A_826 : i32 to index
        %get3A_830 = tpu.vector_load %arg6[%get3A_828, %get3A_829] {strides = array<i32>} : memref<8x4096xf32, #tpu.memory_space<vmem>>, vector<1x16xf32>,
        %get3A_831 = vector.shape_cast %get3A_830 : vector<1x16xf32> to vector<16xf32>
        %add3A_832 = arith.addf %add3A_822, %get3A_831 : vector<16xf32>
        %mul3A_833 = arith.constant 128 : i32
        %mul3A_834 = arith.muli %scan3A_762, %mul3A_833 : i32
        %add3A_835 = arith.constant 112 : i32
        %add3A_836 = arith.addi %mul3A_834, %add3A_835 : i32
        %get3A_837 = arith.constant 5 : i32
        %get3A_838 = arith.index_cast %get3A_837 : i32 to index
        %get3A_839 = arith.index_cast %add3A_836 : i32 to index
        %get3A_840 = tpu.vector_load %arg6[%get3A_838, %get3A_839] {strides = array<i32>} : memref<8x4096xf32, #tpu.memory_space<vmem>>, vector<1x16xf32>,
        %get3A_841 = vector.shape_cast %get3A_840 : vector<1x16xf32> to vector<16xf32>
        %add3A_842 = arith.addf %add3A_832, %get3A_841 : vector<16xf32>
        scf.yield %add3A_842 : vector<16xf32>
      }
      %scan3A_544 = arith.constant 32 : i32
      %mul3A_545 = arith.constant 8 : i32
      %mul3A_546 = arith.muli %add3A_444, %mul3A_545 : i32
      %add3A_547 = arith.constant 5 : i32
      %add3A_548 = arith.addi %mul3A_546, %add3A_547 : i32
      %swap3A_549 = arith.index_cast %add3A_548 : i32 to index
      %swap3A_550 = arith.constant 0 : index
      %swap3A_551 = tpu.vector_load %arg8[%swap3A_549, %swap3A_550] {strides = array<i32>} : memref<256x16xf32, #tpu.memory_space<vmem>>, vector<1x16xf32>,
      %swap3A_552 = vector.shape_cast %swap3A_551 : vector<1x16xf32> to vector<16xf32>
      %swap3A_553 = vector.shape_cast %scan3A_543 : vector<16xf32> to vector<1x16xf32>
      tpu.vector_store %arg8[%swap3A_549, %swap3A_550], %swap3A_553 {strides = array<i32>} : memref<256x16xf32, #tpu.memory_space<vmem>>, vector<1x16xf32>,
      %broadcast_in_dim3A_554 = arith.constant 0.000000e+00 : f32
      %broadcast_in_dim3A_555 = vector.broadcast %broadcast_in_dim3A_554 : f32 to vector<16xf32>
      %scan3A_556 = arith.constant 0 : i32
      %scan3A_557 = arith.constant 32 : i32
      %scan3A_558 = arith.addi %scan3A_556, %scan3A_557 : i32
      %scan3A_559 = arith.constant 1 : i32
      %scan3A_560 = scf.for %scan3A_762 = %scan3A_556 to %scan3A_558 step %scan3A_559 iter_args(%scan3A_763 = %broadcast_in_dim3A_555) -> (vector<16xf32>)  : i32 {
        %mul3A_764 = arith.constant 128 : i32
        %mul3A_765 = arith.muli %scan3A_762, %mul3A_764 : i32
        %add3A_766 = arith.constant 0 : i32
        %add3A_767 = arith.addi %mul3A_765, %add3A_766 : i32
        %get3A = arith.constant 6 : i32
        %get3A_768 = arith.index_cast %get3A : i32 to index
        %get3A_769 = arith.index_cast %add3A_767 : i32 to index
        %get3A_770 = tpu.vector_load %arg6[%get3A_768, %get3A_769] {strides = array<i32>} : memref<8x4096xf32, #tpu.memory_space<vmem>>, vector<1x16xf32>,
        %get3A_771 = vector.shape_cast %get3A_770 : vector<1x16xf32> to vector<16xf32>
        %add3A_772 = arith.addf %scan3A_763, %get3A_771 : vector<16xf32>
        %mul3A_773 = arith.constant 128 : i32
        %mul3A_774 = arith.muli %scan3A_762, %mul3A_773 : i32
        %add3A_775 = arith.constant 16 : i32
        %add3A_776 = arith.addi %mul3A_774, %add3A_775 : i32
        %get3A_777 = arith.constant 6 : i32
        %get3A_778 = arith.index_cast %get3A_777 : i32 to index
        %get3A_779 = arith.index_cast %add3A_776 : i32 to index
        %get3A_780 = tpu.vector_load %arg6[%get3A_778, %get3A_779] {strides = array<i32>} : memref<8x4096xf32, #tpu.memory_space<vmem>>, vector<1x16xf32>,
        %get3A_781 = vector.shape_cast %get3A_780 : vector<1x16xf32> to vector<16xf32>
        %add3A_782 = arith.addf %add3A_772, %get3A_781 : vector<16xf32>
        %mul3A_783 = arith.constant 128 : i32
        %mul3A_784 = arith.muli %scan3A_762, %mul3A_783 : i32
        %add3A_785 = arith.constant 32 : i32
        %add3A_786 = arith.addi %mul3A_784, %add3A_785 : i32
        %get3A_787 = arith.constant 6 : i32
        %get3A_788 = arith.index_cast %get3A_787 : i32 to index
        %get3A_789 = arith.index_cast %add3A_786 : i32 to index
        %get3A_790 = tpu.vector_load %arg6[%get3A_788, %get3A_789] {strides = array<i32>} : memref<8x4096xf32, #tpu.memory_space<vmem>>, vector<1x16xf32>,
        %get3A_791 = vector.shape_cast %get3A_790 : vector<1x16xf32> to vector<16xf32>
        %add3A_792 = arith.addf %add3A_782, %get3A_791 : vector<16xf32>
        %mul3A_793 = arith.constant 128 : i32
        %mul3A_794 = arith.muli %scan3A_762, %mul3A_793 : i32
        %add3A_795 = arith.constant 48 : i32
        %add3A_796 = arith.addi %mul3A_794, %add3A_795 : i32
        %get3A_797 = arith.constant 6 : i32
        %get3A_798 = arith.index_cast %get3A_797 : i32 to index
        %get3A_799 = arith.index_cast %add3A_796 : i32 to index
        %get3A_800 = tpu.vector_load %arg6[%get3A_798, %get3A_799] {strides = array<i32>} : memref<8x4096xf32, #tpu.memory_space<vmem>>, vector<1x16xf32>,
        %get3A_801 = vector.shape_cast %get3A_800 : vector<1x16xf32> to vector<16xf32>
        %add3A_802 = arith.addf %add3A_792, %get3A_801 : vector<16xf32>
        %mul3A_803 = arith.constant 128 : i32
        %mul3A_804 = arith.muli %scan3A_762, %mul3A_803 : i32
        %add3A_805 = arith.constant 64 : i32
        %add3A_806 = arith.addi %mul3A_804, %add3A_805 : i32
        %get3A_807 = arith.constant 6 : i32
        %get3A_808 = arith.index_cast %get3A_807 : i32 to index
        %get3A_809 = arith.index_cast %add3A_806 : i32 to index
        %get3A_810 = tpu.vector_load %arg6[%get3A_808, %get3A_809] {strides = array<i32>} : memref<8x4096xf32, #tpu.memory_space<vmem>>, vector<1x16xf32>,
        %get3A_811 = vector.shape_cast %get3A_810 : vector<1x16xf32> to vector<16xf32>
        %add3A_812 = arith.addf %add3A_802, %get3A_811 : vector<16xf32>
        %mul3A_813 = arith.constant 128 : i32
        %mul3A_814 = arith.muli %scan3A_762, %mul3A_813 : i32
        %add3A_815 = arith.constant 80 : i32
        %add3A_816 = arith.addi %mul3A_814, %add3A_815 : i32
        %get3A_817 = arith.constant 6 : i32
        %get3A_818 = arith.index_cast %get3A_817 : i32 to index
        %get3A_819 = arith.index_cast %add3A_816 : i32 to index
        %get3A_820 = tpu.vector_load %arg6[%get3A_818, %get3A_819] {strides = array<i32>} : memref<8x4096xf32, #tpu.memory_space<vmem>>, vector<1x16xf32>,
        %get3A_821 = vector.shape_cast %get3A_820 : vector<1x16xf32> to vector<16xf32>
        %add3A_822 = arith.addf %add3A_812, %get3A_821 : vector<16xf32>
        %mul3A_823 = arith.constant 128 : i32
        %mul3A_824 = arith.muli %scan3A_762, %mul3A_823 : i32
        %add3A_825 = arith.constant 96 : i32
        %add3A_826 = arith.addi %mul3A_824, %add3A_825 : i32
        %get3A_827 = arith.constant 6 : i32
        %get3A_828 = arith.index_cast %get3A_827 : i32 to index
        %get3A_829 = arith.index_cast %add3A_826 : i32 to index
        %get3A_830 = tpu.vector_load %arg6[%get3A_828, %get3A_829] {strides = array<i32>} : memref<8x4096xf32, #tpu.memory_space<vmem>>, vector<1x16xf32>,
        %get3A_831 = vector.shape_cast %get3A_830 : vector<1x16xf32> to vector<16xf32>
        %add3A_832 = arith.addf %add3A_822, %get3A_831 : vector<16xf32>
        %mul3A_833 = arith.constant 128 : i32
        %mul3A_834 = arith.muli %scan3A_762, %mul3A_833 : i32
        %add3A_835 = arith.constant 112 : i32
        %add3A_836 = arith.addi %mul3A_834, %add3A_835 : i32
        %get3A_837 = arith.constant 6 : i32
        %get3A_838 = arith.index_cast %get3A_837 : i32 to index
        %get3A_839 = arith.index_cast %add3A_836 : i32 to index
        %get3A_840 = tpu.vector_load %arg6[%get3A_838, %get3A_839] {strides = array<i32>} : memref<8x4096xf32, #tpu.memory_space<vmem>>, vector<1x16xf32>,
        %get3A_841 = vector.shape_cast %get3A_840 : vector<1x16xf32> to vector<16xf32>
        %add3A_842 = arith.addf %add3A_832, %get3A_841 : vector<16xf32>
        scf.yield %add3A_842 : vector<16xf32>
      }
      %scan3A_561 = arith.constant 32 : i32
      %mul3A_562 = arith.constant 8 : i32
      %mul3A_563 = arith.muli %add3A_444, %mul3A_562 : i32
      %add3A_564 = arith.constant 6 : i32
      %add3A_565 = arith.addi %mul3A_563, %add3A_564 : i32
      %swap3A_566 = arith.index_cast %add3A_565 : i32 to index
      %swap3A_567 = arith.constant 0 : index
      %swap3A_568 = tpu.vector_load %arg8[%swap3A_566, %swap3A_567] {strides = array<i32>} : memref<256x16xf32, #tpu.memory_space<vmem>>, vector<1x16xf32>,
      %swap3A_569 = vector.shape_cast %swap3A_568 : vector<1x16xf32> to vector<16xf32>
      %swap3A_570 = vector.shape_cast %scan3A_560 : vector<16xf32> to vector<1x16xf32>
      tpu.vector_store %arg8[%swap3A_566, %swap3A_567], %swap3A_570 {strides = array<i32>} : memref<256x16xf32, #tpu.memory_space<vmem>>, vector<1x16xf32>,
      %broadcast_in_dim3A_571 = arith.constant 0.000000e+00 : f32
      %broadcast_in_dim3A_572 = vector.broadcast %broadcast_in_dim3A_571 : f32 to vector<16xf32>
      %scan3A_573 = arith.constant 0 : i32
      %scan3A_574 = arith.constant 32 : i32
      %scan3A_575 = arith.addi %scan3A_573, %scan3A_574 : i32
      %scan3A_576 = arith.constant 1 : i32
      %scan3A_577 = scf.for %scan3A_762 = %scan3A_573 to %scan3A_575 step %scan3A_576 iter_args(%scan3A_763 = %broadcast_in_dim3A_572) -> (vector<16xf32>)  : i32 {
        %mul3A_764 = arith.constant 128 : i32
        %mul3A_765 = arith.muli %scan3A_762, %mul3A_764 : i32
        %add3A_766 = arith.constant 0 : i32
        %add3A_767 = arith.addi %mul3A_765, %add3A_766 : i32
        %get3A = arith.constant 7 : i32
        %get3A_768 = arith.index_cast %get3A : i32 to index
        %get3A_769 = arith.index_cast %add3A_767 : i32 to index
        %get3A_770 = tpu.vector_load %arg6[%get3A_768, %get3A_769] {strides = array<i32>} : memref<8x4096xf32, #tpu.memory_space<vmem>>, vector<1x16xf32>,
        %get3A_771 = vector.shape_cast %get3A_770 : vector<1x16xf32> to vector<16xf32>
        %add3A_772 = arith.addf %scan3A_763, %get3A_771 : vector<16xf32>
        %mul3A_773 = arith.constant 128 : i32
        %mul3A_774 = arith.muli %scan3A_762, %mul3A_773 : i32
        %add3A_775 = arith.constant 16 : i32
        %add3A_776 = arith.addi %mul3A_774, %add3A_775 : i32
        %get3A_777 = arith.constant 7 : i32
        %get3A_778 = arith.index_cast %get3A_777 : i32 to index
        %get3A_779 = arith.index_cast %add3A_776 : i32 to index
        %get3A_780 = tpu.vector_load %arg6[%get3A_778, %get3A_779] {strides = array<i32>} : memref<8x4096xf32, #tpu.memory_space<vmem>>, vector<1x16xf32>,
        %get3A_781 = vector.shape_cast %get3A_780 : vector<1x16xf32> to vector<16xf32>
        %add3A_782 = arith.addf %add3A_772, %get3A_781 : vector<16xf32>
        %mul3A_783 = arith.constant 128 : i32
        %mul3A_784 = arith.muli %scan3A_762, %mul3A_783 : i32
        %add3A_785 = arith.constant 32 : i32
        %add3A_786 = arith.addi %mul3A_784, %add3A_785 : i32
        %get3A_787 = arith.constant 7 : i32
        %get3A_788 = arith.index_cast %get3A_787 : i32 to index
        %get3A_789 = arith.index_cast %add3A_786 : i32 to index
        %get3A_790 = tpu.vector_load %arg6[%get3A_788, %get3A_789] {strides = array<i32>} : memref<8x4096xf32, #tpu.memory_space<vmem>>, vector<1x16xf32>,
        %get3A_791 = vector.shape_cast %get3A_790 : vector<1x16xf32> to vector<16xf32>
        %add3A_792 = arith.addf %add3A_782, %get3A_791 : vector<16xf32>
        %mul3A_793 = arith.constant 128 : i32
        %mul3A_794 = arith.muli %scan3A_762, %mul3A_793 : i32
        %add3A_795 = arith.constant 48 : i32
        %add3A_796 = arith.addi %mul3A_794, %add3A_795 : i32
        %get3A_797 = arith.constant 7 : i32
        %get3A_798 = arith.index_cast %get3A_797 : i32 to index
        %get3A_799 = arith.index_cast %add3A_796 : i32 to index
        %get3A_800 = tpu.vector_load %arg6[%get3A_798, %get3A_799] {strides = array<i32>} : memref<8x4096xf32, #tpu.memory_space<vmem>>, vector<1x16xf32>,
        %get3A_801 = vector.shape_cast %get3A_800 : vector<1x16xf32> to vector<16xf32>
        %add3A_802 = arith.addf %add3A_792, %get3A_801 : vector<16xf32>
        %mul3A_803 = arith.constant 128 : i32
        %mul3A_804 = arith.muli %scan3A_762, %mul3A_803 : i32
        %add3A_805 = arith.constant 64 : i32
        %add3A_806 = arith.addi %mul3A_804, %add3A_805 : i32
        %get3A_807 = arith.constant 7 : i32
        %get3A_808 = arith.index_cast %get3A_807 : i32 to index
        %get3A_809 = arith.index_cast %add3A_806 : i32 to index
        %get3A_810 = tpu.vector_load %arg6[%get3A_808, %get3A_809] {strides = array<i32>} : memref<8x4096xf32, #tpu.memory_space<vmem>>, vector<1x16xf32>,
        %get3A_811 = vector.shape_cast %get3A_810 : vector<1x16xf32> to vector<16xf32>
        %add3A_812 = arith.addf %add3A_802, %get3A_811 : vector<16xf32>
        %mul3A_813 = arith.constant 128 : i32
        %mul3A_814 = arith.muli %scan3A_762, %mul3A_813 : i32
        %add3A_815 = arith.constant 80 : i32
        %add3A_816 = arith.addi %mul3A_814, %add3A_815 : i32
        %get3A_817 = arith.constant 7 : i32
        %get3A_818 = arith.index_cast %get3A_817 : i32 to index
        %get3A_819 = arith.index_cast %add3A_816 : i32 to index
        %get3A_820 = tpu.vector_load %arg6[%get3A_818, %get3A_819] {strides = array<i32>} : memref<8x4096xf32, #tpu.memory_space<vmem>>, vector<1x16xf32>,
        %get3A_821 = vector.shape_cast %get3A_820 : vector<1x16xf32> to vector<16xf32>
        %add3A_822 = arith.addf %add3A_812, %get3A_821 : vector<16xf32>
        %mul3A_823 = arith.constant 128 : i32
        %mul3A_824 = arith.muli %scan3A_762, %mul3A_823 : i32
        %add3A_825 = arith.constant 96 : i32
        %add3A_826 = arith.addi %mul3A_824, %add3A_825 : i32
        %get3A_827 = arith.constant 7 : i32
        %get3A_828 = arith.index_cast %get3A_827 : i32 to index
        %get3A_829 = arith.index_cast %add3A_826 : i32 to index
        %get3A_830 = tpu.vector_load %arg6[%get3A_828, %get3A_829] {strides = array<i32>} : memref<8x4096xf32, #tpu.memory_space<vmem>>, vector<1x16xf32>,
        %get3A_831 = vector.shape_cast %get3A_830 : vector<1x16xf32> to vector<16xf32>
        %add3A_832 = arith.addf %add3A_822, %get3A_831 : vector<16xf32>
        %mul3A_833 = arith.constant 128 : i32
        %mul3A_834 = arith.muli %scan3A_762, %mul3A_833 : i32
        %add3A_835 = arith.constant 112 : i32
        %add3A_836 = arith.addi %mul3A_834, %add3A_835 : i32
        %get3A_837 = arith.constant 7 : i32
        %get3A_838 = arith.index_cast %get3A_837 : i32 to index
        %get3A_839 = arith.index_cast %add3A_836 : i32 to index
        %get3A_840 = tpu.vector_load %arg6[%get3A_838, %get3A_839] {strides = array<i32>} : memref<8x4096xf32, #tpu.memory_space<vmem>>, vector<1x16xf32>,
        %get3A_841 = vector.shape_cast %get3A_840 : vector<1x16xf32> to vector<16xf32>
        %add3A_842 = arith.addf %add3A_832, %get3A_841 : vector<16xf32>
        scf.yield %add3A_842 : vector<16xf32>
      }
      %scan3A_578 = arith.constant 32 : i32
      %mul3A_579 = arith.constant 8 : i32
      %mul3A_580 = arith.muli %add3A_444, %mul3A_579 : i32
      %add3A_581 = arith.constant 7 : i32
      %add3A_582 = arith.addi %mul3A_580, %add3A_581 : i32
      %swap3A_583 = arith.index_cast %add3A_582 : i32 to index
      %swap3A_584 = arith.constant 0 : index
      %swap3A_585 = tpu.vector_load %arg8[%swap3A_583, %swap3A_584] {strides = array<i32>} : memref<256x16xf32, #tpu.memory_space<vmem>>, vector<1x16xf32>,
      %swap3A_586 = vector.shape_cast %swap3A_585 : vector<1x16xf32> to vector<16xf32>
      %swap3A_587 = vector.shape_cast %scan3A_577 : vector<16xf32> to vector<1x16xf32>
      tpu.vector_store %arg8[%swap3A_583, %swap3A_584], %swap3A_587 {strides = array<i32>} : memref<256x16xf32, #tpu.memory_space<vmem>>, vector<1x16xf32>,
      %mul3A_588 = arith.constant 8 : i32
      %mul3A_589 = arith.muli %add3A_444, %mul3A_588 : i32
      %add3A_590 = arith.addi %mul3A_2, %mul3A_589 : i32
      %dma_start3A_591 = arith.constant 0 : i32
      %dma_start3A_592 = tpu.memref_slice %arg3[%add3A_590, %dma_start3A_591] : memref<8192x4096xf32, #tpu.memory_space<hbm>> -> memref<8x4096xf32, #tpu.memory_space<hbm>>
      %dma_start3A_593 = arith.constant 0 : i32
      %dma_start3A_594 = tpu.memref_slice %arg3[%add3A_590, %dma_start3A_593] : memref<8192x4096xf32, #tpu.memory_space<hbm>> -> memref<8x4096xf32, #tpu.memory_space<hbm>>
      tpu.enqueue_dma source(%arg6 : memref<8x4096xf32, #tpu.memory_space<vmem>>) target(%dma_start3A_594 : memref<8x4096xf32, #tpu.memory_space<hbm>>) target_semaphore(%arg13 : memref<!tpu.dma_semaphore, #tpu.memory_space<semaphore_mem>>)
      %add3A_595 = arith.constant 2 : i32
      %add3A_596 = arith.addi %add3A_444, %add3A_595 : i32
      %lt3A_597 = arith.constant 32 : i32
      %lt3A_598 = arith.cmpi slt, %add3A_596, %lt3A_597 : i32
      %convert_element_type3A_599 = arith.extui %lt3A_598 : i1 to i32
      %cond3A_600 = arith.constant 0 : i32
      %cond3A_601 = arith.cmpi ne, %convert_element_type3A_599, %cond3A_600 : i32
      scf.if %cond3A_601 {
        %sub3A = arith.constant 3 : i32
        %sub3A_762 = arith.subi %add3A_596, %sub3A : i32
        %ge3A = arith.constant 0 : i32
        %ge3A_763 = arith.cmpi sge, %sub3A_762, %ge3A : i32
        %convert_element_type3A_764 = arith.extui %ge3A_763 : i1 to i32
        %cond3A_765 = arith.constant 0 : i32
        %cond3A_766 = arith.cmpi ne, %convert_element_type3A_764, %cond3A_765 : i32
        scf.if %cond3A_766 {
          %sub3A_774 = arith.constant 3 : i32
          %sub3A_775 = arith.subi %add3A_596, %sub3A_774 : i32
          %mul3A_776 = arith.constant 8 : i32
          %mul3A_777 = arith.muli %sub3A_775, %mul3A_776 : i32
          %add3A_778 = arith.addi %mul3A_2, %mul3A_777 : i32
          %dma_wait3A_779 = arith.constant 0 : i32
          %dma_wait3A_780 = tpu.memref_slice %arg3[%add3A_778, %dma_wait3A_779] : memref<8192x4096xf32, #tpu.memory_space<hbm>> -> memref<8x4096xf32, #tpu.memory_space<hbm>>
          %dma_wait3A_781 = arith.constant 0 : i32
          %dma_wait3A_782 = tpu.memref_slice %arg3[%add3A_778, %dma_wait3A_781] : memref<8192x4096xf32, #tpu.memory_space<hbm>> -> memref<8x4096xf32, #tpu.memory_space<hbm>>
          tpu.wait_dma2 semaphore(%arg12 : memref<!tpu.dma_semaphore, #tpu.memory_space<semaphore_mem>>) src(%arg5 : memref<8x4096xf32, #tpu.memory_space<vmem>>) dst(%dma_wait3A_782 : memref<8x4096xf32, #tpu.memory_space<hbm>>)
        } else {
        }
        %mul3A_767 = arith.constant 8 : i32
        %mul3A_768 = arith.muli %add3A_596, %mul3A_767 : i32
        %add3A_769 = arith.addi %mul3A_2, %mul3A_768 : i32
        %dma_start3A_770 = arith.constant 0 : i32
        %dma_start3A_771 = tpu.memref_slice %arg2[%add3A_769, %dma_start3A_770] : memref<8192x4096xf32, #tpu.memory_space<hbm>> -> memref<8x4096xf32, #tpu.memory_space<hbm>>
        %dma_start3A_772 = arith.constant 0 : i32
        %dma_start3A_773 = tpu.memref_slice %arg2[%add3A_769, %dma_start3A_772] : memref<8192x4096xf32, #tpu.memory_space<hbm>> -> memref<8x4096xf32, #tpu.memory_space<hbm>>
        tpu.enqueue_dma source(%dma_start3A_773 : memref<8x4096xf32, #tpu.memory_space<hbm>>) target(%arg5 : memref<8x4096xf32, #tpu.memory_space<vmem>>) target_semaphore(%arg9 : memref<!tpu.dma_semaphore, #tpu.memory_space<semaphore_mem>>)
      } else {
      }
      %add3A_602 = arith.constant 2 : i32
      %add3A_603 = arith.addi %mul3A_286, %add3A_602 : i32
      %mul3A_604 = arith.constant 8 : i32
      %mul3A_605 = arith.muli %add3A_603, %mul3A_604 : i32
      %add3A_606 = arith.addi %mul3A_2, %mul3A_605 : i32
      %dma_wait3A_607 = arith.constant 0 : i32
      %dma_wait3A_608 = tpu.memref_slice %arg2[%add3A_606, %dma_wait3A_607] : memref<8192x4096xf32, #tpu.memory_space<hbm>> -> memref<8x4096xf32, #tpu.memory_space<hbm>>
      %dma_wait3A_609 = arith.constant 0 : i32
      %dma_wait3A_610 = tpu.memref_slice %arg2[%add3A_606, %dma_wait3A_609] : memref<8192x4096xf32, #tpu.memory_space<hbm>> -> memref<8x4096xf32, #tpu.memory_space<hbm>>
      tpu.wait_dma2 semaphore(%arg11 : memref<!tpu.dma_semaphore, #tpu.memory_space<semaphore_mem>>) src(%dma_wait3A_610 : memref<8x4096xf32, #tpu.memory_space<hbm>>) dst(%arg7 : memref<8x4096xf32, #tpu.memory_space<vmem>>)
      %broadcast_in_dim3A_611 = arith.constant 0.000000e+00 : f32
      %broadcast_in_dim3A_612 = vector.broadcast %broadcast_in_dim3A_611 : f32 to vector<16xf32>
      %scan3A_613 = arith.constant 0 : i32
      %scan3A_614 = arith.constant 32 : i32
      %scan3A_615 = arith.addi %scan3A_613, %scan3A_614 : i32
      %scan3A_616 = arith.constant 1 : i32
      %scan3A_617 = scf.for %scan3A_762 = %scan3A_613 to %scan3A_615 step %scan3A_616 iter_args(%scan3A_763 = %broadcast_in_dim3A_612) -> (vector<16xf32>)  : i32 {
        %mul3A_764 = arith.constant 128 : i32
        %mul3A_765 = arith.muli %scan3A_762, %mul3A_764 : i32
        %add3A_766 = arith.constant 0 : i32
        %add3A_767 = arith.addi %mul3A_765, %add3A_766 : i32
        %get3A = arith.constant 0 : i32
        %get3A_768 = arith.index_cast %get3A : i32 to index
        %get3A_769 = arith.index_cast %add3A_767 : i32 to index
        %get3A_770 = tpu.vector_load %arg7[%get3A_768, %get3A_769] {strides = array<i32>} : memref<8x4096xf32, #tpu.memory_space<vmem>>, vector<1x16xf32>,
        %get3A_771 = vector.shape_cast %get3A_770 : vector<1x16xf32> to vector<16xf32>
        %add3A_772 = arith.addf %scan3A_763, %get3A_771 : vector<16xf32>
        %mul3A_773 = arith.constant 128 : i32
        %mul3A_774 = arith.muli %scan3A_762, %mul3A_773 : i32
        %add3A_775 = arith.constant 16 : i32
        %add3A_776 = arith.addi %mul3A_774, %add3A_775 : i32
        %get3A_777 = arith.constant 0 : i32
        %get3A_778 = arith.index_cast %get3A_777 : i32 to index
        %get3A_779 = arith.index_cast %add3A_776 : i32 to index
        %get3A_780 = tpu.vector_load %arg7[%get3A_778, %get3A_779] {strides = array<i32>} : memref<8x4096xf32, #tpu.memory_space<vmem>>, vector<1x16xf32>,
        %get3A_781 = vector.shape_cast %get3A_780 : vector<1x16xf32> to vector<16xf32>
        %add3A_782 = arith.addf %add3A_772, %get3A_781 : vector<16xf32>
        %mul3A_783 = arith.constant 128 : i32
        %mul3A_784 = arith.muli %scan3A_762, %mul3A_783 : i32
        %add3A_785 = arith.constant 32 : i32
        %add3A_786 = arith.addi %mul3A_784, %add3A_785 : i32
        %get3A_787 = arith.constant 0 : i32
        %get3A_788 = arith.index_cast %get3A_787 : i32 to index
        %get3A_789 = arith.index_cast %add3A_786 : i32 to index
        %get3A_790 = tpu.vector_load %arg7[%get3A_788, %get3A_789] {strides = array<i32>} : memref<8x4096xf32, #tpu.memory_space<vmem>>, vector<1x16xf32>,
        %get3A_791 = vector.shape_cast %get3A_790 : vector<1x16xf32> to vector<16xf32>
        %add3A_792 = arith.addf %add3A_782, %get3A_791 : vector<16xf32>
        %mul3A_793 = arith.constant 128 : i32
        %mul3A_794 = arith.muli %scan3A_762, %mul3A_793 : i32
        %add3A_795 = arith.constant 48 : i32
        %add3A_796 = arith.addi %mul3A_794, %add3A_795 : i32
        %get3A_797 = arith.constant 0 : i32
        %get3A_798 = arith.index_cast %get3A_797 : i32 to index
        %get3A_799 = arith.index_cast %add3A_796 : i32 to index
        %get3A_800 = tpu.vector_load %arg7[%get3A_798, %get3A_799] {strides = array<i32>} : memref<8x4096xf32, #tpu.memory_space<vmem>>, vector<1x16xf32>,
        %get3A_801 = vector.shape_cast %get3A_800 : vector<1x16xf32> to vector<16xf32>
        %add3A_802 = arith.addf %add3A_792, %get3A_801 : vector<16xf32>
        %mul3A_803 = arith.constant 128 : i32
        %mul3A_804 = arith.muli %scan3A_762, %mul3A_803 : i32
        %add3A_805 = arith.constant 64 : i32
        %add3A_806 = arith.addi %mul3A_804, %add3A_805 : i32
        %get3A_807 = arith.constant 0 : i32
        %get3A_808 = arith.index_cast %get3A_807 : i32 to index
        %get3A_809 = arith.index_cast %add3A_806 : i32 to index
        %get3A_810 = tpu.vector_load %arg7[%get3A_808, %get3A_809] {strides = array<i32>} : memref<8x4096xf32, #tpu.memory_space<vmem>>, vector<1x16xf32>,
        %get3A_811 = vector.shape_cast %get3A_810 : vector<1x16xf32> to vector<16xf32>
        %add3A_812 = arith.addf %add3A_802, %get3A_811 : vector<16xf32>
        %mul3A_813 = arith.constant 128 : i32
        %mul3A_814 = arith.muli %scan3A_762, %mul3A_813 : i32
        %add3A_815 = arith.constant 80 : i32
        %add3A_816 = arith.addi %mul3A_814, %add3A_815 : i32
        %get3A_817 = arith.constant 0 : i32
        %get3A_818 = arith.index_cast %get3A_817 : i32 to index
        %get3A_819 = arith.index_cast %add3A_816 : i32 to index
        %get3A_820 = tpu.vector_load %arg7[%get3A_818, %get3A_819] {strides = array<i32>} : memref<8x4096xf32, #tpu.memory_space<vmem>>, vector<1x16xf32>,
        %get3A_821 = vector.shape_cast %get3A_820 : vector<1x16xf32> to vector<16xf32>
        %add3A_822 = arith.addf %add3A_812, %get3A_821 : vector<16xf32>
        %mul3A_823 = arith.constant 128 : i32
        %mul3A_824 = arith.muli %scan3A_762, %mul3A_823 : i32
        %add3A_825 = arith.constant 96 : i32
        %add3A_826 = arith.addi %mul3A_824, %add3A_825 : i32
        %get3A_827 = arith.constant 0 : i32
        %get3A_828 = arith.index_cast %get3A_827 : i32 to index
        %get3A_829 = arith.index_cast %add3A_826 : i32 to index
        %get3A_830 = tpu.vector_load %arg7[%get3A_828, %get3A_829] {strides = array<i32>} : memref<8x4096xf32, #tpu.memory_space<vmem>>, vector<1x16xf32>,
        %get3A_831 = vector.shape_cast %get3A_830 : vector<1x16xf32> to vector<16xf32>
        %add3A_832 = arith.addf %add3A_822, %get3A_831 : vector<16xf32>
        %mul3A_833 = arith.constant 128 : i32
        %mul3A_834 = arith.muli %scan3A_762, %mul3A_833 : i32
        %add3A_835 = arith.constant 112 : i32
        %add3A_836 = arith.addi %mul3A_834, %add3A_835 : i32
        %get3A_837 = arith.constant 0 : i32
        %get3A_838 = arith.index_cast %get3A_837 : i32 to index
        %get3A_839 = arith.index_cast %add3A_836 : i32 to index
        %get3A_840 = tpu.vector_load %arg7[%get3A_838, %get3A_839] {strides = array<i32>} : memref<8x4096xf32, #tpu.memory_space<vmem>>, vector<1x16xf32>,
        %get3A_841 = vector.shape_cast %get3A_840 : vector<1x16xf32> to vector<16xf32>
        %add3A_842 = arith.addf %add3A_832, %get3A_841 : vector<16xf32>
        scf.yield %add3A_842 : vector<16xf32>
      }
      %scan3A_618 = arith.constant 32 : i32
      %mul3A_619 = arith.constant 8 : i32
      %mul3A_620 = arith.muli %add3A_603, %mul3A_619 : i32
      %add3A_621 = arith.constant 0 : i32
      %add3A_622 = arith.addi %mul3A_620, %add3A_621 : i32
      %swap3A_623 = arith.index_cast %add3A_622 : i32 to index
      %swap3A_624 = arith.constant 0 : index
      %swap3A_625 = tpu.vector_load %arg8[%swap3A_623, %swap3A_624] {strides = array<i32>} : memref<256x16xf32, #tpu.memory_space<vmem>>, vector<1x16xf32>,
      %swap3A_626 = vector.shape_cast %swap3A_625 : vector<1x16xf32> to vector<16xf32>
      %swap3A_627 = vector.shape_cast %scan3A_617 : vector<16xf32> to vector<1x16xf32>
      tpu.vector_store %arg8[%swap3A_623, %swap3A_624], %swap3A_627 {strides = array<i32>} : memref<256x16xf32, #tpu.memory_space<vmem>>, vector<1x16xf32>,
      %broadcast_in_dim3A_628 = arith.constant 0.000000e+00 : f32
      %broadcast_in_dim3A_629 = vector.broadcast %broadcast_in_dim3A_628 : f32 to vector<16xf32>
      %scan3A_630 = arith.constant 0 : i32
      %scan3A_631 = arith.constant 32 : i32
      %scan3A_632 = arith.addi %scan3A_630, %scan3A_631 : i32
      %scan3A_633 = arith.constant 1 : i32
      %scan3A_634 = scf.for %scan3A_762 = %scan3A_630 to %scan3A_632 step %scan3A_633 iter_args(%scan3A_763 = %broadcast_in_dim3A_629) -> (vector<16xf32>)  : i32 {
        %mul3A_764 = arith.constant 128 : i32
        %mul3A_765 = arith.muli %scan3A_762, %mul3A_764 : i32
        %add3A_766 = arith.constant 0 : i32
        %add3A_767 = arith.addi %mul3A_765, %add3A_766 : i32
        %get3A = arith.constant 1 : i32
        %get3A_768 = arith.index_cast %get3A : i32 to index
        %get3A_769 = arith.index_cast %add3A_767 : i32 to index
        %get3A_770 = tpu.vector_load %arg7[%get3A_768, %get3A_769] {strides = array<i32>} : memref<8x4096xf32, #tpu.memory_space<vmem>>, vector<1x16xf32>,
        %get3A_771 = vector.shape_cast %get3A_770 : vector<1x16xf32> to vector<16xf32>
        %add3A_772 = arith.addf %scan3A_763, %get3A_771 : vector<16xf32>
        %mul3A_773 = arith.constant 128 : i32
        %mul3A_774 = arith.muli %scan3A_762, %mul3A_773 : i32
        %add3A_775 = arith.constant 16 : i32
        %add3A_776 = arith.addi %mul3A_774, %add3A_775 : i32
        %get3A_777 = arith.constant 1 : i32
        %get3A_778 = arith.index_cast %get3A_777 : i32 to index
        %get3A_779 = arith.index_cast %add3A_776 : i32 to index
        %get3A_780 = tpu.vector_load %arg7[%get3A_778, %get3A_779] {strides = array<i32>} : memref<8x4096xf32, #tpu.memory_space<vmem>>, vector<1x16xf32>,
        %get3A_781 = vector.shape_cast %get3A_780 : vector<1x16xf32> to vector<16xf32>
        %add3A_782 = arith.addf %add3A_772, %get3A_781 : vector<16xf32>
        %mul3A_783 = arith.constant 128 : i32
        %mul3A_784 = arith.muli %scan3A_762, %mul3A_783 : i32
        %add3A_785 = arith.constant 32 : i32
        %add3A_786 = arith.addi %mul3A_784, %add3A_785 : i32
        %get3A_787 = arith.constant 1 : i32
        %get3A_788 = arith.index_cast %get3A_787 : i32 to index
        %get3A_789 = arith.index_cast %add3A_786 : i32 to index
        %get3A_790 = tpu.vector_load %arg7[%get3A_788, %get3A_789] {strides = array<i32>} : memref<8x4096xf32, #tpu.memory_space<vmem>>, vector<1x16xf32>,
        %get3A_791 = vector.shape_cast %get3A_790 : vector<1x16xf32> to vector<16xf32>
        %add3A_792 = arith.addf %add3A_782, %get3A_791 : vector<16xf32>
        %mul3A_793 = arith.constant 128 : i32
        %mul3A_794 = arith.muli %scan3A_762, %mul3A_793 : i32
        %add3A_795 = arith.constant 48 : i32
        %add3A_796 = arith.addi %mul3A_794, %add3A_795 : i32
        %get3A_797 = arith.constant 1 : i32
        %get3A_798 = arith.index_cast %get3A_797 : i32 to index
        %get3A_799 = arith.index_cast %add3A_796 : i32 to index
        %get3A_800 = tpu.vector_load %arg7[%get3A_798, %get3A_799] {strides = array<i32>} : memref<8x4096xf32, #tpu.memory_space<vmem>>, vector<1x16xf32>,
        %get3A_801 = vector.shape_cast %get3A_800 : vector<1x16xf32> to vector<16xf32>
        %add3A_802 = arith.addf %add3A_792, %get3A_801 : vector<16xf32>
        %mul3A_803 = arith.constant 128 : i32
        %mul3A_804 = arith.muli %scan3A_762, %mul3A_803 : i32
        %add3A_805 = arith.constant 64 : i32
        %add3A_806 = arith.addi %mul3A_804, %add3A_805 : i32
        %get3A_807 = arith.constant 1 : i32
        %get3A_808 = arith.index_cast %get3A_807 : i32 to index
        %get3A_809 = arith.index_cast %add3A_806 : i32 to index
        %get3A_810 = tpu.vector_load %arg7[%get3A_808, %get3A_809] {strides = array<i32>} : memref<8x4096xf32, #tpu.memory_space<vmem>>, vector<1x16xf32>,
        %get3A_811 = vector.shape_cast %get3A_810 : vector<1x16xf32> to vector<16xf32>
        %add3A_812 = arith.addf %add3A_802, %get3A_811 : vector<16xf32>
        %mul3A_813 = arith.constant 128 : i32
        %mul3A_814 = arith.muli %scan3A_762, %mul3A_813 : i32
        %add3A_815 = arith.constant 80 : i32
        %add3A_816 = arith.addi %mul3A_814, %add3A_815 : i32
        %get3A_817 = arith.constant 1 : i32
        %get3A_818 = arith.index_cast %get3A_817 : i32 to index
        %get3A_819 = arith.index_cast %add3A_816 : i32 to index
        %get3A_820 = tpu.vector_load %arg7[%get3A_818, %get3A_819] {strides = array<i32>} : memref<8x4096xf32, #tpu.memory_space<vmem>>, vector<1x16xf32>,
        %get3A_821 = vector.shape_cast %get3A_820 : vector<1x16xf32> to vector<16xf32>
        %add3A_822 = arith.addf %add3A_812, %get3A_821 : vector<16xf32>
        %mul3A_823 = arith.constant 128 : i32
        %mul3A_824 = arith.muli %scan3A_762, %mul3A_823 : i32
        %add3A_825 = arith.constant 96 : i32
        %add3A_826 = arith.addi %mul3A_824, %add3A_825 : i32
        %get3A_827 = arith.constant 1 : i32
        %get3A_828 = arith.index_cast %get3A_827 : i32 to index
        %get3A_829 = arith.index_cast %add3A_826 : i32 to index
        %get3A_830 = tpu.vector_load %arg7[%get3A_828, %get3A_829] {strides = array<i32>} : memref<8x4096xf32, #tpu.memory_space<vmem>>, vector<1x16xf32>,
        %get3A_831 = vector.shape_cast %get3A_830 : vector<1x16xf32> to vector<16xf32>
        %add3A_832 = arith.addf %add3A_822, %get3A_831 : vector<16xf32>
        %mul3A_833 = arith.constant 128 : i32
        %mul3A_834 = arith.muli %scan3A_762, %mul3A_833 : i32
        %add3A_835 = arith.constant 112 : i32
        %add3A_836 = arith.addi %mul3A_834, %add3A_835 : i32
        %get3A_837 = arith.constant 1 : i32
        %get3A_838 = arith.index_cast %get3A_837 : i32 to index
        %get3A_839 = arith.index_cast %add3A_836 : i32 to index
        %get3A_840 = tpu.vector_load %arg7[%get3A_838, %get3A_839] {strides = array<i32>} : memref<8x4096xf32, #tpu.memory_space<vmem>>, vector<1x16xf32>,
        %get3A_841 = vector.shape_cast %get3A_840 : vector<1x16xf32> to vector<16xf32>
        %add3A_842 = arith.addf %add3A_832, %get3A_841 : vector<16xf32>
        scf.yield %add3A_842 : vector<16xf32>
      }
      %scan3A_635 = arith.constant 32 : i32
      %mul3A_636 = arith.constant 8 : i32
      %mul3A_637 = arith.muli %add3A_603, %mul3A_636 : i32
      %add3A_638 = arith.constant 1 : i32
      %add3A_639 = arith.addi %mul3A_637, %add3A_638 : i32
      %swap3A_640 = arith.index_cast %add3A_639 : i32 to index
      %swap3A_641 = arith.constant 0 : index
      %swap3A_642 = tpu.vector_load %arg8[%swap3A_640, %swap3A_641] {strides = array<i32>} : memref<256x16xf32, #tpu.memory_space<vmem>>, vector<1x16xf32>,
      %swap3A_643 = vector.shape_cast %swap3A_642 : vector<1x16xf32> to vector<16xf32>
      %swap3A_644 = vector.shape_cast %scan3A_634 : vector<16xf32> to vector<1x16xf32>
      tpu.vector_store %arg8[%swap3A_640, %swap3A_641], %swap3A_644 {strides = array<i32>} : memref<256x16xf32, #tpu.memory_space<vmem>>, vector<1x16xf32>,
      %broadcast_in_dim3A_645 = arith.constant 0.000000e+00 : f32
      %broadcast_in_dim3A_646 = vector.broadcast %broadcast_in_dim3A_645 : f32 to vector<16xf32>
      %scan3A_647 = arith.constant 0 : i32
      %scan3A_648 = arith.constant 32 : i32
      %scan3A_649 = arith.addi %scan3A_647, %scan3A_648 : i32
      %scan3A_650 = arith.constant 1 : i32
      %scan3A_651 = scf.for %scan3A_762 = %scan3A_647 to %scan3A_649 step %scan3A_650 iter_args(%scan3A_763 = %broadcast_in_dim3A_646) -> (vector<16xf32>)  : i32 {
        %mul3A_764 = arith.constant 128 : i32
        %mul3A_765 = arith.muli %scan3A_762, %mul3A_764 : i32
        %add3A_766 = arith.constant 0 : i32
        %add3A_767 = arith.addi %mul3A_765, %add3A_766 : i32
        %get3A = arith.constant 2 : i32
        %get3A_768 = arith.index_cast %get3A : i32 to index
        %get3A_769 = arith.index_cast %add3A_767 : i32 to index
        %get3A_770 = tpu.vector_load %arg7[%get3A_768, %get3A_769] {strides = array<i32>} : memref<8x4096xf32, #tpu.memory_space<vmem>>, vector<1x16xf32>,
        %get3A_771 = vector.shape_cast %get3A_770 : vector<1x16xf32> to vector<16xf32>
        %add3A_772 = arith.addf %scan3A_763, %get3A_771 : vector<16xf32>
        %mul3A_773 = arith.constant 128 : i32
        %mul3A_774 = arith.muli %scan3A_762, %mul3A_773 : i32
        %add3A_775 = arith.constant 16 : i32
        %add3A_776 = arith.addi %mul3A_774, %add3A_775 : i32
        %get3A_777 = arith.constant 2 : i32
        %get3A_778 = arith.index_cast %get3A_777 : i32 to index
        %get3A_779 = arith.index_cast %add3A_776 : i32 to index
        %get3A_780 = tpu.vector_load %arg7[%get3A_778, %get3A_779] {strides = array<i32>} : memref<8x4096xf32, #tpu.memory_space<vmem>>, vector<1x16xf32>,
        %get3A_781 = vector.shape_cast %get3A_780 : vector<1x16xf32> to vector<16xf32>
        %add3A_782 = arith.addf %add3A_772, %get3A_781 : vector<16xf32>
        %mul3A_783 = arith.constant 128 : i32
        %mul3A_784 = arith.muli %scan3A_762, %mul3A_783 : i32
        %add3A_785 = arith.constant 32 : i32
        %add3A_786 = arith.addi %mul3A_784, %add3A_785 : i32
        %get3A_787 = arith.constant 2 : i32
        %get3A_788 = arith.index_cast %get3A_787 : i32 to index
        %get3A_789 = arith.index_cast %add3A_786 : i32 to index
        %get3A_790 = tpu.vector_load %arg7[%get3A_788, %get3A_789] {strides = array<i32>} : memref<8x4096xf32, #tpu.memory_space<vmem>>, vector<1x16xf32>,
        %get3A_791 = vector.shape_cast %get3A_790 : vector<1x16xf32> to vector<16xf32>
        %add3A_792 = arith.addf %add3A_782, %get3A_791 : vector<16xf32>
        %mul3A_793 = arith.constant 128 : i32
        %mul3A_794 = arith.muli %scan3A_762, %mul3A_793 : i32
        %add3A_795 = arith.constant 48 : i32
        %add3A_796 = arith.addi %mul3A_794, %add3A_795 : i32
        %get3A_797 = arith.constant 2 : i32
        %get3A_798 = arith.index_cast %get3A_797 : i32 to index
        %get3A_799 = arith.index_cast %add3A_796 : i32 to index
        %get3A_800 = tpu.vector_load %arg7[%get3A_798, %get3A_799] {strides = array<i32>} : memref<8x4096xf32, #tpu.memory_space<vmem>>, vector<1x16xf32>,
        %get3A_801 = vector.shape_cast %get3A_800 : vector<1x16xf32> to vector<16xf32>
        %add3A_802 = arith.addf %add3A_792, %get3A_801 : vector<16xf32>
        %mul3A_803 = arith.constant 128 : i32
        %mul3A_804 = arith.muli %scan3A_762, %mul3A_803 : i32
        %add3A_805 = arith.constant 64 : i32
        %add3A_806 = arith.addi %mul3A_804, %add3A_805 : i32
        %get3A_807 = arith.constant 2 : i32
        %get3A_808 = arith.index_cast %get3A_807 : i32 to index
        %get3A_809 = arith.index_cast %add3A_806 : i32 to index
        %get3A_810 = tpu.vector_load %arg7[%get3A_808, %get3A_809] {strides = array<i32>} : memref<8x4096xf32, #tpu.memory_space<vmem>>, vector<1x16xf32>,
        %get3A_811 = vector.shape_cast %get3A_810 : vector<1x16xf32> to vector<16xf32>
        %add3A_812 = arith.addf %add3A_802, %get3A_811 : vector<16xf32>
        %mul3A_813 = arith.constant 128 : i32
        %mul3A_814 = arith.muli %scan3A_762, %mul3A_813 : i32
        %add3A_815 = arith.constant 80 : i32
        %add3A_816 = arith.addi %mul3A_814, %add3A_815 : i32
        %get3A_817 = arith.constant 2 : i32
        %get3A_818 = arith.index_cast %get3A_817 : i32 to index
        %get3A_819 = arith.index_cast %add3A_816 : i32 to index
        %get3A_820 = tpu.vector_load %arg7[%get3A_818, %get3A_819] {strides = array<i32>} : memref<8x4096xf32, #tpu.memory_space<vmem>>, vector<1x16xf32>,
        %get3A_821 = vector.shape_cast %get3A_820 : vector<1x16xf32> to vector<16xf32>
        %add3A_822 = arith.addf %add3A_812, %get3A_821 : vector<16xf32>
        %mul3A_823 = arith.constant 128 : i32
        %mul3A_824 = arith.muli %scan3A_762, %mul3A_823 : i32
        %add3A_825 = arith.constant 96 : i32
        %add3A_826 = arith.addi %mul3A_824, %add3A_825 : i32
        %get3A_827 = arith.constant 2 : i32
        %get3A_828 = arith.index_cast %get3A_827 : i32 to index
        %get3A_829 = arith.index_cast %add3A_826 : i32 to index
        %get3A_830 = tpu.vector_load %arg7[%get3A_828, %get3A_829] {strides = array<i32>} : memref<8x4096xf32, #tpu.memory_space<vmem>>, vector<1x16xf32>,
        %get3A_831 = vector.shape_cast %get3A_830 : vector<1x16xf32> to vector<16xf32>
        %add3A_832 = arith.addf %add3A_822, %get3A_831 : vector<16xf32>
        %mul3A_833 = arith.constant 128 : i32
        %mul3A_834 = arith.muli %scan3A_762, %mul3A_833 : i32
        %add3A_835 = arith.constant 112 : i32
        %add3A_836 = arith.addi %mul3A_834, %add3A_835 : i32
        %get3A_837 = arith.constant 2 : i32
        %get3A_838 = arith.index_cast %get3A_837 : i32 to index
        %get3A_839 = arith.index_cast %add3A_836 : i32 to index
        %get3A_840 = tpu.vector_load %arg7[%get3A_838, %get3A_839] {strides = array<i32>} : memref<8x4096xf32, #tpu.memory_space<vmem>>, vector<1x16xf32>,
        %get3A_841 = vector.shape_cast %get3A_840 : vector<1x16xf32> to vector<16xf32>
        %add3A_842 = arith.addf %add3A_832, %get3A_841 : vector<16xf32>
        scf.yield %add3A_842 : vector<16xf32>
      }
      %scan3A_652 = arith.constant 32 : i32
      %mul3A_653 = arith.constant 8 : i32
      %mul3A_654 = arith.muli %add3A_603, %mul3A_653 : i32
      %add3A_655 = arith.constant 2 : i32
      %add3A_656 = arith.addi %mul3A_654, %add3A_655 : i32
      %swap3A_657 = arith.index_cast %add3A_656 : i32 to index
      %swap3A_658 = arith.constant 0 : index
      %swap3A_659 = tpu.vector_load %arg8[%swap3A_657, %swap3A_658] {strides = array<i32>} : memref<256x16xf32, #tpu.memory_space<vmem>>, vector<1x16xf32>,
      %swap3A_660 = vector.shape_cast %swap3A_659 : vector<1x16xf32> to vector<16xf32>
      %swap3A_661 = vector.shape_cast %scan3A_651 : vector<16xf32> to vector<1x16xf32>
      tpu.vector_store %arg8[%swap3A_657, %swap3A_658], %swap3A_661 {strides = array<i32>} : memref<256x16xf32, #tpu.memory_space<vmem>>, vector<1x16xf32>,
      %broadcast_in_dim3A_662 = arith.constant 0.000000e+00 : f32
      %broadcast_in_dim3A_663 = vector.broadcast %broadcast_in_dim3A_662 : f32 to vector<16xf32>
      %scan3A_664 = arith.constant 0 : i32
      %scan3A_665 = arith.constant 32 : i32
      %scan3A_666 = arith.addi %scan3A_664, %scan3A_665 : i32
      %scan3A_667 = arith.constant 1 : i32
      %scan3A_668 = scf.for %scan3A_762 = %scan3A_664 to %scan3A_666 step %scan3A_667 iter_args(%scan3A_763 = %broadcast_in_dim3A_663) -> (vector<16xf32>)  : i32 {
        %mul3A_764 = arith.constant 128 : i32
        %mul3A_765 = arith.muli %scan3A_762, %mul3A_764 : i32
        %add3A_766 = arith.constant 0 : i32
        %add3A_767 = arith.addi %mul3A_765, %add3A_766 : i32
        %get3A = arith.constant 3 : i32
        %get3A_768 = arith.index_cast %get3A : i32 to index
        %get3A_769 = arith.index_cast %add3A_767 : i32 to index
        %get3A_770 = tpu.vector_load %arg7[%get3A_768, %get3A_769] {strides = array<i32>} : memref<8x4096xf32, #tpu.memory_space<vmem>>, vector<1x16xf32>,
        %get3A_771 = vector.shape_cast %get3A_770 : vector<1x16xf32> to vector<16xf32>
        %add3A_772 = arith.addf %scan3A_763, %get3A_771 : vector<16xf32>
        %mul3A_773 = arith.constant 128 : i32
        %mul3A_774 = arith.muli %scan3A_762, %mul3A_773 : i32
        %add3A_775 = arith.constant 16 : i32
        %add3A_776 = arith.addi %mul3A_774, %add3A_775 : i32
        %get3A_777 = arith.constant 3 : i32
        %get3A_778 = arith.index_cast %get3A_777 : i32 to index
        %get3A_779 = arith.index_cast %add3A_776 : i32 to index
        %get3A_780 = tpu.vector_load %arg7[%get3A_778, %get3A_779] {strides = array<i32>} : memref<8x4096xf32, #tpu.memory_space<vmem>>, vector<1x16xf32>,
        %get3A_781 = vector.shape_cast %get3A_780 : vector<1x16xf32> to vector<16xf32>
        %add3A_782 = arith.addf %add3A_772, %get3A_781 : vector<16xf32>
        %mul3A_783 = arith.constant 128 : i32
        %mul3A_784 = arith.muli %scan3A_762, %mul3A_783 : i32
        %add3A_785 = arith.constant 32 : i32
        %add3A_786 = arith.addi %mul3A_784, %add3A_785 : i32
        %get3A_787 = arith.constant 3 : i32
        %get3A_788 = arith.index_cast %get3A_787 : i32 to index
        %get3A_789 = arith.index_cast %add3A_786 : i32 to index
        %get3A_790 = tpu.vector_load %arg7[%get3A_788, %get3A_789] {strides = array<i32>} : memref<8x4096xf32, #tpu.memory_space<vmem>>, vector<1x16xf32>,
        %get3A_791 = vector.shape_cast %get3A_790 : vector<1x16xf32> to vector<16xf32>
        %add3A_792 = arith.addf %add3A_782, %get3A_791 : vector<16xf32>
        %mul3A_793 = arith.constant 128 : i32
        %mul3A_794 = arith.muli %scan3A_762, %mul3A_793 : i32
        %add3A_795 = arith.constant 48 : i32
        %add3A_796 = arith.addi %mul3A_794, %add3A_795 : i32
        %get3A_797 = arith.constant 3 : i32
        %get3A_798 = arith.index_cast %get3A_797 : i32 to index
        %get3A_799 = arith.index_cast %add3A_796 : i32 to index
        %get3A_800 = tpu.vector_load %arg7[%get3A_798, %get3A_799] {strides = array<i32>} : memref<8x4096xf32, #tpu.memory_space<vmem>>, vector<1x16xf32>,
        %get3A_801 = vector.shape_cast %get3A_800 : vector<1x16xf32> to vector<16xf32>
        %add3A_802 = arith.addf %add3A_792, %get3A_801 : vector<16xf32>
        %mul3A_803 = arith.constant 128 : i32
        %mul3A_804 = arith.muli %scan3A_762, %mul3A_803 : i32
        %add3A_805 = arith.constant 64 : i32
        %add3A_806 = arith.addi %mul3A_804, %add3A_805 : i32
        %get3A_807 = arith.constant 3 : i32
        %get3A_808 = arith.index_cast %get3A_807 : i32 to index
        %get3A_809 = arith.index_cast %add3A_806 : i32 to index
        %get3A_810 = tpu.vector_load %arg7[%get3A_808, %get3A_809] {strides = array<i32>} : memref<8x4096xf32, #tpu.memory_space<vmem>>, vector<1x16xf32>,
        %get3A_811 = vector.shape_cast %get3A_810 : vector<1x16xf32> to vector<16xf32>
        %add3A_812 = arith.addf %add3A_802, %get3A_811 : vector<16xf32>
        %mul3A_813 = arith.constant 128 : i32
        %mul3A_814 = arith.muli %scan3A_762, %mul3A_813 : i32
        %add3A_815 = arith.constant 80 : i32
        %add3A_816 = arith.addi %mul3A_814, %add3A_815 : i32
        %get3A_817 = arith.constant 3 : i32
        %get3A_818 = arith.index_cast %get3A_817 : i32 to index
        %get3A_819 = arith.index_cast %add3A_816 : i32 to index
        %get3A_820 = tpu.vector_load %arg7[%get3A_818, %get3A_819] {strides = array<i32>} : memref<8x4096xf32, #tpu.memory_space<vmem>>, vector<1x16xf32>,
        %get3A_821 = vector.shape_cast %get3A_820 : vector<1x16xf32> to vector<16xf32>
        %add3A_822 = arith.addf %add3A_812, %get3A_821 : vector<16xf32>
        %mul3A_823 = arith.constant 128 : i32
        %mul3A_824 = arith.muli %scan3A_762, %mul3A_823 : i32
        %add3A_825 = arith.constant 96 : i32
        %add3A_826 = arith.addi %mul3A_824, %add3A_825 : i32
        %get3A_827 = arith.constant 3 : i32
        %get3A_828 = arith.index_cast %get3A_827 : i32 to index
        %get3A_829 = arith.index_cast %add3A_826 : i32 to index
        %get3A_830 = tpu.vector_load %arg7[%get3A_828, %get3A_829] {strides = array<i32>} : memref<8x4096xf32, #tpu.memory_space<vmem>>, vector<1x16xf32>,
        %get3A_831 = vector.shape_cast %get3A_830 : vector<1x16xf32> to vector<16xf32>
        %add3A_832 = arith.addf %add3A_822, %get3A_831 : vector<16xf32>
        %mul3A_833 = arith.constant 128 : i32
        %mul3A_834 = arith.muli %scan3A_762, %mul3A_833 : i32
        %add3A_835 = arith.constant 112 : i32
        %add3A_836 = arith.addi %mul3A_834, %add3A_835 : i32
        %get3A_837 = arith.constant 3 : i32
        %get3A_838 = arith.index_cast %get3A_837 : i32 to index
        %get3A_839 = arith.index_cast %add3A_836 : i32 to index
        %get3A_840 = tpu.vector_load %arg7[%get3A_838, %get3A_839] {strides = array<i32>} : memref<8x4096xf32, #tpu.memory_space<vmem>>, vector<1x16xf32>,
        %get3A_841 = vector.shape_cast %get3A_840 : vector<1x16xf32> to vector<16xf32>
        %add3A_842 = arith.addf %add3A_832, %get3A_841 : vector<16xf32>
        scf.yield %add3A_842 : vector<16xf32>
      }
      %scan3A_669 = arith.constant 32 : i32
      %mul3A_670 = arith.constant 8 : i32
      %mul3A_671 = arith.muli %add3A_603, %mul3A_670 : i32
      %add3A_672 = arith.constant 3 : i32
      %add3A_673 = arith.addi %mul3A_671, %add3A_672 : i32
      %swap3A_674 = arith.index_cast %add3A_673 : i32 to index
      %swap3A_675 = arith.constant 0 : index
      %swap3A_676 = tpu.vector_load %arg8[%swap3A_674, %swap3A_675] {strides = array<i32>} : memref<256x16xf32, #tpu.memory_space<vmem>>, vector<1x16xf32>,
      %swap3A_677 = vector.shape_cast %swap3A_676 : vector<1x16xf32> to vector<16xf32>
      %swap3A_678 = vector.shape_cast %scan3A_668 : vector<16xf32> to vector<1x16xf32>
      tpu.vector_store %arg8[%swap3A_674, %swap3A_675], %swap3A_678 {strides = array<i32>} : memref<256x16xf32, #tpu.memory_space<vmem>>, vector<1x16xf32>,
      %broadcast_in_dim3A_679 = arith.constant 0.000000e+00 : f32
      %broadcast_in_dim3A_680 = vector.broadcast %broadcast_in_dim3A_679 : f32 to vector<16xf32>
      %scan3A_681 = arith.constant 0 : i32
      %scan3A_682 = arith.constant 32 : i32
      %scan3A_683 = arith.addi %scan3A_681, %scan3A_682 : i32
      %scan3A_684 = arith.constant 1 : i32
      %scan3A_685 = scf.for %scan3A_762 = %scan3A_681 to %scan3A_683 step %scan3A_684 iter_args(%scan3A_763 = %broadcast_in_dim3A_680) -> (vector<16xf32>)  : i32 {
        %mul3A_764 = arith.constant 128 : i32
        %mul3A_765 = arith.muli %scan3A_762, %mul3A_764 : i32
        %add3A_766 = arith.constant 0 : i32
        %add3A_767 = arith.addi %mul3A_765, %add3A_766 : i32
        %get3A = arith.constant 4 : i32
        %get3A_768 = arith.index_cast %get3A : i32 to index
        %get3A_769 = arith.index_cast %add3A_767 : i32 to index
        %get3A_770 = tpu.vector_load %arg7[%get3A_768, %get3A_769] {strides = array<i32>} : memref<8x4096xf32, #tpu.memory_space<vmem>>, vector<1x16xf32>,
        %get3A_771 = vector.shape_cast %get3A_770 : vector<1x16xf32> to vector<16xf32>
        %add3A_772 = arith.addf %scan3A_763, %get3A_771 : vector<16xf32>
        %mul3A_773 = arith.constant 128 : i32
        %mul3A_774 = arith.muli %scan3A_762, %mul3A_773 : i32
        %add3A_775 = arith.constant 16 : i32
        %add3A_776 = arith.addi %mul3A_774, %add3A_775 : i32
        %get3A_777 = arith.constant 4 : i32
        %get3A_778 = arith.index_cast %get3A_777 : i32 to index
        %get3A_779 = arith.index_cast %add3A_776 : i32 to index
        %get3A_780 = tpu.vector_load %arg7[%get3A_778, %get3A_779] {strides = array<i32>} : memref<8x4096xf32, #tpu.memory_space<vmem>>, vector<1x16xf32>,
        %get3A_781 = vector.shape_cast %get3A_780 : vector<1x16xf32> to vector<16xf32>
        %add3A_782 = arith.addf %add3A_772, %get3A_781 : vector<16xf32>
        %mul3A_783 = arith.constant 128 : i32
        %mul3A_784 = arith.muli %scan3A_762, %mul3A_783 : i32
        %add3A_785 = arith.constant 32 : i32
        %add3A_786 = arith.addi %mul3A_784, %add3A_785 : i32
        %get3A_787 = arith.constant 4 : i32
        %get3A_788 = arith.index_cast %get3A_787 : i32 to index
        %get3A_789 = arith.index_cast %add3A_786 : i32 to index
        %get3A_790 = tpu.vector_load %arg7[%get3A_788, %get3A_789] {strides = array<i32>} : memref<8x4096xf32, #tpu.memory_space<vmem>>, vector<1x16xf32>,
        %get3A_791 = vector.shape_cast %get3A_790 : vector<1x16xf32> to vector<16xf32>
        %add3A_792 = arith.addf %add3A_782, %get3A_791 : vector<16xf32>
        %mul3A_793 = arith.constant 128 : i32
        %mul3A_794 = arith.muli %scan3A_762, %mul3A_793 : i32
        %add3A_795 = arith.constant 48 : i32
        %add3A_796 = arith.addi %mul3A_794, %add3A_795 : i32
        %get3A_797 = arith.constant 4 : i32
        %get3A_798 = arith.index_cast %get3A_797 : i32 to index
        %get3A_799 = arith.index_cast %add3A_796 : i32 to index
        %get3A_800 = tpu.vector_load %arg7[%get3A_798, %get3A_799] {strides = array<i32>} : memref<8x4096xf32, #tpu.memory_space<vmem>>, vector<1x16xf32>,
        %get3A_801 = vector.shape_cast %get3A_800 : vector<1x16xf32> to vector<16xf32>
        %add3A_802 = arith.addf %add3A_792, %get3A_801 : vector<16xf32>
        %mul3A_803 = arith.constant 128 : i32
        %mul3A_804 = arith.muli %scan3A_762, %mul3A_803 : i32
        %add3A_805 = arith.constant 64 : i32
        %add3A_806 = arith.addi %mul3A_804, %add3A_805 : i32
        %get3A_807 = arith.constant 4 : i32
        %get3A_808 = arith.index_cast %get3A_807 : i32 to index
        %get3A_809 = arith.index_cast %add3A_806 : i32 to index
        %get3A_810 = tpu.vector_load %arg7[%get3A_808, %get3A_809] {strides = array<i32>} : memref<8x4096xf32, #tpu.memory_space<vmem>>, vector<1x16xf32>,
        %get3A_811 = vector.shape_cast %get3A_810 : vector<1x16xf32> to vector<16xf32>
        %add3A_812 = arith.addf %add3A_802, %get3A_811 : vector<16xf32>
        %mul3A_813 = arith.constant 128 : i32
        %mul3A_814 = arith.muli %scan3A_762, %mul3A_813 : i32
        %add3A_815 = arith.constant 80 : i32
        %add3A_816 = arith.addi %mul3A_814, %add3A_815 : i32
        %get3A_817 = arith.constant 4 : i32
        %get3A_818 = arith.index_cast %get3A_817 : i32 to index
        %get3A_819 = arith.index_cast %add3A_816 : i32 to index
        %get3A_820 = tpu.vector_load %arg7[%get3A_818, %get3A_819] {strides = array<i32>} : memref<8x4096xf32, #tpu.memory_space<vmem>>, vector<1x16xf32>,
        %get3A_821 = vector.shape_cast %get3A_820 : vector<1x16xf32> to vector<16xf32>
        %add3A_822 = arith.addf %add3A_812, %get3A_821 : vector<16xf32>
        %mul3A_823 = arith.constant 128 : i32
        %mul3A_824 = arith.muli %scan3A_762, %mul3A_823 : i32
        %add3A_825 = arith.constant 96 : i32
        %add3A_826 = arith.addi %mul3A_824, %add3A_825 : i32
        %get3A_827 = arith.constant 4 : i32
        %get3A_828 = arith.index_cast %get3A_827 : i32 to index
        %get3A_829 = arith.index_cast %add3A_826 : i32 to index
        %get3A_830 = tpu.vector_load %arg7[%get3A_828, %get3A_829] {strides = array<i32>} : memref<8x4096xf32, #tpu.memory_space<vmem>>, vector<1x16xf32>,
        %get3A_831 = vector.shape_cast %get3A_830 : vector<1x16xf32> to vector<16xf32>
        %add3A_832 = arith.addf %add3A_822, %get3A_831 : vector<16xf32>
        %mul3A_833 = arith.constant 128 : i32
        %mul3A_834 = arith.muli %scan3A_762, %mul3A_833 : i32
        %add3A_835 = arith.constant 112 : i32
        %add3A_836 = arith.addi %mul3A_834, %add3A_835 : i32
        %get3A_837 = arith.constant 4 : i32
        %get3A_838 = arith.index_cast %get3A_837 : i32 to index
        %get3A_839 = arith.index_cast %add3A_836 : i32 to index
        %get3A_840 = tpu.vector_load %arg7[%get3A_838, %get3A_839] {strides = array<i32>} : memref<8x4096xf32, #tpu.memory_space<vmem>>, vector<1x16xf32>,
        %get3A_841 = vector.shape_cast %get3A_840 : vector<1x16xf32> to vector<16xf32>
        %add3A_842 = arith.addf %add3A_832, %get3A_841 : vector<16xf32>
        scf.yield %add3A_842 : vector<16xf32>
      }
      %scan3A_686 = arith.constant 32 : i32
      %mul3A_687 = arith.constant 8 : i32
      %mul3A_688 = arith.muli %add3A_603, %mul3A_687 : i32
      %add3A_689 = arith.constant 4 : i32
      %add3A_690 = arith.addi %mul3A_688, %add3A_689 : i32
      %swap3A_691 = arith.index_cast %add3A_690 : i32 to index
      %swap3A_692 = arith.constant 0 : index
      %swap3A_693 = tpu.vector_load %arg8[%swap3A_691, %swap3A_692] {strides = array<i32>} : memref<256x16xf32, #tpu.memory_space<vmem>>, vector<1x16xf32>,
      %swap3A_694 = vector.shape_cast %swap3A_693 : vector<1x16xf32> to vector<16xf32>
      %swap3A_695 = vector.shape_cast %scan3A_685 : vector<16xf32> to vector<1x16xf32>
      tpu.vector_store %arg8[%swap3A_691, %swap3A_692], %swap3A_695 {strides = array<i32>} : memref<256x16xf32, #tpu.memory_space<vmem>>, vector<1x16xf32>,
      %broadcast_in_dim3A_696 = arith.constant 0.000000e+00 : f32
      %broadcast_in_dim3A_697 = vector.broadcast %broadcast_in_dim3A_696 : f32 to vector<16xf32>
      %scan3A_698 = arith.constant 0 : i32
      %scan3A_699 = arith.constant 32 : i32
      %scan3A_700 = arith.addi %scan3A_698, %scan3A_699 : i32
      %scan3A_701 = arith.constant 1 : i32
      %scan3A_702 = scf.for %scan3A_762 = %scan3A_698 to %scan3A_700 step %scan3A_701 iter_args(%scan3A_763 = %broadcast_in_dim3A_697) -> (vector<16xf32>)  : i32 {
        %mul3A_764 = arith.constant 128 : i32
        %mul3A_765 = arith.muli %scan3A_762, %mul3A_764 : i32
        %add3A_766 = arith.constant 0 : i32
        %add3A_767 = arith.addi %mul3A_765, %add3A_766 : i32
        %get3A = arith.constant 5 : i32
        %get3A_768 = arith.index_cast %get3A : i32 to index
        %get3A_769 = arith.index_cast %add3A_767 : i32 to index
        %get3A_770 = tpu.vector_load %arg7[%get3A_768, %get3A_769] {strides = array<i32>} : memref<8x4096xf32, #tpu.memory_space<vmem>>, vector<1x16xf32>,
        %get3A_771 = vector.shape_cast %get3A_770 : vector<1x16xf32> to vector<16xf32>
        %add3A_772 = arith.addf %scan3A_763, %get3A_771 : vector<16xf32>
        %mul3A_773 = arith.constant 128 : i32
        %mul3A_774 = arith.muli %scan3A_762, %mul3A_773 : i32
        %add3A_775 = arith.constant 16 : i32
        %add3A_776 = arith.addi %mul3A_774, %add3A_775 : i32
        %get3A_777 = arith.constant 5 : i32
        %get3A_778 = arith.index_cast %get3A_777 : i32 to index
        %get3A_779 = arith.index_cast %add3A_776 : i32 to index
        %get3A_780 = tpu.vector_load %arg7[%get3A_778, %get3A_779] {strides = array<i32>} : memref<8x4096xf32, #tpu.memory_space<vmem>>, vector<1x16xf32>,
        %get3A_781 = vector.shape_cast %get3A_780 : vector<1x16xf32> to vector<16xf32>
        %add3A_782 = arith.addf %add3A_772, %get3A_781 : vector<16xf32>
        %mul3A_783 = arith.constant 128 : i32
        %mul3A_784 = arith.muli %scan3A_762, %mul3A_783 : i32
        %add3A_785 = arith.constant 32 : i32
        %add3A_786 = arith.addi %mul3A_784, %add3A_785 : i32
        %get3A_787 = arith.constant 5 : i32
        %get3A_788 = arith.index_cast %get3A_787 : i32 to index
        %get3A_789 = arith.index_cast %add3A_786 : i32 to index
        %get3A_790 = tpu.vector_load %arg7[%get3A_788, %get3A_789] {strides = array<i32>} : memref<8x4096xf32, #tpu.memory_space<vmem>>, vector<1x16xf32>,
        %get3A_791 = vector.shape_cast %get3A_790 : vector<1x16xf32> to vector<16xf32>
        %add3A_792 = arith.addf %add3A_782, %get3A_791 : vector<16xf32>
        %mul3A_793 = arith.constant 128 : i32
        %mul3A_794 = arith.muli %scan3A_762, %mul3A_793 : i32
        %add3A_795 = arith.constant 48 : i32
        %add3A_796 = arith.addi %mul3A_794, %add3A_795 : i32
        %get3A_797 = arith.constant 5 : i32
        %get3A_798 = arith.index_cast %get3A_797 : i32 to index
        %get3A_799 = arith.index_cast %add3A_796 : i32 to index
        %get3A_800 = tpu.vector_load %arg7[%get3A_798, %get3A_799] {strides = array<i32>} : memref<8x4096xf32, #tpu.memory_space<vmem>>, vector<1x16xf32>,
        %get3A_801 = vector.shape_cast %get3A_800 : vector<1x16xf32> to vector<16xf32>
        %add3A_802 = arith.addf %add3A_792, %get3A_801 : vector<16xf32>
        %mul3A_803 = arith.constant 128 : i32
        %mul3A_804 = arith.muli %scan3A_762, %mul3A_803 : i32
        %add3A_805 = arith.constant 64 : i32
        %add3A_806 = arith.addi %mul3A_804, %add3A_805 : i32
        %get3A_807 = arith.constant 5 : i32
        %get3A_808 = arith.index_cast %get3A_807 : i32 to index
        %get3A_809 = arith.index_cast %add3A_806 : i32 to index
        %get3A_810 = tpu.vector_load %arg7[%get3A_808, %get3A_809] {strides = array<i32>} : memref<8x4096xf32, #tpu.memory_space<vmem>>, vector<1x16xf32>,
        %get3A_811 = vector.shape_cast %get3A_810 : vector<1x16xf32> to vector<16xf32>
        %add3A_812 = arith.addf %add3A_802, %get3A_811 : vector<16xf32>
        %mul3A_813 = arith.constant 128 : i32
        %mul3A_814 = arith.muli %scan3A_762, %mul3A_813 : i32
        %add3A_815 = arith.constant 80 : i32
        %add3A_816 = arith.addi %mul3A_814, %add3A_815 : i32
        %get3A_817 = arith.constant 5 : i32
        %get3A_818 = arith.index_cast %get3A_817 : i32 to index
        %get3A_819 = arith.index_cast %add3A_816 : i32 to index
        %get3A_820 = tpu.vector_load %arg7[%get3A_818, %get3A_819] {strides = array<i32>} : memref<8x4096xf32, #tpu.memory_space<vmem>>, vector<1x16xf32>,
        %get3A_821 = vector.shape_cast %get3A_820 : vector<1x16xf32> to vector<16xf32>
        %add3A_822 = arith.addf %add3A_812, %get3A_821 : vector<16xf32>
        %mul3A_823 = arith.constant 128 : i32
        %mul3A_824 = arith.muli %scan3A_762, %mul3A_823 : i32
        %add3A_825 = arith.constant 96 : i32
        %add3A_826 = arith.addi %mul3A_824, %add3A_825 : i32
        %get3A_827 = arith.constant 5 : i32
        %get3A_828 = arith.index_cast %get3A_827 : i32 to index
        %get3A_829 = arith.index_cast %add3A_826 : i32 to index
        %get3A_830 = tpu.vector_load %arg7[%get3A_828, %get3A_829] {strides = array<i32>} : memref<8x4096xf32, #tpu.memory_space<vmem>>, vector<1x16xf32>,
        %get3A_831 = vector.shape_cast %get3A_830 : vector<1x16xf32> to vector<16xf32>
        %add3A_832 = arith.addf %add3A_822, %get3A_831 : vector<16xf32>
        %mul3A_833 = arith.constant 128 : i32
        %mul3A_834 = arith.muli %scan3A_762, %mul3A_833 : i32
        %add3A_835 = arith.constant 112 : i32
        %add3A_836 = arith.addi %mul3A_834, %add3A_835 : i32
        %get3A_837 = arith.constant 5 : i32
        %get3A_838 = arith.index_cast %get3A_837 : i32 to index
        %get3A_839 = arith.index_cast %add3A_836 : i32 to index
        %get3A_840 = tpu.vector_load %arg7[%get3A_838, %get3A_839] {strides = array<i32>} : memref<8x4096xf32, #tpu.memory_space<vmem>>, vector<1x16xf32>,
        %get3A_841 = vector.shape_cast %get3A_840 : vector<1x16xf32> to vector<16xf32>
        %add3A_842 = arith.addf %add3A_832, %get3A_841 : vector<16xf32>
        scf.yield %add3A_842 : vector<16xf32>
      }
      %scan3A_703 = arith.constant 32 : i32
      %mul3A_704 = arith.constant 8 : i32
      %mul3A_705 = arith.muli %add3A_603, %mul3A_704 : i32
      %add3A_706 = arith.constant 5 : i32
      %add3A_707 = arith.addi %mul3A_705, %add3A_706 : i32
      %swap3A_708 = arith.index_cast %add3A_707 : i32 to index
      %swap3A_709 = arith.constant 0 : index
      %swap3A_710 = tpu.vector_load %arg8[%swap3A_708, %swap3A_709] {strides = array<i32>} : memref<256x16xf32, #tpu.memory_space<vmem>>, vector<1x16xf32>,
      %swap3A_711 = vector.shape_cast %swap3A_710 : vector<1x16xf32> to vector<16xf32>
      %swap3A_712 = vector.shape_cast %scan3A_702 : vector<16xf32> to vector<1x16xf32>
      tpu.vector_store %arg8[%swap3A_708, %swap3A_709], %swap3A_712 {strides = array<i32>} : memref<256x16xf32, #tpu.memory_space<vmem>>, vector<1x16xf32>,
      %broadcast_in_dim3A_713 = arith.constant 0.000000e+00 : f32
      %broadcast_in_dim3A_714 = vector.broadcast %broadcast_in_dim3A_713 : f32 to vector<16xf32>
      %scan3A_715 = arith.constant 0 : i32
      %scan3A_716 = arith.constant 32 : i32
      %scan3A_717 = arith.addi %scan3A_715, %scan3A_716 : i32
      %scan3A_718 = arith.constant 1 : i32
      %scan3A_719 = scf.for %scan3A_762 = %scan3A_715 to %scan3A_717 step %scan3A_718 iter_args(%scan3A_763 = %broadcast_in_dim3A_714) -> (vector<16xf32>)  : i32 {
        %mul3A_764 = arith.constant 128 : i32
        %mul3A_765 = arith.muli %scan3A_762, %mul3A_764 : i32
        %add3A_766 = arith.constant 0 : i32
        %add3A_767 = arith.addi %mul3A_765, %add3A_766 : i32
        %get3A = arith.constant 6 : i32
        %get3A_768 = arith.index_cast %get3A : i32 to index
        %get3A_769 = arith.index_cast %add3A_767 : i32 to index
        %get3A_770 = tpu.vector_load %arg7[%get3A_768, %get3A_769] {strides = array<i32>} : memref<8x4096xf32, #tpu.memory_space<vmem>>, vector<1x16xf32>,
        %get3A_771 = vector.shape_cast %get3A_770 : vector<1x16xf32> to vector<16xf32>
        %add3A_772 = arith.addf %scan3A_763, %get3A_771 : vector<16xf32>
        %mul3A_773 = arith.constant 128 : i32
        %mul3A_774 = arith.muli %scan3A_762, %mul3A_773 : i32
        %add3A_775 = arith.constant 16 : i32
        %add3A_776 = arith.addi %mul3A_774, %add3A_775 : i32
        %get3A_777 = arith.constant 6 : i32
        %get3A_778 = arith.index_cast %get3A_777 : i32 to index
        %get3A_779 = arith.index_cast %add3A_776 : i32 to index
        %get3A_780 = tpu.vector_load %arg7[%get3A_778, %get3A_779] {strides = array<i32>} : memref<8x4096xf32, #tpu.memory_space<vmem>>, vector<1x16xf32>,
        %get3A_781 = vector.shape_cast %get3A_780 : vector<1x16xf32> to vector<16xf32>
        %add3A_782 = arith.addf %add3A_772, %get3A_781 : vector<16xf32>
        %mul3A_783 = arith.constant 128 : i32
        %mul3A_784 = arith.muli %scan3A_762, %mul3A_783 : i32
        %add3A_785 = arith.constant 32 : i32
        %add3A_786 = arith.addi %mul3A_784, %add3A_785 : i32
        %get3A_787 = arith.constant 6 : i32
        %get3A_788 = arith.index_cast %get3A_787 : i32 to index
        %get3A_789 = arith.index_cast %add3A_786 : i32 to index
        %get3A_790 = tpu.vector_load %arg7[%get3A_788, %get3A_789] {strides = array<i32>} : memref<8x4096xf32, #tpu.memory_space<vmem>>, vector<1x16xf32>,
        %get3A_791 = vector.shape_cast %get3A_790 : vector<1x16xf32> to vector<16xf32>
        %add3A_792 = arith.addf %add3A_782, %get3A_791 : vector<16xf32>
        %mul3A_793 = arith.constant 128 : i32
        %mul3A_794 = arith.muli %scan3A_762, %mul3A_793 : i32
        %add3A_795 = arith.constant 48 : i32
        %add3A_796 = arith.addi %mul3A_794, %add3A_795 : i32
        %get3A_797 = arith.constant 6 : i32
        %get3A_798 = arith.index_cast %get3A_797 : i32 to index
        %get3A_799 = arith.index_cast %add3A_796 : i32 to index
        %get3A_800 = tpu.vector_load %arg7[%get3A_798, %get3A_799] {strides = array<i32>} : memref<8x4096xf32, #tpu.memory_space<vmem>>, vector<1x16xf32>,
        %get3A_801 = vector.shape_cast %get3A_800 : vector<1x16xf32> to vector<16xf32>
        %add3A_802 = arith.addf %add3A_792, %get3A_801 : vector<16xf32>
        %mul3A_803 = arith.constant 128 : i32
        %mul3A_804 = arith.muli %scan3A_762, %mul3A_803 : i32
        %add3A_805 = arith.constant 64 : i32
        %add3A_806 = arith.addi %mul3A_804, %add3A_805 : i32
        %get3A_807 = arith.constant 6 : i32
        %get3A_808 = arith.index_cast %get3A_807 : i32 to index
        %get3A_809 = arith.index_cast %add3A_806 : i32 to index
        %get3A_810 = tpu.vector_load %arg7[%get3A_808, %get3A_809] {strides = array<i32>} : memref<8x4096xf32, #tpu.memory_space<vmem>>, vector<1x16xf32>,
        %get3A_811 = vector.shape_cast %get3A_810 : vector<1x16xf32> to vector<16xf32>
        %add3A_812 = arith.addf %add3A_802, %get3A_811 : vector<16xf32>
        %mul3A_813 = arith.constant 128 : i32
        %mul3A_814 = arith.muli %scan3A_762, %mul3A_813 : i32
        %add3A_815 = arith.constant 80 : i32
        %add3A_816 = arith.addi %mul3A_814, %add3A_815 : i32
        %get3A_817 = arith.constant 6 : i32
        %get3A_818 = arith.index_cast %get3A_817 : i32 to index
        %get3A_819 = arith.index_cast %add3A_816 : i32 to index
        %get3A_820 = tpu.vector_load %arg7[%get3A_818, %get3A_819] {strides = array<i32>} : memref<8x4096xf32, #tpu.memory_space<vmem>>, vector<1x16xf32>,
        %get3A_821 = vector.shape_cast %get3A_820 : vector<1x16xf32> to vector<16xf32>
        %add3A_822 = arith.addf %add3A_812, %get3A_821 : vector<16xf32>
        %mul3A_823 = arith.constant 128 : i32
        %mul3A_824 = arith.muli %scan3A_762, %mul3A_823 : i32
        %add3A_825 = arith.constant 96 : i32
        %add3A_826 = arith.addi %mul3A_824, %add3A_825 : i32
        %get3A_827 = arith.constant 6 : i32
        %get3A_828 = arith.index_cast %get3A_827 : i32 to index
        %get3A_829 = arith.index_cast %add3A_826 : i32 to index
        %get3A_830 = tpu.vector_load %arg7[%get3A_828, %get3A_829] {strides = array<i32>} : memref<8x4096xf32, #tpu.memory_space<vmem>>, vector<1x16xf32>,
        %get3A_831 = vector.shape_cast %get3A_830 : vector<1x16xf32> to vector<16xf32>
        %add3A_832 = arith.addf %add3A_822, %get3A_831 : vector<16xf32>
        %mul3A_833 = arith.constant 128 : i32
        %mul3A_834 = arith.muli %scan3A_762, %mul3A_833 : i32
        %add3A_835 = arith.constant 112 : i32
        %add3A_836 = arith.addi %mul3A_834, %add3A_835 : i32
        %get3A_837 = arith.constant 6 : i32
        %get3A_838 = arith.index_cast %get3A_837 : i32 to index
        %get3A_839 = arith.index_cast %add3A_836 : i32 to index
        %get3A_840 = tpu.vector_load %arg7[%get3A_838, %get3A_839] {strides = array<i32>} : memref<8x4096xf32, #tpu.memory_space<vmem>>, vector<1x16xf32>,
        %get3A_841 = vector.shape_cast %get3A_840 : vector<1x16xf32> to vector<16xf32>
        %add3A_842 = arith.addf %add3A_832, %get3A_841 : vector<16xf32>
        scf.yield %add3A_842 : vector<16xf32>
      }
      %scan3A_720 = arith.constant 32 : i32
      %mul3A_721 = arith.constant 8 : i32
      %mul3A_722 = arith.muli %add3A_603, %mul3A_721 : i32
      %add3A_723 = arith.constant 6 : i32
      %add3A_724 = arith.addi %mul3A_722, %add3A_723 : i32
      %swap3A_725 = arith.index_cast %add3A_724 : i32 to index
      %swap3A_726 = arith.constant 0 : index
      %swap3A_727 = tpu.vector_load %arg8[%swap3A_725, %swap3A_726] {strides = array<i32>} : memref<256x16xf32, #tpu.memory_space<vmem>>, vector<1x16xf32>,
      %swap3A_728 = vector.shape_cast %swap3A_727 : vector<1x16xf32> to vector<16xf32>
      %swap3A_729 = vector.shape_cast %scan3A_719 : vector<16xf32> to vector<1x16xf32>
      tpu.vector_store %arg8[%swap3A_725, %swap3A_726], %swap3A_729 {strides = array<i32>} : memref<256x16xf32, #tpu.memory_space<vmem>>, vector<1x16xf32>,
      %broadcast_in_dim3A_730 = arith.constant 0.000000e+00 : f32
      %broadcast_in_dim3A_731 = vector.broadcast %broadcast_in_dim3A_730 : f32 to vector<16xf32>
      %scan3A_732 = arith.constant 0 : i32
      %scan3A_733 = arith.constant 32 : i32
      %scan3A_734 = arith.addi %scan3A_732, %scan3A_733 : i32
      %scan3A_735 = arith.constant 1 : i32
      %scan3A_736 = scf.for %scan3A_762 = %scan3A_732 to %scan3A_734 step %scan3A_735 iter_args(%scan3A_763 = %broadcast_in_dim3A_731) -> (vector<16xf32>)  : i32 {
        %mul3A_764 = arith.constant 128 : i32
        %mul3A_765 = arith.muli %scan3A_762, %mul3A_764 : i32
        %add3A_766 = arith.constant 0 : i32
        %add3A_767 = arith.addi %mul3A_765, %add3A_766 : i32
        %get3A = arith.constant 7 : i32
        %get3A_768 = arith.index_cast %get3A : i32 to index
        %get3A_769 = arith.index_cast %add3A_767 : i32 to index
        %get3A_770 = tpu.vector_load %arg7[%get3A_768, %get3A_769] {strides = array<i32>} : memref<8x4096xf32, #tpu.memory_space<vmem>>, vector<1x16xf32>,
        %get3A_771 = vector.shape_cast %get3A_770 : vector<1x16xf32> to vector<16xf32>
        %add3A_772 = arith.addf %scan3A_763, %get3A_771 : vector<16xf32>
        %mul3A_773 = arith.constant 128 : i32
        %mul3A_774 = arith.muli %scan3A_762, %mul3A_773 : i32
        %add3A_775 = arith.constant 16 : i32
        %add3A_776 = arith.addi %mul3A_774, %add3A_775 : i32
        %get3A_777 = arith.constant 7 : i32
        %get3A_778 = arith.index_cast %get3A_777 : i32 to index
        %get3A_779 = arith.index_cast %add3A_776 : i32 to index
        %get3A_780 = tpu.vector_load %arg7[%get3A_778, %get3A_779] {strides = array<i32>} : memref<8x4096xf32, #tpu.memory_space<vmem>>, vector<1x16xf32>,
        %get3A_781 = vector.shape_cast %get3A_780 : vector<1x16xf32> to vector<16xf32>
        %add3A_782 = arith.addf %add3A_772, %get3A_781 : vector<16xf32>
        %mul3A_783 = arith.constant 128 : i32
        %mul3A_784 = arith.muli %scan3A_762, %mul3A_783 : i32
        %add3A_785 = arith.constant 32 : i32
        %add3A_786 = arith.addi %mul3A_784, %add3A_785 : i32
        %get3A_787 = arith.constant 7 : i32
        %get3A_788 = arith.index_cast %get3A_787 : i32 to index
        %get3A_789 = arith.index_cast %add3A_786 : i32 to index
        %get3A_790 = tpu.vector_load %arg7[%get3A_788, %get3A_789] {strides = array<i32>} : memref<8x4096xf32, #tpu.memory_space<vmem>>, vector<1x16xf32>,
        %get3A_791 = vector.shape_cast %get3A_790 : vector<1x16xf32> to vector<16xf32>
        %add3A_792 = arith.addf %add3A_782, %get3A_791 : vector<16xf32>
        %mul3A_793 = arith.constant 128 : i32
        %mul3A_794 = arith.muli %scan3A_762, %mul3A_793 : i32
        %add3A_795 = arith.constant 48 : i32
        %add3A_796 = arith.addi %mul3A_794, %add3A_795 : i32
        %get3A_797 = arith.constant 7 : i32
        %get3A_798 = arith.index_cast %get3A_797 : i32 to index
        %get3A_799 = arith.index_cast %add3A_796 : i32 to index
        %get3A_800 = tpu.vector_load %arg7[%get3A_798, %get3A_799] {strides = array<i32>} : memref<8x4096xf32, #tpu.memory_space<vmem>>, vector<1x16xf32>,
        %get3A_801 = vector.shape_cast %get3A_800 : vector<1x16xf32> to vector<16xf32>
        %add3A_802 = arith.addf %add3A_792, %get3A_801 : vector<16xf32>
        %mul3A_803 = arith.constant 128 : i32
        %mul3A_804 = arith.muli %scan3A_762, %mul3A_803 : i32
        %add3A_805 = arith.constant 64 : i32
        %add3A_806 = arith.addi %mul3A_804, %add3A_805 : i32
        %get3A_807 = arith.constant 7 : i32
        %get3A_808 = arith.index_cast %get3A_807 : i32 to index
        %get3A_809 = arith.index_cast %add3A_806 : i32 to index
        %get3A_810 = tpu.vector_load %arg7[%get3A_808, %get3A_809] {strides = array<i32>} : memref<8x4096xf32, #tpu.memory_space<vmem>>, vector<1x16xf32>,
        %get3A_811 = vector.shape_cast %get3A_810 : vector<1x16xf32> to vector<16xf32>
        %add3A_812 = arith.addf %add3A_802, %get3A_811 : vector<16xf32>
        %mul3A_813 = arith.constant 128 : i32
        %mul3A_814 = arith.muli %scan3A_762, %mul3A_813 : i32
        %add3A_815 = arith.constant 80 : i32
        %add3A_816 = arith.addi %mul3A_814, %add3A_815 : i32
        %get3A_817 = arith.constant 7 : i32
        %get3A_818 = arith.index_cast %get3A_817 : i32 to index
        %get3A_819 = arith.index_cast %add3A_816 : i32 to index
        %get3A_820 = tpu.vector_load %arg7[%get3A_818, %get3A_819] {strides = array<i32>} : memref<8x4096xf32, #tpu.memory_space<vmem>>, vector<1x16xf32>,
        %get3A_821 = vector.shape_cast %get3A_820 : vector<1x16xf32> to vector<16xf32>
        %add3A_822 = arith.addf %add3A_812, %get3A_821 : vector<16xf32>
        %mul3A_823 = arith.constant 128 : i32
        %mul3A_824 = arith.muli %scan3A_762, %mul3A_823 : i32
        %add3A_825 = arith.constant 96 : i32
        %add3A_826 = arith.addi %mul3A_824, %add3A_825 : i32
        %get3A_827 = arith.constant 7 : i32
        %get3A_828 = arith.index_cast %get3A_827 : i32 to index
        %get3A_829 = arith.index_cast %add3A_826 : i32 to index
        %get3A_830 = tpu.vector_load %arg7[%get3A_828, %get3A_829] {strides = array<i32>} : memref<8x4096xf32, #tpu.memory_space<vmem>>, vector<1x16xf32>,
        %get3A_831 = vector.shape_cast %get3A_830 : vector<1x16xf32> to vector<16xf32>
        %add3A_832 = arith.addf %add3A_822, %get3A_831 : vector<16xf32>
        %mul3A_833 = arith.constant 128 : i32
        %mul3A_834 = arith.muli %scan3A_762, %mul3A_833 : i32
        %add3A_835 = arith.constant 112 : i32
        %add3A_836 = arith.addi %mul3A_834, %add3A_835 : i32
        %get3A_837 = arith.constant 7 : i32
        %get3A_838 = arith.index_cast %get3A_837 : i32 to index
        %get3A_839 = arith.index_cast %add3A_836 : i32 to index
        %get3A_840 = tpu.vector_load %arg7[%get3A_838, %get3A_839] {strides = array<i32>} : memref<8x4096xf32, #tpu.memory_space<vmem>>, vector<1x16xf32>,
        %get3A_841 = vector.shape_cast %get3A_840 : vector<1x16xf32> to vector<16xf32>
        %add3A_842 = arith.addf %add3A_832, %get3A_841 : vector<16xf32>
        scf.yield %add3A_842 : vector<16xf32>
      }
      %scan3A_737 = arith.constant 32 : i32
      %mul3A_738 = arith.constant 8 : i32
      %mul3A_739 = arith.muli %add3A_603, %mul3A_738 : i32
      %add3A_740 = arith.constant 7 : i32
      %add3A_741 = arith.addi %mul3A_739, %add3A_740 : i32
      %swap3A_742 = arith.index_cast %add3A_741 : i32 to index
      %swap3A_743 = arith.constant 0 : index
      %swap3A_744 = tpu.vector_load %arg8[%swap3A_742, %swap3A_743] {strides = array<i32>} : memref<256x16xf32, #tpu.memory_space<vmem>>, vector<1x16xf32>,
      %swap3A_745 = vector.shape_cast %swap3A_744 : vector<1x16xf32> to vector<16xf32>
      %swap3A_746 = vector.shape_cast %scan3A_736 : vector<16xf32> to vector<1x16xf32>
      tpu.vector_store %arg8[%swap3A_742, %swap3A_743], %swap3A_746 {strides = array<i32>} : memref<256x16xf32, #tpu.memory_space<vmem>>, vector<1x16xf32>,
      %mul3A_747 = arith.constant 8 : i32
      %mul3A_748 = arith.muli %add3A_603, %mul3A_747 : i32
      %add3A_749 = arith.addi %mul3A_2, %mul3A_748 : i32
      %dma_start3A_750 = arith.constant 0 : i32
      %dma_start3A_751 = tpu.memref_slice %arg3[%add3A_749, %dma_start3A_750] : memref<8192x4096xf32, #tpu.memory_space<hbm>> -> memref<8x4096xf32, #tpu.memory_space<hbm>>
      %dma_start3A_752 = arith.constant 0 : i32
      %dma_start3A_753 = tpu.memref_slice %arg3[%add3A_749, %dma_start3A_752] : memref<8192x4096xf32, #tpu.memory_space<hbm>> -> memref<8x4096xf32, #tpu.memory_space<hbm>>
      tpu.enqueue_dma source(%arg7 : memref<8x4096xf32, #tpu.memory_space<vmem>>) target(%dma_start3A_753 : memref<8x4096xf32, #tpu.memory_space<hbm>>) target_semaphore(%arg14 : memref<!tpu.dma_semaphore, #tpu.memory_space<semaphore_mem>>)
      %add3A_754 = arith.constant 2 : i32
      %add3A_755 = arith.addi %add3A_603, %add3A_754 : i32
      %lt3A_756 = arith.constant 32 : i32
      %lt3A_757 = arith.cmpi slt, %add3A_755, %lt3A_756 : i32
      %convert_element_type3A_758 = arith.extui %lt3A_757 : i1 to i32
      %cond3A_759 = arith.constant 0 : i32
      %cond3A_760 = arith.cmpi ne, %convert_element_type3A_758, %cond3A_759 : i32
      scf.if %cond3A_760 {
        %sub3A = arith.constant 3 : i32
        %sub3A_762 = arith.subi %add3A_755, %sub3A : i32
        %ge3A = arith.constant 0 : i32
        %ge3A_763 = arith.cmpi sge, %sub3A_762, %ge3A : i32
        %convert_element_type3A_764 = arith.extui %ge3A_763 : i1 to i32
        %cond3A_765 = arith.constant 0 : i32
        %cond3A_766 = arith.cmpi ne, %convert_element_type3A_764, %cond3A_765 : i32
        scf.if %cond3A_766 {
          %sub3A_774 = arith.constant 3 : i32
          %sub3A_775 = arith.subi %add3A_755, %sub3A_774 : i32
          %mul3A_776 = arith.constant 8 : i32
          %mul3A_777 = arith.muli %sub3A_775, %mul3A_776 : i32
          %add3A_778 = arith.addi %mul3A_2, %mul3A_777 : i32
          %dma_wait3A_779 = arith.constant 0 : i32
          %dma_wait3A_780 = tpu.memref_slice %arg3[%add3A_778, %dma_wait3A_779] : memref<8192x4096xf32, #tpu.memory_space<hbm>> -> memref<8x4096xf32, #tpu.memory_space<hbm>>
          %dma_wait3A_781 = arith.constant 0 : i32
          %dma_wait3A_782 = tpu.memref_slice %arg3[%add3A_778, %dma_wait3A_781] : memref<8192x4096xf32, #tpu.memory_space<hbm>> -> memref<8x4096xf32, #tpu.memory_space<hbm>>
          tpu.wait_dma2 semaphore(%arg13 : memref<!tpu.dma_semaphore, #tpu.memory_space<semaphore_mem>>) src(%arg6 : memref<8x4096xf32, #tpu.memory_space<vmem>>) dst(%dma_wait3A_782 : memref<8x4096xf32, #tpu.memory_space<hbm>>)
        } else {
        }
        %mul3A_767 = arith.constant 8 : i32
        %mul3A_768 = arith.muli %add3A_755, %mul3A_767 : i32
        %add3A_769 = arith.addi %mul3A_2, %mul3A_768 : i32
        %dma_start3A_770 = arith.constant 0 : i32
        %dma_start3A_771 = tpu.memref_slice %arg2[%add3A_769, %dma_start3A_770] : memref<8192x4096xf32, #tpu.memory_space<hbm>> -> memref<8x4096xf32, #tpu.memory_space<hbm>>
        %dma_start3A_772 = arith.constant 0 : i32
        %dma_start3A_773 = tpu.memref_slice %arg2[%add3A_769, %dma_start3A_772] : memref<8192x4096xf32, #tpu.memory_space<hbm>> -> memref<8x4096xf32, #tpu.memory_space<hbm>>
        tpu.enqueue_dma source(%dma_start3A_773 : memref<8x4096xf32, #tpu.memory_space<hbm>>) target(%arg6 : memref<8x4096xf32, #tpu.memory_space<vmem>>) target_semaphore(%arg10 : memref<!tpu.dma_semaphore, #tpu.memory_space<semaphore_mem>>)
      } else {
      }
      %scan3A_761 = arith.constant 0 : i32
      scf.yield %scan3A_761 : i32
    }
    %scan3A_19 = arith.constant 10 : i32
    %add3A_20 = arith.constant 240 : i32
    %add3A_21 = arith.addi %mul3A_2, %add3A_20 : i32
    %dma_wait3A = arith.constant 0 : i32
    %dma_wait3A_22 = tpu.memref_slice %arg2[%add3A_21, %dma_wait3A] : memref<8192x4096xf32, #tpu.memory_space<hbm>> -> memref<8x4096xf32, #tpu.memory_space<hbm>>
    %dma_wait3A_23 = arith.constant 0 : i32
    %dma_wait3A_24 = tpu.memref_slice %arg2[%add3A_21, %dma_wait3A_23] : memref<8192x4096xf32, #tpu.memory_space<hbm>> -> memref<8x4096xf32, #tpu.memory_space<hbm>>
    tpu.wait_dma2 semaphore(%arg9 : memref<!tpu.dma_semaphore, #tpu.memory_space<semaphore_mem>>) src(%dma_wait3A_24 : memref<8x4096xf32, #tpu.memory_space<hbm>>) dst(%arg5 : memref<8x4096xf32, #tpu.memory_space<vmem>>)
    %broadcast_in_dim3A = arith.constant 0.000000e+00 : f32
    %broadcast_in_dim3A_25 = vector.broadcast %broadcast_in_dim3A : f32 to vector<16xf32>
    %scan3A_26 = arith.constant 0 : i32
    %scan3A_27 = arith.constant 32 : i32
    %scan3A_28 = arith.addi %scan3A_26, %scan3A_27 : i32
    %scan3A_29 = arith.constant 1 : i32
    %scan3A_30 = scf.for %scan3A_283 = %scan3A_26 to %scan3A_28 step %scan3A_29 iter_args(%scan3A_284 = %broadcast_in_dim3A_25) -> (vector<16xf32>)  : i32 {
      %mul3A_285 = arith.constant 128 : i32
      %mul3A_286 = arith.muli %scan3A_283, %mul3A_285 : i32
      %add3A_287 = arith.constant 0 : i32
      %add3A_288 = arith.addi %mul3A_286, %add3A_287 : i32
      %get3A = arith.constant 0 : i32
      %get3A_289 = arith.index_cast %get3A : i32 to index
      %get3A_290 = arith.index_cast %add3A_288 : i32 to index
      %get3A_291 = tpu.vector_load %arg5[%get3A_289, %get3A_290] {strides = array<i32>} : memref<8x4096xf32, #tpu.memory_space<vmem>>, vector<1x16xf32>,
      %get3A_292 = vector.shape_cast %get3A_291 : vector<1x16xf32> to vector<16xf32>
      %add3A_293 = arith.addf %scan3A_284, %get3A_292 : vector<16xf32>
      %mul3A_294 = arith.constant 128 : i32
      %mul3A_295 = arith.muli %scan3A_283, %mul3A_294 : i32
      %add3A_296 = arith.constant 16 : i32
      %add3A_297 = arith.addi %mul3A_295, %add3A_296 : i32
      %get3A_298 = arith.constant 0 : i32
      %get3A_299 = arith.index_cast %get3A_298 : i32 to index
      %get3A_300 = arith.index_cast %add3A_297 : i32 to index
      %get3A_301 = tpu.vector_load %arg5[%get3A_299, %get3A_300] {strides = array<i32>} : memref<8x4096xf32, #tpu.memory_space<vmem>>, vector<1x16xf32>,
      %get3A_302 = vector.shape_cast %get3A_301 : vector<1x16xf32> to vector<16xf32>
      %add3A_303 = arith.addf %add3A_293, %get3A_302 : vector<16xf32>
      %mul3A_304 = arith.constant 128 : i32
      %mul3A_305 = arith.muli %scan3A_283, %mul3A_304 : i32
      %add3A_306 = arith.constant 32 : i32
      %add3A_307 = arith.addi %mul3A_305, %add3A_306 : i32
      %get3A_308 = arith.constant 0 : i32
      %get3A_309 = arith.index_cast %get3A_308 : i32 to index
      %get3A_310 = arith.index_cast %add3A_307 : i32 to index
      %get3A_311 = tpu.vector_load %arg5[%get3A_309, %get3A_310] {strides = array<i32>} : memref<8x4096xf32, #tpu.memory_space<vmem>>, vector<1x16xf32>,
      %get3A_312 = vector.shape_cast %get3A_311 : vector<1x16xf32> to vector<16xf32>
      %add3A_313 = arith.addf %add3A_303, %get3A_312 : vector<16xf32>
      %mul3A_314 = arith.constant 128 : i32
      %mul3A_315 = arith.muli %scan3A_283, %mul3A_314 : i32
      %add3A_316 = arith.constant 48 : i32
      %add3A_317 = arith.addi %mul3A_315, %add3A_316 : i32
      %get3A_318 = arith.constant 0 : i32
      %get3A_319 = arith.index_cast %get3A_318 : i32 to index
      %get3A_320 = arith.index_cast %add3A_317 : i32 to index
      %get3A_321 = tpu.vector_load %arg5[%get3A_319, %get3A_320] {strides = array<i32>} : memref<8x4096xf32, #tpu.memory_space<vmem>>, vector<1x16xf32>,
      %get3A_322 = vector.shape_cast %get3A_321 : vector<1x16xf32> to vector<16xf32>
      %add3A_323 = arith.addf %add3A_313, %get3A_322 : vector<16xf32>
      %mul3A_324 = arith.constant 128 : i32
      %mul3A_325 = arith.muli %scan3A_283, %mul3A_324 : i32
      %add3A_326 = arith.constant 64 : i32
      %add3A_327 = arith.addi %mul3A_325, %add3A_326 : i32
      %get3A_328 = arith.constant 0 : i32
      %get3A_329 = arith.index_cast %get3A_328 : i32 to index
      %get3A_330 = arith.index_cast %add3A_327 : i32 to index
      %get3A_331 = tpu.vector_load %arg5[%get3A_329, %get3A_330] {strides = array<i32>} : memref<8x4096xf32, #tpu.memory_space<vmem>>, vector<1x16xf32>,
      %get3A_332 = vector.shape_cast %get3A_331 : vector<1x16xf32> to vector<16xf32>
      %add3A_333 = arith.addf %add3A_323, %get3A_332 : vector<16xf32>
      %mul3A_334 = arith.constant 128 : i32
      %mul3A_335 = arith.muli %scan3A_283, %mul3A_334 : i32
      %add3A_336 = arith.constant 80 : i32
      %add3A_337 = arith.addi %mul3A_335, %add3A_336 : i32
      %get3A_338 = arith.constant 0 : i32
      %get3A_339 = arith.index_cast %get3A_338 : i32 to index
      %get3A_340 = arith.index_cast %add3A_337 : i32 to index
      %get3A_341 = tpu.vector_load %arg5[%get3A_339, %get3A_340] {strides = array<i32>} : memref<8x4096xf32, #tpu.memory_space<vmem>>, vector<1x16xf32>,
      %get3A_342 = vector.shape_cast %get3A_341 : vector<1x16xf32> to vector<16xf32>
      %add3A_343 = arith.addf %add3A_333, %get3A_342 : vector<16xf32>
      %mul3A_344 = arith.constant 128 : i32
      %mul3A_345 = arith.muli %scan3A_283, %mul3A_344 : i32
      %add3A_346 = arith.constant 96 : i32
      %add3A_347 = arith.addi %mul3A_345, %add3A_346 : i32
      %get3A_348 = arith.constant 0 : i32
      %get3A_349 = arith.index_cast %get3A_348 : i32 to index
      %get3A_350 = arith.index_cast %add3A_347 : i32 to index
      %get3A_351 = tpu.vector_load %arg5[%get3A_349, %get3A_350] {strides = array<i32>} : memref<8x4096xf32, #tpu.memory_space<vmem>>, vector<1x16xf32>,
      %get3A_352 = vector.shape_cast %get3A_351 : vector<1x16xf32> to vector<16xf32>
      %add3A_353 = arith.addf %add3A_343, %get3A_352 : vector<16xf32>
      %mul3A_354 = arith.constant 128 : i32
      %mul3A_355 = arith.muli %scan3A_283, %mul3A_354 : i32
      %add3A_356 = arith.constant 112 : i32
      %add3A_357 = arith.addi %mul3A_355, %add3A_356 : i32
      %get3A_358 = arith.constant 0 : i32
      %get3A_359 = arith.index_cast %get3A_358 : i32 to index
      %get3A_360 = arith.index_cast %add3A_357 : i32 to index
      %get3A_361 = tpu.vector_load %arg5[%get3A_359, %get3A_360] {strides = array<i32>} : memref<8x4096xf32, #tpu.memory_space<vmem>>, vector<1x16xf32>,
      %get3A_362 = vector.shape_cast %get3A_361 : vector<1x16xf32> to vector<16xf32>
      %add3A_363 = arith.addf %add3A_353, %get3A_362 : vector<16xf32>
      scf.yield %add3A_363 : vector<16xf32>
    }
    %scan3A_31 = arith.constant 32 : i32
    %swap3A = arith.constant 240 : i32
    %swap3A_32 = arith.index_cast %swap3A : i32 to index
    %swap3A_33 = arith.constant 0 : index
    %swap3A_34 = tpu.vector_load %arg8[%swap3A_32, %swap3A_33] {strides = array<i32>} : memref<256x16xf32, #tpu.memory_space<vmem>>, vector<1x16xf32>,
    %swap3A_35 = vector.shape_cast %swap3A_34 : vector<1x16xf32> to vector<16xf32>
    %swap3A_36 = vector.shape_cast %scan3A_30 : vector<16xf32> to vector<1x16xf32>
    tpu.vector_store %arg8[%swap3A_32, %swap3A_33], %swap3A_36 {strides = array<i32>} : memref<256x16xf32, #tpu.memory_space<vmem>>, vector<1x16xf32>,
    %broadcast_in_dim3A_37 = arith.constant 0.000000e+00 : f32
    %broadcast_in_dim3A_38 = vector.broadcast %broadcast_in_dim3A_37 : f32 to vector<16xf32>
    %scan3A_39 = arith.constant 0 : i32
    %scan3A_40 = arith.constant 32 : i32
    %scan3A_41 = arith.addi %scan3A_39, %scan3A_40 : i32
    %scan3A_42 = arith.constant 1 : i32
    %scan3A_43 = scf.for %scan3A_283 = %scan3A_39 to %scan3A_41 step %scan3A_42 iter_args(%scan3A_284 = %broadcast_in_dim3A_38) -> (vector<16xf32>)  : i32 {
      %mul3A_285 = arith.constant 128 : i32
      %mul3A_286 = arith.muli %scan3A_283, %mul3A_285 : i32
      %add3A_287 = arith.constant 0 : i32
      %add3A_288 = arith.addi %mul3A_286, %add3A_287 : i32
      %get3A = arith.constant 1 : i32
      %get3A_289 = arith.index_cast %get3A : i32 to index
      %get3A_290 = arith.index_cast %add3A_288 : i32 to index
      %get3A_291 = tpu.vector_load %arg5[%get3A_289, %get3A_290] {strides = array<i32>} : memref<8x4096xf32, #tpu.memory_space<vmem>>, vector<1x16xf32>,
      %get3A_292 = vector.shape_cast %get3A_291 : vector<1x16xf32> to vector<16xf32>
      %add3A_293 = arith.addf %scan3A_284, %get3A_292 : vector<16xf32>
      %mul3A_294 = arith.constant 128 : i32
      %mul3A_295 = arith.muli %scan3A_283, %mul3A_294 : i32
      %add3A_296 = arith.constant 16 : i32
      %add3A_297 = arith.addi %mul3A_295, %add3A_296 : i32
      %get3A_298 = arith.constant 1 : i32
      %get3A_299 = arith.index_cast %get3A_298 : i32 to index
      %get3A_300 = arith.index_cast %add3A_297 : i32 to index
      %get3A_301 = tpu.vector_load %arg5[%get3A_299, %get3A_300] {strides = array<i32>} : memref<8x4096xf32, #tpu.memory_space<vmem>>, vector<1x16xf32>,
      %get3A_302 = vector.shape_cast %get3A_301 : vector<1x16xf32> to vector<16xf32>
      %add3A_303 = arith.addf %add3A_293, %get3A_302 : vector<16xf32>
      %mul3A_304 = arith.constant 128 : i32
      %mul3A_305 = arith.muli %scan3A_283, %mul3A_304 : i32
      %add3A_306 = arith.constant 32 : i32
      %add3A_307 = arith.addi %mul3A_305, %add3A_306 : i32
      %get3A_308 = arith.constant 1 : i32
      %get3A_309 = arith.index_cast %get3A_308 : i32 to index
      %get3A_310 = arith.index_cast %add3A_307 : i32 to index
      %get3A_311 = tpu.vector_load %arg5[%get3A_309, %get3A_310] {strides = array<i32>} : memref<8x4096xf32, #tpu.memory_space<vmem>>, vector<1x16xf32>,
      %get3A_312 = vector.shape_cast %get3A_311 : vector<1x16xf32> to vector<16xf32>
      %add3A_313 = arith.addf %add3A_303, %get3A_312 : vector<16xf32>
      %mul3A_314 = arith.constant 128 : i32
      %mul3A_315 = arith.muli %scan3A_283, %mul3A_314 : i32
      %add3A_316 = arith.constant 48 : i32
      %add3A_317 = arith.addi %mul3A_315, %add3A_316 : i32
      %get3A_318 = arith.constant 1 : i32
      %get3A_319 = arith.index_cast %get3A_318 : i32 to index
      %get3A_320 = arith.index_cast %add3A_317 : i32 to index
      %get3A_321 = tpu.vector_load %arg5[%get3A_319, %get3A_320] {strides = array<i32>} : memref<8x4096xf32, #tpu.memory_space<vmem>>, vector<1x16xf32>,
      %get3A_322 = vector.shape_cast %get3A_321 : vector<1x16xf32> to vector<16xf32>
      %add3A_323 = arith.addf %add3A_313, %get3A_322 : vector<16xf32>
      %mul3A_324 = arith.constant 128 : i32
      %mul3A_325 = arith.muli %scan3A_283, %mul3A_324 : i32
      %add3A_326 = arith.constant 64 : i32
      %add3A_327 = arith.addi %mul3A_325, %add3A_326 : i32
      %get3A_328 = arith.constant 1 : i32
      %get3A_329 = arith.index_cast %get3A_328 : i32 to index
      %get3A_330 = arith.index_cast %add3A_327 : i32 to index
      %get3A_331 = tpu.vector_load %arg5[%get3A_329, %get3A_330] {strides = array<i32>} : memref<8x4096xf32, #tpu.memory_space<vmem>>, vector<1x16xf32>,
      %get3A_332 = vector.shape_cast %get3A_331 : vector<1x16xf32> to vector<16xf32>
      %add3A_333 = arith.addf %add3A_323, %get3A_332 : vector<16xf32>
      %mul3A_334 = arith.constant 128 : i32
      %mul3A_335 = arith.muli %scan3A_283, %mul3A_334 : i32
      %add3A_336 = arith.constant 80 : i32
      %add3A_337 = arith.addi %mul3A_335, %add3A_336 : i32
      %get3A_338 = arith.constant 1 : i32
      %get3A_339 = arith.index_cast %get3A_338 : i32 to index
      %get3A_340 = arith.index_cast %add3A_337 : i32 to index
      %get3A_341 = tpu.vector_load %arg5[%get3A_339, %get3A_340] {strides = array<i32>} : memref<8x4096xf32, #tpu.memory_space<vmem>>, vector<1x16xf32>,
      %get3A_342 = vector.shape_cast %get3A_341 : vector<1x16xf32> to vector<16xf32>
      %add3A_343 = arith.addf %add3A_333, %get3A_342 : vector<16xf32>
      %mul3A_344 = arith.constant 128 : i32
      %mul3A_345 = arith.muli %scan3A_283, %mul3A_344 : i32
      %add3A_346 = arith.constant 96 : i32
      %add3A_347 = arith.addi %mul3A_345, %add3A_346 : i32
      %get3A_348 = arith.constant 1 : i32
      %get3A_349 = arith.index_cast %get3A_348 : i32 to index
      %get3A_350 = arith.index_cast %add3A_347 : i32 to index
      %get3A_351 = tpu.vector_load %arg5[%get3A_349, %get3A_350] {strides = array<i32>} : memref<8x4096xf32, #tpu.memory_space<vmem>>, vector<1x16xf32>,
      %get3A_352 = vector.shape_cast %get3A_351 : vector<1x16xf32> to vector<16xf32>
      %add3A_353 = arith.addf %add3A_343, %get3A_352 : vector<16xf32>
      %mul3A_354 = arith.constant 128 : i32
      %mul3A_355 = arith.muli %scan3A_283, %mul3A_354 : i32
      %add3A_356 = arith.constant 112 : i32
      %add3A_357 = arith.addi %mul3A_355, %add3A_356 : i32
      %get3A_358 = arith.constant 1 : i32
      %get3A_359 = arith.index_cast %get3A_358 : i32 to index
      %get3A_360 = arith.index_cast %add3A_357 : i32 to index
      %get3A_361 = tpu.vector_load %arg5[%get3A_359, %get3A_360] {strides = array<i32>} : memref<8x4096xf32, #tpu.memory_space<vmem>>, vector<1x16xf32>,
      %get3A_362 = vector.shape_cast %get3A_361 : vector<1x16xf32> to vector<16xf32>
      %add3A_363 = arith.addf %add3A_353, %get3A_362 : vector<16xf32>
      scf.yield %add3A_363 : vector<16xf32>
    }
    %scan3A_44 = arith.constant 32 : i32
    %swap3A_45 = arith.constant 241 : i32
    %swap3A_46 = arith.index_cast %swap3A_45 : i32 to index
    %swap3A_47 = arith.constant 0 : index
    %swap3A_48 = tpu.vector_load %arg8[%swap3A_46, %swap3A_47] {strides = array<i32>} : memref<256x16xf32, #tpu.memory_space<vmem>>, vector<1x16xf32>,
    %swap3A_49 = vector.shape_cast %swap3A_48 : vector<1x16xf32> to vector<16xf32>
    %swap3A_50 = vector.shape_cast %scan3A_43 : vector<16xf32> to vector<1x16xf32>
    tpu.vector_store %arg8[%swap3A_46, %swap3A_47], %swap3A_50 {strides = array<i32>} : memref<256x16xf32, #tpu.memory_space<vmem>>, vector<1x16xf32>,
    %broadcast_in_dim3A_51 = arith.constant 0.000000e+00 : f32
    %broadcast_in_dim3A_52 = vector.broadcast %broadcast_in_dim3A_51 : f32 to vector<16xf32>
    %scan3A_53 = arith.constant 0 : i32
    %scan3A_54 = arith.constant 32 : i32
    %scan3A_55 = arith.addi %scan3A_53, %scan3A_54 : i32
    %scan3A_56 = arith.constant 1 : i32
    %scan3A_57 = scf.for %scan3A_283 = %scan3A_53 to %scan3A_55 step %scan3A_56 iter_args(%scan3A_284 = %broadcast_in_dim3A_52) -> (vector<16xf32>)  : i32 {
      %mul3A_285 = arith.constant 128 : i32
      %mul3A_286 = arith.muli %scan3A_283, %mul3A_285 : i32
      %add3A_287 = arith.constant 0 : i32
      %add3A_288 = arith.addi %mul3A_286, %add3A_287 : i32
      %get3A = arith.constant 2 : i32
      %get3A_289 = arith.index_cast %get3A : i32 to index
      %get3A_290 = arith.index_cast %add3A_288 : i32 to index
      %get3A_291 = tpu.vector_load %arg5[%get3A_289, %get3A_290] {strides = array<i32>} : memref<8x4096xf32, #tpu.memory_space<vmem>>, vector<1x16xf32>,
      %get3A_292 = vector.shape_cast %get3A_291 : vector<1x16xf32> to vector<16xf32>
      %add3A_293 = arith.addf %scan3A_284, %get3A_292 : vector<16xf32>
      %mul3A_294 = arith.constant 128 : i32
      %mul3A_295 = arith.muli %scan3A_283, %mul3A_294 : i32
      %add3A_296 = arith.constant 16 : i32
      %add3A_297 = arith.addi %mul3A_295, %add3A_296 : i32
      %get3A_298 = arith.constant 2 : i32
      %get3A_299 = arith.index_cast %get3A_298 : i32 to index
      %get3A_300 = arith.index_cast %add3A_297 : i32 to index
      %get3A_301 = tpu.vector_load %arg5[%get3A_299, %get3A_300] {strides = array<i32>} : memref<8x4096xf32, #tpu.memory_space<vmem>>, vector<1x16xf32>,
      %get3A_302 = vector.shape_cast %get3A_301 : vector<1x16xf32> to vector<16xf32>
      %add3A_303 = arith.addf %add3A_293, %get3A_302 : vector<16xf32>
      %mul3A_304 = arith.constant 128 : i32
      %mul3A_305 = arith.muli %scan3A_283, %mul3A_304 : i32
      %add3A_306 = arith.constant 32 : i32
      %add3A_307 = arith.addi %mul3A_305, %add3A_306 : i32
      %get3A_308 = arith.constant 2 : i32
      %get3A_309 = arith.index_cast %get3A_308 : i32 to index
      %get3A_310 = arith.index_cast %add3A_307 : i32 to index
      %get3A_311 = tpu.vector_load %arg5[%get3A_309, %get3A_310] {strides = array<i32>} : memref<8x4096xf32, #tpu.memory_space<vmem>>, vector<1x16xf32>,
      %get3A_312 = vector.shape_cast %get3A_311 : vector<1x16xf32> to vector<16xf32>
      %add3A_313 = arith.addf %add3A_303, %get3A_312 : vector<16xf32>
      %mul3A_314 = arith.constant 128 : i32
      %mul3A_315 = arith.muli %scan3A_283, %mul3A_314 : i32
      %add3A_316 = arith.constant 48 : i32
      %add3A_317 = arith.addi %mul3A_315, %add3A_316 : i32
      %get3A_318 = arith.constant 2 : i32
      %get3A_319 = arith.index_cast %get3A_318 : i32 to index
      %get3A_320 = arith.index_cast %add3A_317 : i32 to index
      %get3A_321 = tpu.vector_load %arg5[%get3A_319, %get3A_320] {strides = array<i32>} : memref<8x4096xf32, #tpu.memory_space<vmem>>, vector<1x16xf32>,
      %get3A_322 = vector.shape_cast %get3A_321 : vector<1x16xf32> to vector<16xf32>
      %add3A_323 = arith.addf %add3A_313, %get3A_322 : vector<16xf32>
      %mul3A_324 = arith.constant 128 : i32
      %mul3A_325 = arith.muli %scan3A_283, %mul3A_324 : i32
      %add3A_326 = arith.constant 64 : i32
      %add3A_327 = arith.addi %mul3A_325, %add3A_326 : i32
      %get3A_328 = arith.constant 2 : i32
      %get3A_329 = arith.index_cast %get3A_328 : i32 to index
      %get3A_330 = arith.index_cast %add3A_327 : i32 to index
      %get3A_331 = tpu.vector_load %arg5[%get3A_329, %get3A_330] {strides = array<i32>} : memref<8x4096xf32, #tpu.memory_space<vmem>>, vector<1x16xf32>,
      %get3A_332 = vector.shape_cast %get3A_331 : vector<1x16xf32> to vector<16xf32>
      %add3A_333 = arith.addf %add3A_323, %get3A_332 : vector<16xf32>
      %mul3A_334 = arith.constant 128 : i32
      %mul3A_335 = arith.muli %scan3A_283, %mul3A_334 : i32
      %add3A_336 = arith.constant 80 : i32
      %add3A_337 = arith.addi %mul3A_335, %add3A_336 : i32
      %get3A_338 = arith.constant 2 : i32
      %get3A_339 = arith.index_cast %get3A_338 : i32 to index
      %get3A_340 = arith.index_cast %add3A_337 : i32 to index
      %get3A_341 = tpu.vector_load %arg5[%get3A_339, %get3A_340] {strides = array<i32>} : memref<8x4096xf32, #tpu.memory_space<vmem>>, vector<1x16xf32>,
      %get3A_342 = vector.shape_cast %get3A_341 : vector<1x16xf32> to vector<16xf32>
      %add3A_343 = arith.addf %add3A_333, %get3A_342 : vector<16xf32>
      %mul3A_344 = arith.constant 128 : i32
      %mul3A_345 = arith.muli %scan3A_283, %mul3A_344 : i32
      %add3A_346 = arith.constant 96 : i32
      %add3A_347 = arith.addi %mul3A_345, %add3A_346 : i32
      %get3A_348 = arith.constant 2 : i32
      %get3A_349 = arith.index_cast %get3A_348 : i32 to index
      %get3A_350 = arith.index_cast %add3A_347 : i32 to index
      %get3A_351 = tpu.vector_load %arg5[%get3A_349, %get3A_350] {strides = array<i32>} : memref<8x4096xf32, #tpu.memory_space<vmem>>, vector<1x16xf32>,
      %get3A_352 = vector.shape_cast %get3A_351 : vector<1x16xf32> to vector<16xf32>
      %add3A_353 = arith.addf %add3A_343, %get3A_352 : vector<16xf32>
      %mul3A_354 = arith.constant 128 : i32
      %mul3A_355 = arith.muli %scan3A_283, %mul3A_354 : i32
      %add3A_356 = arith.constant 112 : i32
      %add3A_357 = arith.addi %mul3A_355, %add3A_356 : i32
      %get3A_358 = arith.constant 2 : i32
      %get3A_359 = arith.index_cast %get3A_358 : i32 to index
      %get3A_360 = arith.index_cast %add3A_357 : i32 to index
      %get3A_361 = tpu.vector_load %arg5[%get3A_359, %get3A_360] {strides = array<i32>} : memref<8x4096xf32, #tpu.memory_space<vmem>>, vector<1x16xf32>,
      %get3A_362 = vector.shape_cast %get3A_361 : vector<1x16xf32> to vector<16xf32>
      %add3A_363 = arith.addf %add3A_353, %get3A_362 : vector<16xf32>
      scf.yield %add3A_363 : vector<16xf32>
    }
    %scan3A_58 = arith.constant 32 : i32
    %swap3A_59 = arith.constant 242 : i32
    %swap3A_60 = arith.index_cast %swap3A_59 : i32 to index
    %swap3A_61 = arith.constant 0 : index
    %swap3A_62 = tpu.vector_load %arg8[%swap3A_60, %swap3A_61] {strides = array<i32>} : memref<256x16xf32, #tpu.memory_space<vmem>>, vector<1x16xf32>,
    %swap3A_63 = vector.shape_cast %swap3A_62 : vector<1x16xf32> to vector<16xf32>
    %swap3A_64 = vector.shape_cast %scan3A_57 : vector<16xf32> to vector<1x16xf32>
    tpu.vector_store %arg8[%swap3A_60, %swap3A_61], %swap3A_64 {strides = array<i32>} : memref<256x16xf32, #tpu.memory_space<vmem>>, vector<1x16xf32>,
    %broadcast_in_dim3A_65 = arith.constant 0.000000e+00 : f32
    %broadcast_in_dim3A_66 = vector.broadcast %broadcast_in_dim3A_65 : f32 to vector<16xf32>
    %scan3A_67 = arith.constant 0 : i32
    %scan3A_68 = arith.constant 32 : i32
    %scan3A_69 = arith.addi %scan3A_67, %scan3A_68 : i32
    %scan3A_70 = arith.constant 1 : i32
    %scan3A_71 = scf.for %scan3A_283 = %scan3A_67 to %scan3A_69 step %scan3A_70 iter_args(%scan3A_284 = %broadcast_in_dim3A_66) -> (vector<16xf32>)  : i32 {
      %mul3A_285 = arith.constant 128 : i32
      %mul3A_286 = arith.muli %scan3A_283, %mul3A_285 : i32
      %add3A_287 = arith.constant 0 : i32
      %add3A_288 = arith.addi %mul3A_286, %add3A_287 : i32
      %get3A = arith.constant 3 : i32
      %get3A_289 = arith.index_cast %get3A : i32 to index
      %get3A_290 = arith.index_cast %add3A_288 : i32 to index
      %get3A_291 = tpu.vector_load %arg5[%get3A_289, %get3A_290] {strides = array<i32>} : memref<8x4096xf32, #tpu.memory_space<vmem>>, vector<1x16xf32>,
      %get3A_292 = vector.shape_cast %get3A_291 : vector<1x16xf32> to vector<16xf32>
      %add3A_293 = arith.addf %scan3A_284, %get3A_292 : vector<16xf32>
      %mul3A_294 = arith.constant 128 : i32
      %mul3A_295 = arith.muli %scan3A_283, %mul3A_294 : i32
      %add3A_296 = arith.constant 16 : i32
      %add3A_297 = arith.addi %mul3A_295, %add3A_296 : i32
      %get3A_298 = arith.constant 3 : i32
      %get3A_299 = arith.index_cast %get3A_298 : i32 to index
      %get3A_300 = arith.index_cast %add3A_297 : i32 to index
      %get3A_301 = tpu.vector_load %arg5[%get3A_299, %get3A_300] {strides = array<i32>} : memref<8x4096xf32, #tpu.memory_space<vmem>>, vector<1x16xf32>,
      %get3A_302 = vector.shape_cast %get3A_301 : vector<1x16xf32> to vector<16xf32>
      %add3A_303 = arith.addf %add3A_293, %get3A_302 : vector<16xf32>
      %mul3A_304 = arith.constant 128 : i32
      %mul3A_305 = arith.muli %scan3A_283, %mul3A_304 : i32
      %add3A_306 = arith.constant 32 : i32
      %add3A_307 = arith.addi %mul3A_305, %add3A_306 : i32
      %get3A_308 = arith.constant 3 : i32
      %get3A_309 = arith.index_cast %get3A_308 : i32 to index
      %get3A_310 = arith.index_cast %add3A_307 : i32 to index
      %get3A_311 = tpu.vector_load %arg5[%get3A_309, %get3A_310] {strides = array<i32>} : memref<8x4096xf32, #tpu.memory_space<vmem>>, vector<1x16xf32>,
      %get3A_312 = vector.shape_cast %get3A_311 : vector<1x16xf32> to vector<16xf32>
      %add3A_313 = arith.addf %add3A_303, %get3A_312 : vector<16xf32>
      %mul3A_314 = arith.constant 128 : i32
      %mul3A_315 = arith.muli %scan3A_283, %mul3A_314 : i32
      %add3A_316 = arith.constant 48 : i32
      %add3A_317 = arith.addi %mul3A_315, %add3A_316 : i32
      %get3A_318 = arith.constant 3 : i32
      %get3A_319 = arith.index_cast %get3A_318 : i32 to index
      %get3A_320 = arith.index_cast %add3A_317 : i32 to index
      %get3A_321 = tpu.vector_load %arg5[%get3A_319, %get3A_320] {strides = array<i32>} : memref<8x4096xf32, #tpu.memory_space<vmem>>, vector<1x16xf32>,
      %get3A_322 = vector.shape_cast %get3A_321 : vector<1x16xf32> to vector<16xf32>
      %add3A_323 = arith.addf %add3A_313, %get3A_322 : vector<16xf32>
      %mul3A_324 = arith.constant 128 : i32
      %mul3A_325 = arith.muli %scan3A_283, %mul3A_324 : i32
      %add3A_326 = arith.constant 64 : i32
      %add3A_327 = arith.addi %mul3A_325, %add3A_326 : i32
      %get3A_328 = arith.constant 3 : i32
      %get3A_329 = arith.index_cast %get3A_328 : i32 to index
      %get3A_330 = arith.index_cast %add3A_327 : i32 to index
      %get3A_331 = tpu.vector_load %arg5[%get3A_329, %get3A_330] {strides = array<i32>} : memref<8x4096xf32, #tpu.memory_space<vmem>>, vector<1x16xf32>,
      %get3A_332 = vector.shape_cast %get3A_331 : vector<1x16xf32> to vector<16xf32>
      %add3A_333 = arith.addf %add3A_323, %get3A_332 : vector<16xf32>
      %mul3A_334 = arith.constant 128 : i32
      %mul3A_335 = arith.muli %scan3A_283, %mul3A_334 : i32
      %add3A_336 = arith.constant 80 : i32
      %add3A_337 = arith.addi %mul3A_335, %add3A_336 : i32
      %get3A_338 = arith.constant 3 : i32
      %get3A_339 = arith.index_cast %get3A_338 : i32 to index
      %get3A_340 = arith.index_cast %add3A_337 : i32 to index
      %get3A_341 = tpu.vector_load %arg5[%get3A_339, %get3A_340] {strides = array<i32>} : memref<8x4096xf32, #tpu.memory_space<vmem>>, vector<1x16xf32>,
      %get3A_342 = vector.shape_cast %get3A_341 : vector<1x16xf32> to vector<16xf32>
      %add3A_343 = arith.addf %add3A_333, %get3A_342 : vector<16xf32>
      %mul3A_344 = arith.constant 128 : i32
      %mul3A_345 = arith.muli %scan3A_283, %mul3A_344 : i32
      %add3A_346 = arith.constant 96 : i32
      %add3A_347 = arith.addi %mul3A_345, %add3A_346 : i32
      %get3A_348 = arith.constant 3 : i32
      %get3A_349 = arith.index_cast %get3A_348 : i32 to index
      %get3A_350 = arith.index_cast %add3A_347 : i32 to index
      %get3A_351 = tpu.vector_load %arg5[%get3A_349, %get3A_350] {strides = array<i32>} : memref<8x4096xf32, #tpu.memory_space<vmem>>, vector<1x16xf32>,
      %get3A_352 = vector.shape_cast %get3A_351 : vector<1x16xf32> to vector<16xf32>
      %add3A_353 = arith.addf %add3A_343, %get3A_352 : vector<16xf32>
      %mul3A_354 = arith.constant 128 : i32
      %mul3A_355 = arith.muli %scan3A_283, %mul3A_354 : i32
      %add3A_356 = arith.constant 112 : i32
      %add3A_357 = arith.addi %mul3A_355, %add3A_356 : i32
      %get3A_358 = arith.constant 3 : i32
      %get3A_359 = arith.index_cast %get3A_358 : i32 to index
      %get3A_360 = arith.index_cast %add3A_357 : i32 to index
      %get3A_361 = tpu.vector_load %arg5[%get3A_359, %get3A_360] {strides = array<i32>} : memref<8x4096xf32, #tpu.memory_space<vmem>>, vector<1x16xf32>,
      %get3A_362 = vector.shape_cast %get3A_361 : vector<1x16xf32> to vector<16xf32>
      %add3A_363 = arith.addf %add3A_353, %get3A_362 : vector<16xf32>
      scf.yield %add3A_363 : vector<16xf32>
    }
    %scan3A_72 = arith.constant 32 : i32
    %swap3A_73 = arith.constant 243 : i32
    %swap3A_74 = arith.index_cast %swap3A_73 : i32 to index
    %swap3A_75 = arith.constant 0 : index
    %swap3A_76 = tpu.vector_load %arg8[%swap3A_74, %swap3A_75] {strides = array<i32>} : memref<256x16xf32, #tpu.memory_space<vmem>>, vector<1x16xf32>,
    %swap3A_77 = vector.shape_cast %swap3A_76 : vector<1x16xf32> to vector<16xf32>
    %swap3A_78 = vector.shape_cast %scan3A_71 : vector<16xf32> to vector<1x16xf32>
    tpu.vector_store %arg8[%swap3A_74, %swap3A_75], %swap3A_78 {strides = array<i32>} : memref<256x16xf32, #tpu.memory_space<vmem>>, vector<1x16xf32>,
    %broadcast_in_dim3A_79 = arith.constant 0.000000e+00 : f32
    %broadcast_in_dim3A_80 = vector.broadcast %broadcast_in_dim3A_79 : f32 to vector<16xf32>
    %scan3A_81 = arith.constant 0 : i32
    %scan3A_82 = arith.constant 32 : i32
    %scan3A_83 = arith.addi %scan3A_81, %scan3A_82 : i32
    %scan3A_84 = arith.constant 1 : i32
    %scan3A_85 = scf.for %scan3A_283 = %scan3A_81 to %scan3A_83 step %scan3A_84 iter_args(%scan3A_284 = %broadcast_in_dim3A_80) -> (vector<16xf32>)  : i32 {
      %mul3A_285 = arith.constant 128 : i32
      %mul3A_286 = arith.muli %scan3A_283, %mul3A_285 : i32
      %add3A_287 = arith.constant 0 : i32
      %add3A_288 = arith.addi %mul3A_286, %add3A_287 : i32
      %get3A = arith.constant 4 : i32
      %get3A_289 = arith.index_cast %get3A : i32 to index
      %get3A_290 = arith.index_cast %add3A_288 : i32 to index
      %get3A_291 = tpu.vector_load %arg5[%get3A_289, %get3A_290] {strides = array<i32>} : memref<8x4096xf32, #tpu.memory_space<vmem>>, vector<1x16xf32>,
      %get3A_292 = vector.shape_cast %get3A_291 : vector<1x16xf32> to vector<16xf32>
      %add3A_293 = arith.addf %scan3A_284, %get3A_292 : vector<16xf32>
      %mul3A_294 = arith.constant 128 : i32
      %mul3A_295 = arith.muli %scan3A_283, %mul3A_294 : i32
      %add3A_296 = arith.constant 16 : i32
      %add3A_297 = arith.addi %mul3A_295, %add3A_296 : i32
      %get3A_298 = arith.constant 4 : i32
      %get3A_299 = arith.index_cast %get3A_298 : i32 to index
      %get3A_300 = arith.index_cast %add3A_297 : i32 to index
      %get3A_301 = tpu.vector_load %arg5[%get3A_299, %get3A_300] {strides = array<i32>} : memref<8x4096xf32, #tpu.memory_space<vmem>>, vector<1x16xf32>,
      %get3A_302 = vector.shape_cast %get3A_301 : vector<1x16xf32> to vector<16xf32>
      %add3A_303 = arith.addf %add3A_293, %get3A_302 : vector<16xf32>
      %mul3A_304 = arith.constant 128 : i32
      %mul3A_305 = arith.muli %scan3A_283, %mul3A_304 : i32
      %add3A_306 = arith.constant 32 : i32
      %add3A_307 = arith.addi %mul3A_305, %add3A_306 : i32
      %get3A_308 = arith.constant 4 : i32
      %get3A_309 = arith.index_cast %get3A_308 : i32 to index
      %get3A_310 = arith.index_cast %add3A_307 : i32 to index
      %get3A_311 = tpu.vector_load %arg5[%get3A_309, %get3A_310] {strides = array<i32>} : memref<8x4096xf32, #tpu.memory_space<vmem>>, vector<1x16xf32>,
      %get3A_312 = vector.shape_cast %get3A_311 : vector<1x16xf32> to vector<16xf32>
      %add3A_313 = arith.addf %add3A_303, %get3A_312 : vector<16xf32>
      %mul3A_314 = arith.constant 128 : i32
      %mul3A_315 = arith.muli %scan3A_283, %mul3A_314 : i32
      %add3A_316 = arith.constant 48 : i32
      %add3A_317 = arith.addi %mul3A_315, %add3A_316 : i32
      %get3A_318 = arith.constant 4 : i32
      %get3A_319 = arith.index_cast %get3A_318 : i32 to index
      %get3A_320 = arith.index_cast %add3A_317 : i32 to index
      %get3A_321 = tpu.vector_load %arg5[%get3A_319, %get3A_320] {strides = array<i32>} : memref<8x4096xf32, #tpu.memory_space<vmem>>, vector<1x16xf32>,
      %get3A_322 = vector.shape_cast %get3A_321 : vector<1x16xf32> to vector<16xf32>
      %add3A_323 = arith.addf %add3A_313, %get3A_322 : vector<16xf32>
      %mul3A_324 = arith.constant 128 : i32
      %mul3A_325 = arith.muli %scan3A_283, %mul3A_324 : i32
      %add3A_326 = arith.constant 64 : i32
      %add3A_327 = arith.addi %mul3A_325, %add3A_326 : i32
      %get3A_328 = arith.constant 4 : i32
      %get3A_329 = arith.index_cast %get3A_328 : i32 to index
      %get3A_330 = arith.index_cast %add3A_327 : i32 to index
      %get3A_331 = tpu.vector_load %arg5[%get3A_329, %get3A_330] {strides = array<i32>} : memref<8x4096xf32, #tpu.memory_space<vmem>>, vector<1x16xf32>,
      %get3A_332 = vector.shape_cast %get3A_331 : vector<1x16xf32> to vector<16xf32>
      %add3A_333 = arith.addf %add3A_323, %get3A_332 : vector<16xf32>
      %mul3A_334 = arith.constant 128 : i32
      %mul3A_335 = arith.muli %scan3A_283, %mul3A_334 : i32
      %add3A_336 = arith.constant 80 : i32
      %add3A_337 = arith.addi %mul3A_335, %add3A_336 : i32
      %get3A_338 = arith.constant 4 : i32
      %get3A_339 = arith.index_cast %get3A_338 : i32 to index
      %get3A_340 = arith.index_cast %add3A_337 : i32 to index
      %get3A_341 = tpu.vector_load %arg5[%get3A_339, %get3A_340] {strides = array<i32>} : memref<8x4096xf32, #tpu.memory_space<vmem>>, vector<1x16xf32>,
      %get3A_342 = vector.shape_cast %get3A_341 : vector<1x16xf32> to vector<16xf32>
      %add3A_343 = arith.addf %add3A_333, %get3A_342 : vector<16xf32>
      %mul3A_344 = arith.constant 128 : i32
      %mul3A_345 = arith.muli %scan3A_283, %mul3A_344 : i32
      %add3A_346 = arith.constant 96 : i32
      %add3A_347 = arith.addi %mul3A_345, %add3A_346 : i32
      %get3A_348 = arith.constant 4 : i32
      %get3A_349 = arith.index_cast %get3A_348 : i32 to index
      %get3A_350 = arith.index_cast %add3A_347 : i32 to index
      %get3A_351 = tpu.vector_load %arg5[%get3A_349, %get3A_350] {strides = array<i32>} : memref<8x4096xf32, #tpu.memory_space<vmem>>, vector<1x16xf32>,
      %get3A_352 = vector.shape_cast %get3A_351 : vector<1x16xf32> to vector<16xf32>
      %add3A_353 = arith.addf %add3A_343, %get3A_352 : vector<16xf32>
      %mul3A_354 = arith.constant 128 : i32
      %mul3A_355 = arith.muli %scan3A_283, %mul3A_354 : i32
      %add3A_356 = arith.constant 112 : i32
      %add3A_357 = arith.addi %mul3A_355, %add3A_356 : i32
      %get3A_358 = arith.constant 4 : i32
      %get3A_359 = arith.index_cast %get3A_358 : i32 to index
      %get3A_360 = arith.index_cast %add3A_357 : i32 to index
      %get3A_361 = tpu.vector_load %arg5[%get3A_359, %get3A_360] {strides = array<i32>} : memref<8x4096xf32, #tpu.memory_space<vmem>>, vector<1x16xf32>,
      %get3A_362 = vector.shape_cast %get3A_361 : vector<1x16xf32> to vector<16xf32>
      %add3A_363 = arith.addf %add3A_353, %get3A_362 : vector<16xf32>
      scf.yield %add3A_363 : vector<16xf32>
    }
    %scan3A_86 = arith.constant 32 : i32
    %swap3A_87 = arith.constant 244 : i32
    %swap3A_88 = arith.index_cast %swap3A_87 : i32 to index
    %swap3A_89 = arith.constant 0 : index
    %swap3A_90 = tpu.vector_load %arg8[%swap3A_88, %swap3A_89] {strides = array<i32>} : memref<256x16xf32, #tpu.memory_space<vmem>>, vector<1x16xf32>,
    %swap3A_91 = vector.shape_cast %swap3A_90 : vector<1x16xf32> to vector<16xf32>
    %swap3A_92 = vector.shape_cast %scan3A_85 : vector<16xf32> to vector<1x16xf32>
    tpu.vector_store %arg8[%swap3A_88, %swap3A_89], %swap3A_92 {strides = array<i32>} : memref<256x16xf32, #tpu.memory_space<vmem>>, vector<1x16xf32>,
    %broadcast_in_dim3A_93 = arith.constant 0.000000e+00 : f32
    %broadcast_in_dim3A_94 = vector.broadcast %broadcast_in_dim3A_93 : f32 to vector<16xf32>
    %scan3A_95 = arith.constant 0 : i32
    %scan3A_96 = arith.constant 32 : i32
    %scan3A_97 = arith.addi %scan3A_95, %scan3A_96 : i32
    %scan3A_98 = arith.constant 1 : i32
    %scan3A_99 = scf.for %scan3A_283 = %scan3A_95 to %scan3A_97 step %scan3A_98 iter_args(%scan3A_284 = %broadcast_in_dim3A_94) -> (vector<16xf32>)  : i32 {
      %mul3A_285 = arith.constant 128 : i32
      %mul3A_286 = arith.muli %scan3A_283, %mul3A_285 : i32
      %add3A_287 = arith.constant 0 : i32
      %add3A_288 = arith.addi %mul3A_286, %add3A_287 : i32
      %get3A = arith.constant 5 : i32
      %get3A_289 = arith.index_cast %get3A : i32 to index
      %get3A_290 = arith.index_cast %add3A_288 : i32 to index
      %get3A_291 = tpu.vector_load %arg5[%get3A_289, %get3A_290] {strides = array<i32>} : memref<8x4096xf32, #tpu.memory_space<vmem>>, vector<1x16xf32>,
      %get3A_292 = vector.shape_cast %get3A_291 : vector<1x16xf32> to vector<16xf32>
      %add3A_293 = arith.addf %scan3A_284, %get3A_292 : vector<16xf32>
      %mul3A_294 = arith.constant 128 : i32
      %mul3A_295 = arith.muli %scan3A_283, %mul3A_294 : i32
      %add3A_296 = arith.constant 16 : i32
      %add3A_297 = arith.addi %mul3A_295, %add3A_296 : i32
      %get3A_298 = arith.constant 5 : i32
      %get3A_299 = arith.index_cast %get3A_298 : i32 to index
      %get3A_300 = arith.index_cast %add3A_297 : i32 to index
      %get3A_301 = tpu.vector_load %arg5[%get3A_299, %get3A_300] {strides = array<i32>} : memref<8x4096xf32, #tpu.memory_space<vmem>>, vector<1x16xf32>,
      %get3A_302 = vector.shape_cast %get3A_301 : vector<1x16xf32> to vector<16xf32>
      %add3A_303 = arith.addf %add3A_293, %get3A_302 : vector<16xf32>
      %mul3A_304 = arith.constant 128 : i32
      %mul3A_305 = arith.muli %scan3A_283, %mul3A_304 : i32
      %add3A_306 = arith.constant 32 : i32
      %add3A_307 = arith.addi %mul3A_305, %add3A_306 : i32
      %get3A_308 = arith.constant 5 : i32
      %get3A_309 = arith.index_cast %get3A_308 : i32 to index
      %get3A_310 = arith.index_cast %add3A_307 : i32 to index
      %get3A_311 = tpu.vector_load %arg5[%get3A_309, %get3A_310] {strides = array<i32>} : memref<8x4096xf32, #tpu.memory_space<vmem>>, vector<1x16xf32>,
      %get3A_312 = vector.shape_cast %get3A_311 : vector<1x16xf32> to vector<16xf32>
      %add3A_313 = arith.addf %add3A_303, %get3A_312 : vector<16xf32>
      %mul3A_314 = arith.constant 128 : i32
      %mul3A_315 = arith.muli %scan3A_283, %mul3A_314 : i32
      %add3A_316 = arith.constant 48 : i32
      %add3A_317 = arith.addi %mul3A_315, %add3A_316 : i32
      %get3A_318 = arith.constant 5 : i32
      %get3A_319 = arith.index_cast %get3A_318 : i32 to index
      %get3A_320 = arith.index_cast %add3A_317 : i32 to index
      %get3A_321 = tpu.vector_load %arg5[%get3A_319, %get3A_320] {strides = array<i32>} : memref<8x4096xf32, #tpu.memory_space<vmem>>, vector<1x16xf32>,
      %get3A_322 = vector.shape_cast %get3A_321 : vector<1x16xf32> to vector<16xf32>
      %add3A_323 = arith.addf %add3A_313, %get3A_322 : vector<16xf32>
      %mul3A_324 = arith.constant 128 : i32
      %mul3A_325 = arith.muli %scan3A_283, %mul3A_324 : i32
      %add3A_326 = arith.constant 64 : i32
      %add3A_327 = arith.addi %mul3A_325, %add3A_326 : i32
      %get3A_328 = arith.constant 5 : i32
      %get3A_329 = arith.index_cast %get3A_328 : i32 to index
      %get3A_330 = arith.index_cast %add3A_327 : i32 to index
      %get3A_331 = tpu.vector_load %arg5[%get3A_329, %get3A_330] {strides = array<i32>} : memref<8x4096xf32, #tpu.memory_space<vmem>>, vector<1x16xf32>,
      %get3A_332 = vector.shape_cast %get3A_331 : vector<1x16xf32> to vector<16xf32>
      %add3A_333 = arith.addf %add3A_323, %get3A_332 : vector<16xf32>
      %mul3A_334 = arith.constant 128 : i32
      %mul3A_335 = arith.muli %scan3A_283, %mul3A_334 : i32
      %add3A_336 = arith.constant 80 : i32
      %add3A_337 = arith.addi %mul3A_335, %add3A_336 : i32
      %get3A_338 = arith.constant 5 : i32
      %get3A_339 = arith.index_cast %get3A_338 : i32 to index
      %get3A_340 = arith.index_cast %add3A_337 : i32 to index
      %get3A_341 = tpu.vector_load %arg5[%get3A_339, %get3A_340] {strides = array<i32>} : memref<8x4096xf32, #tpu.memory_space<vmem>>, vector<1x16xf32>,
      %get3A_342 = vector.shape_cast %get3A_341 : vector<1x16xf32> to vector<16xf32>
      %add3A_343 = arith.addf %add3A_333, %get3A_342 : vector<16xf32>
      %mul3A_344 = arith.constant 128 : i32
      %mul3A_345 = arith.muli %scan3A_283, %mul3A_344 : i32
      %add3A_346 = arith.constant 96 : i32
      %add3A_347 = arith.addi %mul3A_345, %add3A_346 : i32
      %get3A_348 = arith.constant 5 : i32
      %get3A_349 = arith.index_cast %get3A_348 : i32 to index
      %get3A_350 = arith.index_cast %add3A_347 : i32 to index
      %get3A_351 = tpu.vector_load %arg5[%get3A_349, %get3A_350] {strides = array<i32>} : memref<8x4096xf32, #tpu.memory_space<vmem>>, vector<1x16xf32>,
      %get3A_352 = vector.shape_cast %get3A_351 : vector<1x16xf32> to vector<16xf32>
      %add3A_353 = arith.addf %add3A_343, %get3A_352 : vector<16xf32>
      %mul3A_354 = arith.constant 128 : i32
      %mul3A_355 = arith.muli %scan3A_283, %mul3A_354 : i32
      %add3A_356 = arith.constant 112 : i32
      %add3A_357 = arith.addi %mul3A_355, %add3A_356 : i32
      %get3A_358 = arith.constant 5 : i32
      %get3A_359 = arith.index_cast %get3A_358 : i32 to index
      %get3A_360 = arith.index_cast %add3A_357 : i32 to index
      %get3A_361 = tpu.vector_load %arg5[%get3A_359, %get3A_360] {strides = array<i32>} : memref<8x4096xf32, #tpu.memory_space<vmem>>, vector<1x16xf32>,
      %get3A_362 = vector.shape_cast %get3A_361 : vector<1x16xf32> to vector<16xf32>
      %add3A_363 = arith.addf %add3A_353, %get3A_362 : vector<16xf32>
      scf.yield %add3A_363 : vector<16xf32>
    }
    %scan3A_100 = arith.constant 32 : i32
    %swap3A_101 = arith.constant 245 : i32
    %swap3A_102 = arith.index_cast %swap3A_101 : i32 to index
    %swap3A_103 = arith.constant 0 : index
    %swap3A_104 = tpu.vector_load %arg8[%swap3A_102, %swap3A_103] {strides = array<i32>} : memref<256x16xf32, #tpu.memory_space<vmem>>, vector<1x16xf32>,
    %swap3A_105 = vector.shape_cast %swap3A_104 : vector<1x16xf32> to vector<16xf32>
    %swap3A_106 = vector.shape_cast %scan3A_99 : vector<16xf32> to vector<1x16xf32>
    tpu.vector_store %arg8[%swap3A_102, %swap3A_103], %swap3A_106 {strides = array<i32>} : memref<256x16xf32, #tpu.memory_space<vmem>>, vector<1x16xf32>,
    %broadcast_in_dim3A_107 = arith.constant 0.000000e+00 : f32
    %broadcast_in_dim3A_108 = vector.broadcast %broadcast_in_dim3A_107 : f32 to vector<16xf32>
    %scan3A_109 = arith.constant 0 : i32
    %scan3A_110 = arith.constant 32 : i32
    %scan3A_111 = arith.addi %scan3A_109, %scan3A_110 : i32
    %scan3A_112 = arith.constant 1 : i32
    %scan3A_113 = scf.for %scan3A_283 = %scan3A_109 to %scan3A_111 step %scan3A_112 iter_args(%scan3A_284 = %broadcast_in_dim3A_108) -> (vector<16xf32>)  : i32 {
      %mul3A_285 = arith.constant 128 : i32
      %mul3A_286 = arith.muli %scan3A_283, %mul3A_285 : i32
      %add3A_287 = arith.constant 0 : i32
      %add3A_288 = arith.addi %mul3A_286, %add3A_287 : i32
      %get3A = arith.constant 6 : i32
      %get3A_289 = arith.index_cast %get3A : i32 to index
      %get3A_290 = arith.index_cast %add3A_288 : i32 to index
      %get3A_291 = tpu.vector_load %arg5[%get3A_289, %get3A_290] {strides = array<i32>} : memref<8x4096xf32, #tpu.memory_space<vmem>>, vector<1x16xf32>,
      %get3A_292 = vector.shape_cast %get3A_291 : vector<1x16xf32> to vector<16xf32>
      %add3A_293 = arith.addf %scan3A_284, %get3A_292 : vector<16xf32>
      %mul3A_294 = arith.constant 128 : i32
      %mul3A_295 = arith.muli %scan3A_283, %mul3A_294 : i32
      %add3A_296 = arith.constant 16 : i32
      %add3A_297 = arith.addi %mul3A_295, %add3A_296 : i32
      %get3A_298 = arith.constant 6 : i32
      %get3A_299 = arith.index_cast %get3A_298 : i32 to index
      %get3A_300 = arith.index_cast %add3A_297 : i32 to index
      %get3A_301 = tpu.vector_load %arg5[%get3A_299, %get3A_300] {strides = array<i32>} : memref<8x4096xf32, #tpu.memory_space<vmem>>, vector<1x16xf32>,
      %get3A_302 = vector.shape_cast %get3A_301 : vector<1x16xf32> to vector<16xf32>
      %add3A_303 = arith.addf %add3A_293, %get3A_302 : vector<16xf32>
      %mul3A_304 = arith.constant 128 : i32
      %mul3A_305 = arith.muli %scan3A_283, %mul3A_304 : i32
      %add3A_306 = arith.constant 32 : i32
      %add3A_307 = arith.addi %mul3A_305, %add3A_306 : i32
      %get3A_308 = arith.constant 6 : i32
      %get3A_309 = arith.index_cast %get3A_308 : i32 to index
      %get3A_310 = arith.index_cast %add3A_307 : i32 to index
      %get3A_311 = tpu.vector_load %arg5[%get3A_309, %get3A_310] {strides = array<i32>} : memref<8x4096xf32, #tpu.memory_space<vmem>>, vector<1x16xf32>,
      %get3A_312 = vector.shape_cast %get3A_311 : vector<1x16xf32> to vector<16xf32>
      %add3A_313 = arith.addf %add3A_303, %get3A_312 : vector<16xf32>
      %mul3A_314 = arith.constant 128 : i32
      %mul3A_315 = arith.muli %scan3A_283, %mul3A_314 : i32
      %add3A_316 = arith.constant 48 : i32
      %add3A_317 = arith.addi %mul3A_315, %add3A_316 : i32
      %get3A_318 = arith.constant 6 : i32
      %get3A_319 = arith.index_cast %get3A_318 : i32 to index
      %get3A_320 = arith.index_cast %add3A_317 : i32 to index
      %get3A_321 = tpu.vector_load %arg5[%get3A_319, %get3A_320] {strides = array<i32>} : memref<8x4096xf32, #tpu.memory_space<vmem>>, vector<1x16xf32>,
      %get3A_322 = vector.shape_cast %get3A_321 : vector<1x16xf32> to vector<16xf32>
      %add3A_323 = arith.addf %add3A_313, %get3A_322 : vector<16xf32>
      %mul3A_324 = arith.constant 128 : i32
      %mul3A_325 = arith.muli %scan3A_283, %mul3A_324 : i32
      %add3A_326 = arith.constant 64 : i32
      %add3A_327 = arith.addi %mul3A_325, %add3A_326 : i32
      %get3A_328 = arith.constant 6 : i32
      %get3A_329 = arith.index_cast %get3A_328 : i32 to index
      %get3A_330 = arith.index_cast %add3A_327 : i32 to index
      %get3A_331 = tpu.vector_load %arg5[%get3A_329, %get3A_330] {strides = array<i32>} : memref<8x4096xf32, #tpu.memory_space<vmem>>, vector<1x16xf32>,
      %get3A_332 = vector.shape_cast %get3A_331 : vector<1x16xf32> to vector<16xf32>
      %add3A_333 = arith.addf %add3A_323, %get3A_332 : vector<16xf32>
      %mul3A_334 = arith.constant 128 : i32
      %mul3A_335 = arith.muli %scan3A_283, %mul3A_334 : i32
      %add3A_336 = arith.constant 80 : i32
      %add3A_337 = arith.addi %mul3A_335, %add3A_336 : i32
      %get3A_338 = arith.constant 6 : i32
      %get3A_339 = arith.index_cast %get3A_338 : i32 to index
      %get3A_340 = arith.index_cast %add3A_337 : i32 to index
      %get3A_341 = tpu.vector_load %arg5[%get3A_339, %get3A_340] {strides = array<i32>} : memref<8x4096xf32, #tpu.memory_space<vmem>>, vector<1x16xf32>,
      %get3A_342 = vector.shape_cast %get3A_341 : vector<1x16xf32> to vector<16xf32>
      %add3A_343 = arith.addf %add3A_333, %get3A_342 : vector<16xf32>
      %mul3A_344 = arith.constant 128 : i32
      %mul3A_345 = arith.muli %scan3A_283, %mul3A_344 : i32
      %add3A_346 = arith.constant 96 : i32
      %add3A_347 = arith.addi %mul3A_345, %add3A_346 : i32
      %get3A_348 = arith.constant 6 : i32
      %get3A_349 = arith.index_cast %get3A_348 : i32 to index
      %get3A_350 = arith.index_cast %add3A_347 : i32 to index
      %get3A_351 = tpu.vector_load %arg5[%get3A_349, %get3A_350] {strides = array<i32>} : memref<8x4096xf32, #tpu.memory_space<vmem>>, vector<1x16xf32>,
      %get3A_352 = vector.shape_cast %get3A_351 : vector<1x16xf32> to vector<16xf32>
      %add3A_353 = arith.addf %add3A_343, %get3A_352 : vector<16xf32>
      %mul3A_354 = arith.constant 128 : i32
      %mul3A_355 = arith.muli %scan3A_283, %mul3A_354 : i32
      %add3A_356 = arith.constant 112 : i32
      %add3A_357 = arith.addi %mul3A_355, %add3A_356 : i32
      %get3A_358 = arith.constant 6 : i32
      %get3A_359 = arith.index_cast %get3A_358 : i32 to index
      %get3A_360 = arith.index_cast %add3A_357 : i32 to index
      %get3A_361 = tpu.vector_load %arg5[%get3A_359, %get3A_360] {strides = array<i32>} : memref<8x4096xf32, #tpu.memory_space<vmem>>, vector<1x16xf32>,
      %get3A_362 = vector.shape_cast %get3A_361 : vector<1x16xf32> to vector<16xf32>
      %add3A_363 = arith.addf %add3A_353, %get3A_362 : vector<16xf32>
      scf.yield %add3A_363 : vector<16xf32>
    }
    %scan3A_114 = arith.constant 32 : i32
    %swap3A_115 = arith.constant 246 : i32
    %swap3A_116 = arith.index_cast %swap3A_115 : i32 to index
    %swap3A_117 = arith.constant 0 : index
    %swap3A_118 = tpu.vector_load %arg8[%swap3A_116, %swap3A_117] {strides = array<i32>} : memref<256x16xf32, #tpu.memory_space<vmem>>, vector<1x16xf32>,
    %swap3A_119 = vector.shape_cast %swap3A_118 : vector<1x16xf32> to vector<16xf32>
    %swap3A_120 = vector.shape_cast %scan3A_113 : vector<16xf32> to vector<1x16xf32>
    tpu.vector_store %arg8[%swap3A_116, %swap3A_117], %swap3A_120 {strides = array<i32>} : memref<256x16xf32, #tpu.memory_space<vmem>>, vector<1x16xf32>,
    %broadcast_in_dim3A_121 = arith.constant 0.000000e+00 : f32
    %broadcast_in_dim3A_122 = vector.broadcast %broadcast_in_dim3A_121 : f32 to vector<16xf32>
    %scan3A_123 = arith.constant 0 : i32
    %scan3A_124 = arith.constant 32 : i32
    %scan3A_125 = arith.addi %scan3A_123, %scan3A_124 : i32
    %scan3A_126 = arith.constant 1 : i32
    %scan3A_127 = scf.for %scan3A_283 = %scan3A_123 to %scan3A_125 step %scan3A_126 iter_args(%scan3A_284 = %broadcast_in_dim3A_122) -> (vector<16xf32>)  : i32 {
      %mul3A_285 = arith.constant 128 : i32
      %mul3A_286 = arith.muli %scan3A_283, %mul3A_285 : i32
      %add3A_287 = arith.constant 0 : i32
      %add3A_288 = arith.addi %mul3A_286, %add3A_287 : i32
      %get3A = arith.constant 7 : i32
      %get3A_289 = arith.index_cast %get3A : i32 to index
      %get3A_290 = arith.index_cast %add3A_288 : i32 to index
      %get3A_291 = tpu.vector_load %arg5[%get3A_289, %get3A_290] {strides = array<i32>} : memref<8x4096xf32, #tpu.memory_space<vmem>>, vector<1x16xf32>,
      %get3A_292 = vector.shape_cast %get3A_291 : vector<1x16xf32> to vector<16xf32>
      %add3A_293 = arith.addf %scan3A_284, %get3A_292 : vector<16xf32>
      %mul3A_294 = arith.constant 128 : i32
      %mul3A_295 = arith.muli %scan3A_283, %mul3A_294 : i32
      %add3A_296 = arith.constant 16 : i32
      %add3A_297 = arith.addi %mul3A_295, %add3A_296 : i32
      %get3A_298 = arith.constant 7 : i32
      %get3A_299 = arith.index_cast %get3A_298 : i32 to index
      %get3A_300 = arith.index_cast %add3A_297 : i32 to index
      %get3A_301 = tpu.vector_load %arg5[%get3A_299, %get3A_300] {strides = array<i32>} : memref<8x4096xf32, #tpu.memory_space<vmem>>, vector<1x16xf32>,
      %get3A_302 = vector.shape_cast %get3A_301 : vector<1x16xf32> to vector<16xf32>
      %add3A_303 = arith.addf %add3A_293, %get3A_302 : vector<16xf32>
      %mul3A_304 = arith.constant 128 : i32
      %mul3A_305 = arith.muli %scan3A_283, %mul3A_304 : i32
      %add3A_306 = arith.constant 32 : i32
      %add3A_307 = arith.addi %mul3A_305, %add3A_306 : i32
      %get3A_308 = arith.constant 7 : i32
      %get3A_309 = arith.index_cast %get3A_308 : i32 to index
      %get3A_310 = arith.index_cast %add3A_307 : i32 to index
      %get3A_311 = tpu.vector_load %arg5[%get3A_309, %get3A_310] {strides = array<i32>} : memref<8x4096xf32, #tpu.memory_space<vmem>>, vector<1x16xf32>,
      %get3A_312 = vector.shape_cast %get3A_311 : vector<1x16xf32> to vector<16xf32>
      %add3A_313 = arith.addf %add3A_303, %get3A_312 : vector<16xf32>
      %mul3A_314 = arith.constant 128 : i32
      %mul3A_315 = arith.muli %scan3A_283, %mul3A_314 : i32
      %add3A_316 = arith.constant 48 : i32
      %add3A_317 = arith.addi %mul3A_315, %add3A_316 : i32
      %get3A_318 = arith.constant 7 : i32
      %get3A_319 = arith.index_cast %get3A_318 : i32 to index
      %get3A_320 = arith.index_cast %add3A_317 : i32 to index
      %get3A_321 = tpu.vector_load %arg5[%get3A_319, %get3A_320] {strides = array<i32>} : memref<8x4096xf32, #tpu.memory_space<vmem>>, vector<1x16xf32>,
      %get3A_322 = vector.shape_cast %get3A_321 : vector<1x16xf32> to vector<16xf32>
      %add3A_323 = arith.addf %add3A_313, %get3A_322 : vector<16xf32>
      %mul3A_324 = arith.constant 128 : i32
      %mul3A_325 = arith.muli %scan3A_283, %mul3A_324 : i32
      %add3A_326 = arith.constant 64 : i32
      %add3A_327 = arith.addi %mul3A_325, %add3A_326 : i32
      %get3A_328 = arith.constant 7 : i32
      %get3A_329 = arith.index_cast %get3A_328 : i32 to index
      %get3A_330 = arith.index_cast %add3A_327 : i32 to index
      %get3A_331 = tpu.vector_load %arg5[%get3A_329, %get3A_330] {strides = array<i32>} : memref<8x4096xf32, #tpu.memory_space<vmem>>, vector<1x16xf32>,
      %get3A_332 = vector.shape_cast %get3A_331 : vector<1x16xf32> to vector<16xf32>
      %add3A_333 = arith.addf %add3A_323, %get3A_332 : vector<16xf32>
      %mul3A_334 = arith.constant 128 : i32
      %mul3A_335 = arith.muli %scan3A_283, %mul3A_334 : i32
      %add3A_336 = arith.constant 80 : i32
      %add3A_337 = arith.addi %mul3A_335, %add3A_336 : i32
      %get3A_338 = arith.constant 7 : i32
      %get3A_339 = arith.index_cast %get3A_338 : i32 to index
      %get3A_340 = arith.index_cast %add3A_337 : i32 to index
      %get3A_341 = tpu.vector_load %arg5[%get3A_339, %get3A_340] {strides = array<i32>} : memref<8x4096xf32, #tpu.memory_space<vmem>>, vector<1x16xf32>,
      %get3A_342 = vector.shape_cast %get3A_341 : vector<1x16xf32> to vector<16xf32>
      %add3A_343 = arith.addf %add3A_333, %get3A_342 : vector<16xf32>
      %mul3A_344 = arith.constant 128 : i32
      %mul3A_345 = arith.muli %scan3A_283, %mul3A_344 : i32
      %add3A_346 = arith.constant 96 : i32
      %add3A_347 = arith.addi %mul3A_345, %add3A_346 : i32
      %get3A_348 = arith.constant 7 : i32
      %get3A_349 = arith.index_cast %get3A_348 : i32 to index
      %get3A_350 = arith.index_cast %add3A_347 : i32 to index
      %get3A_351 = tpu.vector_load %arg5[%get3A_349, %get3A_350] {strides = array<i32>} : memref<8x4096xf32, #tpu.memory_space<vmem>>, vector<1x16xf32>,
      %get3A_352 = vector.shape_cast %get3A_351 : vector<1x16xf32> to vector<16xf32>
      %add3A_353 = arith.addf %add3A_343, %get3A_352 : vector<16xf32>
      %mul3A_354 = arith.constant 128 : i32
      %mul3A_355 = arith.muli %scan3A_283, %mul3A_354 : i32
      %add3A_356 = arith.constant 112 : i32
      %add3A_357 = arith.addi %mul3A_355, %add3A_356 : i32
      %get3A_358 = arith.constant 7 : i32
      %get3A_359 = arith.index_cast %get3A_358 : i32 to index
      %get3A_360 = arith.index_cast %add3A_357 : i32 to index
      %get3A_361 = tpu.vector_load %arg5[%get3A_359, %get3A_360] {strides = array<i32>} : memref<8x4096xf32, #tpu.memory_space<vmem>>, vector<1x16xf32>,
      %get3A_362 = vector.shape_cast %get3A_361 : vector<1x16xf32> to vector<16xf32>
      %add3A_363 = arith.addf %add3A_353, %get3A_362 : vector<16xf32>
      scf.yield %add3A_363 : vector<16xf32>
    }
    %scan3A_128 = arith.constant 32 : i32
    %swap3A_129 = arith.constant 247 : i32
    %swap3A_130 = arith.index_cast %swap3A_129 : i32 to index
    %swap3A_131 = arith.constant 0 : index
    %swap3A_132 = tpu.vector_load %arg8[%swap3A_130, %swap3A_131] {strides = array<i32>} : memref<256x16xf32, #tpu.memory_space<vmem>>, vector<1x16xf32>,
    %swap3A_133 = vector.shape_cast %swap3A_132 : vector<1x16xf32> to vector<16xf32>
    %swap3A_134 = vector.shape_cast %scan3A_127 : vector<16xf32> to vector<1x16xf32>
    tpu.vector_store %arg8[%swap3A_130, %swap3A_131], %swap3A_134 {strides = array<i32>} : memref<256x16xf32, #tpu.memory_space<vmem>>, vector<1x16xf32>,
    %add3A_135 = arith.constant 240 : i32
    %add3A_136 = arith.addi %mul3A_2, %add3A_135 : i32
    %dma_start3A_137 = arith.constant 0 : i32
    %dma_start3A_138 = tpu.memref_slice %arg3[%add3A_136, %dma_start3A_137] : memref<8192x4096xf32, #tpu.memory_space<hbm>> -> memref<8x4096xf32, #tpu.memory_space<hbm>>
    %dma_start3A_139 = arith.constant 0 : i32
    %dma_start3A_140 = tpu.memref_slice %arg3[%add3A_136, %dma_start3A_139] : memref<8192x4096xf32, #tpu.memory_space<hbm>> -> memref<8x4096xf32, #tpu.memory_space<hbm>>
    tpu.enqueue_dma source(%arg5 : memref<8x4096xf32, #tpu.memory_space<vmem>>) target(%dma_start3A_140 : memref<8x4096xf32, #tpu.memory_space<hbm>>) target_semaphore(%arg12 : memref<!tpu.dma_semaphore, #tpu.memory_space<semaphore_mem>>)
    %add3A_141 = arith.constant 248 : i32
    %add3A_142 = arith.addi %mul3A_2, %add3A_141 : i32
    %dma_wait3A_143 = arith.constant 0 : i32
    %dma_wait3A_144 = tpu.memref_slice %arg2[%add3A_142, %dma_wait3A_143] : memref<8192x4096xf32, #tpu.memory_space<hbm>> -> memref<8x4096xf32, #tpu.memory_space<hbm>>
    %dma_wait3A_145 = arith.constant 0 : i32
    %dma_wait3A_146 = tpu.memref_slice %arg2[%add3A_142, %dma_wait3A_145] : memref<8192x4096xf32, #tpu.memory_space<hbm>> -> memref<8x4096xf32, #tpu.memory_space<hbm>>
    tpu.wait_dma2 semaphore(%arg10 : memref<!tpu.dma_semaphore, #tpu.memory_space<semaphore_mem>>) src(%dma_wait3A_146 : memref<8x4096xf32, #tpu.memory_space<hbm>>) dst(%arg6 : memref<8x4096xf32, #tpu.memory_space<vmem>>)
    %broadcast_in_dim3A_147 = arith.constant 0.000000e+00 : f32
    %broadcast_in_dim3A_148 = vector.broadcast %broadcast_in_dim3A_147 : f32 to vector<16xf32>
    %scan3A_149 = arith.constant 0 : i32
    %scan3A_150 = arith.constant 32 : i32
    %scan3A_151 = arith.addi %scan3A_149, %scan3A_150 : i32
    %scan3A_152 = arith.constant 1 : i32
    %scan3A_153 = scf.for %scan3A_283 = %scan3A_149 to %scan3A_151 step %scan3A_152 iter_args(%scan3A_284 = %broadcast_in_dim3A_148) -> (vector<16xf32>)  : i32 {
      %mul3A_285 = arith.constant 128 : i32
      %mul3A_286 = arith.muli %scan3A_283, %mul3A_285 : i32
      %add3A_287 = arith.constant 0 : i32
      %add3A_288 = arith.addi %mul3A_286, %add3A_287 : i32
      %get3A = arith.constant 0 : i32
      %get3A_289 = arith.index_cast %get3A : i32 to index
      %get3A_290 = arith.index_cast %add3A_288 : i32 to index
      %get3A_291 = tpu.vector_load %arg6[%get3A_289, %get3A_290] {strides = array<i32>} : memref<8x4096xf32, #tpu.memory_space<vmem>>, vector<1x16xf32>,
      %get3A_292 = vector.shape_cast %get3A_291 : vector<1x16xf32> to vector<16xf32>
      %add3A_293 = arith.addf %scan3A_284, %get3A_292 : vector<16xf32>
      %mul3A_294 = arith.constant 128 : i32
      %mul3A_295 = arith.muli %scan3A_283, %mul3A_294 : i32
      %add3A_296 = arith.constant 16 : i32
      %add3A_297 = arith.addi %mul3A_295, %add3A_296 : i32
      %get3A_298 = arith.constant 0 : i32
      %get3A_299 = arith.index_cast %get3A_298 : i32 to index
      %get3A_300 = arith.index_cast %add3A_297 : i32 to index
      %get3A_301 = tpu.vector_load %arg6[%get3A_299, %get3A_300] {strides = array<i32>} : memref<8x4096xf32, #tpu.memory_space<vmem>>, vector<1x16xf32>,
      %get3A_302 = vector.shape_cast %get3A_301 : vector<1x16xf32> to vector<16xf32>
      %add3A_303 = arith.addf %add3A_293, %get3A_302 : vector<16xf32>
      %mul3A_304 = arith.constant 128 : i32
      %mul3A_305 = arith.muli %scan3A_283, %mul3A_304 : i32
      %add3A_306 = arith.constant 32 : i32
      %add3A_307 = arith.addi %mul3A_305, %add3A_306 : i32
      %get3A_308 = arith.constant 0 : i32
      %get3A_309 = arith.index_cast %get3A_308 : i32 to index
      %get3A_310 = arith.index_cast %add3A_307 : i32 to index
      %get3A_311 = tpu.vector_load %arg6[%get3A_309, %get3A_310] {strides = array<i32>} : memref<8x4096xf32, #tpu.memory_space<vmem>>, vector<1x16xf32>,
      %get3A_312 = vector.shape_cast %get3A_311 : vector<1x16xf32> to vector<16xf32>
      %add3A_313 = arith.addf %add3A_303, %get3A_312 : vector<16xf32>
      %mul3A_314 = arith.constant 128 : i32
      %mul3A_315 = arith.muli %scan3A_283, %mul3A_314 : i32
      %add3A_316 = arith.constant 48 : i32
      %add3A_317 = arith.addi %mul3A_315, %add3A_316 : i32
      %get3A_318 = arith.constant 0 : i32
      %get3A_319 = arith.index_cast %get3A_318 : i32 to index
      %get3A_320 = arith.index_cast %add3A_317 : i32 to index
      %get3A_321 = tpu.vector_load %arg6[%get3A_319, %get3A_320] {strides = array<i32>} : memref<8x4096xf32, #tpu.memory_space<vmem>>, vector<1x16xf32>,
      %get3A_322 = vector.shape_cast %get3A_321 : vector<1x16xf32> to vector<16xf32>
      %add3A_323 = arith.addf %add3A_313, %get3A_322 : vector<16xf32>
      %mul3A_324 = arith.constant 128 : i32
      %mul3A_325 = arith.muli %scan3A_283, %mul3A_324 : i32
      %add3A_326 = arith.constant 64 : i32
      %add3A_327 = arith.addi %mul3A_325, %add3A_326 : i32
      %get3A_328 = arith.constant 0 : i32
      %get3A_329 = arith.index_cast %get3A_328 : i32 to index
      %get3A_330 = arith.index_cast %add3A_327 : i32 to index
      %get3A_331 = tpu.vector_load %arg6[%get3A_329, %get3A_330] {strides = array<i32>} : memref<8x4096xf32, #tpu.memory_space<vmem>>, vector<1x16xf32>,
      %get3A_332 = vector.shape_cast %get3A_331 : vector<1x16xf32> to vector<16xf32>
      %add3A_333 = arith.addf %add3A_323, %get3A_332 : vector<16xf32>
      %mul3A_334 = arith.constant 128 : i32
      %mul3A_335 = arith.muli %scan3A_283, %mul3A_334 : i32
      %add3A_336 = arith.constant 80 : i32
      %add3A_337 = arith.addi %mul3A_335, %add3A_336 : i32
      %get3A_338 = arith.constant 0 : i32
      %get3A_339 = arith.index_cast %get3A_338 : i32 to index
      %get3A_340 = arith.index_cast %add3A_337 : i32 to index
      %get3A_341 = tpu.vector_load %arg6[%get3A_339, %get3A_340] {strides = array<i32>} : memref<8x4096xf32, #tpu.memory_space<vmem>>, vector<1x16xf32>,
      %get3A_342 = vector.shape_cast %get3A_341 : vector<1x16xf32> to vector<16xf32>
      %add3A_343 = arith.addf %add3A_333, %get3A_342 : vector<16xf32>
      %mul3A_344 = arith.constant 128 : i32
      %mul3A_345 = arith.muli %scan3A_283, %mul3A_344 : i32
      %add3A_346 = arith.constant 96 : i32
      %add3A_347 = arith.addi %mul3A_345, %add3A_346 : i32
      %get3A_348 = arith.constant 0 : i32
      %get3A_349 = arith.index_cast %get3A_348 : i32 to index
      %get3A_350 = arith.index_cast %add3A_347 : i32 to index
      %get3A_351 = tpu.vector_load %arg6[%get3A_349, %get3A_350] {strides = array<i32>} : memref<8x4096xf32, #tpu.memory_space<vmem>>, vector<1x16xf32>,
      %get3A_352 = vector.shape_cast %get3A_351 : vector<1x16xf32> to vector<16xf32>
      %add3A_353 = arith.addf %add3A_343, %get3A_352 : vector<16xf32>
      %mul3A_354 = arith.constant 128 : i32
      %mul3A_355 = arith.muli %scan3A_283, %mul3A_354 : i32
      %add3A_356 = arith.constant 112 : i32
      %add3A_357 = arith.addi %mul3A_355, %add3A_356 : i32
      %get3A_358 = arith.constant 0 : i32
      %get3A_359 = arith.index_cast %get3A_358 : i32 to index
      %get3A_360 = arith.index_cast %add3A_357 : i32 to index
      %get3A_361 = tpu.vector_load %arg6[%get3A_359, %get3A_360] {strides = array<i32>} : memref<8x4096xf32, #tpu.memory_space<vmem>>, vector<1x16xf32>,
      %get3A_362 = vector.shape_cast %get3A_361 : vector<1x16xf32> to vector<16xf32>
      %add3A_363 = arith.addf %add3A_353, %get3A_362 : vector<16xf32>
      scf.yield %add3A_363 : vector<16xf32>
    }
    %scan3A_154 = arith.constant 32 : i32
    %swap3A_155 = arith.constant 248 : i32
    %swap3A_156 = arith.index_cast %swap3A_155 : i32 to index
    %swap3A_157 = arith.constant 0 : index
    %swap3A_158 = tpu.vector_load %arg8[%swap3A_156, %swap3A_157] {strides = array<i32>} : memref<256x16xf32, #tpu.memory_space<vmem>>, vector<1x16xf32>,
    %swap3A_159 = vector.shape_cast %swap3A_158 : vector<1x16xf32> to vector<16xf32>
    %swap3A_160 = vector.shape_cast %scan3A_153 : vector<16xf32> to vector<1x16xf32>
    tpu.vector_store %arg8[%swap3A_156, %swap3A_157], %swap3A_160 {strides = array<i32>} : memref<256x16xf32, #tpu.memory_space<vmem>>, vector<1x16xf32>,
    %broadcast_in_dim3A_161 = arith.constant 0.000000e+00 : f32
    %broadcast_in_dim3A_162 = vector.broadcast %broadcast_in_dim3A_161 : f32 to vector<16xf32>
    %scan3A_163 = arith.constant 0 : i32
    %scan3A_164 = arith.constant 32 : i32
    %scan3A_165 = arith.addi %scan3A_163, %scan3A_164 : i32
    %scan3A_166 = arith.constant 1 : i32
    %scan3A_167 = scf.for %scan3A_283 = %scan3A_163 to %scan3A_165 step %scan3A_166 iter_args(%scan3A_284 = %broadcast_in_dim3A_162) -> (vector<16xf32>)  : i32 {
      %mul3A_285 = arith.constant 128 : i32
      %mul3A_286 = arith.muli %scan3A_283, %mul3A_285 : i32
      %add3A_287 = arith.constant 0 : i32
      %add3A_288 = arith.addi %mul3A_286, %add3A_287 : i32
      %get3A = arith.constant 1 : i32
      %get3A_289 = arith.index_cast %get3A : i32 to index
      %get3A_290 = arith.index_cast %add3A_288 : i32 to index
      %get3A_291 = tpu.vector_load %arg6[%get3A_289, %get3A_290] {strides = array<i32>} : memref<8x4096xf32, #tpu.memory_space<vmem>>, vector<1x16xf32>,
      %get3A_292 = vector.shape_cast %get3A_291 : vector<1x16xf32> to vector<16xf32>
      %add3A_293 = arith.addf %scan3A_284, %get3A_292 : vector<16xf32>
      %mul3A_294 = arith.constant 128 : i32
      %mul3A_295 = arith.muli %scan3A_283, %mul3A_294 : i32
      %add3A_296 = arith.constant 16 : i32
      %add3A_297 = arith.addi %mul3A_295, %add3A_296 : i32
      %get3A_298 = arith.constant 1 : i32
      %get3A_299 = arith.index_cast %get3A_298 : i32 to index
      %get3A_300 = arith.index_cast %add3A_297 : i32 to index
      %get3A_301 = tpu.vector_load %arg6[%get3A_299, %get3A_300] {strides = array<i32>} : memref<8x4096xf32, #tpu.memory_space<vmem>>, vector<1x16xf32>,
      %get3A_302 = vector.shape_cast %get3A_301 : vector<1x16xf32> to vector<16xf32>
      %add3A_303 = arith.addf %add3A_293, %get3A_302 : vector<16xf32>
      %mul3A_304 = arith.constant 128 : i32
      %mul3A_305 = arith.muli %scan3A_283, %mul3A_304 : i32
      %add3A_306 = arith.constant 32 : i32
      %add3A_307 = arith.addi %mul3A_305, %add3A_306 : i32
      %get3A_308 = arith.constant 1 : i32
      %get3A_309 = arith.index_cast %get3A_308 : i32 to index
      %get3A_310 = arith.index_cast %add3A_307 : i32 to index
      %get3A_311 = tpu.vector_load %arg6[%get3A_309, %get3A_310] {strides = array<i32>} : memref<8x4096xf32, #tpu.memory_space<vmem>>, vector<1x16xf32>,
      %get3A_312 = vector.shape_cast %get3A_311 : vector<1x16xf32> to vector<16xf32>
      %add3A_313 = arith.addf %add3A_303, %get3A_312 : vector<16xf32>
      %mul3A_314 = arith.constant 128 : i32
      %mul3A_315 = arith.muli %scan3A_283, %mul3A_314 : i32
      %add3A_316 = arith.constant 48 : i32
      %add3A_317 = arith.addi %mul3A_315, %add3A_316 : i32
      %get3A_318 = arith.constant 1 : i32
      %get3A_319 = arith.index_cast %get3A_318 : i32 to index
      %get3A_320 = arith.index_cast %add3A_317 : i32 to index
      %get3A_321 = tpu.vector_load %arg6[%get3A_319, %get3A_320] {strides = array<i32>} : memref<8x4096xf32, #tpu.memory_space<vmem>>, vector<1x16xf32>,
      %get3A_322 = vector.shape_cast %get3A_321 : vector<1x16xf32> to vector<16xf32>
      %add3A_323 = arith.addf %add3A_313, %get3A_322 : vector<16xf32>
      %mul3A_324 = arith.constant 128 : i32
      %mul3A_325 = arith.muli %scan3A_283, %mul3A_324 : i32
      %add3A_326 = arith.constant 64 : i32
      %add3A_327 = arith.addi %mul3A_325, %add3A_326 : i32
      %get3A_328 = arith.constant 1 : i32
      %get3A_329 = arith.index_cast %get3A_328 : i32 to index
      %get3A_330 = arith.index_cast %add3A_327 : i32 to index
      %get3A_331 = tpu.vector_load %arg6[%get3A_329, %get3A_330] {strides = array<i32>} : memref<8x4096xf32, #tpu.memory_space<vmem>>, vector<1x16xf32>,
      %get3A_332 = vector.shape_cast %get3A_331 : vector<1x16xf32> to vector<16xf32>
      %add3A_333 = arith.addf %add3A_323, %get3A_332 : vector<16xf32>
      %mul3A_334 = arith.constant 128 : i32
      %mul3A_335 = arith.muli %scan3A_283, %mul3A_334 : i32
      %add3A_336 = arith.constant 80 : i32
      %add3A_337 = arith.addi %mul3A_335, %add3A_336 : i32
      %get3A_338 = arith.constant 1 : i32
      %get3A_339 = arith.index_cast %get3A_338 : i32 to index
      %get3A_340 = arith.index_cast %add3A_337 : i32 to index
      %get3A_341 = tpu.vector_load %arg6[%get3A_339, %get3A_340] {strides = array<i32>} : memref<8x4096xf32, #tpu.memory_space<vmem>>, vector<1x16xf32>,
      %get3A_342 = vector.shape_cast %get3A_341 : vector<1x16xf32> to vector<16xf32>
      %add3A_343 = arith.addf %add3A_333, %get3A_342 : vector<16xf32>
      %mul3A_344 = arith.constant 128 : i32
      %mul3A_345 = arith.muli %scan3A_283, %mul3A_344 : i32
      %add3A_346 = arith.constant 96 : i32
      %add3A_347 = arith.addi %mul3A_345, %add3A_346 : i32
      %get3A_348 = arith.constant 1 : i32
      %get3A_349 = arith.index_cast %get3A_348 : i32 to index
      %get3A_350 = arith.index_cast %add3A_347 : i32 to index
      %get3A_351 = tpu.vector_load %arg6[%get3A_349, %get3A_350] {strides = array<i32>} : memref<8x4096xf32, #tpu.memory_space<vmem>>, vector<1x16xf32>,
      %get3A_352 = vector.shape_cast %get3A_351 : vector<1x16xf32> to vector<16xf32>
      %add3A_353 = arith.addf %add3A_343, %get3A_352 : vector<16xf32>
      %mul3A_354 = arith.constant 128 : i32
      %mul3A_355 = arith.muli %scan3A_283, %mul3A_354 : i32
      %add3A_356 = arith.constant 112 : i32
      %add3A_357 = arith.addi %mul3A_355, %add3A_356 : i32
      %get3A_358 = arith.constant 1 : i32
      %get3A_359 = arith.index_cast %get3A_358 : i32 to index
      %get3A_360 = arith.index_cast %add3A_357 : i32 to index
      %get3A_361 = tpu.vector_load %arg6[%get3A_359, %get3A_360] {strides = array<i32>} : memref<8x4096xf32, #tpu.memory_space<vmem>>, vector<1x16xf32>,
      %get3A_362 = vector.shape_cast %get3A_361 : vector<1x16xf32> to vector<16xf32>
      %add3A_363 = arith.addf %add3A_353, %get3A_362 : vector<16xf32>
      scf.yield %add3A_363 : vector<16xf32>
    }
    %scan3A_168 = arith.constant 32 : i32
    %swap3A_169 = arith.constant 249 : i32
    %swap3A_170 = arith.index_cast %swap3A_169 : i32 to index
    %swap3A_171 = arith.constant 0 : index
    %swap3A_172 = tpu.vector_load %arg8[%swap3A_170, %swap3A_171] {strides = array<i32>} : memref<256x16xf32, #tpu.memory_space<vmem>>, vector<1x16xf32>,
    %swap3A_173 = vector.shape_cast %swap3A_172 : vector<1x16xf32> to vector<16xf32>
    %swap3A_174 = vector.shape_cast %scan3A_167 : vector<16xf32> to vector<1x16xf32>
    tpu.vector_store %arg8[%swap3A_170, %swap3A_171], %swap3A_174 {strides = array<i32>} : memref<256x16xf32, #tpu.memory_space<vmem>>, vector<1x16xf32>,
    %broadcast_in_dim3A_175 = arith.constant 0.000000e+00 : f32
    %broadcast_in_dim3A_176 = vector.broadcast %broadcast_in_dim3A_175 : f32 to vector<16xf32>
    %scan3A_177 = arith.constant 0 : i32
    %scan3A_178 = arith.constant 32 : i32
    %scan3A_179 = arith.addi %scan3A_177, %scan3A_178 : i32
    %scan3A_180 = arith.constant 1 : i32
    %scan3A_181 = scf.for %scan3A_283 = %scan3A_177 to %scan3A_179 step %scan3A_180 iter_args(%scan3A_284 = %broadcast_in_dim3A_176) -> (vector<16xf32>)  : i32 {
      %mul3A_285 = arith.constant 128 : i32
      %mul3A_286 = arith.muli %scan3A_283, %mul3A_285 : i32
      %add3A_287 = arith.constant 0 : i32
      %add3A_288 = arith.addi %mul3A_286, %add3A_287 : i32
      %get3A = arith.constant 2 : i32
      %get3A_289 = arith.index_cast %get3A : i32 to index
      %get3A_290 = arith.index_cast %add3A_288 : i32 to index
      %get3A_291 = tpu.vector_load %arg6[%get3A_289, %get3A_290] {strides = array<i32>} : memref<8x4096xf32, #tpu.memory_space<vmem>>, vector<1x16xf32>,
      %get3A_292 = vector.shape_cast %get3A_291 : vector<1x16xf32> to vector<16xf32>
      %add3A_293 = arith.addf %scan3A_284, %get3A_292 : vector<16xf32>
      %mul3A_294 = arith.constant 128 : i32
      %mul3A_295 = arith.muli %scan3A_283, %mul3A_294 : i32
      %add3A_296 = arith.constant 16 : i32
      %add3A_297 = arith.addi %mul3A_295, %add3A_296 : i32
      %get3A_298 = arith.constant 2 : i32
      %get3A_299 = arith.index_cast %get3A_298 : i32 to index
      %get3A_300 = arith.index_cast %add3A_297 : i32 to index
      %get3A_301 = tpu.vector_load %arg6[%get3A_299, %get3A_300] {strides = array<i32>} : memref<8x4096xf32, #tpu.memory_space<vmem>>, vector<1x16xf32>,
      %get3A_302 = vector.shape_cast %get3A_301 : vector<1x16xf32> to vector<16xf32>
      %add3A_303 = arith.addf %add3A_293, %get3A_302 : vector<16xf32>
      %mul3A_304 = arith.constant 128 : i32
      %mul3A_305 = arith.muli %scan3A_283, %mul3A_304 : i32
      %add3A_306 = arith.constant 32 : i32
      %add3A_307 = arith.addi %mul3A_305, %add3A_306 : i32
      %get3A_308 = arith.constant 2 : i32
      %get3A_309 = arith.index_cast %get3A_308 : i32 to index
      %get3A_310 = arith.index_cast %add3A_307 : i32 to index
      %get3A_311 = tpu.vector_load %arg6[%get3A_309, %get3A_310] {strides = array<i32>} : memref<8x4096xf32, #tpu.memory_space<vmem>>, vector<1x16xf32>,
      %get3A_312 = vector.shape_cast %get3A_311 : vector<1x16xf32> to vector<16xf32>
      %add3A_313 = arith.addf %add3A_303, %get3A_312 : vector<16xf32>
      %mul3A_314 = arith.constant 128 : i32
      %mul3A_315 = arith.muli %scan3A_283, %mul3A_314 : i32
      %add3A_316 = arith.constant 48 : i32
      %add3A_317 = arith.addi %mul3A_315, %add3A_316 : i32
      %get3A_318 = arith.constant 2 : i32
      %get3A_319 = arith.index_cast %get3A_318 : i32 to index
      %get3A_320 = arith.index_cast %add3A_317 : i32 to index
      %get3A_321 = tpu.vector_load %arg6[%get3A_319, %get3A_320] {strides = array<i32>} : memref<8x4096xf32, #tpu.memory_space<vmem>>, vector<1x16xf32>,
      %get3A_322 = vector.shape_cast %get3A_321 : vector<1x16xf32> to vector<16xf32>
      %add3A_323 = arith.addf %add3A_313, %get3A_322 : vector<16xf32>
      %mul3A_324 = arith.constant 128 : i32
      %mul3A_325 = arith.muli %scan3A_283, %mul3A_324 : i32
      %add3A_326 = arith.constant 64 : i32
      %add3A_327 = arith.addi %mul3A_325, %add3A_326 : i32
      %get3A_328 = arith.constant 2 : i32
      %get3A_329 = arith.index_cast %get3A_328 : i32 to index
      %get3A_330 = arith.index_cast %add3A_327 : i32 to index
      %get3A_331 = tpu.vector_load %arg6[%get3A_329, %get3A_330] {strides = array<i32>} : memref<8x4096xf32, #tpu.memory_space<vmem>>, vector<1x16xf32>,
      %get3A_332 = vector.shape_cast %get3A_331 : vector<1x16xf32> to vector<16xf32>
      %add3A_333 = arith.addf %add3A_323, %get3A_332 : vector<16xf32>
      %mul3A_334 = arith.constant 128 : i32
      %mul3A_335 = arith.muli %scan3A_283, %mul3A_334 : i32
      %add3A_336 = arith.constant 80 : i32
      %add3A_337 = arith.addi %mul3A_335, %add3A_336 : i32
      %get3A_338 = arith.constant 2 : i32
      %get3A_339 = arith.index_cast %get3A_338 : i32 to index
      %get3A_340 = arith.index_cast %add3A_337 : i32 to index
      %get3A_341 = tpu.vector_load %arg6[%get3A_339, %get3A_340] {strides = array<i32>} : memref<8x4096xf32, #tpu.memory_space<vmem>>, vector<1x16xf32>,
      %get3A_342 = vector.shape_cast %get3A_341 : vector<1x16xf32> to vector<16xf32>
      %add3A_343 = arith.addf %add3A_333, %get3A_342 : vector<16xf32>
      %mul3A_344 = arith.constant 128 : i32
      %mul3A_345 = arith.muli %scan3A_283, %mul3A_344 : i32
      %add3A_346 = arith.constant 96 : i32
      %add3A_347 = arith.addi %mul3A_345, %add3A_346 : i32
      %get3A_348 = arith.constant 2 : i32
      %get3A_349 = arith.index_cast %get3A_348 : i32 to index
      %get3A_350 = arith.index_cast %add3A_347 : i32 to index
      %get3A_351 = tpu.vector_load %arg6[%get3A_349, %get3A_350] {strides = array<i32>} : memref<8x4096xf32, #tpu.memory_space<vmem>>, vector<1x16xf32>,
      %get3A_352 = vector.shape_cast %get3A_351 : vector<1x16xf32> to vector<16xf32>
      %add3A_353 = arith.addf %add3A_343, %get3A_352 : vector<16xf32>
      %mul3A_354 = arith.constant 128 : i32
      %mul3A_355 = arith.muli %scan3A_283, %mul3A_354 : i32
      %add3A_356 = arith.constant 112 : i32
      %add3A_357 = arith.addi %mul3A_355, %add3A_356 : i32
      %get3A_358 = arith.constant 2 : i32
      %get3A_359 = arith.index_cast %get3A_358 : i32 to index
      %get3A_360 = arith.index_cast %add3A_357 : i32 to index
      %get3A_361 = tpu.vector_load %arg6[%get3A_359, %get3A_360] {strides = array<i32>} : memref<8x4096xf32, #tpu.memory_space<vmem>>, vector<1x16xf32>,
      %get3A_362 = vector.shape_cast %get3A_361 : vector<1x16xf32> to vector<16xf32>
      %add3A_363 = arith.addf %add3A_353, %get3A_362 : vector<16xf32>
      scf.yield %add3A_363 : vector<16xf32>
    }
    %scan3A_182 = arith.constant 32 : i32
    %swap3A_183 = arith.constant 250 : i32
    %swap3A_184 = arith.index_cast %swap3A_183 : i32 to index
    %swap3A_185 = arith.constant 0 : index
    %swap3A_186 = tpu.vector_load %arg8[%swap3A_184, %swap3A_185] {strides = array<i32>} : memref<256x16xf32, #tpu.memory_space<vmem>>, vector<1x16xf32>,
    %swap3A_187 = vector.shape_cast %swap3A_186 : vector<1x16xf32> to vector<16xf32>
    %swap3A_188 = vector.shape_cast %scan3A_181 : vector<16xf32> to vector<1x16xf32>
    tpu.vector_store %arg8[%swap3A_184, %swap3A_185], %swap3A_188 {strides = array<i32>} : memref<256x16xf32, #tpu.memory_space<vmem>>, vector<1x16xf32>,
    %broadcast_in_dim3A_189 = arith.constant 0.000000e+00 : f32
    %broadcast_in_dim3A_190 = vector.broadcast %broadcast_in_dim3A_189 : f32 to vector<16xf32>
    %scan3A_191 = arith.constant 0 : i32
    %scan3A_192 = arith.constant 32 : i32
    %scan3A_193 = arith.addi %scan3A_191, %scan3A_192 : i32
    %scan3A_194 = arith.constant 1 : i32
    %scan3A_195 = scf.for %scan3A_283 = %scan3A_191 to %scan3A_193 step %scan3A_194 iter_args(%scan3A_284 = %broadcast_in_dim3A_190) -> (vector<16xf32>)  : i32 {
      %mul3A_285 = arith.constant 128 : i32
      %mul3A_286 = arith.muli %scan3A_283, %mul3A_285 : i32
      %add3A_287 = arith.constant 0 : i32
      %add3A_288 = arith.addi %mul3A_286, %add3A_287 : i32
      %get3A = arith.constant 3 : i32
      %get3A_289 = arith.index_cast %get3A : i32 to index
      %get3A_290 = arith.index_cast %add3A_288 : i32 to index
      %get3A_291 = tpu.vector_load %arg6[%get3A_289, %get3A_290] {strides = array<i32>} : memref<8x4096xf32, #tpu.memory_space<vmem>>, vector<1x16xf32>,
      %get3A_292 = vector.shape_cast %get3A_291 : vector<1x16xf32> to vector<16xf32>
      %add3A_293 = arith.addf %scan3A_284, %get3A_292 : vector<16xf32>
      %mul3A_294 = arith.constant 128 : i32
      %mul3A_295 = arith.muli %scan3A_283, %mul3A_294 : i32
      %add3A_296 = arith.constant 16 : i32
      %add3A_297 = arith.addi %mul3A_295, %add3A_296 : i32
      %get3A_298 = arith.constant 3 : i32
      %get3A_299 = arith.index_cast %get3A_298 : i32 to index
      %get3A_300 = arith.index_cast %add3A_297 : i32 to index
      %get3A_301 = tpu.vector_load %arg6[%get3A_299, %get3A_300] {strides = array<i32>} : memref<8x4096xf32, #tpu.memory_space<vmem>>, vector<1x16xf32>,
      %get3A_302 = vector.shape_cast %get3A_301 : vector<1x16xf32> to vector<16xf32>
      %add3A_303 = arith.addf %add3A_293, %get3A_302 : vector<16xf32>
      %mul3A_304 = arith.constant 128 : i32
      %mul3A_305 = arith.muli %scan3A_283, %mul3A_304 : i32
      %add3A_306 = arith.constant 32 : i32
      %add3A_307 = arith.addi %mul3A_305, %add3A_306 : i32
      %get3A_308 = arith.constant 3 : i32
      %get3A_309 = arith.index_cast %get3A_308 : i32 to index
      %get3A_310 = arith.index_cast %add3A_307 : i32 to index
      %get3A_311 = tpu.vector_load %arg6[%get3A_309, %get3A_310] {strides = array<i32>} : memref<8x4096xf32, #tpu.memory_space<vmem>>, vector<1x16xf32>,
      %get3A_312 = vector.shape_cast %get3A_311 : vector<1x16xf32> to vector<16xf32>
      %add3A_313 = arith.addf %add3A_303, %get3A_312 : vector<16xf32>
      %mul3A_314 = arith.constant 128 : i32
      %mul3A_315 = arith.muli %scan3A_283, %mul3A_314 : i32
      %add3A_316 = arith.constant 48 : i32
      %add3A_317 = arith.addi %mul3A_315, %add3A_316 : i32
      %get3A_318 = arith.constant 3 : i32
      %get3A_319 = arith.index_cast %get3A_318 : i32 to index
      %get3A_320 = arith.index_cast %add3A_317 : i32 to index
      %get3A_321 = tpu.vector_load %arg6[%get3A_319, %get3A_320] {strides = array<i32>} : memref<8x4096xf32, #tpu.memory_space<vmem>>, vector<1x16xf32>,
      %get3A_322 = vector.shape_cast %get3A_321 : vector<1x16xf32> to vector<16xf32>
      %add3A_323 = arith.addf %add3A_313, %get3A_322 : vector<16xf32>
      %mul3A_324 = arith.constant 128 : i32
      %mul3A_325 = arith.muli %scan3A_283, %mul3A_324 : i32
      %add3A_326 = arith.constant 64 : i32
      %add3A_327 = arith.addi %mul3A_325, %add3A_326 : i32
      %get3A_328 = arith.constant 3 : i32
      %get3A_329 = arith.index_cast %get3A_328 : i32 to index
      %get3A_330 = arith.index_cast %add3A_327 : i32 to index
      %get3A_331 = tpu.vector_load %arg6[%get3A_329, %get3A_330] {strides = array<i32>} : memref<8x4096xf32, #tpu.memory_space<vmem>>, vector<1x16xf32>,
      %get3A_332 = vector.shape_cast %get3A_331 : vector<1x16xf32> to vector<16xf32>
      %add3A_333 = arith.addf %add3A_323, %get3A_332 : vector<16xf32>
      %mul3A_334 = arith.constant 128 : i32
      %mul3A_335 = arith.muli %scan3A_283, %mul3A_334 : i32
      %add3A_336 = arith.constant 80 : i32
      %add3A_337 = arith.addi %mul3A_335, %add3A_336 : i32
      %get3A_338 = arith.constant 3 : i32
      %get3A_339 = arith.index_cast %get3A_338 : i32 to index
      %get3A_340 = arith.index_cast %add3A_337 : i32 to index
      %get3A_341 = tpu.vector_load %arg6[%get3A_339, %get3A_340] {strides = array<i32>} : memref<8x4096xf32, #tpu.memory_space<vmem>>, vector<1x16xf32>,
      %get3A_342 = vector.shape_cast %get3A_341 : vector<1x16xf32> to vector<16xf32>
      %add3A_343 = arith.addf %add3A_333, %get3A_342 : vector<16xf32>
      %mul3A_344 = arith.constant 128 : i32
      %mul3A_345 = arith.muli %scan3A_283, %mul3A_344 : i32
      %add3A_346 = arith.constant 96 : i32
      %add3A_347 = arith.addi %mul3A_345, %add3A_346 : i32
      %get3A_348 = arith.constant 3 : i32
      %get3A_349 = arith.index_cast %get3A_348 : i32 to index
      %get3A_350 = arith.index_cast %add3A_347 : i32 to index
      %get3A_351 = tpu.vector_load %arg6[%get3A_349, %get3A_350] {strides = array<i32>} : memref<8x4096xf32, #tpu.memory_space<vmem>>, vector<1x16xf32>,
      %get3A_352 = vector.shape_cast %get3A_351 : vector<1x16xf32> to vector<16xf32>
      %add3A_353 = arith.addf %add3A_343, %get3A_352 : vector<16xf32>
      %mul3A_354 = arith.constant 128 : i32
      %mul3A_355 = arith.muli %scan3A_283, %mul3A_354 : i32
      %add3A_356 = arith.constant 112 : i32
      %add3A_357 = arith.addi %mul3A_355, %add3A_356 : i32
      %get3A_358 = arith.constant 3 : i32
      %get3A_359 = arith.index_cast %get3A_358 : i32 to index
      %get3A_360 = arith.index_cast %add3A_357 : i32 to index
      %get3A_361 = tpu.vector_load %arg6[%get3A_359, %get3A_360] {strides = array<i32>} : memref<8x4096xf32, #tpu.memory_space<vmem>>, vector<1x16xf32>,
      %get3A_362 = vector.shape_cast %get3A_361 : vector<1x16xf32> to vector<16xf32>
      %add3A_363 = arith.addf %add3A_353, %get3A_362 : vector<16xf32>
      scf.yield %add3A_363 : vector<16xf32>
    }
    %scan3A_196 = arith.constant 32 : i32
    %swap3A_197 = arith.constant 251 : i32
    %swap3A_198 = arith.index_cast %swap3A_197 : i32 to index
    %swap3A_199 = arith.constant 0 : index
    %swap3A_200 = tpu.vector_load %arg8[%swap3A_198, %swap3A_199] {strides = array<i32>} : memref<256x16xf32, #tpu.memory_space<vmem>>, vector<1x16xf32>,
    %swap3A_201 = vector.shape_cast %swap3A_200 : vector<1x16xf32> to vector<16xf32>
    %swap3A_202 = vector.shape_cast %scan3A_195 : vector<16xf32> to vector<1x16xf32>
    tpu.vector_store %arg8[%swap3A_198, %swap3A_199], %swap3A_202 {strides = array<i32>} : memref<256x16xf32, #tpu.memory_space<vmem>>, vector<1x16xf32>,
    %broadcast_in_dim3A_203 = arith.constant 0.000000e+00 : f32
    %broadcast_in_dim3A_204 = vector.broadcast %broadcast_in_dim3A_203 : f32 to vector<16xf32>
    %scan3A_205 = arith.constant 0 : i32
    %scan3A_206 = arith.constant 32 : i32
    %scan3A_207 = arith.addi %scan3A_205, %scan3A_206 : i32
    %scan3A_208 = arith.constant 1 : i32
    %scan3A_209 = scf.for %scan3A_283 = %scan3A_205 to %scan3A_207 step %scan3A_208 iter_args(%scan3A_284 = %broadcast_in_dim3A_204) -> (vector<16xf32>)  : i32 {
      %mul3A_285 = arith.constant 128 : i32
      %mul3A_286 = arith.muli %scan3A_283, %mul3A_285 : i32
      %add3A_287 = arith.constant 0 : i32
      %add3A_288 = arith.addi %mul3A_286, %add3A_287 : i32
      %get3A = arith.constant 4 : i32
      %get3A_289 = arith.index_cast %get3A : i32 to index
      %get3A_290 = arith.index_cast %add3A_288 : i32 to index
      %get3A_291 = tpu.vector_load %arg6[%get3A_289, %get3A_290] {strides = array<i32>} : memref<8x4096xf32, #tpu.memory_space<vmem>>, vector<1x16xf32>,
      %get3A_292 = vector.shape_cast %get3A_291 : vector<1x16xf32> to vector<16xf32>
      %add3A_293 = arith.addf %scan3A_284, %get3A_292 : vector<16xf32>
      %mul3A_294 = arith.constant 128 : i32
      %mul3A_295 = arith.muli %scan3A_283, %mul3A_294 : i32
      %add3A_296 = arith.constant 16 : i32
      %add3A_297 = arith.addi %mul3A_295, %add3A_296 : i32
      %get3A_298 = arith.constant 4 : i32
      %get3A_299 = arith.index_cast %get3A_298 : i32 to index
      %get3A_300 = arith.index_cast %add3A_297 : i32 to index
      %get3A_301 = tpu.vector_load %arg6[%get3A_299, %get3A_300] {strides = array<i32>} : memref<8x4096xf32, #tpu.memory_space<vmem>>, vector<1x16xf32>,
      %get3A_302 = vector.shape_cast %get3A_301 : vector<1x16xf32> to vector<16xf32>
      %add3A_303 = arith.addf %add3A_293, %get3A_302 : vector<16xf32>
      %mul3A_304 = arith.constant 128 : i32
      %mul3A_305 = arith.muli %scan3A_283, %mul3A_304 : i32
      %add3A_306 = arith.constant 32 : i32
      %add3A_307 = arith.addi %mul3A_305, %add3A_306 : i32
      %get3A_308 = arith.constant 4 : i32
      %get3A_309 = arith.index_cast %get3A_308 : i32 to index
      %get3A_310 = arith.index_cast %add3A_307 : i32 to index
      %get3A_311 = tpu.vector_load %arg6[%get3A_309, %get3A_310] {strides = array<i32>} : memref<8x4096xf32, #tpu.memory_space<vmem>>, vector<1x16xf32>,
      %get3A_312 = vector.shape_cast %get3A_311 : vector<1x16xf32> to vector<16xf32>
      %add3A_313 = arith.addf %add3A_303, %get3A_312 : vector<16xf32>
      %mul3A_314 = arith.constant 128 : i32
      %mul3A_315 = arith.muli %scan3A_283, %mul3A_314 : i32
      %add3A_316 = arith.constant 48 : i32
      %add3A_317 = arith.addi %mul3A_315, %add3A_316 : i32
      %get3A_318 = arith.constant 4 : i32
      %get3A_319 = arith.index_cast %get3A_318 : i32 to index
      %get3A_320 = arith.index_cast %add3A_317 : i32 to index
      %get3A_321 = tpu.vector_load %arg6[%get3A_319, %get3A_320] {strides = array<i32>} : memref<8x4096xf32, #tpu.memory_space<vmem>>, vector<1x16xf32>,
      %get3A_322 = vector.shape_cast %get3A_321 : vector<1x16xf32> to vector<16xf32>
      %add3A_323 = arith.addf %add3A_313, %get3A_322 : vector<16xf32>
      %mul3A_324 = arith.constant 128 : i32
      %mul3A_325 = arith.muli %scan3A_283, %mul3A_324 : i32
      %add3A_326 = arith.constant 64 : i32
      %add3A_327 = arith.addi %mul3A_325, %add3A_326 : i32
      %get3A_328 = arith.constant 4 : i32
      %get3A_329 = arith.index_cast %get3A_328 : i32 to index
      %get3A_330 = arith.index_cast %add3A_327 : i32 to index
      %get3A_331 = tpu.vector_load %arg6[%get3A_329, %get3A_330] {strides = array<i32>} : memref<8x4096xf32, #tpu.memory_space<vmem>>, vector<1x16xf32>,
      %get3A_332 = vector.shape_cast %get3A_331 : vector<1x16xf32> to vector<16xf32>
      %add3A_333 = arith.addf %add3A_323, %get3A_332 : vector<16xf32>
      %mul3A_334 = arith.constant 128 : i32
      %mul3A_335 = arith.muli %scan3A_283, %mul3A_334 : i32
      %add3A_336 = arith.constant 80 : i32
      %add3A_337 = arith.addi %mul3A_335, %add3A_336 : i32
      %get3A_338 = arith.constant 4 : i32
      %get3A_339 = arith.index_cast %get3A_338 : i32 to index
      %get3A_340 = arith.index_cast %add3A_337 : i32 to index
      %get3A_341 = tpu.vector_load %arg6[%get3A_339, %get3A_340] {strides = array<i32>} : memref<8x4096xf32, #tpu.memory_space<vmem>>, vector<1x16xf32>,
      %get3A_342 = vector.shape_cast %get3A_341 : vector<1x16xf32> to vector<16xf32>
      %add3A_343 = arith.addf %add3A_333, %get3A_342 : vector<16xf32>
      %mul3A_344 = arith.constant 128 : i32
      %mul3A_345 = arith.muli %scan3A_283, %mul3A_344 : i32
      %add3A_346 = arith.constant 96 : i32
      %add3A_347 = arith.addi %mul3A_345, %add3A_346 : i32
      %get3A_348 = arith.constant 4 : i32
      %get3A_349 = arith.index_cast %get3A_348 : i32 to index
      %get3A_350 = arith.index_cast %add3A_347 : i32 to index
      %get3A_351 = tpu.vector_load %arg6[%get3A_349, %get3A_350] {strides = array<i32>} : memref<8x4096xf32, #tpu.memory_space<vmem>>, vector<1x16xf32>,
      %get3A_352 = vector.shape_cast %get3A_351 : vector<1x16xf32> to vector<16xf32>
      %add3A_353 = arith.addf %add3A_343, %get3A_352 : vector<16xf32>
      %mul3A_354 = arith.constant 128 : i32
      %mul3A_355 = arith.muli %scan3A_283, %mul3A_354 : i32
      %add3A_356 = arith.constant 112 : i32
      %add3A_357 = arith.addi %mul3A_355, %add3A_356 : i32
      %get3A_358 = arith.constant 4 : i32
      %get3A_359 = arith.index_cast %get3A_358 : i32 to index
      %get3A_360 = arith.index_cast %add3A_357 : i32 to index
      %get3A_361 = tpu.vector_load %arg6[%get3A_359, %get3A_360] {strides = array<i32>} : memref<8x4096xf32, #tpu.memory_space<vmem>>, vector<1x16xf32>,
      %get3A_362 = vector.shape_cast %get3A_361 : vector<1x16xf32> to vector<16xf32>
      %add3A_363 = arith.addf %add3A_353, %get3A_362 : vector<16xf32>
      scf.yield %add3A_363 : vector<16xf32>
    }
    %scan3A_210 = arith.constant 32 : i32
    %swap3A_211 = arith.constant 252 : i32
    %swap3A_212 = arith.index_cast %swap3A_211 : i32 to index
    %swap3A_213 = arith.constant 0 : index
    %swap3A_214 = tpu.vector_load %arg8[%swap3A_212, %swap3A_213] {strides = array<i32>} : memref<256x16xf32, #tpu.memory_space<vmem>>, vector<1x16xf32>,
    %swap3A_215 = vector.shape_cast %swap3A_214 : vector<1x16xf32> to vector<16xf32>
    %swap3A_216 = vector.shape_cast %scan3A_209 : vector<16xf32> to vector<1x16xf32>
    tpu.vector_store %arg8[%swap3A_212, %swap3A_213], %swap3A_216 {strides = array<i32>} : memref<256x16xf32, #tpu.memory_space<vmem>>, vector<1x16xf32>,
    %broadcast_in_dim3A_217 = arith.constant 0.000000e+00 : f32
    %broadcast_in_dim3A_218 = vector.broadcast %broadcast_in_dim3A_217 : f32 to vector<16xf32>
    %scan3A_219 = arith.constant 0 : i32
    %scan3A_220 = arith.constant 32 : i32
    %scan3A_221 = arith.addi %scan3A_219, %scan3A_220 : i32
    %scan3A_222 = arith.constant 1 : i32
    %scan3A_223 = scf.for %scan3A_283 = %scan3A_219 to %scan3A_221 step %scan3A_222 iter_args(%scan3A_284 = %broadcast_in_dim3A_218) -> (vector<16xf32>)  : i32 {
      %mul3A_285 = arith.constant 128 : i32
      %mul3A_286 = arith.muli %scan3A_283, %mul3A_285 : i32
      %add3A_287 = arith.constant 0 : i32
      %add3A_288 = arith.addi %mul3A_286, %add3A_287 : i32
      %get3A = arith.constant 5 : i32
      %get3A_289 = arith.index_cast %get3A : i32 to index
      %get3A_290 = arith.index_cast %add3A_288 : i32 to index
      %get3A_291 = tpu.vector_load %arg6[%get3A_289, %get3A_290] {strides = array<i32>} : memref<8x4096xf32, #tpu.memory_space<vmem>>, vector<1x16xf32>,
      %get3A_292 = vector.shape_cast %get3A_291 : vector<1x16xf32> to vector<16xf32>
      %add3A_293 = arith.addf %scan3A_284, %get3A_292 : vector<16xf32>
      %mul3A_294 = arith.constant 128 : i32
      %mul3A_295 = arith.muli %scan3A_283, %mul3A_294 : i32
      %add3A_296 = arith.constant 16 : i32
      %add3A_297 = arith.addi %mul3A_295, %add3A_296 : i32
      %get3A_298 = arith.constant 5 : i32
      %get3A_299 = arith.index_cast %get3A_298 : i32 to index
      %get3A_300 = arith.index_cast %add3A_297 : i32 to index
      %get3A_301 = tpu.vector_load %arg6[%get3A_299, %get3A_300] {strides = array<i32>} : memref<8x4096xf32, #tpu.memory_space<vmem>>, vector<1x16xf32>,
      %get3A_302 = vector.shape_cast %get3A_301 : vector<1x16xf32> to vector<16xf32>
      %add3A_303 = arith.addf %add3A_293, %get3A_302 : vector<16xf32>
      %mul3A_304 = arith.constant 128 : i32
      %mul3A_305 = arith.muli %scan3A_283, %mul3A_304 : i32
      %add3A_306 = arith.constant 32 : i32
      %add3A_307 = arith.addi %mul3A_305, %add3A_306 : i32
      %get3A_308 = arith.constant 5 : i32
      %get3A_309 = arith.index_cast %get3A_308 : i32 to index
      %get3A_310 = arith.index_cast %add3A_307 : i32 to index
      %get3A_311 = tpu.vector_load %arg6[%get3A_309, %get3A_310] {strides = array<i32>} : memref<8x4096xf32, #tpu.memory_space<vmem>>, vector<1x16xf32>,
      %get3A_312 = vector.shape_cast %get3A_311 : vector<1x16xf32> to vector<16xf32>
      %add3A_313 = arith.addf %add3A_303, %get3A_312 : vector<16xf32>
      %mul3A_314 = arith.constant 128 : i32
      %mul3A_315 = arith.muli %scan3A_283, %mul3A_314 : i32
      %add3A_316 = arith.constant 48 : i32
      %add3A_317 = arith.addi %mul3A_315, %add3A_316 : i32
      %get3A_318 = arith.constant 5 : i32
      %get3A_319 = arith.index_cast %get3A_318 : i32 to index
      %get3A_320 = arith.index_cast %add3A_317 : i32 to index
      %get3A_321 = tpu.vector_load %arg6[%get3A_319, %get3A_320] {strides = array<i32>} : memref<8x4096xf32, #tpu.memory_space<vmem>>, vector<1x16xf32>,
      %get3A_322 = vector.shape_cast %get3A_321 : vector<1x16xf32> to vector<16xf32>
      %add3A_323 = arith.addf %add3A_313, %get3A_322 : vector<16xf32>
      %mul3A_324 = arith.constant 128 : i32
      %mul3A_325 = arith.muli %scan3A_283, %mul3A_324 : i32
      %add3A_326 = arith.constant 64 : i32
      %add3A_327 = arith.addi %mul3A_325, %add3A_326 : i32
      %get3A_328 = arith.constant 5 : i32
      %get3A_329 = arith.index_cast %get3A_328 : i32 to index
      %get3A_330 = arith.index_cast %add3A_327 : i32 to index
      %get3A_331 = tpu.vector_load %arg6[%get3A_329, %get3A_330] {strides = array<i32>} : memref<8x4096xf32, #tpu.memory_space<vmem>>, vector<1x16xf32>,
      %get3A_332 = vector.shape_cast %get3A_331 : vector<1x16xf32> to vector<16xf32>
      %add3A_333 = arith.addf %add3A_323, %get3A_332 : vector<16xf32>
      %mul3A_334 = arith.constant 128 : i32
      %mul3A_335 = arith.muli %scan3A_283, %mul3A_334 : i32
      %add3A_336 = arith.constant 80 : i32
      %add3A_337 = arith.addi %mul3A_335, %add3A_336 : i32
      %get3A_338 = arith.constant 5 : i32
      %get3A_339 = arith.index_cast %get3A_338 : i32 to index
      %get3A_340 = arith.index_cast %add3A_337 : i32 to index
      %get3A_341 = tpu.vector_load %arg6[%get3A_339, %get3A_340] {strides = array<i32>} : memref<8x4096xf32, #tpu.memory_space<vmem>>, vector<1x16xf32>,
      %get3A_342 = vector.shape_cast %get3A_341 : vector<1x16xf32> to vector<16xf32>
      %add3A_343 = arith.addf %add3A_333, %get3A_342 : vector<16xf32>
      %mul3A_344 = arith.constant 128 : i32
      %mul3A_345 = arith.muli %scan3A_283, %mul3A_344 : i32
      %add3A_346 = arith.constant 96 : i32
      %add3A_347 = arith.addi %mul3A_345, %add3A_346 : i32
      %get3A_348 = arith.constant 5 : i32
      %get3A_349 = arith.index_cast %get3A_348 : i32 to index
      %get3A_350 = arith.index_cast %add3A_347 : i32 to index
      %get3A_351 = tpu.vector_load %arg6[%get3A_349, %get3A_350] {strides = array<i32>} : memref<8x4096xf32, #tpu.memory_space<vmem>>, vector<1x16xf32>,
      %get3A_352 = vector.shape_cast %get3A_351 : vector<1x16xf32> to vector<16xf32>
      %add3A_353 = arith.addf %add3A_343, %get3A_352 : vector<16xf32>
      %mul3A_354 = arith.constant 128 : i32
      %mul3A_355 = arith.muli %scan3A_283, %mul3A_354 : i32
      %add3A_356 = arith.constant 112 : i32
      %add3A_357 = arith.addi %mul3A_355, %add3A_356 : i32
      %get3A_358 = arith.constant 5 : i32
      %get3A_359 = arith.index_cast %get3A_358 : i32 to index
      %get3A_360 = arith.index_cast %add3A_357 : i32 to index
      %get3A_361 = tpu.vector_load %arg6[%get3A_359, %get3A_360] {strides = array<i32>} : memref<8x4096xf32, #tpu.memory_space<vmem>>, vector<1x16xf32>,
      %get3A_362 = vector.shape_cast %get3A_361 : vector<1x16xf32> to vector<16xf32>
      %add3A_363 = arith.addf %add3A_353, %get3A_362 : vector<16xf32>
      scf.yield %add3A_363 : vector<16xf32>
    }
    %scan3A_224 = arith.constant 32 : i32
    %swap3A_225 = arith.constant 253 : i32
    %swap3A_226 = arith.index_cast %swap3A_225 : i32 to index
    %swap3A_227 = arith.constant 0 : index
    %swap3A_228 = tpu.vector_load %arg8[%swap3A_226, %swap3A_227] {strides = array<i32>} : memref<256x16xf32, #tpu.memory_space<vmem>>, vector<1x16xf32>,
    %swap3A_229 = vector.shape_cast %swap3A_228 : vector<1x16xf32> to vector<16xf32>
    %swap3A_230 = vector.shape_cast %scan3A_223 : vector<16xf32> to vector<1x16xf32>
    tpu.vector_store %arg8[%swap3A_226, %swap3A_227], %swap3A_230 {strides = array<i32>} : memref<256x16xf32, #tpu.memory_space<vmem>>, vector<1x16xf32>,
    %broadcast_in_dim3A_231 = arith.constant 0.000000e+00 : f32
    %broadcast_in_dim3A_232 = vector.broadcast %broadcast_in_dim3A_231 : f32 to vector<16xf32>
    %scan3A_233 = arith.constant 0 : i32
    %scan3A_234 = arith.constant 32 : i32
    %scan3A_235 = arith.addi %scan3A_233, %scan3A_234 : i32
    %scan3A_236 = arith.constant 1 : i32
    %scan3A_237 = scf.for %scan3A_283 = %scan3A_233 to %scan3A_235 step %scan3A_236 iter_args(%scan3A_284 = %broadcast_in_dim3A_232) -> (vector<16xf32>)  : i32 {
      %mul3A_285 = arith.constant 128 : i32
      %mul3A_286 = arith.muli %scan3A_283, %mul3A_285 : i32
      %add3A_287 = arith.constant 0 : i32
      %add3A_288 = arith.addi %mul3A_286, %add3A_287 : i32
      %get3A = arith.constant 6 : i32
      %get3A_289 = arith.index_cast %get3A : i32 to index
      %get3A_290 = arith.index_cast %add3A_288 : i32 to index
      %get3A_291 = tpu.vector_load %arg6[%get3A_289, %get3A_290] {strides = array<i32>} : memref<8x4096xf32, #tpu.memory_space<vmem>>, vector<1x16xf32>,
      %get3A_292 = vector.shape_cast %get3A_291 : vector<1x16xf32> to vector<16xf32>
      %add3A_293 = arith.addf %scan3A_284, %get3A_292 : vector<16xf32>
      %mul3A_294 = arith.constant 128 : i32
      %mul3A_295 = arith.muli %scan3A_283, %mul3A_294 : i32
      %add3A_296 = arith.constant 16 : i32
      %add3A_297 = arith.addi %mul3A_295, %add3A_296 : i32
      %get3A_298 = arith.constant 6 : i32
      %get3A_299 = arith.index_cast %get3A_298 : i32 to index
      %get3A_300 = arith.index_cast %add3A_297 : i32 to index
      %get3A_301 = tpu.vector_load %arg6[%get3A_299, %get3A_300] {strides = array<i32>} : memref<8x4096xf32, #tpu.memory_space<vmem>>, vector<1x16xf32>,
      %get3A_302 = vector.shape_cast %get3A_301 : vector<1x16xf32> to vector<16xf32>
      %add3A_303 = arith.addf %add3A_293, %get3A_302 : vector<16xf32>
      %mul3A_304 = arith.constant 128 : i32
      %mul3A_305 = arith.muli %scan3A_283, %mul3A_304 : i32
      %add3A_306 = arith.constant 32 : i32
      %add3A_307 = arith.addi %mul3A_305, %add3A_306 : i32
      %get3A_308 = arith.constant 6 : i32
      %get3A_309 = arith.index_cast %get3A_308 : i32 to index
      %get3A_310 = arith.index_cast %add3A_307 : i32 to index
      %get3A_311 = tpu.vector_load %arg6[%get3A_309, %get3A_310] {strides = array<i32>} : memref<8x4096xf32, #tpu.memory_space<vmem>>, vector<1x16xf32>,
      %get3A_312 = vector.shape_cast %get3A_311 : vector<1x16xf32> to vector<16xf32>
      %add3A_313 = arith.addf %add3A_303, %get3A_312 : vector<16xf32>
      %mul3A_314 = arith.constant 128 : i32
      %mul3A_315 = arith.muli %scan3A_283, %mul3A_314 : i32
      %add3A_316 = arith.constant 48 : i32
      %add3A_317 = arith.addi %mul3A_315, %add3A_316 : i32
      %get3A_318 = arith.constant 6 : i32
      %get3A_319 = arith.index_cast %get3A_318 : i32 to index
      %get3A_320 = arith.index_cast %add3A_317 : i32 to index
      %get3A_321 = tpu.vector_load %arg6[%get3A_319, %get3A_320] {strides = array<i32>} : memref<8x4096xf32, #tpu.memory_space<vmem>>, vector<1x16xf32>,
      %get3A_322 = vector.shape_cast %get3A_321 : vector<1x16xf32> to vector<16xf32>
      %add3A_323 = arith.addf %add3A_313, %get3A_322 : vector<16xf32>
      %mul3A_324 = arith.constant 128 : i32
      %mul3A_325 = arith.muli %scan3A_283, %mul3A_324 : i32
      %add3A_326 = arith.constant 64 : i32
      %add3A_327 = arith.addi %mul3A_325, %add3A_326 : i32
      %get3A_328 = arith.constant 6 : i32
      %get3A_329 = arith.index_cast %get3A_328 : i32 to index
      %get3A_330 = arith.index_cast %add3A_327 : i32 to index
      %get3A_331 = tpu.vector_load %arg6[%get3A_329, %get3A_330] {strides = array<i32>} : memref<8x4096xf32, #tpu.memory_space<vmem>>, vector<1x16xf32>,
      %get3A_332 = vector.shape_cast %get3A_331 : vector<1x16xf32> to vector<16xf32>
      %add3A_333 = arith.addf %add3A_323, %get3A_332 : vector<16xf32>
      %mul3A_334 = arith.constant 128 : i32
      %mul3A_335 = arith.muli %scan3A_283, %mul3A_334 : i32
      %add3A_336 = arith.constant 80 : i32
      %add3A_337 = arith.addi %mul3A_335, %add3A_336 : i32
      %get3A_338 = arith.constant 6 : i32
      %get3A_339 = arith.index_cast %get3A_338 : i32 to index
      %get3A_340 = arith.index_cast %add3A_337 : i32 to index
      %get3A_341 = tpu.vector_load %arg6[%get3A_339, %get3A_340] {strides = array<i32>} : memref<8x4096xf32, #tpu.memory_space<vmem>>, vector<1x16xf32>,
      %get3A_342 = vector.shape_cast %get3A_341 : vector<1x16xf32> to vector<16xf32>
      %add3A_343 = arith.addf %add3A_333, %get3A_342 : vector<16xf32>
      %mul3A_344 = arith.constant 128 : i32
      %mul3A_345 = arith.muli %scan3A_283, %mul3A_344 : i32
      %add3A_346 = arith.constant 96 : i32
      %add3A_347 = arith.addi %mul3A_345, %add3A_346 : i32
      %get3A_348 = arith.constant 6 : i32
      %get3A_349 = arith.index_cast %get3A_348 : i32 to index
      %get3A_350 = arith.index_cast %add3A_347 : i32 to index
      %get3A_351 = tpu.vector_load %arg6[%get3A_349, %get3A_350] {strides = array<i32>} : memref<8x4096xf32, #tpu.memory_space<vmem>>, vector<1x16xf32>,
      %get3A_352 = vector.shape_cast %get3A_351 : vector<1x16xf32> to vector<16xf32>
      %add3A_353 = arith.addf %add3A_343, %get3A_352 : vector<16xf32>
      %mul3A_354 = arith.constant 128 : i32
      %mul3A_355 = arith.muli %scan3A_283, %mul3A_354 : i32
      %add3A_356 = arith.constant 112 : i32
      %add3A_357 = arith.addi %mul3A_355, %add3A_356 : i32
      %get3A_358 = arith.constant 6 : i32
      %get3A_359 = arith.index_cast %get3A_358 : i32 to index
      %get3A_360 = arith.index_cast %add3A_357 : i32 to index
      %get3A_361 = tpu.vector_load %arg6[%get3A_359, %get3A_360] {strides = array<i32>} : memref<8x4096xf32, #tpu.memory_space<vmem>>, vector<1x16xf32>,
      %get3A_362 = vector.shape_cast %get3A_361 : vector<1x16xf32> to vector<16xf32>
      %add3A_363 = arith.addf %add3A_353, %get3A_362 : vector<16xf32>
      scf.yield %add3A_363 : vector<16xf32>
    }
    %scan3A_238 = arith.constant 32 : i32
    %swap3A_239 = arith.constant 254 : i32
    %swap3A_240 = arith.index_cast %swap3A_239 : i32 to index
    %swap3A_241 = arith.constant 0 : index
    %swap3A_242 = tpu.vector_load %arg8[%swap3A_240, %swap3A_241] {strides = array<i32>} : memref<256x16xf32, #tpu.memory_space<vmem>>, vector<1x16xf32>,
    %swap3A_243 = vector.shape_cast %swap3A_242 : vector<1x16xf32> to vector<16xf32>
    %swap3A_244 = vector.shape_cast %scan3A_237 : vector<16xf32> to vector<1x16xf32>
    tpu.vector_store %arg8[%swap3A_240, %swap3A_241], %swap3A_244 {strides = array<i32>} : memref<256x16xf32, #tpu.memory_space<vmem>>, vector<1x16xf32>,
    %broadcast_in_dim3A_245 = arith.constant 0.000000e+00 : f32
    %broadcast_in_dim3A_246 = vector.broadcast %broadcast_in_dim3A_245 : f32 to vector<16xf32>
    %scan3A_247 = arith.constant 0 : i32
    %scan3A_248 = arith.constant 32 : i32
    %scan3A_249 = arith.addi %scan3A_247, %scan3A_248 : i32
    %scan3A_250 = arith.constant 1 : i32
    %scan3A_251 = scf.for %scan3A_283 = %scan3A_247 to %scan3A_249 step %scan3A_250 iter_args(%scan3A_284 = %broadcast_in_dim3A_246) -> (vector<16xf32>)  : i32 {
      %mul3A_285 = arith.constant 128 : i32
      %mul3A_286 = arith.muli %scan3A_283, %mul3A_285 : i32
      %add3A_287 = arith.constant 0 : i32
      %add3A_288 = arith.addi %mul3A_286, %add3A_287 : i32
      %get3A = arith.constant 7 : i32
      %get3A_289 = arith.index_cast %get3A : i32 to index
      %get3A_290 = arith.index_cast %add3A_288 : i32 to index
      %get3A_291 = tpu.vector_load %arg6[%get3A_289, %get3A_290] {strides = array<i32>} : memref<8x4096xf32, #tpu.memory_space<vmem>>, vector<1x16xf32>,
      %get3A_292 = vector.shape_cast %get3A_291 : vector<1x16xf32> to vector<16xf32>
      %add3A_293 = arith.addf %scan3A_284, %get3A_292 : vector<16xf32>
      %mul3A_294 = arith.constant 128 : i32
      %mul3A_295 = arith.muli %scan3A_283, %mul3A_294 : i32
      %add3A_296 = arith.constant 16 : i32
      %add3A_297 = arith.addi %mul3A_295, %add3A_296 : i32
      %get3A_298 = arith.constant 7 : i32
      %get3A_299 = arith.index_cast %get3A_298 : i32 to index
      %get3A_300 = arith.index_cast %add3A_297 : i32 to index
      %get3A_301 = tpu.vector_load %arg6[%get3A_299, %get3A_300] {strides = array<i32>} : memref<8x4096xf32, #tpu.memory_space<vmem>>, vector<1x16xf32>,
      %get3A_302 = vector.shape_cast %get3A_301 : vector<1x16xf32> to vector<16xf32>
      %add3A_303 = arith.addf %add3A_293, %get3A_302 : vector<16xf32>
      %mul3A_304 = arith.constant 128 : i32
      %mul3A_305 = arith.muli %scan3A_283, %mul3A_304 : i32
      %add3A_306 = arith.constant 32 : i32
      %add3A_307 = arith.addi %mul3A_305, %add3A_306 : i32
      %get3A_308 = arith.constant 7 : i32
      %get3A_309 = arith.index_cast %get3A_308 : i32 to index
      %get3A_310 = arith.index_cast %add3A_307 : i32 to index
      %get3A_311 = tpu.vector_load %arg6[%get3A_309, %get3A_310] {strides = array<i32>} : memref<8x4096xf32, #tpu.memory_space<vmem>>, vector<1x16xf32>,
      %get3A_312 = vector.shape_cast %get3A_311 : vector<1x16xf32> to vector<16xf32>
      %add3A_313 = arith.addf %add3A_303, %get3A_312 : vector<16xf32>
      %mul3A_314 = arith.constant 128 : i32
      %mul3A_315 = arith.muli %scan3A_283, %mul3A_314 : i32
      %add3A_316 = arith.constant 48 : i32
      %add3A_317 = arith.addi %mul3A_315, %add3A_316 : i32
      %get3A_318 = arith.constant 7 : i32
      %get3A_319 = arith.index_cast %get3A_318 : i32 to index
      %get3A_320 = arith.index_cast %add3A_317 : i32 to index
      %get3A_321 = tpu.vector_load %arg6[%get3A_319, %get3A_320] {strides = array<i32>} : memref<8x4096xf32, #tpu.memory_space<vmem>>, vector<1x16xf32>,
      %get3A_322 = vector.shape_cast %get3A_321 : vector<1x16xf32> to vector<16xf32>
      %add3A_323 = arith.addf %add3A_313, %get3A_322 : vector<16xf32>
      %mul3A_324 = arith.constant 128 : i32
      %mul3A_325 = arith.muli %scan3A_283, %mul3A_324 : i32
      %add3A_326 = arith.constant 64 : i32
      %add3A_327 = arith.addi %mul3A_325, %add3A_326 : i32
      %get3A_328 = arith.constant 7 : i32
      %get3A_329 = arith.index_cast %get3A_328 : i32 to index
      %get3A_330 = arith.index_cast %add3A_327 : i32 to index
      %get3A_331 = tpu.vector_load %arg6[%get3A_329, %get3A_330] {strides = array<i32>} : memref<8x4096xf32, #tpu.memory_space<vmem>>, vector<1x16xf32>,
      %get3A_332 = vector.shape_cast %get3A_331 : vector<1x16xf32> to vector<16xf32>
      %add3A_333 = arith.addf %add3A_323, %get3A_332 : vector<16xf32>
      %mul3A_334 = arith.constant 128 : i32
      %mul3A_335 = arith.muli %scan3A_283, %mul3A_334 : i32
      %add3A_336 = arith.constant 80 : i32
      %add3A_337 = arith.addi %mul3A_335, %add3A_336 : i32
      %get3A_338 = arith.constant 7 : i32
      %get3A_339 = arith.index_cast %get3A_338 : i32 to index
      %get3A_340 = arith.index_cast %add3A_337 : i32 to index
      %get3A_341 = tpu.vector_load %arg6[%get3A_339, %get3A_340] {strides = array<i32>} : memref<8x4096xf32, #tpu.memory_space<vmem>>, vector<1x16xf32>,
      %get3A_342 = vector.shape_cast %get3A_341 : vector<1x16xf32> to vector<16xf32>
      %add3A_343 = arith.addf %add3A_333, %get3A_342 : vector<16xf32>
      %mul3A_344 = arith.constant 128 : i32
      %mul3A_345 = arith.muli %scan3A_283, %mul3A_344 : i32
      %add3A_346 = arith.constant 96 : i32
      %add3A_347 = arith.addi %mul3A_345, %add3A_346 : i32
      %get3A_348 = arith.constant 7 : i32
      %get3A_349 = arith.index_cast %get3A_348 : i32 to index
      %get3A_350 = arith.index_cast %add3A_347 : i32 to index
      %get3A_351 = tpu.vector_load %arg6[%get3A_349, %get3A_350] {strides = array<i32>} : memref<8x4096xf32, #tpu.memory_space<vmem>>, vector<1x16xf32>,
      %get3A_352 = vector.shape_cast %get3A_351 : vector<1x16xf32> to vector<16xf32>
      %add3A_353 = arith.addf %add3A_343, %get3A_352 : vector<16xf32>
      %mul3A_354 = arith.constant 128 : i32
      %mul3A_355 = arith.muli %scan3A_283, %mul3A_354 : i32
      %add3A_356 = arith.constant 112 : i32
      %add3A_357 = arith.addi %mul3A_355, %add3A_356 : i32
      %get3A_358 = arith.constant 7 : i32
      %get3A_359 = arith.index_cast %get3A_358 : i32 to index
      %get3A_360 = arith.index_cast %add3A_357 : i32 to index
      %get3A_361 = tpu.vector_load %arg6[%get3A_359, %get3A_360] {strides = array<i32>} : memref<8x4096xf32, #tpu.memory_space<vmem>>, vector<1x16xf32>,
      %get3A_362 = vector.shape_cast %get3A_361 : vector<1x16xf32> to vector<16xf32>
      %add3A_363 = arith.addf %add3A_353, %get3A_362 : vector<16xf32>
      scf.yield %add3A_363 : vector<16xf32>
    }
    %scan3A_252 = arith.constant 32 : i32
    %swap3A_253 = arith.constant 255 : i32
    %swap3A_254 = arith.index_cast %swap3A_253 : i32 to index
    %swap3A_255 = arith.constant 0 : index
    %swap3A_256 = tpu.vector_load %arg8[%swap3A_254, %swap3A_255] {strides = array<i32>} : memref<256x16xf32, #tpu.memory_space<vmem>>, vector<1x16xf32>,
    %swap3A_257 = vector.shape_cast %swap3A_256 : vector<1x16xf32> to vector<16xf32>
    %swap3A_258 = vector.shape_cast %scan3A_251 : vector<16xf32> to vector<1x16xf32>
    tpu.vector_store %arg8[%swap3A_254, %swap3A_255], %swap3A_258 {strides = array<i32>} : memref<256x16xf32, #tpu.memory_space<vmem>>, vector<1x16xf32>,
    %add3A_259 = arith.constant 248 : i32
    %add3A_260 = arith.addi %mul3A_2, %add3A_259 : i32
    %dma_start3A_261 = arith.constant 0 : i32
    %dma_start3A_262 = tpu.memref_slice %arg3[%add3A_260, %dma_start3A_261] : memref<8192x4096xf32, #tpu.memory_space<hbm>> -> memref<8x4096xf32, #tpu.memory_space<hbm>>
    %dma_start3A_263 = arith.constant 0 : i32
    %dma_start3A_264 = tpu.memref_slice %arg3[%add3A_260, %dma_start3A_263] : memref<8192x4096xf32, #tpu.memory_space<hbm>> -> memref<8x4096xf32, #tpu.memory_space<hbm>>
    tpu.enqueue_dma source(%arg6 : memref<8x4096xf32, #tpu.memory_space<vmem>>) target(%dma_start3A_264 : memref<8x4096xf32, #tpu.memory_space<hbm>>) target_semaphore(%arg13 : memref<!tpu.dma_semaphore, #tpu.memory_space<semaphore_mem>>)
    %add3A_265 = arith.constant 232 : i32
    %add3A_266 = arith.addi %mul3A_2, %add3A_265 : i32
    %dma_wait3A_267 = arith.constant 0 : i32
    %dma_wait3A_268 = tpu.memref_slice %arg3[%add3A_266, %dma_wait3A_267] : memref<8192x4096xf32, #tpu.memory_space<hbm>> -> memref<8x4096xf32, #tpu.memory_space<hbm>>
    %dma_wait3A_269 = arith.constant 0 : i32
    %dma_wait3A_270 = tpu.memref_slice %arg3[%add3A_266, %dma_wait3A_269] : memref<8192x4096xf32, #tpu.memory_space<hbm>> -> memref<8x4096xf32, #tpu.memory_space<hbm>>
    tpu.wait_dma2 semaphore(%arg14 : memref<!tpu.dma_semaphore, #tpu.memory_space<semaphore_mem>>) src(%arg7 : memref<8x4096xf32, #tpu.memory_space<vmem>>) dst(%dma_wait3A_270 : memref<8x4096xf32, #tpu.memory_space<hbm>>)
    %add3A_271 = arith.constant 240 : i32
    %add3A_272 = arith.addi %mul3A_2, %add3A_271 : i32
    %dma_wait3A_273 = arith.constant 0 : i32
    %dma_wait3A_274 = tpu.memref_slice %arg3[%add3A_272, %dma_wait3A_273] : memref<8192x4096xf32, #tpu.memory_space<hbm>> -> memref<8x4096xf32, #tpu.memory_space<hbm>>
    %dma_wait3A_275 = arith.constant 0 : i32
    %dma_wait3A_276 = tpu.memref_slice %arg3[%add3A_272, %dma_wait3A_275] : memref<8192x4096xf32, #tpu.memory_space<hbm>> -> memref<8x4096xf32, #tpu.memory_space<hbm>>
    tpu.wait_dma2 semaphore(%arg12 : memref<!tpu.dma_semaphore, #tpu.memory_space<semaphore_mem>>) src(%arg5 : memref<8x4096xf32, #tpu.memory_space<vmem>>) dst(%dma_wait3A_276 : memref<8x4096xf32, #tpu.memory_space<hbm>>)
    %add3A_277 = arith.constant 248 : i32
    %add3A_278 = arith.addi %mul3A_2, %add3A_277 : i32
    %dma_wait3A_279 = arith.constant 0 : i32
    %dma_wait3A_280 = tpu.memref_slice %arg3[%add3A_278, %dma_wait3A_279] : memref<8192x4096xf32, #tpu.memory_space<hbm>> -> memref<8x4096xf32, #tpu.memory_space<hbm>>
    %dma_wait3A_281 = arith.constant 0 : i32
    %dma_wait3A_282 = tpu.memref_slice %arg3[%add3A_278, %dma_wait3A_281] : memref<8192x4096xf32, #tpu.memory_space<hbm>> -> memref<8x4096xf32, #tpu.memory_space<hbm>>
    tpu.wait_dma2 semaphore(%arg13 : memref<!tpu.dma_semaphore, #tpu.memory_space<semaphore_mem>>) src(%arg6 : memref<8x4096xf32, #tpu.memory_space<vmem>>) dst(%dma_wait3A_282 : memref<8x4096xf32, #tpu.memory_space<hbm>>)
    "tpu.region"() ({
      %run_scoped3A = tpu.sem_alloc : memref<!tpu.dma_semaphore, #tpu.memory_space<semaphore_mem>>
      %dma_start3A_283 = arith.constant 0 : i32
      %dma_start3A_284 = tpu.memref_slice %arg4[%mul3A_2, %dma_start3A_283] : memref<8192x16xf32, #tpu.memory_space<hbm>> -> memref<256x16xf32, #tpu.memory_space<hbm>>
      %dma_start3A_285 = arith.constant 0 : i32
      %dma_start3A_286 = tpu.memref_slice %arg4[%mul3A_2, %dma_start3A_285] : memref<8192x16xf32, #tpu.memory_space<hbm>> -> memref<256x16xf32, #tpu.memory_space<hbm>>
      tpu.enqueue_dma source(%arg8 : memref<256x16xf32, #tpu.memory_space<vmem>>) target(%dma_start3A_286 : memref<256x16xf32, #tpu.memory_space<hbm>>) target_semaphore(%run_scoped3A : memref<!tpu.dma_semaphore, #tpu.memory_space<semaphore_mem>>)
      %dma_wait3A_287 = arith.constant 0 : i32
      %dma_wait3A_288 = tpu.memref_slice %arg4[%mul3A_2, %dma_wait3A_287] : memref<8192x16xf32, #tpu.memory_space<hbm>> -> memref<256x16xf32, #tpu.memory_space<hbm>>
      %dma_wait3A_289 = arith.constant 0 : i32
      %dma_wait3A_290 = tpu.memref_slice %arg4[%mul3A_2, %dma_wait3A_289] : memref<8192x16xf32, #tpu.memory_space<hbm>> -> memref<256x16xf32, #tpu.memory_space<hbm>>
      tpu.wait_dma2 semaphore(%run_scoped3A : memref<!tpu.dma_semaphore, #tpu.memory_space<semaphore_mem>>) src(%arg8 : memref<256x16xf32, #tpu.memory_space<vmem>>) dst(%dma_wait3A_290 : memref<256x16xf32, #tpu.memory_space<hbm>>)
      tpu.yield
    }) : () -> ()
    return
  }
}

module attributes {stable_mosaic.version = 14 : i64} {
  func.func @_retrieval_body(%arg0: i32, %arg1: memref<1x8x4096xf32, #tpu.memory_space<vmem>>, %arg2: memref<8x1024x16xf32, #tpu.memory_space<vmem>>, %arg3: memref<256x1024xf32, #tpu.memory_space<vmem>>, %arg4: memref<1x256xf32, #tpu.memory_space<vmem>>, %arg5: memref<8x256xf32, #tpu.memory_space<vmem>>, %arg6: memref<8x8xf32, #tpu.memory_space<vmem>>, %arg7: memref<1x1xf32, #tpu.memory_space<smem>>, %arg8: memref<1x8x4096xf32, #tpu.memory_space<vmem>>) attributes {dimension_semantics = [#tpu.dimension_semantics<arbitrary>], iteration_bounds = array<i64: 1>, scalar_prefetch = 0 : i64, scratch_operands = 0 : i64, tpu.core_type = #tpu.core_type<tc>, window_params = [{transform_indices = @transform_0, window_bounds = array<i64: 1, 8, 4096>}, {pipeline_mode = #tpu.pipeline_mode<synchronous>, transform_indices = @transform_1, window_bounds = array<i64: 8, 1024, 16>}, {pipeline_mode = #tpu.pipeline_mode<synchronous>, transform_indices = @transform_2, window_bounds = array<i64: 256, 1024>}, {pipeline_mode = #tpu.pipeline_mode<synchronous>, transform_indices = @transform_3, window_bounds = array<i64: 1, 256>}, {pipeline_mode = #tpu.pipeline_mode<synchronous>, transform_indices = @transform_4, window_bounds = array<i64: 8, 256>}, {pipeline_mode = #tpu.pipeline_mode<synchronous>, transform_indices = @transform_5, window_bounds = array<i64: 8, 8>}, {transform_indices = @transform_6, window_bounds = array<i64: 1, 1>}, {transform_indices = @transform_7, window_bounds = array<i64: 1, 8, 4096>}]} {
    %get3A = arith.constant 0 : index
    %get3A_0 = arith.constant 0 : index
    %get3A_1 = arith.constant 0 : index
    %get3A_2 = vector.load %arg2[%get3A, %get3A_0, %get3A_1] : memref<8x1024x16xf32, #tpu.memory_space<vmem>>, vector<8x1024x16xf32>
    %reduce_sum3A = arith.constant dense<0.000000e+00> : vector<8x1024xf32>
    %reduce_sum3A_3 = vector.multi_reduction <add>, %get3A_2, %reduce_sum3A [2] : vector<8x1024x16xf32> to vector<8x1024xf32>
    %mul3A = arith.constant 2.44140625E-4 : f32
    %mul3A_4 = vector.broadcast %mul3A : f32 to vector<8x1024xf32>
    %mul3A_5 = arith.mulf %reduce_sum3A_3, %mul3A_4 : vector<8x1024xf32>
    %get3A_6 = arith.constant 0 : index
    %get3A_7 = arith.constant 0 : index
    %get3A_8 = vector.load %arg3[%get3A_6, %get3A_7] : memref<256x1024xf32, #tpu.memory_space<vmem>>, vector<256x1024xf32>
    %dot_general3A = arith.constant dense<0.000000e+00> : vector<8x256xf32>
    %dot_general3A_9 = tpu.matmul %mul3A_5, %get3A_8, %dot_general3A {dimension_numbers = #tpu.dot_dimension_numbers<[1], [1], [0], [0], [0, 0, 1, 0], [], []>, transpose_lhs_hint = false} : vector<8x1024xf32>, vector<256x1024xf32>, vector<8x256xf32> -> vector<8x256xf32>
    %get3A_10 = arith.constant 0 : index
    %get3A_11 = arith.constant 0 : index
    %get3A_12 = vector.load %arg4[%get3A_10, %get3A_11] : memref<1x256xf32, #tpu.memory_space<vmem>>, vector<1x256xf32>
    %add3A = vector.broadcast %get3A_12 : vector<1x256xf32> to vector<8x256xf32>
    %add3A_13 = arith.addf %dot_general3A_9, %add3A : vector<8x256xf32>
    %mul3A_14 = arith.mulf %add3A_13, %add3A_13 : vector<8x256xf32>
    %reduce_sum3A_15 = arith.constant dense<0.000000e+00> : vector<8xf32>
    %reduce_sum3A_16 = vector.multi_reduction <add>, %mul3A_14, %reduce_sum3A_15 [1] : vector<8x256xf32> to vector<8xf32>
    %broadcast_in_dim3A = vector.shape_cast %reduce_sum3A_16 : vector<8xf32> to vector<8x1xf32>
    %sqrt3A = math.sqrt %broadcast_in_dim3A : vector<8x1xf32>
    %max3A = arith.constant 9.99999996E-13 : f32
    %max3A_17 = vector.broadcast %max3A : f32 to vector<8x1xf32>
    %max3A_18 = arith.maximumf %sqrt3A, %max3A_17 : vector<8x1xf32>
    %div3A = vector.broadcast %max3A_18 : vector<8x1xf32> to vector<8x256xf32>
    %div3A_19 = arith.divf %add3A_13, %div3A : vector<8x256xf32>
    %get3A_20 = arith.constant 0 : index
    %get3A_21 = arith.constant 0 : index
    %get3A_22 = vector.load %arg5[%get3A_20, %get3A_21] : memref<8x256xf32, #tpu.memory_space<vmem>>, vector<8x256xf32>
    %mul3A_23 = arith.mulf %get3A_22, %get3A_22 : vector<8x256xf32>
    %reduce_sum3A_24 = arith.constant dense<0.000000e+00> : vector<8xf32>
    %reduce_sum3A_25 = vector.multi_reduction <add>, %mul3A_23, %reduce_sum3A_24 [1] : vector<8x256xf32> to vector<8xf32>
    %broadcast_in_dim3A_26 = vector.shape_cast %reduce_sum3A_25 : vector<8xf32> to vector<8x1xf32>
    %sqrt3A_27 = math.sqrt %broadcast_in_dim3A_26 : vector<8x1xf32>
    %max3A_28 = arith.constant 9.99999996E-13 : f32
    %max3A_29 = vector.broadcast %max3A_28 : f32 to vector<8x1xf32>
    %max3A_30 = arith.maximumf %sqrt3A_27, %max3A_29 : vector<8x1xf32>
    %div3A_31 = vector.broadcast %max3A_30 : vector<8x1xf32> to vector<8x256xf32>
    %div3A_32 = arith.divf %get3A_22, %div3A_31 : vector<8x256xf32>
    %dot_general3A_33 = arith.constant dense<0.000000e+00> : vector<8x8xf32>
    %dot_general3A_34 = tpu.matmul %div3A_19, %div3A_32, %dot_general3A_33 {dimension_numbers = #tpu.dot_dimension_numbers<[1], [1], [0], [0], [0, 0, 1, 0], [], []>, transpose_lhs_hint = false} : vector<8x256xf32>, vector<8x256xf32>, vector<8x8xf32> -> vector<8x8xf32>
    %get3A_35 = arith.constant 0 : index
    %get3A_36 = arith.constant 0 : index
    %get3A_37 = vector.load %arg6[%get3A_35, %get3A_36] : memref<8x8xf32, #tpu.memory_space<vmem>>, vector<8x8xf32>
    %gt3A = arith.constant 0.000000e+00 : f32
    %gt3A_38 = vector.broadcast %gt3A : f32 to vector<8x8xf32>
    %gt3A_39 = arith.cmpf ogt, %get3A_37, %gt3A_38 : vector<8x8xf32>
    %jit3A = arith.constant -1.000000e+30 : f32
    %broadcast_in_dim3A_40 = vector.broadcast %jit3A : f32 to vector<8x8xf32>
    %select_n3A = arith.select %gt3A_39, %dot_general3A_34, %broadcast_in_dim3A_40 : vector<8x8xi1>, vector<8x8xf32>
    %reduce_max3A = arith.constant dense<0xFF800000> : vector<8xf32>
    %reduce_max3A_41 = vector.multi_reduction <maximumf>, %select_n3A, %reduce_max3A [1] : vector<8x8xf32> to vector<8xf32>
    %broadcast_in_dim3A_42 = vector.shape_cast %reduce_max3A_41 : vector<8xf32> to vector<8x1xf32>
    %iota3A = tpu.iota {dimensions = array<i32: 1>} : vector<8x8xi32>
    %eq3A = vector.broadcast %broadcast_in_dim3A_42 : vector<8x1xf32> to vector<8x8xf32>
    %eq3A_43 = arith.cmpf oeq, %select_n3A, %eq3A : vector<8x8xf32>
    %jit3A_44 = arith.constant 8 : i32
    %broadcast_in_dim3A_45 = vector.broadcast %jit3A_44 : i32 to vector<8x8xi32>
    %select_n3A_46 = arith.select %eq3A_43, %iota3A, %broadcast_in_dim3A_45 : vector<8x8xi1>, vector<8x8xi32>
    %reduce_min3A = arith.constant dense<2147483647> : vector<8xi32>
    %reduce_min3A_47 = vector.multi_reduction <minsi>, %select_n3A_46, %reduce_min3A [1] : vector<8x8xi32> to vector<8xi32>
    %broadcast_in_dim3A_48 = vector.shape_cast %reduce_min3A_47 : vector<8xi32> to vector<8x1xi32>
    %eq3A_49 = vector.broadcast %broadcast_in_dim3A_48 : vector<8x1xi32> to vector<8x8xi32>
    %eq3A_50 = arith.cmpi eq, %iota3A, %eq3A_49 : vector<8x8xi32>
    %jit3A_51 = arith.constant -3.000000e+38 : f32
    %broadcast_in_dim3A_52 = vector.broadcast %jit3A_51 : f32 to vector<8x8xf32>
    %select_n3A_53 = arith.select %eq3A_50, %broadcast_in_dim3A_52, %select_n3A : vector<8x8xi1>, vector<8x8xf32>
    %reduce_max3A_54 = arith.constant dense<0xFF800000> : vector<8xf32>
    %reduce_max3A_55 = vector.multi_reduction <maximumf>, %select_n3A_53, %reduce_max3A_54 [1] : vector<8x8xf32> to vector<8xf32>
    %broadcast_in_dim3A_56 = vector.shape_cast %reduce_max3A_55 : vector<8xf32> to vector<8x1xf32>
    %sub3A = arith.subf %broadcast_in_dim3A_56, %broadcast_in_dim3A_42 : vector<8x1xf32>
    %mul3A_57 = arith.constant 1.000000e+01 : f32
    %mul3A_58 = vector.broadcast %mul3A_57 : f32 to vector<8x1xf32>
    %mul3A_59 = arith.mulf %sub3A, %mul3A_58 : vector<8x1xf32>
    %exp3A = math.exp %mul3A_59 : vector<8x1xf32>
    %add3A_60 = arith.constant 1.000000e+00 : f32
    %add3A_61 = vector.broadcast %add3A_60 : f32 to vector<8x1xf32>
    %add3A_62 = arith.addf %add3A_61, %exp3A : vector<8x1xf32>
    %div3A_63 = arith.constant 1.000000e+00 : f32
    %div3A_64 = vector.broadcast %div3A_63 : f32 to vector<8x1xf32>
    %div3A_65 = arith.divf %div3A_64, %add3A_62 : vector<8x1xf32>
    %div3A_66 = arith.divf %exp3A, %add3A_62 : vector<8x1xf32>
    %add3A_67 = arith.addf %div3A_65, %div3A_66 : vector<8x1xf32>
    %reduce_sum3A_68 = vector.shape_cast %add3A_67 : vector<8x1xf32> to vector<1x8x1xf32>
    %reduce_sum3A_69 = arith.constant dense<0.000000e+00> : vector<1xf32>
    %reduce_sum3A_70 = vector.multi_reduction <add>, %reduce_sum3A_68, %reduce_sum3A_69 [1, 2] : vector<1x8x1xf32> to vector<1xf32>
    %reduce_sum3A_71 = vector.shape_cast %reduce_sum3A_70 : vector<1xf32> to vector<1x1x1xf32>
    %reduce_sum3A_72 = vector.extract %reduce_sum3A_71[0, 0, 0] : f32 from vector<1x1x1xf32>
    %reduce_sum3A_73 = vector.shape_cast %get3A_37 : vector<8x8xf32> to vector<1x8x8xf32>
    %reduce_sum3A_74 = arith.constant dense<0.000000e+00> : vector<1xf32>
    %reduce_sum3A_75 = vector.multi_reduction <add>, %reduce_sum3A_73, %reduce_sum3A_74 [1, 2] : vector<1x8x8xf32> to vector<1xf32>
    %reduce_sum3A_76 = vector.shape_cast %reduce_sum3A_75 : vector<1xf32> to vector<1x1x1xf32>
    %reduce_sum3A_77 = vector.extract %reduce_sum3A_76[0, 0, 0] : f32 from vector<1x1x1xf32>
    %mul3A_78 = arith.constant 1.250000e-01 : f32
    %mul3A_79 = arith.mulf %reduce_sum3A_77, %mul3A_78 : f32
    %get3A_80 = arith.constant 0 : index
    %get3A_81 = arith.constant 0 : index
    %get3A_82 = memref.load %arg7[%get3A_80, %get3A_81] : memref<1x1xf32, #tpu.memory_space<smem>>
    %add3A_83 = arith.addf %reduce_sum3A_72, %get3A_82 : f32
    %add3A_84 = arith.addf %add3A_83, %mul3A_79 : f32
    %mul3A_85 = arith.constant 0.000000e+00 : f32
    %mul3A_86 = arith.mulf %mul3A_85, %add3A_84 : f32
    %get3A_87 = arith.constant 0 : index
    %get3A_88 = arith.constant 0 : index
    %get3A_89 = arith.constant 0 : index
    %get3A_90 = vector.load %arg1[%get3A_87, %get3A_88, %get3A_89] : memref<1x8x4096xf32, #tpu.memory_space<vmem>>, vector<1x8x4096xf32>
    %add3A_91 = vector.broadcast %mul3A_86 : f32 to vector<1x8x4096xf32>
    %add3A_92 = arith.addf %get3A_90, %add3A_91 : vector<1x8x4096xf32>
    %swap3A = arith.constant 0 : index
    %swap3A_93 = arith.constant 0 : index
    %swap3A_94 = arith.constant 0 : index
    %swap3A_95 = vector.load %arg8[%swap3A, %swap3A_93, %swap3A_94] : memref<1x8x4096xf32, #tpu.memory_space<vmem>>, vector<1x8x4096xf32>
    tpu.vector_store %arg8[%swap3A, %swap3A_93, %swap3A_94], %add3A_92 {strides = array<i32>} : memref<1x8x4096xf32, #tpu.memory_space<vmem>>, vector<1x8x4096xf32>,
    return
  }
  func.func @transform_0(%arg0: i32) -> (i32, i32, i32) {
    %c0_i32 = arith.constant 0 : i32
    %c0_i32_0 = arith.constant 0 : i32
    %c0_i32_1 = arith.constant 0 : i32
    %c0_i32_2 = arith.constant 0 : i32
    return %c0_i32, %c0_i32_0, %c0_i32_1 : i32, i32, i32
  }
  func.func @transform_1(%arg0: i32) -> (i32, i32, i32) {
    %c0_i32 = arith.constant 0 : i32
    %c0_i32_0 = arith.constant 0 : i32
    %c0_i32_1 = arith.constant 0 : i32
    %c0_i32_2 = arith.constant 0 : i32
    return %c0_i32, %c0_i32_0, %c0_i32_1 : i32, i32, i32
  }
  func.func @transform_2(%arg0: i32) -> (i32, i32) {
    %c0_i32 = arith.constant 0 : i32
    %c0_i32_0 = arith.constant 0 : i32
    %c0_i32_1 = arith.constant 0 : i32
    return %c0_i32, %c0_i32_0 : i32, i32
  }
  func.func @transform_3(%arg0: i32) -> (i32, i32) {
    %c0_i32 = arith.constant 0 : i32
    %c0_i32_0 = arith.constant 0 : i32
    %c0_i32_1 = arith.constant 0 : i32
    return %c0_i32, %c0_i32_0 : i32, i32
  }
  func.func @transform_4(%arg0: i32) -> (i32, i32) {
    %c0_i32 = arith.constant 0 : i32
    %c0_i32_0 = arith.constant 0 : i32
    %c0_i32_1 = arith.constant 0 : i32
    return %c0_i32, %c0_i32_0 : i32, i32
  }
  func.func @transform_5(%arg0: i32) -> (i32, i32) {
    %c0_i32 = arith.constant 0 : i32
    %c0_i32_0 = arith.constant 0 : i32
    %c0_i32_1 = arith.constant 0 : i32
    return %c0_i32, %c0_i32_0 : i32, i32
  }
  func.func @transform_6(%arg0: i32) -> (i32, i32) {
    %c0_i32 = arith.constant 0 : i32
    %c0_i32_0 = arith.constant 0 : i32
    %c0_i32_1 = arith.constant 0 : i32
    return %c0_i32, %c0_i32_0 : i32, i32
  }
  func.func @transform_7(%arg0: i32) -> (i32, i32, i32) {
    %c0_i32 = arith.constant 0 : i32
    %c0_i32_0 = arith.constant 0 : i32
    %c0_i32_1 = arith.constant 0 : i32
    %c0_i32_2 = arith.constant 0 : i32
    return %c0_i32, %c0_i32_0, %c0_i32_1 : i32, i32, i32
  }
}

</mosaic_0001>

<sc_bundles>
// kernel: kernel.4.cloned.1.call-start
scs
__scs_entry_jumppad:
0x0: {  	(pc) =	sbr.rel $0x88, $3  }
0x1: {  	(tag) =	ssettag $0x0;
	lr =	simm.s32 $0x1  }
0x2: {  	[smem:$0x3F9B] =	sst lr;
	_ =	strace $0xD0000000  }
0x3: {  	_ = 	snop  }
0x4: {  	_ = 	snop  }
0x5: {  	_ = 	snop  }
0x6: {  	_ = 	snop  }
0x7: {  	_ = 	snop  }
__scs_overlays_trampoline_lowered:
0x8: {  	[smem:$0x3FAA] =	sst s0  }
0x9: {  	[smem:$0x3FAB] =	sst s1  }
0xa: {  	[smem:$0x3FAC] =	sst s2  }
0xb: {  	[smem:$0x3FAD] =	sst s3  }
0xc: {  	[smem:$0x3FAE] =	sst s4  }
0xd: {  	[smem:$0x3FAF] =	sst s5  }
0xe: {  	[smem:$0x3FB0] =	sst s6  }
0xf: {  	[smem:$0x3FB1] =	sst s7  }
0x10: {  	[smem:$0x3FB2] =	sst s8  }
0x11: {  	[smem:$0x3FB3] =	sst s9;
	s0 =	simm.s32 @!p0 $0x0  }
0x12: {  	s1 =	sld [smem:$0x3F99];
	s0 =	simm.s32 @p0 $0x1  }
0x13: {  	[smem:$0x3FB4] =	sst s0;
	s0 =	simm.s32 @!p1 $0x0  }
0x14: {  	s2 =	sld [smem:$0x3F98];
	s0 =	simm.s32 @p1 $0x1  }
0x15: {  	[smem:$0x3FB5] =	sst s0;
	s0 =	simm.s32 @!p2 $0x0  }
0x16: {  	s3 =	sld [smem:$0x3FDB];
	s0 =	simm.s32 @p2 $0x1  }
0x17: {  	s4 =	simm.s32 $0x1BF5;
	[smem:$0x3FB7] =	sst s0  }
0x18: {  	s0 =	sld [smem:$0x3F9A];
	_ =	swait.ge [sflag:s4], $0x0  }
0x19: {  	s7 =	sld [smem:$0x3F9B]  }
0x1a: {  	s8 =	sadd.s32 $0xFFFFE003, lr  }
0x1b: {  	s9 =	sadd.s32 $0xFFFFFEF7, lr;
	s5 =	simm.s32 $0xFFFFFFFF;
	p2 =	slt.u32 s8, $0xFFFFF086  }
0x1c: {  	p1 =	slt.u32 s9, $0xF7A;
	s5 =	simm.s32 @!p2 $0x0  }
0x1d: {  	s5 =	simm.s32 @p1 $0x1;
	p0 =	seq.s32 s7, s2  }
0x1e: {  	s7 =	smul.u32 @!p0 $0xF7A, s2;
	p2 =	seq.s32 @!p0 s5, $0x0  }
0x1f: {  	s9 =	smul.u32 $0xF7A, s1;
	s8 =	simm.s32 @!p0 $0x1BF5;
	p2 =	por !p2, p0  }
0x20: {  	[sflag:s8] =	ssyncset.s32 @!p0 $0xFFFFF086;
	s6 =	sadd.s32 @!p0 s3, s7;
	s7 =	simm.s32 @!p0 $0x108  }
0x21: {  	s3 =	sadd.s32 s3, s9;
	s6 =	sadd.s32 @!p0 $0x88, s6;
	s7 =	simm.s32 @p2 $0x1082  }
0x22: {  	[simem:s7], [sflag:s8] =	dma.local @!p0 [hbm:s6], $0xF7A  }
0x23: {  	s9 =	sor.u32 $0xD0000000, s2;
	s6 =	simm.s32 $0x108;
	_ =	swait.ge @!p0 [sflag:s8], $0x0  }
0x24: {  	s3 =	sadd.s32 $0x88, s3;
	s6 =	simm.s32 @!p1 $0x1082;
	[sflag:s4] =	ssyncset.s32 $0xFFFFF086  }
0x25: {  	[simem:s6], [sflag:s4] =	dma.local [hbm:s3], $0xF7A  }
0x26: {  	[smem:$0x3F9B] =	sst s1;
	(tag) =	ssettag s2;
	_ =	strace s9  }
0x27: {  	s1 =	sld [smem:$0x3FAB]  }
0x28: {  	s2 =	sld [smem:$0x3FAC]  }
0x29: {  	s4 =	sld [smem:$0x3FAE]  }
0x2a: {  	p0 =	seq.s32 s5, $0x0;
	s5 =	sld [smem:$0x3FAF]  }
0x2b: {  	s6 =	sld [smem:$0x3FB0]  }
0x2c: {  	s7 =	sld [smem:$0x3FB1]  }
0x2d: {  	s3 =	simm.s32 $0x108;
	s8 =	sld [smem:$0x3FB2]  }
0x2e: {  	s3 =	simm.s32 @!p0 $0x1082;
	s9 =	sld [smem:$0x3FB3]  }
0x2f: {  	lr =	sadd.s32 s0, s3;
	s0 =	sld [smem:$0x3FAA]  }
0x30: {  	s3 =	sld [smem:$0x3FAD]  }
0x31: {  	[smem:$0x3FB6] =	sst s10  }
0x32: {  	s10 =	sld [smem:$0x3FB4];
	_ =	sdelay $0x3  }
0x33: {  	p0 =	seq.s32 s10, $0x1;
	s10 =	sld [smem:$0x3FB6];
	_ =	sdelay $0x3  }
0x34: {  	[smem:$0x3FB6] =	sst s10  }
0x35: {  	s10 =	sld [smem:$0x3FB5];
	_ =	sdelay $0x3  }
0x36: {  	p1 =	seq.s32 s10, $0x1;
	s10 =	sld [smem:$0x3FB6];
	_ =	sdelay $0x3  }
0x37: {  	[smem:$0x3FB6] =	sst s10  }
0x38: {  	s10 =	sld [smem:$0x3FB7]  }
0x39: {  	_ = 	snop;
	(pc) =	sbr.ind lr, $3  }
0x3a: {  	_ = 	snop  }
0x3b: {  	_ = 	snop  }
0x3c: {  	p2 =	seq.s32 s10, $0x1;
	s10 =	sld [smem:$0x3FB6]  }
0x3d: {  	_ =	shalt  }
0x3e: {  	_ =	shalt  }
0x3f: {  	_ =	shalt  }
0x40: {  	_ =	shalt  }
0x41: {  	_ =	shalt  }
0x42: {  	_ =	shalt  }
0x43: {  	_ =	shalt  }
0x44: {  	_ =	shalt  }
0x45: {  	_ =	shalt  }
0x46: {  	_ =	shalt  }
0x47: {  	_ =	shalt  }
0x48: {  	_ =	shalt  }
0x49: {  	_ =	shalt  }
0x4a: {  	_ =	shalt  }
0x4b: {  	_ =	shalt  }
0x4c: {  	_ =	shalt  }
0x4d: {  	_ =	shalt  }
0x4e: {  	_ =	shalt  }
0x4f: {  	_ =	shalt  }
0x50: {  	_ =	shalt  }
0x51: {  	_ =	shalt  }
0x52: {  	_ =	shalt  }
0x53: {  	_ =	shalt  }
0x54: {  	_ =	shalt  }
0x55: {  	_ =	shalt  }
0x56: {  	_ =	shalt  }
0x57: {  	_ =	shalt  }
0x58: {  	_ =	shalt  }
0x59: {  	_ =	shalt  }
0x5a: {  	_ =	shalt  }
0x5b: {  	_ =	shalt  }
0x5c: {  	_ =	shalt  }
0x5d: {  	_ =	shalt  }
0x5e: {  	_ =	shalt  }
0x5f: {  	_ =	shalt  }
0x60: {  	_ =	shalt  }
0x61: {  	_ =	shalt  }
0x62: {  	_ =	shalt  }
0x63: {  	_ =	shalt  }
0x64: {  	_ =	shalt  }
0x65: {  	_ =	shalt  }
0x66: {  	_ =	shalt  }
0x67: {  	_ =	shalt  }
0x68: {  	_ =	shalt  }
0x69: {  	_ =	shalt  }
0x6a: {  	_ =	shalt  }
0x6b: {  	_ =	shalt  }
0x6c: {  	_ =	shalt  }
0x6d: {  	_ =	shalt  }
0x6e: {  	_ =	shalt  }
0x6f: {  	_ =	shalt  }
0x70: {  	_ =	shalt  }
0x71: {  	_ =	shalt  }
0x72: {  	_ =	shalt  }
0x73: {  	_ =	shalt  }
0x74: {  	_ =	shalt  }
0x75: {  	_ =	shalt  }
0x76: {  	_ =	shalt  }
0x77: {  	_ =	shalt  }
0x78: {  	_ =	shalt  }
0x79: {  	_ =	shalt  }
0x7a: {  	_ =	shalt  }
0x7b: {  	_ =	shalt  }
0x7c: {  	_ =	shalt  }
0x7d: {  	_ =	shalt  }
0x7e: {  	_ =	shalt  }
0x7f: {  	_ =	shalt  }
0x80: {  	_ =	shalt  }
0x81: {  	_ =	shalt  }
0x82: {  	_ =	shalt  }
0x83: {  	_ =	shalt  }
0x84: {  	_ =	shalt  }
0x85: {  	_ =	shalt  }
0x86: {  	_ =	shalt  }
0x87: {  	_ =	shalt  }
.Lfunc_end0:
.L_simem_size_0:
called_computation.1_lowered:
.L_overlay_start_0:
0x88: {  	s2 =	sld [smem:$0x3FD9]  }
0x89: {  	s3 =	sld [smem:$0x3FFE];
	_ =	sdelay $0x1  }
0x8a: {  	s1 =	srdreg.scid  }
0x8b: {  	s0 =	sand.u32 $0x1, s1  }
0x8c: {  	s17 =	sshll.u32 s0, $0xA;
	s2 =	sadd.s32 s3, s2  }
0x8d: {  	s2 =	sadd.s32 s2, s17  }
0x8e: {  	[smem:$0x3FC2] =	sst s2  }
0x8f: {  	_ = 	snop  }
0x90: {  	s2 =	sld [smem:$0x3FD0];
	(tm) =	ssettm $0x1  }
0x91: {  	s18 =	sld [smem:$0x3FFB];
	_ =	sdelay $0x3  }
0x92: {  	_ =	strace s18  }
0x93: {  	s3 =	sld [smem:$0x3FFC];
	_ =	sdelay $0x3  }
0x94: {  	_ =	strace s3  }
0x95: {  	s3 =	sld [smem:$0x3FFD];
	_ =	sdelay $0x3  }
0x96: {  	_ =	strace s3  }
0x97: {  	_ =	strace $0x8FFFFFFF  }
0x98: {  	s19 =	sld [smem:$0x3FDB];
	_ =	sdelay $0x1  }
0x99: {  	s4 =	simm.s32 $_scs_section_size  }
0x9a: {  	s5 =	simm.s32 $_size__tile_overlayer_lowered;
	s6 =	simm.s32 $_tile_overlayer_lowered  }
0x9b: {  	s22 =	simm.s32 $0x1BFF;
	s21 =	sshll.u32 s6, $0x1;
	s3 =	sadd.s32 s4, s19  }
0x9c: {  	s7 =	simm.s32 $0x0;
	s20 =	sshll.u32 s5, $0x1;
	s5 =	sadd.s32 s21, s3  }
0x9d: {  	[timem:s7], [sflag:s22] =	dma.local [hbm:s5], s20  }
0x9e: {  	_ =	swait.ge [sflag:s22], s20  }
0x9f: {  	s4 =	ssub.s32 $0x0, s20;
	[sflag:s22] =	ssyncset.done $0x0  }
0xa0: {  	[sflag:s22] =	ssyncadd.s32 s4;
	_ =	sdelay $0x1  }
0xa1: {  	s23 =	simm.s32 $0x1B8B  }
0xa2: {  	_ =	swait.ge [sflag:s23], $0x1  }
0xa3: {  	[sflag:s23] =	ssyncset.done $0x0  }
0xa4: {  	s25 =	simm.s32 $0x1B8E;
	s24 =	sld [smem:$0x3FFE];
	[sflag:s23] =	ssyncadd.s32 $0xFFFFFFFF  }
0xa5: {  	s26 =	simm.s32 $execute0_lowered;
	[smem:$0x3FD2] =	sst s25  }
0xa6: {  	s5 =	sshll.u32 s26, $0x1;
	_ =	strace $0x80000049;
	[dreg:$0x1] =	wrdreg $0xFFFFFFFF  }
0xa7: {  	s28 =	simm.s32 $_size_execute0_lowered;
	s3 =	sadd.s32 s3, s5;
	[dreg:$0x0] =	wrdreg $0x0  }
0xa8: {  	s5 =	sshll.u32 s28, $0x1;
	[dreg:$0x2] =	wrdreg s3  }
0xa9: {  	[dreg:$0x3] =	wrdreg s5  }
0xaa: {  	[dreg:$0x4] =	wrdreg $0xC0  }
0xab: {  	_ =	task [dreg:s7], $0x5FFFF  }
0xac: {  	[dreg:$0x1] =	wrdreg $0xFFFFFFFF  }
0xad: {  	[dreg:$0x0] =	wrdreg $0x60  }
0xae: {  	[dreg:$0x2] =	wrdreg s2  }
0xaf: {  	[dreg:$0x3] =	wrdreg s24  }
0xb0: {  	[dreg:$0x4] =	wrdreg $0x9  }
0xb1: {  	_ =	task.clear_ibuf [dreg:s7], $0x5FFFF;
	_ =	strace $0x90000049  }
0xb2: {  	s29 =	simm.s32 $0x9;
	_ =	strace $0x8000004B  }
0xb3: {  	_ =	swait.ge [sflag:s29], $0x1  }
0xb4: {  	[sflag:s29] =	ssyncadd.s32 $0xFFFFFFFF  }
0xb5: {  	_ =	strace $0x9000004B  }
0xb6: {  	_ =	sfence  }
0xb7: {  	s30 =	sld [smem:$0x0];
	_ =	sdelay $0x2  }
0xb8: {  	s31 =	sshll.u32 s1, $0xD;
	s1 =	sshrl.u32 s1, $0x2  }
0xb9: {  	s3 =	sand.u32 $0x4000, s31;
	s1 =	sadd.s32 s1, s30  }
0xba: {  	s0 =	sor.u32 s3, s0;
	s1 =	sshll.u32 s1, $0x11  }
0xbb: {  	s0 =	sor.u32 s1, s0  }
0xbc: {  	s0 =	sadd.s32 $0x8F2B, s0  }
0xbd: {  	[sflag:s0] =	ssyncadd.remote.s32 $0x1  }
0xbe: {  	_ =	sfence.sel $0xFFFF  }
0xbf: {  	[dreg:$0x0] =	wrdreg $0xFFFFFFFF;
	(pc) =	sbr.abs _section_cstart, $3  }
0xc0: {  	[dreg:$0x1] =	wrdreg $0xFFFFFFFF  }
0xc1: {  	_ =	task.clear_ibuf [dreg:s7], $0x2FFFF;
	_ =	strace $0x9FFFFFFF  }
0xc2: {  	(tm) =	ssettm $0x7FFFFFFF  }
0xc3: {  	_ =	shalt  }
tec
execute0_lowered:
.L_overlay_start_1:
0x0: {  	(tag) =	ssettag $0x1  }
0x1: {  	s1 =	rddreg [dreg:$0x0]  }
0x2: {  	s0 =	rddreg [dreg:$0x1]  }
0x3: {  	s2 =	srdreg.scid;
	s3 =	simm.s32 $0x0;
	s4 =	stileid.u32  }
0x4: {  	s15 =	simm.s32 $0x8000;
	s16 =	simm.s32 $0x1;
	s17 =	simm.s32 $0x10000  }
0x5: {  	s18 =	simm.s32 $0x2;
	s19 =	simm.s32 $0x4;
	s20 =	simm.s32 $0x3  }
0x6: {  	s21 =	simm.s32 $0x5;
	s22 =	simm.s32 $0x6;
	s24 =	simm.s32 $0x7  }
0x7: {  	s25 =	simm.s32 $0x0;
	s2 =	sand.u32 $0x1, s2;
	[smem:$0x7FF] =	sst s3  }
0x8: {  	s5 =	sshll.u32 s4, $0x9;
	s4 =	sadd.s32 $0x21600, s0;
	s6 =	sshll.u32 s2, $0x8  }
0x9: {  	_ =	strace $0x8000004A;
	s2 =	ssub.s32 $0x2, s2;
	s5 =	sor.u32 s6, s5  }
0xa: {  	s7 =	sshrl.u32 s2, $0x1;
	s6 =	sshll.u32 s5, $0x4;
	s11 =	sshll.u32 s5, $0x9  }
0xb: {  	s2 =	ssub.s32 s2, s7;
	s8 =	sshrl.u32 s5, $0x3;
	s0 =	sadd.s32 s6, s0  }
0xc: {  	s6 =	sadd.s32 s1, s11;
	s9 =	sor.u32 $0x3, s8;
	s10 =	sor.u32 $0x4, s8  }
0xd: {  	s12 =	sadd.s32 s11, s4;
	s14 =	smax.u32 s2, $0x1;
	s7 =	sadd.s32 $0x1000, s6  }
0xe: {  	s11 =	sadd.s32 $0x1E000, s12;
	s12 =	sadd.s32 $0x1F000, s12;
	s13 =	sadd.s32 $0x1600, s0  }
.LBB2_1:
0xf: {  	[tilespmem:s3], [sflag:$0x1] =	stream.linear.gather [hbm4b:s6+s3], $0x8000, $0x38;
	v63 =	vld [tilespmem:$0x0]  }
0x10: {  	s26 =	simm.s32 $0x0  }
0x11: {  	[tilespmem:s15], [sflag:$0x2] =	stream.linear.gather [hbm4b:s7+s3], $0x8000, $0x38;
	v63 =	vld [tilespmem:$0x0]  }
.LBB2_2:
0x12: {  	_ =	swait.ge [sflag:s16], $0x8000  }
0x13: {  	[sflag:s16] =	ssyncset.done $0x0  }
0x14: {  	s0 =	simm.s32 $0x0;
	[sflag:s16] =	ssyncadd.s32 $0xFFFF8000  }
0x15: {  	v0 =	vld [tilespmem:s0+$0x0];
	_ =	sdelay $0x1  }
0x16: {  	v1 =	vld [tilespmem:s0+$0x10];
	_ =	sdelay $0x1  }
0x17: {  	v2 =	vimm.f32 $0.0e+00;
	v3 =	vld [tilespmem:s0+$0x20]  }
0x18: {  	v0 =	vadd.f32 v0, v2  }
0x19: {  	v2 =	vld [tilespmem:s0+$0x30]  }
0x1a: {  	v0 =	vadd.f32 v1, v0  }
0x1b: {  	v1 =	vld [tilespmem:s0+$0x40]  }
0x1c: {  	v0 =	vadd.f32 v3, v0;
	_ =	sdelay $0x1  }
0x1d: {  	v3 =	vld [tilespmem:s0+$0x50];
	v0 =	vadd.f32 v2, v0;
	_ =	sdelay $0x1  }
0x1e: {  	v2 =	vadd.f32 v1, v0;
	v1 =	vld [tilespmem:s0+$0x60];
	_ =	sdelay $0x1  }
0x1f: {  	v0 =	vld [tilespmem:s0+$0x70]  }
0x20: {  	s2 =	simm.s32 $0x2000;
	s0 =	simm.s32 $0x400;
	v2 =	vadd.f32 v3, v2  }
.LBB2_3:
0x21: {  	p0 =	sne.s32 s2, $0x1F000;
	v3 =	vld [tilespmem:s0+$0x0]  }
0x22: {  	v1 =	vadd.f32 v1, v2  }
0x23: {  	v2 =	vld [tilespmem:s0+$0x10]  }
0x24: {  	v0 =	vadd.f32 v0, v1  }
0x25: {  	v1 =	vld [tilespmem:s0+$0x20]  }
0x26: {  	v0 =	vadd.f32 v3, v0  }
0x27: {  	v3 =	vld [tilespmem:s0+$0x30]  }
0x28: {  	v0 =	vadd.f32 v2, v0  }
0x29: {  	v2 =	vld [tilespmem:s0+$0x40]  }
0x2a: {  	v0 =	vadd.f32 v1, v0  }
0x2b: {  	v4 =	vld [tilespmem:s0+$0x50]  }
.Ltmp0:
0x2c: {  	v0 =	vadd.f32 v3, v0;
	(pc) =	sbr.rel @p0 .LBB2_3-.Ltmp0, $4  }
0x2d: {  	v1 =	vld [tilespmem:s0+$0x60]  }
0x2e: {  	v2 =	vadd.f32 v2, v0  }
0x2f: {  	v0 =	vld [tilespmem:s0+$0x70]  }
0x30: {  	s0 =	sshra.s32 s2, $0x2;
	s2 =	sadd.s32 $0x1000, s2;
	v2 =	vadd.f32 v4, v2  }
0x31: {  	v3 =	vld [tilespmem:s0+$0x0]  }
0x32: {  	v1 =	vadd.f32 v1, v2  }
0x33: {  	v2 =	vld [tilespmem:s0+$0x10]  }
0x34: {  	v0 =	vadd.f32 v0, v1  }
0x35: {  	v1 =	vld [tilespmem:s0+$0x20]  }
0x36: {  	v0 =	vadd.f32 v3, v0  }
0x37: {  	v3 =	vld [tilespmem:s0+$0x30]  }
0x38: {  	v0 =	vadd.f32 v2, v0  }
0x39: {  	v2 =	vld [tilespmem:s0+$0x40]  }
0x3a: {  	v0 =	vadd.f32 v1, v0  }
0x3b: {  	v1 =	vld [tilespmem:s0+$0x50]  }
0x3c: {  	v0 =	vadd.f32 v3, v0  }
0x3d: {  	v3 =	vld [tilespmem:s0+$0x60]  }
0x3e: {  	v0 =	vadd.f32 v2, v0  }
0x3f: {  	v2 =	vld [tilespmem:s0+$0x70]  }
0x40: {  	v0 =	vadd.f32 v1, v0;
	_ =	sdelay $0x1  }
0x41: {  	v0 =	vadd.f32 v3, v0  }
0x42: {  	s30 =	smul.u32 $0x3000, s26  }
0x43: {  	v0 =	vadd.f32 v2, v0  }
0x44: {  	s29 =	sshra.s32 s30, $0x2  }
0x45: {  	s31 =	simm.s32 $0x0;
	[tilespmem:s29+$0x18000] =	vst v0  }
0x46: {  	v0 =	vld [tilespmem:s31+$0x80];
	_ =	sdelay $0x1  }
0x47: {  	v1 =	vld [tilespmem:s31+$0x90];
	_ =	sdelay $0x1  }
0x48: {  	v2 =	vimm.f32 $0.0e+00;
	v3 =	vld [tilespmem:s31+$0xA0]  }
0x49: {  	v0 =	vadd.f32 v0, v2  }
0x4a: {  	v2 =	vld [tilespmem:s31+$0xB0]  }
0x4b: {  	v0 =	vadd.f32 v1, v0  }
0x4c: {  	v1 =	vld [tilespmem:s31+$0xC0]  }
0x4d: {  	v0 =	vadd.f32 v3, v0;
	_ =	sdelay $0x1  }
0x4e: {  	v3 =	vld [tilespmem:s31+$0xD0];
	v0 =	vadd.f32 v2, v0;
	_ =	sdelay $0x1  }
0x4f: {  	v2 =	vadd.f32 v1, v0;
	v1 =	vld [tilespmem:s31+$0xE0];
	_ =	sdelay $0x1  }
0x50: {  	v0 =	vld [tilespmem:s31+$0xF0]  }
0x51: {  	s2 =	simm.s32 $0x2000;
	s0 =	simm.s32 $0x400;
	v2 =	vadd.f32 v3, v2  }
.LBB2_5:
0x52: {  	p0 =	sne.s32 s2, $0x1F000;
	v3 =	vld [tilespmem:s0+$0x80]  }
0x53: {  	v1 =	vadd.f32 v1, v2  }
0x54: {  	v2 =	vld [tilespmem:s0+$0x90]  }
0x55: {  	v0 =	vadd.f32 v0, v1  }
0x56: {  	v1 =	vld [tilespmem:s0+$0xA0]  }
0x57: {  	v0 =	vadd.f32 v3, v0  }
0x58: {  	v3 =	vld [tilespmem:s0+$0xB0]  }
0x59: {  	v0 =	vadd.f32 v2, v0  }
0x5a: {  	v2 =	vld [tilespmem:s0+$0xC0]  }
0x5b: {  	v0 =	vadd.f32 v1, v0  }
0x5c: {  	v4 =	vld [tilespmem:s0+$0xD0]  }
.Ltmp1:
0x5d: {  	v0 =	vadd.f32 v3, v0;
	(pc) =	sbr.rel @p0 .LBB2_5-.Ltmp1, $4  }
0x5e: {  	v1 =	vld [tilespmem:s0+$0xE0]  }
0x5f: {  	v2 =	vadd.f32 v2, v0  }
0x60: {  	v0 =	vld [tilespmem:s0+$0xF0]  }
0x61: {  	s0 =	sshra.s32 s2, $0x2;
	s2 =	sadd.s32 $0x1000, s2;
	v2 =	vadd.f32 v4, v2  }
0x62: {  	v3 =	vld [tilespmem:s0+$0x80]  }
0x63: {  	v1 =	vadd.f32 v1, v2  }
0x64: {  	v2 =	vld [tilespmem:s0+$0x90]  }
0x65: {  	v0 =	vadd.f32 v0, v1  }
0x66: {  	v1 =	vld [tilespmem:s0+$0xA0]  }
0x67: {  	v0 =	vadd.f32 v3, v0  }
0x68: {  	v3 =	vld [tilespmem:s0+$0xB0]  }
0x69: {  	v0 =	vadd.f32 v2, v0  }
0x6a: {  	v2 =	vld [tilespmem:s0+$0xC0]  }
0x6b: {  	v0 =	vadd.f32 v1, v0  }
0x6c: {  	v1 =	vld [tilespmem:s0+$0xD0]  }
0x6d: {  	v0 =	vadd.f32 v3, v0  }
0x6e: {  	v3 =	vld [tilespmem:s0+$0xE0]  }
0x6f: {  	v0 =	vadd.f32 v2, v0  }
0x70: {  	v2 =	vld [tilespmem:s0+$0xF0]  }
0x71: {  	v0 =	vadd.f32 v1, v0;
	_ =	sdelay $0x1  }
0x72: {  	v0 =	vadd.f32 v3, v0;
	_ =	sdelay $0x1  }
0x73: {  	v0 =	vadd.f32 v2, v0;
	_ =	sdelay $0x1  }
0x74: {  	s31 =	simm.s32 $0x0;
	[tilespmem:s29+$0x18080] =	vst v0  }
0x75: {  	v0 =	vld [tilespmem:s31+$0x100];
	_ =	sdelay $0x1  }
0x76: {  	v1 =	vld [tilespmem:s31+$0x110];
	_ =	sdelay $0x1  }
0x77: {  	v2 =	vimm.f32 $0.0e+00;
	v3 =	vld [tilespmem:s31+$0x120]  }
0x78: {  	v0 =	vadd.f32 v0, v2  }
0x79: {  	v2 =	vld [tilespmem:s31+$0x130]  }
0x7a: {  	v0 =	vadd.f32 v1, v0  }
0x7b: {  	v1 =	vld [tilespmem:s31+$0x140]  }
0x7c: {  	v0 =	vadd.f32 v3, v0;
	_ =	sdelay $0x1  }
0x7d: {  	v3 =	vld [tilespmem:s31+$0x150];
	v0 =	vadd.f32 v2, v0;
	_ =	sdelay $0x1  }
0x7e: {  	v2 =	vadd.f32 v1, v0;
	v1 =	vld [tilespmem:s31+$0x160];
	_ =	sdelay $0x1  }
0x7f: {  	v0 =	vld [tilespmem:s31+$0x170]  }
0x80: {  	s2 =	simm.s32 $0x2000;
	s0 =	simm.s32 $0x400;
	v2 =	vadd.f32 v3, v2  }
.LBB2_7:
0x81: {  	p0 =	sne.s32 s2, $0x1F000;
	v3 =	vld [tilespmem:s0+$0x100]  }
0x82: {  	v1 =	vadd.f32 v1, v2  }
0x83: {  	v2 =	vld [tilespmem:s0+$0x110]  }
0x84: {  	v0 =	vadd.f32 v0, v1  }
0x85: {  	v1 =	vld [tilespmem:s0+$0x120]  }
0x86: {  	v0 =	vadd.f32 v3, v0  }
0x87: {  	v3 =	vld [tilespmem:s0+$0x130]  }
0x88: {  	v0 =	vadd.f32 v2, v0  }
0x89: {  	v2 =	vld [tilespmem:s0+$0x140]  }
0x8a: {  	v0 =	vadd.f32 v1, v0  }
0x8b: {  	v4 =	vld [tilespmem:s0+$0x150]  }
.Ltmp2:
0x8c: {  	v0 =	vadd.f32 v3, v0;
	(pc) =	sbr.rel @p0 .LBB2_7-.Ltmp2, $4  }
0x8d: {  	v1 =	vld [tilespmem:s0+$0x160]  }
0x8e: {  	v2 =	vadd.f32 v2, v0  }
0x8f: {  	v0 =	vld [tilespmem:s0+$0x170]  }
0x90: {  	s0 =	sshra.s32 s2, $0x2;
	s2 =	sadd.s32 $0x1000, s2;
	v2 =	vadd.f32 v4, v2  }
0x91: {  	v3 =	vld [tilespmem:s0+$0x100]  }
0x92: {  	v1 =	vadd.f32 v1, v2  }
0x93: {  	v2 =	vld [tilespmem:s0+$0x110]  }
0x94: {  	v0 =	vadd.f32 v0, v1  }
0x95: {  	v1 =	vld [tilespmem:s0+$0x120]  }
0x96: {  	v0 =	vadd.f32 v3, v0  }
0x97: {  	v3 =	vld [tilespmem:s0+$0x130]  }
0x98: {  	v0 =	vadd.f32 v2, v0  }
0x99: {  	v2 =	vld [tilespmem:s0+$0x140]  }
0x9a: {  	v0 =	vadd.f32 v1, v0  }
0x9b: {  	v1 =	vld [tilespmem:s0+$0x150]  }
0x9c: {  	v0 =	vadd.f32 v3, v0  }
0x9d: {  	v3 =	vld [tilespmem:s0+$0x160]  }
0x9e: {  	v0 =	vadd.f32 v2, v0  }
0x9f: {  	v2 =	vld [tilespmem:s0+$0x170]  }
0xa0: {  	v0 =	vadd.f32 v1, v0;
	_ =	sdelay $0x1  }
0xa1: {  	v0 =	vadd.f32 v3, v0;
	_ =	sdelay $0x1  }
0xa2: {  	v0 =	vadd.f32 v2, v0;
	_ =	sdelay $0x1  }
0xa3: {  	s31 =	simm.s32 $0x0;
	[tilespmem:s29+$0x18100] =	vst v0  }
0xa4: {  	v0 =	vld [tilespmem:s31+$0x180];
	_ =	sdelay $0x1  }
0xa5: {  	v1 =	vld [tilespmem:s31+$0x190];
	_ =	sdelay $0x1  }
0xa6: {  	v2 =	vimm.f32 $0.0e+00;
	v3 =	vld [tilespmem:s31+$0x1A0]  }
0xa7: {  	v0 =	vadd.f32 v0, v2  }
0xa8: {  	v2 =	vld [tilespmem:s31+$0x1B0]  }
0xa9: {  	v0 =	vadd.f32 v1, v0  }
0xaa: {  	v1 =	vld [tilespmem:s31+$0x1C0]  }
0xab: {  	v0 =	vadd.f32 v3, v0;
	_ =	sdelay $0x1  }
0xac: {  	v3 =	vld [tilespmem:s31+$0x1D0];
	v0 =	vadd.f32 v2, v0;
	_ =	sdelay $0x1  }
0xad: {  	v2 =	vadd.f32 v1, v0;
	v1 =	vld [tilespmem:s31+$0x1E0];
	_ =	sdelay $0x1  }
0xae: {  	v0 =	vld [tilespmem:s31+$0x1F0]  }
0xaf: {  	s2 =	simm.s32 $0x2000;
	s0 =	simm.s32 $0x400;
	v2 =	vadd.f32 v3, v2  }
.LBB2_9:
0xb0: {  	p0 =	sne.s32 s2, $0x1F000;
	v3 =	vld [tilespmem:s0+$0x180]  }
0xb1: {  	v1 =	vadd.f32 v1, v2  }
0xb2: {  	v2 =	vld [tilespmem:s0+$0x190]  }
0xb3: {  	v0 =	vadd.f32 v0, v1  }
0xb4: {  	v1 =	vld [tilespmem:s0+$0x1A0]  }
0xb5: {  	v0 =	vadd.f32 v3, v0  }
0xb6: {  	v3 =	vld [tilespmem:s0+$0x1B0]  }
0xb7: {  	v0 =	vadd.f32 v2, v0  }
0xb8: {  	v2 =	vld [tilespmem:s0+$0x1C0]  }
0xb9: {  	v0 =	vadd.f32 v1, v0  }
0xba: {  	v4 =	vld [tilespmem:s0+$0x1D0]  }
.Ltmp3:
0xbb: {  	v0 =	vadd.f32 v3, v0;
	(pc) =	sbr.rel @p0 .LBB2_9-.Ltmp3, $4  }
0xbc: {  	v1 =	vld [tilespmem:s0+$0x1E0]  }
0xbd: {  	v2 =	vadd.f32 v2, v0  }
0xbe: {  	v0 =	vld [tilespmem:s0+$0x1F0]  }
0xbf: {  	s0 =	sshra.s32 s2, $0x2;
	s2 =	sadd.s32 $0x1000, s2;
	v2 =	vadd.f32 v4, v2  }
0xc0: {  	v3 =	vld [tilespmem:s0+$0x180]  }
0xc1: {  	v1 =	vadd.f32 v1, v2  }
0xc2: {  	v2 =	vld [tilespmem:s0+$0x190]  }
0xc3: {  	v0 =	vadd.f32 v0, v1  }
0xc4: {  	v1 =	vld [tilespmem:s0+$0x1A0]  }
0xc5: {  	v0 =	vadd.f32 v3, v0  }
0xc6: {  	v3 =	vld [tilespmem:s0+$0x1B0]  }
0xc7: {  	v0 =	vadd.f32 v2, v0  }
0xc8: {  	v2 =	vld [tilespmem:s0+$0x1C0]  }
0xc9: {  	v0 =	vadd.f32 v1, v0  }
0xca: {  	v1 =	vld [tilespmem:s0+$0x1D0]  }
0xcb: {  	v0 =	vadd.f32 v3, v0  }
0xcc: {  	v3 =	vld [tilespmem:s0+$0x1E0]  }
0xcd: {  	v0 =	vadd.f32 v2, v0  }
0xce: {  	v2 =	vld [tilespmem:s0+$0x1F0]  }
0xcf: {  	v0 =	vadd.f32 v1, v0;
	_ =	sdelay $0x1  }
0xd0: {  	v0 =	vadd.f32 v3, v0;
	_ =	sdelay $0x1  }
0xd1: {  	v0 =	vadd.f32 v2, v0;
	_ =	sdelay $0x1  }
0xd2: {  	s31 =	simm.s32 $0x0;
	[tilespmem:s29+$0x18180] =	vst v0  }
0xd3: {  	v0 =	vld [tilespmem:s31+$0x200];
	_ =	sdelay $0x1  }
0xd4: {  	v1 =	vld [tilespmem:s31+$0x210];
	_ =	sdelay $0x1  }
0xd5: {  	v2 =	vimm.f32 $0.0e+00;
	v3 =	vld [tilespmem:s31+$0x220]  }
0xd6: {  	v0 =	vadd.f32 v0, v2  }
0xd7: {  	v2 =	vld [tilespmem:s31+$0x230]  }
0xd8: {  	v0 =	vadd.f32 v1, v0  }
0xd9: {  	v1 =	vld [tilespmem:s31+$0x240]  }
0xda: {  	v0 =	vadd.f32 v3, v0;
	_ =	sdelay $0x1  }
0xdb: {  	v3 =	vld [tilespmem:s31+$0x250];
	v0 =	vadd.f32 v2, v0;
	_ =	sdelay $0x1  }
0xdc: {  	v2 =	vadd.f32 v1, v0;
	v1 =	vld [tilespmem:s31+$0x260];
	_ =	sdelay $0x1  }
0xdd: {  	v0 =	vld [tilespmem:s31+$0x270]  }
0xde: {  	s2 =	simm.s32 $0x2000;
	s0 =	simm.s32 $0x400;
	v2 =	vadd.f32 v3, v2  }
.LBB2_11:
0xdf: {  	p0 =	sne.s32 s2, $0x1F000;
	v3 =	vld [tilespmem:s0+$0x200]  }
0xe0: {  	v1 =	vadd.f32 v1, v2  }
0xe1: {  	v2 =	vld [tilespmem:s0+$0x210]  }
0xe2: {  	v0 =	vadd.f32 v0, v1  }
0xe3: {  	v1 =	vld [tilespmem:s0+$0x220]  }
0xe4: {  	v0 =	vadd.f32 v3, v0  }
0xe5: {  	v3 =	vld [tilespmem:s0+$0x230]  }
0xe6: {  	v0 =	vadd.f32 v2, v0  }
0xe7: {  	v2 =	vld [tilespmem:s0+$0x240]  }
0xe8: {  	v0 =	vadd.f32 v1, v0  }
0xe9: {  	v4 =	vld [tilespmem:s0+$0x250]  }
.Ltmp4:
0xea: {  	v0 =	vadd.f32 v3, v0;
	(pc) =	sbr.rel @p0 .LBB2_11-.Ltmp4, $4  }
0xeb: {  	v1 =	vld [tilespmem:s0+$0x260]  }
0xec: {  	v2 =	vadd.f32 v2, v0  }
0xed: {  	v0 =	vld [tilespmem:s0+$0x270]  }
0xee: {  	s0 =	sshra.s32 s2, $0x2;
	s2 =	sadd.s32 $0x1000, s2;
	v2 =	vadd.f32 v4, v2  }
0xef: {  	v3 =	vld [tilespmem:s0+$0x200]  }
0xf0: {  	v1 =	vadd.f32 v1, v2  }
0xf1: {  	v2 =	vld [tilespmem:s0+$0x210]  }
0xf2: {  	v0 =	vadd.f32 v0, v1  }
0xf3: {  	v1 =	vld [tilespmem:s0+$0x220]  }
0xf4: {  	v0 =	vadd.f32 v3, v0  }
0xf5: {  	v3 =	vld [tilespmem:s0+$0x230]  }
0xf6: {  	v0 =	vadd.f32 v2, v0  }
0xf7: {  	v2 =	vld [tilespmem:s0+$0x240]  }
0xf8: {  	v0 =	vadd.f32 v1, v0  }
0xf9: {  	v1 =	vld [tilespmem:s0+$0x250]  }
0xfa: {  	v0 =	vadd.f32 v3, v0  }
0xfb: {  	v3 =	vld [tilespmem:s0+$0x260]  }
0xfc: {  	v0 =	vadd.f32 v2, v0  }
0xfd: {  	v2 =	vld [tilespmem:s0+$0x270]  }
0xfe: {  	v0 =	vadd.f32 v1, v0;
	_ =	sdelay $0x1  }
0xff: {  	v0 =	vadd.f32 v3, v0;
	_ =	sdelay $0x1  }
0x100: {  	v0 =	vadd.f32 v2, v0;
	_ =	sdelay $0x1  }
0x101: {  	s31 =	simm.s32 $0x0;
	[tilespmem:s29+$0x18200] =	vst v0  }
0x102: {  	v0 =	vld [tilespmem:s31+$0x280];
	_ =	sdelay $0x1  }
0x103: {  	v1 =	vld [tilespmem:s31+$0x290];
	_ =	sdelay $0x1  }
0x104: {  	v2 =	vimm.f32 $0.0e+00;
	v3 =	vld [tilespmem:s31+$0x2A0]  }
0x105: {  	v0 =	vadd.f32 v0, v2  }
0x106: {  	v2 =	vld [tilespmem:s31+$0x2B0]  }
0x107: {  	v0 =	vadd.f32 v1, v0  }
0x108: {  	v1 =	vld [tilespmem:s31+$0x2C0]  }
0x109: {  	v0 =	vadd.f32 v3, v0;
	_ =	sdelay $0x1  }
0x10a: {  	v3 =	vld [tilespmem:s31+$0x2D0];
	v0 =	vadd.f32 v2, v0;
	_ =	sdelay $0x1  }
0x10b: {  	v2 =	vadd.f32 v1, v0;
	v1 =	vld [tilespmem:s31+$0x2E0];
	_ =	sdelay $0x1  }
0x10c: {  	v0 =	vld [tilespmem:s31+$0x2F0]  }
0x10d: {  	s2 =	simm.s32 $0x2000;
	s0 =	simm.s32 $0x400;
	v2 =	vadd.f32 v3, v2  }
.LBB2_13:
0x10e: {  	p0 =	sne.s32 s2, $0x1F000;
	v3 =	vld [tilespmem:s0+$0x280]  }
0x10f: {  	v1 =	vadd.f32 v1, v2  }
0x110: {  	v2 =	vld [tilespmem:s0+$0x290]  }
0x111: {  	v0 =	vadd.f32 v0, v1  }
0x112: {  	v1 =	vld [tilespmem:s0+$0x2A0]  }
0x113: {  	v0 =	vadd.f32 v3, v0  }
0x114: {  	v3 =	vld [tilespmem:s0+$0x2B0]  }
0x115: {  	v0 =	vadd.f32 v2, v0  }
0x116: {  	v2 =	vld [tilespmem:s0+$0x2C0]  }
0x117: {  	v0 =	vadd.f32 v1, v0  }
0x118: {  	v4 =	vld [tilespmem:s0+$0x2D0]  }
.Ltmp5:
0x119: {  	v0 =	vadd.f32 v3, v0;
	(pc) =	sbr.rel @p0 .LBB2_13-.Ltmp5, $4  }
0x11a: {  	v1 =	vld [tilespmem:s0+$0x2E0]  }
0x11b: {  	v2 =	vadd.f32 v2, v0  }
0x11c: {  	v0 =	vld [tilespmem:s0+$0x2F0]  }
0x11d: {  	s0 =	sshra.s32 s2, $0x2;
	s2 =	sadd.s32 $0x1000, s2;
	v2 =	vadd.f32 v4, v2  }
0x11e: {  	v3 =	vld [tilespmem:s0+$0x280]  }
0x11f: {  	v1 =	vadd.f32 v1, v2  }
0x120: {  	v2 =	vld [tilespmem:s0+$0x290]  }
0x121: {  	v0 =	vadd.f32 v0, v1  }
0x122: {  	v1 =	vld [tilespmem:s0+$0x2A0]  }
0x123: {  	v0 =	vadd.f32 v3, v0  }
0x124: {  	v3 =	vld [tilespmem:s0+$0x2B0]  }
0x125: {  	v0 =	vadd.f32 v2, v0  }
0x126: {  	v2 =	vld [tilespmem:s0+$0x2C0]  }
0x127: {  	v0 =	vadd.f32 v1, v0  }
0x128: {  	v1 =	vld [tilespmem:s0+$0x2D0]  }
0x129: {  	v0 =	vadd.f32 v3, v0  }
0x12a: {  	v3 =	vld [tilespmem:s0+$0x2E0]  }
0x12b: {  	v0 =	vadd.f32 v2, v0  }
0x12c: {  	v2 =	vld [tilespmem:s0+$0x2F0]  }
0x12d: {  	v0 =	vadd.f32 v1, v0;
	_ =	sdelay $0x1  }
0x12e: {  	v0 =	vadd.f32 v3, v0;
	_ =	sdelay $0x1  }
0x12f: {  	v0 =	vadd.f32 v2, v0;
	_ =	sdelay $0x1  }
0x130: {  	s31 =	simm.s32 $0x0;
	[tilespmem:s29+$0x18280] =	vst v0  }
0x131: {  	v0 =	vld [tilespmem:s31+$0x300];
	_ =	sdelay $0x1  }
0x132: {  	v1 =	vld [tilespmem:s31+$0x310];
	_ =	sdelay $0x1  }
0x133: {  	v2 =	vimm.f32 $0.0e+00;
	v3 =	vld [tilespmem:s31+$0x320]  }
0x134: {  	v0 =	vadd.f32 v0, v2  }
0x135: {  	v2 =	vld [tilespmem:s31+$0x330]  }
0x136: {  	v0 =	vadd.f32 v1, v0  }
0x137: {  	v1 =	vld [tilespmem:s31+$0x340]  }
0x138: {  	v0 =	vadd.f32 v3, v0;
	_ =	sdelay $0x1  }
0x139: {  	v3 =	vld [tilespmem:s31+$0x350];
	v0 =	vadd.f32 v2, v0;
	_ =	sdelay $0x1  }
0x13a: {  	v2 =	vadd.f32 v1, v0;
	v1 =	vld [tilespmem:s31+$0x360];
	_ =	sdelay $0x1  }
0x13b: {  	v0 =	vld [tilespmem:s31+$0x370]  }
0x13c: {  	s2 =	simm.s32 $0x2000;
	s0 =	simm.s32 $0x400;
	v2 =	vadd.f32 v3, v2  }
.LBB2_15:
0x13d: {  	p0 =	sne.s32 s2, $0x1F000;
	v3 =	vld [tilespmem:s0+$0x300]  }
0x13e: {  	v1 =	vadd.f32 v1, v2  }
0x13f: {  	v2 =	vld [tilespmem:s0+$0x310]  }
0x140: {  	v0 =	vadd.f32 v0, v1  }
0x141: {  	v1 =	vld [tilespmem:s0+$0x320]  }
0x142: {  	v0 =	vadd.f32 v3, v0  }
0x143: {  	v3 =	vld [tilespmem:s0+$0x330]  }
0x144: {  	v0 =	vadd.f32 v2, v0  }
0x145: {  	v2 =	vld [tilespmem:s0+$0x340]  }
0x146: {  	v0 =	vadd.f32 v1, v0  }
0x147: {  	v4 =	vld [tilespmem:s0+$0x350]  }
.Ltmp6:
0x148: {  	v0 =	vadd.f32 v3, v0;
	(pc) =	sbr.rel @p0 .LBB2_15-.Ltmp6, $4  }
0x149: {  	v1 =	vld [tilespmem:s0+$0x360]  }
0x14a: {  	v2 =	vadd.f32 v2, v0  }
0x14b: {  	v0 =	vld [tilespmem:s0+$0x370]  }
0x14c: {  	s0 =	sshra.s32 s2, $0x2;
	s2 =	sadd.s32 $0x1000, s2;
	v2 =	vadd.f32 v4, v2  }
0x14d: {  	v3 =	vld [tilespmem:s0+$0x300]  }
0x14e: {  	v1 =	vadd.f32 v1, v2  }
0x14f: {  	v2 =	vld [tilespmem:s0+$0x310]  }
0x150: {  	v0 =	vadd.f32 v0, v1  }
0x151: {  	v1 =	vld [tilespmem:s0+$0x320]  }
0x152: {  	v0 =	vadd.f32 v3, v0  }
0x153: {  	v3 =	vld [tilespmem:s0+$0x330]  }
0x154: {  	v0 =	vadd.f32 v2, v0  }
0x155: {  	v2 =	vld [tilespmem:s0+$0x340]  }
0x156: {  	v0 =	vadd.f32 v1, v0  }
0x157: {  	v1 =	vld [tilespmem:s0+$0x350]  }
0x158: {  	v0 =	vadd.f32 v3, v0  }
0x159: {  	v3 =	vld [tilespmem:s0+$0x360]  }
0x15a: {  	v0 =	vadd.f32 v2, v0  }
0x15b: {  	v2 =	vld [tilespmem:s0+$0x370]  }
0x15c: {  	v0 =	vadd.f32 v1, v0;
	_ =	sdelay $0x1  }
0x15d: {  	v0 =	vadd.f32 v3, v0;
	_ =	sdelay $0x1  }
0x15e: {  	v0 =	vadd.f32 v2, v0;
	_ =	sdelay $0x1  }
0x15f: {  	s31 =	simm.s32 $0x0;
	[tilespmem:s29+$0x18300] =	vst v0  }
0x160: {  	v0 =	vld [tilespmem:s31+$0x380];
	_ =	sdelay $0x1  }
0x161: {  	v1 =	vld [tilespmem:s31+$0x390];
	_ =	sdelay $0x1  }
0x162: {  	v2 =	vimm.f32 $0.0e+00;
	v3 =	vld [tilespmem:s31+$0x3A0]  }
0x163: {  	v0 =	vadd.f32 v0, v2  }
0x164: {  	v2 =	vld [tilespmem:s31+$0x3B0]  }
0x165: {  	v0 =	vadd.f32 v1, v0  }
0x166: {  	v1 =	vld [tilespmem:s31+$0x3C0]  }
0x167: {  	v0 =	vadd.f32 v3, v0;
	_ =	sdelay $0x1  }
0x168: {  	v3 =	vld [tilespmem:s31+$0x3D0];
	v0 =	vadd.f32 v2, v0;
	_ =	sdelay $0x1  }
0x169: {  	v2 =	vadd.f32 v1, v0;
	v1 =	vld [tilespmem:s31+$0x3E0];
	_ =	sdelay $0x1  }
0x16a: {  	v0 =	vld [tilespmem:s31+$0x3F0]  }
0x16b: {  	s2 =	simm.s32 $0x2000;
	s0 =	simm.s32 $0x400;
	v2 =	vadd.f32 v3, v2  }
.LBB2_17:
0x16c: {  	p0 =	sne.s32 s2, $0x1F000;
	v3 =	vld [tilespmem:s0+$0x380]  }
0x16d: {  	v1 =	vadd.f32 v1, v2  }
0x16e: {  	v2 =	vld [tilespmem:s0+$0x390]  }
0x16f: {  	v0 =	vadd.f32 v0, v1  }
0x170: {  	v1 =	vld [tilespmem:s0+$0x3A0]  }
0x171: {  	v0 =	vadd.f32 v3, v0  }
0x172: {  	v3 =	vld [tilespmem:s0+$0x3B0]  }
0x173: {  	v0 =	vadd.f32 v2, v0  }
0x174: {  	v2 =	vld [tilespmem:s0+$0x3C0]  }
0x175: {  	v0 =	vadd.f32 v1, v0  }
0x176: {  	v4 =	vld [tilespmem:s0+$0x3D0]  }
.Ltmp7:
0x177: {  	v0 =	vadd.f32 v3, v0;
	(pc) =	sbr.rel @p0 .LBB2_17-.Ltmp7, $4  }
0x178: {  	v1 =	vld [tilespmem:s0+$0x3E0]  }
0x179: {  	v2 =	vadd.f32 v2, v0  }
0x17a: {  	v0 =	vld [tilespmem:s0+$0x3F0]  }
0x17b: {  	s0 =	sshra.s32 s2, $0x2;
	s2 =	sadd.s32 $0x1000, s2;
	v2 =	vadd.f32 v4, v2  }
0x17c: {  	v3 =	vld [tilespmem:s0+$0x380]  }
0x17d: {  	v1 =	vadd.f32 v1, v2  }
0x17e: {  	v2 =	vld [tilespmem:s0+$0x390]  }
0x17f: {  	v0 =	vadd.f32 v0, v1  }
0x180: {  	v1 =	vld [tilespmem:s0+$0x3A0]  }
0x181: {  	v0 =	vadd.f32 v3, v0  }
0x182: {  	v3 =	vld [tilespmem:s0+$0x3B0]  }
0x183: {  	v0 =	vadd.f32 v2, v0  }
0x184: {  	v2 =	vld [tilespmem:s0+$0x3C0]  }
0x185: {  	v0 =	vadd.f32 v1, v0  }
0x186: {  	v1 =	vld [tilespmem:s0+$0x3D0]  }
0x187: {  	v0 =	vadd.f32 v3, v0  }
0x188: {  	v3 =	vld [tilespmem:s0+$0x3E0]  }
0x189: {  	v0 =	vadd.f32 v2, v0  }
0x18a: {  	v2 =	vld [tilespmem:s0+$0x3F0]  }
0x18b: {  	v0 =	vadd.f32 v1, v0;
	_ =	sdelay $0x1  }
0x18c: {  	s31 =	smul.u32 $0x18, s26;
	v0 =	vadd.f32 v3, v0;
	_ =	sdelay $0x1  }
0x18d: {  	s0 =	sadd.s32 s5, s31;
	v0 =	vadd.f32 v2, v0  }
0x18e: {  	s0 =	sshll.u32 s0, $0x9  }
0x18f: {  	s28 =	smul.u32 $0x3, s26;
	p0 =	seq.s32 s26, $0x0;
	s0 =	sadd.s32 s4, s0;
	[tilespmem:s29+$0x18380] =	vst v0  }
0x190: {  	[hbm4b:s0+s3] =	stream.linear.scatter [tilespmem:s3], [sflag:$0x4], $0x8000, $0x38;
	v63 =	vld [tilespmem:$0x0]  }
0x191: {  	s30 =	sadd.s32 $0x2, s28;
	s0 =	simm.s32 @!p0 $0x6  }
0x192: {  	s2 =	sadd.s32 s8, s30;
	_ =	swait.ge @!p0 [sflag:s0], $0x8000  }
0x193: {  	s29 =	sshll.u32 s2, $0xC;
	[sflag:s0] =	ssyncset.done @!p0 $0x0  }
0x194: {  	s23 =	simm.s32 $0x0;
	s2 =	sadd.s32 s1, s29;
	[sflag:s0] =	ssyncadd.s32 @!p0 $0xFFFF8000  }
0x195: {  	[tilespmem:s17], [sflag:$0x3] =	stream.linear.gather [hbm4b:s2+s23], $0x8000, $0x38;
	v63 =	vld [tilespmem:$0x0]  }
0x196: {  	_ =	swait.ge [sflag:s18], $0x8000  }
0x197: {  	[sflag:s18] =	ssyncset.done $0x0  }
0x198: {  	s31 =	simm.s32 $0x0;
	[sflag:s18] =	ssyncadd.s32 $0xFFFF8000  }
0x199: {  	v0 =	vld [tilespmem:s31+$0x8000];
	_ =	sdelay $0x1  }
0x19a: {  	v1 =	vld [tilespmem:s31+$0x8010];
	_ =	sdelay $0x1  }
0x19b: {  	v2 =	vimm.f32 $0.0e+00;
	v3 =	vld [tilespmem:s31+$0x8020]  }
0x19c: {  	v0 =	vadd.f32 v0, v2  }
0x19d: {  	v2 =	vld [tilespmem:s31+$0x8030]  }
0x19e: {  	v0 =	vadd.f32 v1, v0  }
0x19f: {  	v1 =	vld [tilespmem:s31+$0x8040]  }
0x1a0: {  	v0 =	vadd.f32 v3, v0;
	_ =	sdelay $0x1  }
0x1a1: {  	v3 =	vld [tilespmem:s31+$0x8050];
	v0 =	vadd.f32 v2, v0;
	_ =	sdelay $0x1  }
0x1a2: {  	v2 =	vadd.f32 v1, v0;
	v1 =	vld [tilespmem:s31+$0x8060];
	_ =	sdelay $0x1  }
0x1a3: {  	v0 =	vld [tilespmem:s31+$0x8070]  }
0x1a4: {  	s0 =	simm.s32 $0x400;
	s2 =	simm.s32 $0x2000;
	v2 =	vadd.f32 v3, v2  }
.LBB2_19:
0x1a5: {  	p0 =	sne.s32 s2, $0x1F000;
	v3 =	vld [tilespmem:s0+$0x8000]  }
0x1a6: {  	v1 =	vadd.f32 v1, v2  }
0x1a7: {  	v2 =	vld [tilespmem:s0+$0x8010]  }
0x1a8: {  	v0 =	vadd.f32 v0, v1  }
0x1a9: {  	v1 =	vld [tilespmem:s0+$0x8020]  }
0x1aa: {  	v0 =	vadd.f32 v3, v0  }
0x1ab: {  	v3 =	vld [tilespmem:s0+$0x8030]  }
0x1ac: {  	v0 =	vadd.f32 v2, v0  }
0x1ad: {  	v2 =	vld [tilespmem:s0+$0x8040]  }
0x1ae: {  	v0 =	vadd.f32 v1, v0  }
0x1af: {  	v4 =	vld [tilespmem:s0+$0x8050]  }
.Ltmp8:
0x1b0: {  	v0 =	vadd.f32 v3, v0;
	(pc) =	sbr.rel @p0 .LBB2_19-.Ltmp8, $4  }
0x1b1: {  	v1 =	vld [tilespmem:s0+$0x8060]  }
0x1b2: {  	v2 =	vadd.f32 v2, v0  }
0x1b3: {  	v0 =	vld [tilespmem:s0+$0x8070]  }
0x1b4: {  	s0 =	sshra.s32 s2, $0x2;
	s2 =	sadd.s32 $0x1000, s2;
	v2 =	vadd.f32 v4, v2  }
0x1b5: {  	v3 =	vld [tilespmem:s0+$0x8000]  }
0x1b6: {  	v1 =	vadd.f32 v1, v2  }
0x1b7: {  	v2 =	vld [tilespmem:s0+$0x8010]  }
0x1b8: {  	v0 =	vadd.f32 v0, v1  }
0x1b9: {  	v1 =	vld [tilespmem:s0+$0x8020]  }
0x1ba: {  	v0 =	vadd.f32 v3, v0  }
0x1bb: {  	v3 =	vld [tilespmem:s0+$0x8030]  }
0x1bc: {  	v0 =	vadd.f32 v2, v0  }
0x1bd: {  	v2 =	vld [tilespmem:s0+$0x8040]  }
0x1be: {  	v0 =	vadd.f32 v1, v0  }
0x1bf: {  	v1 =	vld [tilespmem:s0+$0x8050]  }
0x1c0: {  	v0 =	vadd.f32 v3, v0  }
0x1c1: {  	v3 =	vld [tilespmem:s0+$0x8060]  }
0x1c2: {  	v0 =	vadd.f32 v2, v0  }
0x1c3: {  	v2 =	vld [tilespmem:s0+$0x8070]  }
0x1c4: {  	v0 =	vadd.f32 v1, v0;
	_ =	sdelay $0x1  }
0x1c5: {  	v0 =	vadd.f32 v3, v0  }
0x1c6: {  	s31 =	sadd.s32 $0x1, s28  }
0x1c7: {  	s23 =	sshll.u32 s31, $0xA;
	v0 =	vadd.f32 v2, v0  }
0x1c8: {  	s0 =	sand.u32 $0x3FFFFC00, s23  }
0x1c9: {  	s2 =	simm.s32 $0x0;
	[tilespmem:s0+$0x18000] =	vst v0  }
0x1ca: {  	v0 =	vld [tilespmem:s2+$0x8080];
	_ =	sdelay $0x1  }
0x1cb: {  	v1 =	vld [tilespmem:s2+$0x8090];
	_ =	sdelay $0x1  }
0x1cc: {  	v2 =	vimm.f32 $0.0e+00;
	v3 =	vld [tilespmem:s2+$0x80A0]  }
0x1cd: {  	v0 =	vadd.f32 v0, v2  }
0x1ce: {  	v2 =	vld [tilespmem:s2+$0x80B0]  }
0x1cf: {  	v0 =	vadd.f32 v1, v0  }
0x1d0: {  	v1 =	vld [tilespmem:s2+$0x80C0]  }
0x1d1: {  	v0 =	vadd.f32 v3, v0;
	_ =	sdelay $0x1  }
0x1d2: {  	v3 =	vld [tilespmem:s2+$0x80D0];
	v0 =	vadd.f32 v2, v0;
	_ =	sdelay $0x1  }
0x1d3: {  	v2 =	vadd.f32 v1, v0;
	v1 =	vld [tilespmem:s2+$0x80E0];
	_ =	sdelay $0x1  }
0x1d4: {  	v0 =	vld [tilespmem:s2+$0x80F0]  }
0x1d5: {  	s23 =	simm.s32 $0x2000;
	s2 =	simm.s32 $0x400;
	v2 =	vadd.f32 v3, v2  }
.LBB2_21:
0x1d6: {  	p0 =	sne.s32 s23, $0x1F000;
	v3 =	vld [tilespmem:s2+$0x8080]  }
0x1d7: {  	v1 =	vadd.f32 v1, v2  }
0x1d8: {  	v2 =	vld [tilespmem:s2+$0x8090]  }
0x1d9: {  	v0 =	vadd.f32 v0, v1  }
0x1da: {  	v1 =	vld [tilespmem:s2+$0x80A0]  }
0x1db: {  	v0 =	vadd.f32 v3, v0  }
0x1dc: {  	v3 =	vld [tilespmem:s2+$0x80B0]  }
0x1dd: {  	v0 =	vadd.f32 v2, v0  }
0x1de: {  	v2 =	vld [tilespmem:s2+$0x80C0]  }
0x1df: {  	v0 =	vadd.f32 v1, v0  }
0x1e0: {  	v4 =	vld [tilespmem:s2+$0x80D0]  }
.Ltmp9:
0x1e1: {  	v0 =	vadd.f32 v3, v0;
	(pc) =	sbr.rel @p0 .LBB2_21-.Ltmp9, $4  }
0x1e2: {  	v1 =	vld [tilespmem:s2+$0x80E0]  }
0x1e3: {  	v2 =	vadd.f32 v2, v0  }
0x1e4: {  	v0 =	vld [tilespmem:s2+$0x80F0]  }
0x1e5: {  	s2 =	sshra.s32 s23, $0x2;
	s23 =	sadd.s32 $0x1000, s23;
	v2 =	vadd.f32 v4, v2  }
0x1e6: {  	v3 =	vld [tilespmem:s2+$0x8080]  }
0x1e7: {  	v1 =	vadd.f32 v1, v2  }
0x1e8: {  	v2 =	vld [tilespmem:s2+$0x8090]  }
0x1e9: {  	v0 =	vadd.f32 v0, v1  }
0x1ea: {  	v1 =	vld [tilespmem:s2+$0x80A0]  }
0x1eb: {  	v0 =	vadd.f32 v3, v0  }
0x1ec: {  	v3 =	vld [tilespmem:s2+$0x80B0]  }
0x1ed: {  	v0 =	vadd.f32 v2, v0  }
0x1ee: {  	v2 =	vld [tilespmem:s2+$0x80C0]  }
0x1ef: {  	v0 =	vadd.f32 v1, v0  }
0x1f0: {  	v1 =	vld [tilespmem:s2+$0x80D0]  }
0x1f1: {  	v0 =	vadd.f32 v3, v0  }
0x1f2: {  	v3 =	vld [tilespmem:s2+$0x80E0]  }
0x1f3: {  	v0 =	vadd.f32 v2, v0  }
0x1f4: {  	v2 =	vld [tilespmem:s2+$0x80F0]  }
0x1f5: {  	v0 =	vadd.f32 v1, v0;
	_ =	sdelay $0x1  }
0x1f6: {  	v0 =	vadd.f32 v3, v0;
	_ =	sdelay $0x1  }
0x1f7: {  	v0 =	vadd.f32 v2, v0;
	_ =	sdelay $0x1  }
0x1f8: {  	s23 =	simm.s32 $0x0;
	[tilespmem:s0+$0x18080] =	vst v0  }
0x1f9: {  	v0 =	vld [tilespmem:s23+$0x8100];
	_ =	sdelay $0x1  }
0x1fa: {  	v1 =	vld [tilespmem:s23+$0x8110];
	_ =	sdelay $0x1  }
0x1fb: {  	v2 =	vimm.f32 $0.0e+00;
	v3 =	vld [tilespmem:s23+$0x8120]  }
0x1fc: {  	v0 =	vadd.f32 v0, v2  }
0x1fd: {  	v2 =	vld [tilespmem:s23+$0x8130]  }
0x1fe: {  	v0 =	vadd.f32 v1, v0  }
0x1ff: {  	v1 =	vld [tilespmem:s23+$0x8140]  }
0x200: {  	v0 =	vadd.f32 v3, v0;
	_ =	sdelay $0x1  }
0x201: {  	v3 =	vld [tilespmem:s23+$0x8150];
	v0 =	vadd.f32 v2, v0;
	_ =	sdelay $0x1  }
0x202: {  	v2 =	vadd.f32 v1, v0;
	v1 =	vld [tilespmem:s23+$0x8160];
	_ =	sdelay $0x1  }
0x203: {  	v0 =	vld [tilespmem:s23+$0x8170]  }
0x204: {  	s2 =	simm.s32 $0x400;
	s23 =	simm.s32 $0x2000;
	v2 =	vadd.f32 v3, v2  }
.LBB2_23:
0x205: {  	p0 =	sne.s32 s23, $0x1F000;
	v3 =	vld [tilespmem:s2+$0x8100]  }
0x206: {  	v1 =	vadd.f32 v1, v2  }
0x207: {  	v2 =	vld [tilespmem:s2+$0x8110]  }
0x208: {  	v0 =	vadd.f32 v0, v1  }
0x209: {  	v1 =	vld [tilespmem:s2+$0x8120]  }
0x20a: {  	v0 =	vadd.f32 v3, v0  }
0x20b: {  	v3 =	vld [tilespmem:s2+$0x8130]  }
0x20c: {  	v0 =	vadd.f32 v2, v0  }
0x20d: {  	v2 =	vld [tilespmem:s2+$0x8140]  }
0x20e: {  	v0 =	vadd.f32 v1, v0  }
0x20f: {  	v4 =	vld [tilespmem:s2+$0x8150]  }
.Ltmp10:
0x210: {  	v0 =	vadd.f32 v3, v0;
	(pc) =	sbr.rel @p0 .LBB2_23-.Ltmp10, $4  }
0x211: {  	v1 =	vld [tilespmem:s2+$0x8160]  }
0x212: {  	v2 =	vadd.f32 v2, v0  }
0x213: {  	v0 =	vld [tilespmem:s2+$0x8170]  }
0x214: {  	s2 =	sshra.s32 s23, $0x2;
	s23 =	sadd.s32 $0x1000, s23;
	v2 =	vadd.f32 v4, v2  }
0x215: {  	v3 =	vld [tilespmem:s2+$0x8100]  }
0x216: {  	v1 =	vadd.f32 v1, v2  }
0x217: {  	v2 =	vld [tilespmem:s2+$0x8110]  }
0x218: {  	v0 =	vadd.f32 v0, v1  }
0x219: {  	v1 =	vld [tilespmem:s2+$0x8120]  }
0x21a: {  	v0 =	vadd.f32 v3, v0  }
0x21b: {  	v3 =	vld [tilespmem:s2+$0x8130]  }
0x21c: {  	v0 =	vadd.f32 v2, v0  }
0x21d: {  	v2 =	vld [tilespmem:s2+$0x8140]  }
0x21e: {  	v0 =	vadd.f32 v1, v0  }
0x21f: {  	v1 =	vld [tilespmem:s2+$0x8150]  }
0x220: {  	v0 =	vadd.f32 v3, v0  }
0x221: {  	v3 =	vld [tilespmem:s2+$0x8160]  }
0x222: {  	v0 =	vadd.f32 v2, v0  }
0x223: {  	v2 =	vld [tilespmem:s2+$0x8170]  }
0x224: {  	v0 =	vadd.f32 v1, v0;
	_ =	sdelay $0x1  }
0x225: {  	v0 =	vadd.f32 v3, v0;
	_ =	sdelay $0x1  }
0x226: {  	v0 =	vadd.f32 v2, v0;
	_ =	sdelay $0x1  }
0x227: {  	s23 =	simm.s32 $0x0;
	[tilespmem:s0+$0x18100] =	vst v0  }
0x228: {  	v0 =	vld [tilespmem:s23+$0x8180];
	_ =	sdelay $0x1  }
0x229: {  	v1 =	vld [tilespmem:s23+$0x8190];
	_ =	sdelay $0x1  }
0x22a: {  	v2 =	vimm.f32 $0.0e+00;
	v3 =	vld [tilespmem:s23+$0x81A0]  }
0x22b: {  	v0 =	vadd.f32 v0, v2  }
0x22c: {  	v2 =	vld [tilespmem:s23+$0x81B0]  }
0x22d: {  	v0 =	vadd.f32 v1, v0  }
0x22e: {  	v1 =	vld [tilespmem:s23+$0x81C0]  }
0x22f: {  	v0 =	vadd.f32 v3, v0;
	_ =	sdelay $0x1  }
0x230: {  	v3 =	vld [tilespmem:s23+$0x81D0];
	v0 =	vadd.f32 v2, v0;
	_ =	sdelay $0x1  }
0x231: {  	v2 =	vadd.f32 v1, v0;
	v1 =	vld [tilespmem:s23+$0x81E0];
	_ =	sdelay $0x1  }
0x232: {  	v0 =	vld [tilespmem:s23+$0x81F0]  }
0x233: {  	s2 =	simm.s32 $0x400;
	s23 =	simm.s32 $0x2000;
	v2 =	vadd.f32 v3, v2  }
.LBB2_25:
0x234: {  	p0 =	sne.s32 s23, $0x1F000;
	v3 =	vld [tilespmem:s2+$0x8180]  }
0x235: {  	v1 =	vadd.f32 v1, v2  }
0x236: {  	v2 =	vld [tilespmem:s2+$0x8190]  }
0x237: {  	v0 =	vadd.f32 v0, v1  }
0x238: {  	v1 =	vld [tilespmem:s2+$0x81A0]  }
0x239: {  	v0 =	vadd.f32 v3, v0  }
0x23a: {  	v3 =	vld [tilespmem:s2+$0x81B0]  }
0x23b: {  	v0 =	vadd.f32 v2, v0  }
0x23c: {  	v2 =	vld [tilespmem:s2+$0x81C0]  }
0x23d: {  	v0 =	vadd.f32 v1, v0  }
0x23e: {  	v4 =	vld [tilespmem:s2+$0x81D0]  }
.Ltmp11:
0x23f: {  	v0 =	vadd.f32 v3, v0;
	(pc) =	sbr.rel @p0 .LBB2_25-.Ltmp11, $4  }
0x240: {  	v1 =	vld [tilespmem:s2+$0x81E0]  }
0x241: {  	v2 =	vadd.f32 v2, v0  }
0x242: {  	v0 =	vld [tilespmem:s2+$0x81F0]  }
0x243: {  	s2 =	sshra.s32 s23, $0x2;
	s23 =	sadd.s32 $0x1000, s23;
	v2 =	vadd.f32 v4, v2  }
0x244: {  	v3 =	vld [tilespmem:s2+$0x8180]  }
0x245: {  	v1 =	vadd.f32 v1, v2  }
0x246: {  	v2 =	vld [tilespmem:s2+$0x8190]  }
0x247: {  	v0 =	vadd.f32 v0, v1  }
0x248: {  	v1 =	vld [tilespmem:s2+$0x81A0]  }
0x249: {  	v0 =	vadd.f32 v3, v0  }
0x24a: {  	v3 =	vld [tilespmem:s2+$0x81B0]  }
0x24b: {  	v0 =	vadd.f32 v2, v0  }
0x24c: {  	v2 =	vld [tilespmem:s2+$0x81C0]  }
0x24d: {  	v0 =	vadd.f32 v1, v0  }
0x24e: {  	v1 =	vld [tilespmem:s2+$0x81D0]  }
0x24f: {  	v0 =	vadd.f32 v3, v0  }
0x250: {  	v3 =	vld [tilespmem:s2+$0x81E0]  }
0x251: {  	v0 =	vadd.f32 v2, v0  }
0x252: {  	v2 =	vld [tilespmem:s2+$0x81F0]  }
0x253: {  	v0 =	vadd.f32 v1, v0;
	_ =	sdelay $0x1  }
0x254: {  	v0 =	vadd.f32 v3, v0;
	_ =	sdelay $0x1  }
0x255: {  	v0 =	vadd.f32 v2, v0;
	_ =	sdelay $0x1  }
0x256: {  	s23 =	simm.s32 $0x0;
	[tilespmem:s0+$0x18180] =	vst v0  }
0x257: {  	v0 =	vld [tilespmem:s23+$0x8200];
	_ =	sdelay $0x1  }
0x258: {  	v1 =	vld [tilespmem:s23+$0x8210];
	_ =	sdelay $0x1  }
0x259: {  	v2 =	vimm.f32 $0.0e+00;
	v3 =	vld [tilespmem:s23+$0x8220]  }
0x25a: {  	v0 =	vadd.f32 v0, v2  }
0x25b: {  	v2 =	vld [tilespmem:s23+$0x8230]  }
0x25c: {  	v0 =	vadd.f32 v1, v0  }
0x25d: {  	v1 =	vld [tilespmem:s23+$0x8240]  }
0x25e: {  	v0 =	vadd.f32 v3, v0;
	_ =	sdelay $0x1  }
0x25f: {  	v3 =	vld [tilespmem:s23+$0x8250];
	v0 =	vadd.f32 v2, v0;
	_ =	sdelay $0x1  }
0x260: {  	v2 =	vadd.f32 v1, v0;
	v1 =	vld [tilespmem:s23+$0x8260];
	_ =	sdelay $0x1  }
0x261: {  	v0 =	vld [tilespmem:s23+$0x8270]  }
0x262: {  	s2 =	simm.s32 $0x400;
	s23 =	simm.s32 $0x2000;
	v2 =	vadd.f32 v3, v2  }
.LBB2_27:
0x263: {  	p0 =	sne.s32 s23, $0x1F000;
	v3 =	vld [tilespmem:s2+$0x8200]  }
0x264: {  	v1 =	vadd.f32 v1, v2  }
0x265: {  	v2 =	vld [tilespmem:s2+$0x8210]  }
0x266: {  	v0 =	vadd.f32 v0, v1  }
0x267: {  	v1 =	vld [tilespmem:s2+$0x8220]  }
0x268: {  	v0 =	vadd.f32 v3, v0  }
0x269: {  	v3 =	vld [tilespmem:s2+$0x8230]  }
0x26a: {  	v0 =	vadd.f32 v2, v0  }
0x26b: {  	v2 =	vld [tilespmem:s2+$0x8240]  }
0x26c: {  	v0 =	vadd.f32 v1, v0  }
0x26d: {  	v4 =	vld [tilespmem:s2+$0x8250]  }
.Ltmp12:
0x26e: {  	v0 =	vadd.f32 v3, v0;
	(pc) =	sbr.rel @p0 .LBB2_27-.Ltmp12, $4  }
0x26f: {  	v1 =	vld [tilespmem:s2+$0x8260]  }
0x270: {  	v2 =	vadd.f32 v2, v0  }
0x271: {  	v0 =	vld [tilespmem:s2+$0x8270]  }
0x272: {  	s2 =	sshra.s32 s23, $0x2;
	s23 =	sadd.s32 $0x1000, s23;
	v2 =	vadd.f32 v4, v2  }
0x273: {  	v3 =	vld [tilespmem:s2+$0x8200]  }
0x274: {  	v1 =	vadd.f32 v1, v2  }
0x275: {  	v2 =	vld [tilespmem:s2+$0x8210]  }
0x276: {  	v0 =	vadd.f32 v0, v1  }
0x277: {  	v1 =	vld [tilespmem:s2+$0x8220]  }
0x278: {  	v0 =	vadd.f32 v3, v0  }
0x279: {  	v3 =	vld [tilespmem:s2+$0x8230]  }
0x27a: {  	v0 =	vadd.f32 v2, v0  }
0x27b: {  	v2 =	vld [tilespmem:s2+$0x8240]  }
0x27c: {  	v0 =	vadd.f32 v1, v0  }
0x27d: {  	v1 =	vld [tilespmem:s2+$0x8250]  }
0x27e: {  	v0 =	vadd.f32 v3, v0  }
0x27f: {  	v3 =	vld [tilespmem:s2+$0x8260]  }
0x280: {  	v0 =	vadd.f32 v2, v0  }
0x281: {  	v2 =	vld [tilespmem:s2+$0x8270]  }
0x282: {  	v0 =	vadd.f32 v1, v0;
	_ =	sdelay $0x1  }
0x283: {  	v0 =	vadd.f32 v3, v0;
	_ =	sdelay $0x1  }
0x284: {  	v0 =	vadd.f32 v2, v0;
	_ =	sdelay $0x1  }
0x285: {  	s23 =	simm.s32 $0x0;
	[tilespmem:s0+$0x18200] =	vst v0  }
0x286: {  	v0 =	vld [tilespmem:s23+$0x8280];
	_ =	sdelay $0x1  }
0x287: {  	v1 =	vld [tilespmem:s23+$0x8290];
	_ =	sdelay $0x1  }
0x288: {  	v2 =	vimm.f32 $0.0e+00;
	v3 =	vld [tilespmem:s23+$0x82A0]  }
0x289: {  	v0 =	vadd.f32 v0, v2  }
0x28a: {  	v2 =	vld [tilespmem:s23+$0x82B0]  }
0x28b: {  	v0 =	vadd.f32 v1, v0  }
0x28c: {  	v1 =	vld [tilespmem:s23+$0x82C0]  }
0x28d: {  	v0 =	vadd.f32 v3, v0;
	_ =	sdelay $0x1  }
0x28e: {  	v3 =	vld [tilespmem:s23+$0x82D0];
	v0 =	vadd.f32 v2, v0;
	_ =	sdelay $0x1  }
0x28f: {  	v2 =	vadd.f32 v1, v0;
	v1 =	vld [tilespmem:s23+$0x82E0];
	_ =	sdelay $0x1  }
0x290: {  	v0 =	vld [tilespmem:s23+$0x82F0]  }
0x291: {  	s2 =	simm.s32 $0x400;
	s23 =	simm.s32 $0x2000;
	v2 =	vadd.f32 v3, v2  }
.LBB2_29:
0x292: {  	p0 =	sne.s32 s23, $0x1F000;
	v3 =	vld [tilespmem:s2+$0x8280]  }
0x293: {  	v1 =	vadd.f32 v1, v2  }
0x294: {  	v2 =	vld [tilespmem:s2+$0x8290]  }
0x295: {  	v0 =	vadd.f32 v0, v1  }
0x296: {  	v1 =	vld [tilespmem:s2+$0x82A0]  }
0x297: {  	v0 =	vadd.f32 v3, v0  }
0x298: {  	v3 =	vld [tilespmem:s2+$0x82B0]  }
0x299: {  	v0 =	vadd.f32 v2, v0  }
0x29a: {  	v2 =	vld [tilespmem:s2+$0x82C0]  }
0x29b: {  	v0 =	vadd.f32 v1, v0  }
0x29c: {  	v4 =	vld [tilespmem:s2+$0x82D0]  }
.Ltmp13:
0x29d: {  	v0 =	vadd.f32 v3, v0;
	(pc) =	sbr.rel @p0 .LBB2_29-.Ltmp13, $4  }
0x29e: {  	v1 =	vld [tilespmem:s2+$0x82E0]  }
0x29f: {  	v2 =	vadd.f32 v2, v0  }
0x2a0: {  	v0 =	vld [tilespmem:s2+$0x82F0]  }
0x2a1: {  	s2 =	sshra.s32 s23, $0x2;
	s23 =	sadd.s32 $0x1000, s23;
	v2 =	vadd.f32 v4, v2  }
0x2a2: {  	v3 =	vld [tilespmem:s2+$0x8280]  }
0x2a3: {  	v1 =	vadd.f32 v1, v2  }
0x2a4: {  	v2 =	vld [tilespmem:s2+$0x8290]  }
0x2a5: {  	v0 =	vadd.f32 v0, v1  }
0x2a6: {  	v1 =	vld [tilespmem:s2+$0x82A0]  }
0x2a7: {  	v0 =	vadd.f32 v3, v0  }
0x2a8: {  	v3 =	vld [tilespmem:s2+$0x82B0]  }
0x2a9: {  	v0 =	vadd.f32 v2, v0  }
0x2aa: {  	v2 =	vld [tilespmem:s2+$0x82C0]  }
0x2ab: {  	v0 =	vadd.f32 v1, v0  }
0x2ac: {  	v1 =	vld [tilespmem:s2+$0x82D0]  }
0x2ad: {  	v0 =	vadd.f32 v3, v0  }
0x2ae: {  	v3 =	vld [tilespmem:s2+$0x82E0]  }
0x2af: {  	v0 =	vadd.f32 v2, v0  }
0x2b0: {  	v2 =	vld [tilespmem:s2+$0x82F0]  }
0x2b1: {  	v0 =	vadd.f32 v1, v0;
	_ =	sdelay $0x1  }
0x2b2: {  	v0 =	vadd.f32 v3, v0;
	_ =	sdelay $0x1  }
0x2b3: {  	v0 =	vadd.f32 v2, v0;
	_ =	sdelay $0x1  }
0x2b4: {  	s23 =	simm.s32 $0x0;
	[tilespmem:s0+$0x18280] =	vst v0  }
0x2b5: {  	v0 =	vld [tilespmem:s23+$0x8300];
	_ =	sdelay $0x1  }
0x2b6: {  	v1 =	vld [tilespmem:s23+$0x8310];
	_ =	sdelay $0x1  }
0x2b7: {  	v2 =	vimm.f32 $0.0e+00;
	v3 =	vld [tilespmem:s23+$0x8320]  }
0x2b8: {  	v0 =	vadd.f32 v0, v2  }
0x2b9: {  	v2 =	vld [tilespmem:s23+$0x8330]  }
0x2ba: {  	v0 =	vadd.f32 v1, v0  }
0x2bb: {  	v1 =	vld [tilespmem:s23+$0x8340]  }
0x2bc: {  	v0 =	vadd.f32 v3, v0;
	_ =	sdelay $0x1  }
0x2bd: {  	v3 =	vld [tilespmem:s23+$0x8350];
	v0 =	vadd.f32 v2, v0;
	_ =	sdelay $0x1  }
0x2be: {  	v2 =	vadd.f32 v1, v0;
	v1 =	vld [tilespmem:s23+$0x8360];
	_ =	sdelay $0x1  }
0x2bf: {  	v0 =	vld [tilespmem:s23+$0x8370]  }
0x2c0: {  	s2 =	simm.s32 $0x400;
	s23 =	simm.s32 $0x2000;
	v2 =	vadd.f32 v3, v2  }
.LBB2_31:
0x2c1: {  	p0 =	sne.s32 s23, $0x1F000;
	v3 =	vld [tilespmem:s2+$0x8300]  }
0x2c2: {  	v1 =	vadd.f32 v1, v2  }
0x2c3: {  	v2 =	vld [tilespmem:s2+$0x8310]  }
0x2c4: {  	v0 =	vadd.f32 v0, v1  }
0x2c5: {  	v1 =	vld [tilespmem:s2+$0x8320]  }
0x2c6: {  	v0 =	vadd.f32 v3, v0  }
0x2c7: {  	v3 =	vld [tilespmem:s2+$0x8330]  }
0x2c8: {  	v0 =	vadd.f32 v2, v0  }
0x2c9: {  	v2 =	vld [tilespmem:s2+$0x8340]  }
0x2ca: {  	v0 =	vadd.f32 v1, v0  }
0x2cb: {  	v4 =	vld [tilespmem:s2+$0x8350]  }
.Ltmp14:
0x2cc: {  	v0 =	vadd.f32 v3, v0;
	(pc) =	sbr.rel @p0 .LBB2_31-.Ltmp14, $4  }
0x2cd: {  	v1 =	vld [tilespmem:s2+$0x8360]  }
0x2ce: {  	v2 =	vadd.f32 v2, v0  }
0x2cf: {  	v0 =	vld [tilespmem:s2+$0x8370]  }
0x2d0: {  	s2 =	sshra.s32 s23, $0x2;
	s23 =	sadd.s32 $0x1000, s23;
	v2 =	vadd.f32 v4, v2  }
0x2d1: {  	v3 =	vld [tilespmem:s2+$0x8300]  }
0x2d2: {  	v1 =	vadd.f32 v1, v2  }
0x2d3: {  	v2 =	vld [tilespmem:s2+$0x8310]  }
0x2d4: {  	v0 =	vadd.f32 v0, v1  }
0x2d5: {  	v1 =	vld [tilespmem:s2+$0x8320]  }
0x2d6: {  	v0 =	vadd.f32 v3, v0  }
0x2d7: {  	v3 =	vld [tilespmem:s2+$0x8330]  }
0x2d8: {  	v0 =	vadd.f32 v2, v0  }
0x2d9: {  	v2 =	vld [tilespmem:s2+$0x8340]  }
0x2da: {  	v0 =	vadd.f32 v1, v0  }
0x2db: {  	v1 =	vld [tilespmem:s2+$0x8350]  }
0x2dc: {  	v0 =	vadd.f32 v3, v0  }
0x2dd: {  	v3 =	vld [tilespmem:s2+$0x8360]  }
0x2de: {  	v0 =	vadd.f32 v2, v0  }
0x2df: {  	v2 =	vld [tilespmem:s2+$0x8370]  }
0x2e0: {  	v0 =	vadd.f32 v1, v0;
	_ =	sdelay $0x1  }
0x2e1: {  	v0 =	vadd.f32 v3, v0;
	_ =	sdelay $0x1  }
0x2e2: {  	v0 =	vadd.f32 v2, v0;
	_ =	sdelay $0x1  }
0x2e3: {  	s23 =	simm.s32 $0x0;
	[tilespmem:s0+$0x18300] =	vst v0  }
0x2e4: {  	v0 =	vld [tilespmem:s23+$0x8380];
	_ =	sdelay $0x1  }
0x2e5: {  	v1 =	vld [tilespmem:s23+$0x8390];
	_ =	sdelay $0x1  }
0x2e6: {  	v2 =	vimm.f32 $0.0e+00;
	v3 =	vld [tilespmem:s23+$0x83A0]  }
0x2e7: {  	v0 =	vadd.f32 v0, v2  }
0x2e8: {  	v2 =	vld [tilespmem:s23+$0x83B0]  }
0x2e9: {  	v0 =	vadd.f32 v1, v0  }
0x2ea: {  	v1 =	vld [tilespmem:s23+$0x83C0]  }
0x2eb: {  	v0 =	vadd.f32 v3, v0;
	_ =	sdelay $0x1  }
0x2ec: {  	v3 =	vld [tilespmem:s23+$0x83D0];
	v0 =	vadd.f32 v2, v0;
	_ =	sdelay $0x1  }
0x2ed: {  	v2 =	vadd.f32 v1, v0;
	v1 =	vld [tilespmem:s23+$0x83E0];
	_ =	sdelay $0x1  }
0x2ee: {  	v0 =	vld [tilespmem:s23+$0x83F0]  }
0x2ef: {  	s2 =	simm.s32 $0x400;
	s23 =	simm.s32 $0x2000;
	v2 =	vadd.f32 v3, v2  }
.LBB2_33:
0x2f0: {  	p0 =	sne.s32 s23, $0x1F000;
	v3 =	vld [tilespmem:s2+$0x8380]  }
0x2f1: {  	v1 =	vadd.f32 v1, v2  }
0x2f2: {  	v2 =	vld [tilespmem:s2+$0x8390]  }
0x2f3: {  	v0 =	vadd.f32 v0, v1  }
0x2f4: {  	v1 =	vld [tilespmem:s2+$0x83A0]  }
0x2f5: {  	v0 =	vadd.f32 v3, v0  }
0x2f6: {  	v3 =	vld [tilespmem:s2+$0x83B0]  }
0x2f7: {  	v0 =	vadd.f32 v2, v0  }
0x2f8: {  	v2 =	vld [tilespmem:s2+$0x83C0]  }
0x2f9: {  	v0 =	vadd.f32 v1, v0  }
0x2fa: {  	v4 =	vld [tilespmem:s2+$0x83D0]  }
.Ltmp15:
0x2fb: {  	v0 =	vadd.f32 v3, v0;
	(pc) =	sbr.rel @p0 .LBB2_33-.Ltmp15, $4  }
0x2fc: {  	v1 =	vld [tilespmem:s2+$0x83E0]  }
0x2fd: {  	v2 =	vadd.f32 v2, v0  }
0x2fe: {  	v0 =	vld [tilespmem:s2+$0x83F0]  }
0x2ff: {  	s2 =	sshra.s32 s23, $0x2;
	s23 =	sadd.s32 $0x1000, s23;
	v2 =	vadd.f32 v4, v2  }
0x300: {  	v3 =	vld [tilespmem:s2+$0x8380]  }
0x301: {  	v1 =	vadd.f32 v1, v2  }
0x302: {  	v2 =	vld [tilespmem:s2+$0x8390]  }
0x303: {  	v0 =	vadd.f32 v0, v1  }
0x304: {  	v1 =	vld [tilespmem:s2+$0x83A0]  }
0x305: {  	v0 =	vadd.f32 v3, v0  }
0x306: {  	v3 =	vld [tilespmem:s2+$0x83B0]  }
0x307: {  	v0 =	vadd.f32 v2, v0  }
0x308: {  	v2 =	vld [tilespmem:s2+$0x83C0]  }
0x309: {  	v0 =	vadd.f32 v1, v0  }
0x30a: {  	v1 =	vld [tilespmem:s2+$0x83D0]  }
0x30b: {  	v0 =	vadd.f32 v3, v0  }
0x30c: {  	v3 =	vld [tilespmem:s2+$0x83E0]  }
0x30d: {  	v0 =	vadd.f32 v2, v0  }
0x30e: {  	v2 =	vld [tilespmem:s2+$0x83F0]  }
0x30f: {  	v0 =	vadd.f32 v1, v0;
	_ =	sdelay $0x1  }
0x310: {  	v0 =	vadd.f32 v3, v0;
	_ =	sdelay $0x1  }
0x311: {  	s31 =	sadd.s32 s8, s31;
	v0 =	vadd.f32 v2, v0  }
0x312: {  	s2 =	sshll.u32 s31, $0xC  }
0x313: {  	s31 =	simm.s32 $0x0;
	s23 =	sadd.s32 s4, s2;
	[tilespmem:s0+$0x18380] =	vst v0  }
0x314: {  	[hbm4b:s23+s31] =	stream.linear.scatter [tilespmem:s15], [sflag:$0x5], $0x8000, $0x38;
	v63 =	vld [tilespmem:$0x0]  }
0x315: {  	s23 =	sadd.s32 s28, s9;
	_ =	swait.ge [sflag:s19], $0x8000  }
0x316: {  	s0 =	sshll.u32 s23, $0xC;
	[sflag:s19] =	ssyncset.done $0x0  }
0x317: {  	s0 =	sadd.s32 s1, s0;
	[sflag:s19] =	ssyncadd.s32 $0xFFFF8000  }
0x318: {  	[tilespmem:s31], [sflag:$0x1] =	stream.linear.gather [hbm4b:s0+s31], $0x8000, $0x38;
	v63 =	vld [tilespmem:$0x0]  }
0x319: {  	_ =	swait.ge [sflag:s20], $0x8000  }
0x31a: {  	[sflag:s20] =	ssyncset.done $0x0  }
0x31b: {  	s31 =	simm.s32 $0x0;
	[sflag:s20] =	ssyncadd.s32 $0xFFFF8000  }
0x31c: {  	v0 =	vld [tilespmem:s31+$0x10000];
	_ =	sdelay $0x1  }
0x31d: {  	v1 =	vld [tilespmem:s31+$0x10010];
	_ =	sdelay $0x1  }
0x31e: {  	v2 =	vimm.f32 $0.0e+00;
	v3 =	vld [tilespmem:s31+$0x10020]  }
0x31f: {  	v0 =	vadd.f32 v0, v2  }
0x320: {  	v2 =	vld [tilespmem:s31+$0x10030]  }
0x321: {  	v0 =	vadd.f32 v1, v0  }
0x322: {  	v1 =	vld [tilespmem:s31+$0x10040]  }
0x323: {  	v0 =	vadd.f32 v3, v0;
	_ =	sdelay $0x1  }
0x324: {  	v3 =	vld [tilespmem:s31+$0x10050];
	v0 =	vadd.f32 v2, v0;
	_ =	sdelay $0x1  }
0x325: {  	v2 =	vadd.f32 v1, v0;
	v1 =	vld [tilespmem:s31+$0x10060];
	_ =	sdelay $0x1  }
0x326: {  	v0 =	vld [tilespmem:s31+$0x10070]  }
0x327: {  	s2 =	simm.s32 $0x2000;
	s0 =	simm.s32 $0x400;
	v2 =	vadd.f32 v3, v2  }
.LBB2_35:
0x328: {  	p0 =	sne.s32 s2, $0x1F000;
	v3 =	vld [tilespmem:s0+$0x10000]  }
0x329: {  	v1 =	vadd.f32 v1, v2  }
0x32a: {  	v2 =	vld [tilespmem:s0+$0x10010]  }
0x32b: {  	v0 =	vadd.f32 v0, v1  }
0x32c: {  	v1 =	vld [tilespmem:s0+$0x10020]  }
0x32d: {  	v0 =	vadd.f32 v3, v0  }
0x32e: {  	v3 =	vld [tilespmem:s0+$0x10030]  }
0x32f: {  	v0 =	vadd.f32 v2, v0  }
0x330: {  	v2 =	vld [tilespmem:s0+$0x10040]  }
0x331: {  	v0 =	vadd.f32 v1, v0  }
0x332: {  	v4 =	vld [tilespmem:s0+$0x10050]  }
.Ltmp16:
0x333: {  	v0 =	vadd.f32 v3, v0;
	(pc) =	sbr.rel @p0 .LBB2_35-.Ltmp16, $4  }
0x334: {  	v1 =	vld [tilespmem:s0+$0x10060]  }
0x335: {  	v2 =	vadd.f32 v2, v0  }
0x336: {  	v0 =	vld [tilespmem:s0+$0x10070]  }
0x337: {  	s0 =	sshra.s32 s2, $0x2;
	s2 =	sadd.s32 $0x1000, s2;
	v2 =	vadd.f32 v4, v2  }
0x338: {  	v3 =	vld [tilespmem:s0+$0x10000]  }
0x339: {  	v1 =	vadd.f32 v1, v2  }
0x33a: {  	v2 =	vld [tilespmem:s0+$0x10010]  }
0x33b: {  	v0 =	vadd.f32 v0, v1  }
0x33c: {  	v1 =	vld [tilespmem:s0+$0x10020]  }
0x33d: {  	v0 =	vadd.f32 v3, v0  }
0x33e: {  	v3 =	vld [tilespmem:s0+$0x10030]  }
0x33f: {  	v0 =	vadd.f32 v2, v0  }
0x340: {  	v2 =	vld [tilespmem:s0+$0x10040]  }
0x341: {  	v0 =	vadd.f32 v1, v0  }
0x342: {  	v1 =	vld [tilespmem:s0+$0x10050]  }
0x343: {  	v0 =	vadd.f32 v3, v0  }
0x344: {  	v3 =	vld [tilespmem:s0+$0x10060]  }
0x345: {  	v0 =	vadd.f32 v2, v0  }
0x346: {  	v2 =	vld [tilespmem:s0+$0x10070]  }
0x347: {  	v0 =	vadd.f32 v1, v0;
	_ =	sdelay $0x1  }
0x348: {  	v0 =	vadd.f32 v3, v0;
	_ =	sdelay $0x1  }
0x349: {  	s31 =	sshll.u32 s30, $0xA;
	v0 =	vadd.f32 v2, v0  }
0x34a: {  	s0 =	sand.u32 $0x3FFFFC00, s31  }
0x34b: {  	s2 =	simm.s32 $0x0;
	[tilespmem:s0+$0x18000] =	vst v0  }
0x34c: {  	v0 =	vld [tilespmem:s2+$0x10080];
	_ =	sdelay $0x1  }
0x34d: {  	v1 =	vld [tilespmem:s2+$0x10090];
	_ =	sdelay $0x1  }
0x34e: {  	v2 =	vimm.f32 $0.0e+00;
	v3 =	vld [tilespmem:s2+$0x100A0]  }
0x34f: {  	v0 =	vadd.f32 v0, v2  }
0x350: {  	v2 =	vld [tilespmem:s2+$0x100B0]  }
0x351: {  	v0 =	vadd.f32 v1, v0  }
0x352: {  	v1 =	vld [tilespmem:s2+$0x100C0]  }
0x353: {  	v0 =	vadd.f32 v3, v0;
	_ =	sdelay $0x1  }
0x354: {  	v3 =	vld [tilespmem:s2+$0x100D0];
	v0 =	vadd.f32 v2, v0;
	_ =	sdelay $0x1  }
0x355: {  	v2 =	vadd.f32 v1, v0;
	v1 =	vld [tilespmem:s2+$0x100E0];
	_ =	sdelay $0x1  }
0x356: {  	v0 =	vld [tilespmem:s2+$0x100F0]  }
0x357: {  	s23 =	simm.s32 $0x2000;
	s2 =	simm.s32 $0x400;
	v2 =	vadd.f32 v3, v2  }
.LBB2_37:
0x358: {  	p0 =	sne.s32 s23, $0x1F000;
	v3 =	vld [tilespmem:s2+$0x10080]  }
0x359: {  	v1 =	vadd.f32 v1, v2  }
0x35a: {  	v2 =	vld [tilespmem:s2+$0x10090]  }
0x35b: {  	v0 =	vadd.f32 v0, v1  }
0x35c: {  	v1 =	vld [tilespmem:s2+$0x100A0]  }
0x35d: {  	v0 =	vadd.f32 v3, v0  }
0x35e: {  	v3 =	vld [tilespmem:s2+$0x100B0]  }
0x35f: {  	v0 =	vadd.f32 v2, v0  }
0x360: {  	v2 =	vld [tilespmem:s2+$0x100C0]  }
0x361: {  	v0 =	vadd.f32 v1, v0  }
0x362: {  	v4 =	vld [tilespmem:s2+$0x100D0]  }
.Ltmp17:
0x363: {  	v0 =	vadd.f32 v3, v0;
	(pc) =	sbr.rel @p0 .LBB2_37-.Ltmp17, $4  }
0x364: {  	v1 =	vld [tilespmem:s2+$0x100E0]  }
0x365: {  	v2 =	vadd.f32 v2, v0  }
0x366: {  	v0 =	vld [tilespmem:s2+$0x100F0]  }
0x367: {  	s2 =	sshra.s32 s23, $0x2;
	s23 =	sadd.s32 $0x1000, s23;
	v2 =	vadd.f32 v4, v2  }
0x368: {  	v3 =	vld [tilespmem:s2+$0x10080]  }
0x369: {  	v1 =	vadd.f32 v1, v2  }
0x36a: {  	v2 =	vld [tilespmem:s2+$0x10090]  }
0x36b: {  	v0 =	vadd.f32 v0, v1  }
0x36c: {  	v1 =	vld [tilespmem:s2+$0x100A0]  }
0x36d: {  	v0 =	vadd.f32 v3, v0  }
0x36e: {  	v3 =	vld [tilespmem:s2+$0x100B0]  }
0x36f: {  	v0 =	vadd.f32 v2, v0  }
0x370: {  	v2 =	vld [tilespmem:s2+$0x100C0]  }
0x371: {  	v0 =	vadd.f32 v1, v0  }
0x372: {  	v1 =	vld [tilespmem:s2+$0x100D0]  }
0x373: {  	v0 =	vadd.f32 v3, v0  }
0x374: {  	v3 =	vld [tilespmem:s2+$0x100E0]  }
0x375: {  	v0 =	vadd.f32 v2, v0  }
0x376: {  	v2 =	vld [tilespmem:s2+$0x100F0]  }
0x377: {  	v0 =	vadd.f32 v1, v0;
	_ =	sdelay $0x1  }
0x378: {  	v0 =	vadd.f32 v3, v0;
	_ =	sdelay $0x1  }
0x379: {  	v0 =	vadd.f32 v2, v0;
	_ =	sdelay $0x1  }
0x37a: {  	s31 =	simm.s32 $0x0;
	[tilespmem:s0+$0x18080] =	vst v0  }
0x37b: {  	v0 =	vld [tilespmem:s31+$0x10100];
	_ =	sdelay $0x1  }
0x37c: {  	v1 =	vld [tilespmem:s31+$0x10110];
	_ =	sdelay $0x1  }
0x37d: {  	v2 =	vimm.f32 $0.0e+00;
	v3 =	vld [tilespmem:s31+$0x10120]  }
0x37e: {  	v0 =	vadd.f32 v0, v2  }
0x37f: {  	v2 =	vld [tilespmem:s31+$0x10130]  }
0x380: {  	v0 =	vadd.f32 v1, v0  }
0x381: {  	v1 =	vld [tilespmem:s31+$0x10140]  }
0x382: {  	v0 =	vadd.f32 v3, v0;
	_ =	sdelay $0x1  }
0x383: {  	v3 =	vld [tilespmem:s31+$0x10150];
	v0 =	vadd.f32 v2, v0;
	_ =	sdelay $0x1  }
0x384: {  	v2 =	vadd.f32 v1, v0;
	v1 =	vld [tilespmem:s31+$0x10160];
	_ =	sdelay $0x1  }
0x385: {  	v0 =	vld [tilespmem:s31+$0x10170]  }
0x386: {  	s23 =	simm.s32 $0x2000;
	s2 =	simm.s32 $0x400;
	v2 =	vadd.f32 v3, v2  }
.LBB2_39:
0x387: {  	p0 =	sne.s32 s23, $0x1F000;
	v3 =	vld [tilespmem:s2+$0x10100]  }
0x388: {  	v1 =	vadd.f32 v1, v2  }
0x389: {  	v2 =	vld [tilespmem:s2+$0x10110]  }
0x38a: {  	v0 =	vadd.f32 v0, v1  }
0x38b: {  	v1 =	vld [tilespmem:s2+$0x10120]  }
0x38c: {  	v0 =	vadd.f32 v3, v0  }
0x38d: {  	v3 =	vld [tilespmem:s2+$0x10130]  }
0x38e: {  	v0 =	vadd.f32 v2, v0  }
0x38f: {  	v2 =	vld [tilespmem:s2+$0x10140]  }
0x390: {  	v0 =	vadd.f32 v1, v0  }
0x391: {  	v4 =	vld [tilespmem:s2+$0x10150]  }
.Ltmp18:
0x392: {  	v0 =	vadd.f32 v3, v0;
	(pc) =	sbr.rel @p0 .LBB2_39-.Ltmp18, $4  }
0x393: {  	v1 =	vld [tilespmem:s2+$0x10160]  }
0x394: {  	v2 =	vadd.f32 v2, v0  }
0x395: {  	v0 =	vld [tilespmem:s2+$0x10170]  }
0x396: {  	s2 =	sshra.s32 s23, $0x2;
	s23 =	sadd.s32 $0x1000, s23;
	v2 =	vadd.f32 v4, v2  }
0x397: {  	v3 =	vld [tilespmem:s2+$0x10100]  }
0x398: {  	v1 =	vadd.f32 v1, v2  }
0x399: {  	v2 =	vld [tilespmem:s2+$0x10110]  }
0x39a: {  	v0 =	vadd.f32 v0, v1  }
0x39b: {  	v1 =	vld [tilespmem:s2+$0x10120]  }
0x39c: {  	v0 =	vadd.f32 v3, v0  }
0x39d: {  	v3 =	vld [tilespmem:s2+$0x10130]  }
0x39e: {  	v0 =	vadd.f32 v2, v0  }
0x39f: {  	v2 =	vld [tilespmem:s2+$0x10140]  }
0x3a0: {  	v0 =	vadd.f32 v1, v0  }
0x3a1: {  	v1 =	vld [tilespmem:s2+$0x10150]  }
0x3a2: {  	v0 =	vadd.f32 v3, v0  }
0x3a3: {  	v3 =	vld [tilespmem:s2+$0x10160]  }
0x3a4: {  	v0 =	vadd.f32 v2, v0  }
0x3a5: {  	v2 =	vld [tilespmem:s2+$0x10170]  }
0x3a6: {  	v0 =	vadd.f32 v1, v0;
	_ =	sdelay $0x1  }
0x3a7: {  	v0 =	vadd.f32 v3, v0;
	_ =	sdelay $0x1  }
0x3a8: {  	v0 =	vadd.f32 v2, v0;
	_ =	sdelay $0x1  }
0x3a9: {  	s31 =	simm.s32 $0x0;
	[tilespmem:s0+$0x18100] =	vst v0  }
0x3aa: {  	v0 =	vld [tilespmem:s31+$0x10180];
	_ =	sdelay $0x1  }
0x3ab: {  	v1 =	vld [tilespmem:s31+$0x10190];
	_ =	sdelay $0x1  }
0x3ac: {  	v2 =	vimm.f32 $0.0e+00;
	v3 =	vld [tilespmem:s31+$0x101A0]  }
0x3ad: {  	v0 =	vadd.f32 v0, v2  }
0x3ae: {  	v2 =	vld [tilespmem:s31+$0x101B0]  }
0x3af: {  	v0 =	vadd.f32 v1, v0  }
0x3b0: {  	v1 =	vld [tilespmem:s31+$0x101C0]  }
0x3b1: {  	v0 =	vadd.f32 v3, v0;
	_ =	sdelay $0x1  }
0x3b2: {  	v3 =	vld [tilespmem:s31+$0x101D0];
	v0 =	vadd.f32 v2, v0;
	_ =	sdelay $0x1  }
0x3b3: {  	v2 =	vadd.f32 v1, v0;
	v1 =	vld [tilespmem:s31+$0x101E0];
	_ =	sdelay $0x1  }
0x3b4: {  	v0 =	vld [tilespmem:s31+$0x101F0]  }
0x3b5: {  	s23 =	simm.s32 $0x2000;
	s2 =	simm.s32 $0x400;
	v2 =	vadd.f32 v3, v2  }
.LBB2_41:
0x3b6: {  	p0 =	sne.s32 s23, $0x1F000;
	v3 =	vld [tilespmem:s2+$0x10180]  }
0x3b7: {  	v1 =	vadd.f32 v1, v2  }
0x3b8: {  	v2 =	vld [tilespmem:s2+$0x10190]  }
0x3b9: {  	v0 =	vadd.f32 v0, v1  }
0x3ba: {  	v1 =	vld [tilespmem:s2+$0x101A0]  }
0x3bb: {  	v0 =	vadd.f32 v3, v0  }
0x3bc: {  	v3 =	vld [tilespmem:s2+$0x101B0]  }
0x3bd: {  	v0 =	vadd.f32 v2, v0  }
0x3be: {  	v2 =	vld [tilespmem:s2+$0x101C0]  }
0x3bf: {  	v0 =	vadd.f32 v1, v0  }
0x3c0: {  	v4 =	vld [tilespmem:s2+$0x101D0]  }
.Ltmp19:
0x3c1: {  	v0 =	vadd.f32 v3, v0;
	(pc) =	sbr.rel @p0 .LBB2_41-.Ltmp19, $4  }
0x3c2: {  	v1 =	vld [tilespmem:s2+$0x101E0]  }
0x3c3: {  	v2 =	vadd.f32 v2, v0  }
0x3c4: {  	v0 =	vld [tilespmem:s2+$0x101F0]  }
0x3c5: {  	s2 =	sshra.s32 s23, $0x2;
	s23 =	sadd.s32 $0x1000, s23;
	v2 =	vadd.f32 v4, v2  }
0x3c6: {  	v3 =	vld [tilespmem:s2+$0x10180]  }
0x3c7: {  	v1 =	vadd.f32 v1, v2  }
0x3c8: {  	v2 =	vld [tilespmem:s2+$0x10190]  }
0x3c9: {  	v0 =	vadd.f32 v0, v1  }
0x3ca: {  	v1 =	vld [tilespmem:s2+$0x101A0]  }
0x3cb: {  	v0 =	vadd.f32 v3, v0  }
0x3cc: {  	v3 =	vld [tilespmem:s2+$0x101B0]  }
0x3cd: {  	v0 =	vadd.f32 v2, v0  }
0x3ce: {  	v2 =	vld [tilespmem:s2+$0x101C0]  }
0x3cf: {  	v0 =	vadd.f32 v1, v0  }
0x3d0: {  	v1 =	vld [tilespmem:s2+$0x101D0]  }
0x3d1: {  	v0 =	vadd.f32 v3, v0  }
0x3d2: {  	v3 =	vld [tilespmem:s2+$0x101E0]  }
0x3d3: {  	v0 =	vadd.f32 v2, v0  }
0x3d4: {  	v2 =	vld [tilespmem:s2+$0x101F0]  }
0x3d5: {  	v0 =	vadd.f32 v1, v0;
	_ =	sdelay $0x1  }
0x3d6: {  	v0 =	vadd.f32 v3, v0;
	_ =	sdelay $0x1  }
0x3d7: {  	v0 =	vadd.f32 v2, v0;
	_ =	sdelay $0x1  }
0x3d8: {  	s31 =	simm.s32 $0x0;
	[tilespmem:s0+$0x18180] =	vst v0  }
0x3d9: {  	v0 =	vld [tilespmem:s31+$0x10200];
	_ =	sdelay $0x1  }
0x3da: {  	v1 =	vld [tilespmem:s31+$0x10210];
	_ =	sdelay $0x1  }
0x3db: {  	v2 =	vimm.f32 $0.0e+00;
	v3 =	vld [tilespmem:s31+$0x10220]  }
0x3dc: {  	v0 =	vadd.f32 v0, v2  }
0x3dd: {  	v2 =	vld [tilespmem:s31+$0x10230]  }
0x3de: {  	v0 =	vadd.f32 v1, v0  }
0x3df: {  	v1 =	vld [tilespmem:s31+$0x10240]  }
0x3e0: {  	v0 =	vadd.f32 v3, v0;
	_ =	sdelay $0x1  }
0x3e1: {  	v3 =	vld [tilespmem:s31+$0x10250];
	v0 =	vadd.f32 v2, v0;
	_ =	sdelay $0x1  }
0x3e2: {  	v2 =	vadd.f32 v1, v0;
	v1 =	vld [tilespmem:s31+$0x10260];
	_ =	sdelay $0x1  }
0x3e3: {  	v0 =	vld [tilespmem:s31+$0x10270]  }
0x3e4: {  	s23 =	simm.s32 $0x2000;
	s2 =	simm.s32 $0x400;
	v2 =	vadd.f32 v3, v2  }
.LBB2_43:
0x3e5: {  	p0 =	sne.s32 s23, $0x1F000;
	v3 =	vld [tilespmem:s2+$0x10200]  }
0x3e6: {  	v1 =	vadd.f32 v1, v2  }
0x3e7: {  	v2 =	vld [tilespmem:s2+$0x10210]  }
0x3e8: {  	v0 =	vadd.f32 v0, v1  }
0x3e9: {  	v1 =	vld [tilespmem:s2+$0x10220]  }
0x3ea: {  	v0 =	vadd.f32 v3, v0  }
0x3eb: {  	v3 =	vld [tilespmem:s2+$0x10230]  }
0x3ec: {  	v0 =	vadd.f32 v2, v0  }
0x3ed: {  	v2 =	vld [tilespmem:s2+$0x10240]  }
0x3ee: {  	v0 =	vadd.f32 v1, v0  }
0x3ef: {  	v4 =	vld [tilespmem:s2+$0x10250]  }
.Ltmp20:
0x3f0: {  	v0 =	vadd.f32 v3, v0;
	(pc) =	sbr.rel @p0 .LBB2_43-.Ltmp20, $4  }
0x3f1: {  	v1 =	vld [tilespmem:s2+$0x10260]  }
0x3f2: {  	v2 =	vadd.f32 v2, v0  }
0x3f3: {  	v0 =	vld [tilespmem:s2+$0x10270]  }
0x3f4: {  	s2 =	sshra.s32 s23, $0x2;
	s23 =	sadd.s32 $0x1000, s23;
	v2 =	vadd.f32 v4, v2  }
0x3f5: {  	v3 =	vld [tilespmem:s2+$0x10200]  }
0x3f6: {  	v1 =	vadd.f32 v1, v2  }
0x3f7: {  	v2 =	vld [tilespmem:s2+$0x10210]  }
0x3f8: {  	v0 =	vadd.f32 v0, v1  }
0x3f9: {  	v1 =	vld [tilespmem:s2+$0x10220]  }
0x3fa: {  	v0 =	vadd.f32 v3, v0  }
0x3fb: {  	v3 =	vld [tilespmem:s2+$0x10230]  }
0x3fc: {  	v0 =	vadd.f32 v2, v0  }
0x3fd: {  	v2 =	vld [tilespmem:s2+$0x10240]  }
0x3fe: {  	v0 =	vadd.f32 v1, v0  }
0x3ff: {  	v1 =	vld [tilespmem:s2+$0x10250]  }
0x400: {  	v0 =	vadd.f32 v3, v0  }
0x401: {  	v3 =	vld [tilespmem:s2+$0x10260]  }
0x402: {  	v0 =	vadd.f32 v2, v0  }
0x403: {  	v2 =	vld [tilespmem:s2+$0x10270]  }
0x404: {  	v0 =	vadd.f32 v1, v0;
	_ =	sdelay $0x1  }
0x405: {  	v0 =	vadd.f32 v3, v0;
	_ =	sdelay $0x1  }
0x406: {  	v0 =	vadd.f32 v2, v0;
	_ =	sdelay $0x1  }
0x407: {  	s31 =	simm.s32 $0x0;
	[tilespmem:s0+$0x18200] =	vst v0  }
0x408: {  	v0 =	vld [tilespmem:s31+$0x10280];
	_ =	sdelay $0x1  }
0x409: {  	v1 =	vld [tilespmem:s31+$0x10290];
	_ =	sdelay $0x1  }
0x40a: {  	v2 =	vimm.f32 $0.0e+00;
	v3 =	vld [tilespmem:s31+$0x102A0]  }
0x40b: {  	v0 =	vadd.f32 v0, v2  }
0x40c: {  	v2 =	vld [tilespmem:s31+$0x102B0]  }
0x40d: {  	v0 =	vadd.f32 v1, v0  }
0x40e: {  	v1 =	vld [tilespmem:s31+$0x102C0]  }
0x40f: {  	v0 =	vadd.f32 v3, v0;
	_ =	sdelay $0x1  }
0x410: {  	v3 =	vld [tilespmem:s31+$0x102D0];
	v0 =	vadd.f32 v2, v0;
	_ =	sdelay $0x1  }
0x411: {  	v2 =	vadd.f32 v1, v0;
	v1 =	vld [tilespmem:s31+$0x102E0];
	_ =	sdelay $0x1  }
0x412: {  	v0 =	vld [tilespmem:s31+$0x102F0]  }
0x413: {  	s23 =	simm.s32 $0x2000;
	s2 =	simm.s32 $0x400;
	v2 =	vadd.f32 v3, v2  }
.LBB2_45:
0x414: {  	p0 =	sne.s32 s23, $0x1F000;
	v3 =	vld [tilespmem:s2+$0x10280]  }
0x415: {  	v1 =	vadd.f32 v1, v2  }
0x416: {  	v2 =	vld [tilespmem:s2+$0x10290]  }
0x417: {  	v0 =	vadd.f32 v0, v1  }
0x418: {  	v1 =	vld [tilespmem:s2+$0x102A0]  }
0x419: {  	v0 =	vadd.f32 v3, v0  }
0x41a: {  	v3 =	vld [tilespmem:s2+$0x102B0]  }
0x41b: {  	v0 =	vadd.f32 v2, v0  }
0x41c: {  	v2 =	vld [tilespmem:s2+$0x102C0]  }
0x41d: {  	v0 =	vadd.f32 v1, v0  }
0x41e: {  	v4 =	vld [tilespmem:s2+$0x102D0]  }
.Ltmp21:
0x41f: {  	v0 =	vadd.f32 v3, v0;
	(pc) =	sbr.rel @p0 .LBB2_45-.Ltmp21, $4  }
0x420: {  	v1 =	vld [tilespmem:s2+$0x102E0]  }
0x421: {  	v2 =	vadd.f32 v2, v0  }
0x422: {  	v0 =	vld [tilespmem:s2+$0x102F0]  }
0x423: {  	s2 =	sshra.s32 s23, $0x2;
	s23 =	sadd.s32 $0x1000, s23;
	v2 =	vadd.f32 v4, v2  }
0x424: {  	v3 =	vld [tilespmem:s2+$0x10280]  }
0x425: {  	v1 =	vadd.f32 v1, v2  }
0x426: {  	v2 =	vld [tilespmem:s2+$0x10290]  }
0x427: {  	v0 =	vadd.f32 v0, v1  }
0x428: {  	v1 =	vld [tilespmem:s2+$0x102A0]  }
0x429: {  	v0 =	vadd.f32 v3, v0  }
0x42a: {  	v3 =	vld [tilespmem:s2+$0x102B0]  }
0x42b: {  	v0 =	vadd.f32 v2, v0  }
0x42c: {  	v2 =	vld [tilespmem:s2+$0x102C0]  }
0x42d: {  	v0 =	vadd.f32 v1, v0  }
0x42e: {  	v1 =	vld [tilespmem:s2+$0x102D0]  }
0x42f: {  	v0 =	vadd.f32 v3, v0  }
0x430: {  	v3 =	vld [tilespmem:s2+$0x102E0]  }
0x431: {  	v0 =	vadd.f32 v2, v0  }
0x432: {  	v2 =	vld [tilespmem:s2+$0x102F0]  }
0x433: {  	v0 =	vadd.f32 v1, v0;
	_ =	sdelay $0x1  }
0x434: {  	v0 =	vadd.f32 v3, v0;
	_ =	sdelay $0x1  }
0x435: {  	v0 =	vadd.f32 v2, v0;
	_ =	sdelay $0x1  }
0x436: {  	s31 =	simm.s32 $0x0;
	[tilespmem:s0+$0x18280] =	vst v0  }
0x437: {  	v0 =	vld [tilespmem:s31+$0x10300];
	_ =	sdelay $0x1  }
0x438: {  	v1 =	vld [tilespmem:s31+$0x10310];
	_ =	sdelay $0x1  }
0x439: {  	v2 =	vimm.f32 $0.0e+00;
	v3 =	vld [tilespmem:s31+$0x10320]  }
0x43a: {  	v0 =	vadd.f32 v0, v2  }
0x43b: {  	v2 =	vld [tilespmem:s31+$0x10330]  }
0x43c: {  	v0 =	vadd.f32 v1, v0  }
0x43d: {  	v1 =	vld [tilespmem:s31+$0x10340]  }
0x43e: {  	v0 =	vadd.f32 v3, v0;
	_ =	sdelay $0x1  }
0x43f: {  	v3 =	vld [tilespmem:s31+$0x10350];
	v0 =	vadd.f32 v2, v0;
	_ =	sdelay $0x1  }
0x440: {  	v2 =	vadd.f32 v1, v0;
	v1 =	vld [tilespmem:s31+$0x10360];
	_ =	sdelay $0x1  }
0x441: {  	v0 =	vld [tilespmem:s31+$0x10370]  }
0x442: {  	s23 =	simm.s32 $0x2000;
	s2 =	simm.s32 $0x400;
	v2 =	vadd.f32 v3, v2  }
.LBB2_47:
0x443: {  	p0 =	sne.s32 s23, $0x1F000;
	v3 =	vld [tilespmem:s2+$0x10300]  }
0x444: {  	v1 =	vadd.f32 v1, v2  }
0x445: {  	v2 =	vld [tilespmem:s2+$0x10310]  }
0x446: {  	v0 =	vadd.f32 v0, v1  }
0x447: {  	v1 =	vld [tilespmem:s2+$0x10320]  }
0x448: {  	v0 =	vadd.f32 v3, v0  }
0x449: {  	v3 =	vld [tilespmem:s2+$0x10330]  }
0x44a: {  	v0 =	vadd.f32 v2, v0  }
0x44b: {  	v2 =	vld [tilespmem:s2+$0x10340]  }
0x44c: {  	v0 =	vadd.f32 v1, v0  }
0x44d: {  	v4 =	vld [tilespmem:s2+$0x10350]  }
.Ltmp22:
0x44e: {  	v0 =	vadd.f32 v3, v0;
	(pc) =	sbr.rel @p0 .LBB2_47-.Ltmp22, $4  }
0x44f: {  	v1 =	vld [tilespmem:s2+$0x10360]  }
0x450: {  	v2 =	vadd.f32 v2, v0  }
0x451: {  	v0 =	vld [tilespmem:s2+$0x10370]  }
0x452: {  	s2 =	sshra.s32 s23, $0x2;
	s23 =	sadd.s32 $0x1000, s23;
	v2 =	vadd.f32 v4, v2  }
0x453: {  	v3 =	vld [tilespmem:s2+$0x10300]  }
0x454: {  	v1 =	vadd.f32 v1, v2  }
0x455: {  	v2 =	vld [tilespmem:s2+$0x10310]  }
0x456: {  	v0 =	vadd.f32 v0, v1  }
0x457: {  	v1 =	vld [tilespmem:s2+$0x10320]  }
0x458: {  	v0 =	vadd.f32 v3, v0  }
0x459: {  	v3 =	vld [tilespmem:s2+$0x10330]  }
0x45a: {  	v0 =	vadd.f32 v2, v0  }
0x45b: {  	v2 =	vld [tilespmem:s2+$0x10340]  }
0x45c: {  	v0 =	vadd.f32 v1, v0  }
0x45d: {  	v1 =	vld [tilespmem:s2+$0x10350]  }
0x45e: {  	v0 =	vadd.f32 v3, v0  }
0x45f: {  	v3 =	vld [tilespmem:s2+$0x10360]  }
0x460: {  	v0 =	vadd.f32 v2, v0  }
0x461: {  	v2 =	vld [tilespmem:s2+$0x10370]  }
0x462: {  	v0 =	vadd.f32 v1, v0;
	_ =	sdelay $0x1  }
0x463: {  	v0 =	vadd.f32 v3, v0;
	_ =	sdelay $0x1  }
0x464: {  	v0 =	vadd.f32 v2, v0;
	_ =	sdelay $0x1  }
0x465: {  	s31 =	simm.s32 $0x0;
	[tilespmem:s0+$0x18300] =	vst v0  }
0x466: {  	v0 =	vld [tilespmem:s31+$0x10380];
	_ =	sdelay $0x1  }
0x467: {  	v1 =	vld [tilespmem:s31+$0x10390];
	_ =	sdelay $0x1  }
0x468: {  	v2 =	vimm.f32 $0.0e+00;
	v3 =	vld [tilespmem:s31+$0x103A0]  }
0x469: {  	v0 =	vadd.f32 v0, v2  }
0x46a: {  	v2 =	vld [tilespmem:s31+$0x103B0]  }
0x46b: {  	v0 =	vadd.f32 v1, v0  }
0x46c: {  	v1 =	vld [tilespmem:s31+$0x103C0]  }
0x46d: {  	v0 =	vadd.f32 v3, v0;
	_ =	sdelay $0x1  }
0x46e: {  	v3 =	vld [tilespmem:s31+$0x103D0];
	v0 =	vadd.f32 v2, v0;
	_ =	sdelay $0x1  }
0x46f: {  	v2 =	vadd.f32 v1, v0;
	v1 =	vld [tilespmem:s31+$0x103E0];
	_ =	sdelay $0x1  }
0x470: {  	v0 =	vld [tilespmem:s31+$0x103F0]  }
0x471: {  	s23 =	simm.s32 $0x2000;
	s2 =	simm.s32 $0x400;
	v2 =	vadd.f32 v3, v2  }
.LBB2_49:
0x472: {  	p0 =	sne.s32 s23, $0x1F000;
	v3 =	vld [tilespmem:s2+$0x10380]  }
0x473: {  	v1 =	vadd.f32 v1, v2  }
0x474: {  	v2 =	vld [tilespmem:s2+$0x10390]  }
0x475: {  	v0 =	vadd.f32 v0, v1  }
0x476: {  	v1 =	vld [tilespmem:s2+$0x103A0]  }
0x477: {  	v0 =	vadd.f32 v3, v0  }
0x478: {  	v3 =	vld [tilespmem:s2+$0x103B0]  }
0x479: {  	v0 =	vadd.f32 v2, v0  }
0x47a: {  	v2 =	vld [tilespmem:s2+$0x103C0]  }
0x47b: {  	v0 =	vadd.f32 v1, v0  }
0x47c: {  	v4 =	vld [tilespmem:s2+$0x103D0]  }
.Ltmp23:
0x47d: {  	v0 =	vadd.f32 v3, v0;
	(pc) =	sbr.rel @p0 .LBB2_49-.Ltmp23, $4  }
0x47e: {  	v1 =	vld [tilespmem:s2+$0x103E0]  }
0x47f: {  	v2 =	vadd.f32 v2, v0  }
0x480: {  	v0 =	vld [tilespmem:s2+$0x103F0]  }
0x481: {  	s2 =	sshra.s32 s23, $0x2;
	s23 =	sadd.s32 $0x1000, s23;
	v2 =	vadd.f32 v4, v2  }
0x482: {  	v3 =	vld [tilespmem:s2+$0x10380]  }
0x483: {  	v1 =	vadd.f32 v1, v2  }
0x484: {  	v56 =	vld [tilespmem:s2+$0x10390]  }
0x485: {  	v0 =	vadd.f32 v0, v1  }
0x486: {  	v57 =	vld [tilespmem:s2+$0x103A0]  }
0x487: {  	v0 =	vadd.f32 v3, v0  }
0x488: {  	v58 =	vld [tilespmem:s2+$0x103B0]  }
0x489: {  	v0 =	vadd.f32 v56, v0  }
0x48a: {  	v59 =	vld [tilespmem:s2+$0x103C0]  }
0x48b: {  	v0 =	vadd.f32 v57, v0  }
0x48c: {  	v60 =	vld [tilespmem:s2+$0x103D0]  }
0x48d: {  	v0 =	vadd.f32 v58, v0  }
0x48e: {  	v61 =	vld [tilespmem:s2+$0x103E0]  }
0x48f: {  	v0 =	vadd.f32 v59, v0  }
0x490: {  	v62 =	vld [tilespmem:s2+$0x103F0]  }
0x491: {  	v0 =	vadd.f32 v60, v0;
	_ =	sdelay $0x1  }
0x492: {  	v0 =	vadd.f32 v61, v0;
	_ =	sdelay $0x1  }
0x493: {  	v0 =	vadd.f32 v62, v0  }
0x494: {  	s26 =	sadd.s32 $0x1, s26  }
0x495: {  	s30 =	sadd.s32 s4, s29;
	p0 =	sne.s32 s26, $0xA;
	[tilespmem:s0+$0x18380] =	vst v0  }
0x496: {  	[hbm4b:s30+s3] =	stream.linear.scatter [tilespmem:s17], [sflag:$0x6], $0x8000, $0x38;
	v63 =	vld [tilespmem:$0x0]  }
.Ltmp24:
0x497: {  	_ = 	snop;
	(pc) =	sbr.rel @p0 .LBB2_2-.Ltmp24, $4  }
0x498: {  	s31 =	sadd.s32 s28, s10;
	_ =	swait.ge [sflag:s21], $0x8000  }
0x499: {  	s0 =	sshll.u32 s31, $0xC;
	[sflag:s21] =	ssyncset.done $0x0  }
0x49a: {  	s0 =	sadd.s32 s1, s0;
	[sflag:s21] =	ssyncadd.s32 $0xFFFF8000  }
0x49b: {  	[tilespmem:s15], [sflag:$0x2] =	stream.linear.gather [hbm4b:s0+s3], $0x8000, $0x38;
	v63 =	vld [tilespmem:$0x0]  }
0x49c: {  	_ =	swait.ge [sflag:s16], $0x8000  }
0x49d: {  	[sflag:s16] =	ssyncset.done $0x0  }
0x49e: {  	s0 =	simm.s32 $0x0;
	[sflag:s16] =	ssyncadd.s32 $0xFFFF8000  }
0x49f: {  	v0 =	vld [tilespmem:s0+$0x0];
	_ =	sdelay $0x1  }
0x4a0: {  	v1 =	vld [tilespmem:s0+$0x10];
	_ =	sdelay $0x1  }
0x4a1: {  	v2 =	vimm.f32 $0.0e+00;
	v3 =	vld [tilespmem:s0+$0x20]  }
0x4a2: {  	v0 =	vadd.f32 v0, v2  }
0x4a3: {  	v2 =	vld [tilespmem:s0+$0x30]  }
0x4a4: {  	v0 =	vadd.f32 v1, v0  }
0x4a5: {  	v1 =	vld [tilespmem:s0+$0x40]  }
0x4a6: {  	v0 =	vadd.f32 v3, v0;
	_ =	sdelay $0x1  }
0x4a7: {  	v3 =	vld [tilespmem:s0+$0x50];
	v0 =	vadd.f32 v2, v0;
	_ =	sdelay $0x1  }
0x4a8: {  	v2 =	vadd.f32 v1, v0;
	v1 =	vld [tilespmem:s0+$0x60];
	_ =	sdelay $0x1  }
0x4a9: {  	v0 =	vld [tilespmem:s0+$0x70]  }
0x4aa: {  	s2 =	simm.s32 $0x2000;
	s0 =	simm.s32 $0x400;
	v2 =	vadd.f32 v3, v2  }
.LBB2_52:
0x4ab: {  	p0 =	sne.s32 s2, $0x1F000;
	v3 =	vld [tilespmem:s0+$0x0]  }
0x4ac: {  	v1 =	vadd.f32 v1, v2  }
0x4ad: {  	v2 =	vld [tilespmem:s0+$0x10]  }
0x4ae: {  	v0 =	vadd.f32 v0, v1  }
0x4af: {  	v1 =	vld [tilespmem:s0+$0x20]  }
0x4b0: {  	v0 =	vadd.f32 v3, v0  }
0x4b1: {  	v3 =	vld [tilespmem:s0+$0x30]  }
0x4b2: {  	v0 =	vadd.f32 v2, v0  }
0x4b3: {  	v2 =	vld [tilespmem:s0+$0x40]  }
0x4b4: {  	v0 =	vadd.f32 v1, v0  }
0x4b5: {  	v4 =	vld [tilespmem:s0+$0x50]  }
.Ltmp25:
0x4b6: {  	v0 =	vadd.f32 v3, v0;
	(pc) =	sbr.rel @p0 .LBB2_52-.Ltmp25, $4  }
0x4b7: {  	v1 =	vld [tilespmem:s0+$0x60]  }
0x4b8: {  	v2 =	vadd.f32 v2, v0  }
0x4b9: {  	v0 =	vld [tilespmem:s0+$0x70]  }
0x4ba: {  	s0 =	sshra.s32 s2, $0x2;
	s2 =	sadd.s32 $0x1000, s2;
	v2 =	vadd.f32 v4, v2  }
0x4bb: {  	v3 =	vld [tilespmem:s0+$0x0]  }
0x4bc: {  	v1 =	vadd.f32 v1, v2  }
0x4bd: {  	v2 =	vld [tilespmem:s0+$0x10]  }
0x4be: {  	v0 =	vadd.f32 v0, v1  }
0x4bf: {  	v1 =	vld [tilespmem:s0+$0x20]  }
0x4c0: {  	v0 =	vadd.f32 v3, v0  }
0x4c1: {  	v3 =	vld [tilespmem:s0+$0x30]  }
0x4c2: {  	v0 =	vadd.f32 v2, v0  }
0x4c3: {  	v2 =	vld [tilespmem:s0+$0x40]  }
0x4c4: {  	v0 =	vadd.f32 v1, v0  }
0x4c5: {  	v1 =	vld [tilespmem:s0+$0x50]  }
0x4c6: {  	v0 =	vadd.f32 v3, v0  }
0x4c7: {  	v3 =	vld [tilespmem:s0+$0x60]  }
0x4c8: {  	v0 =	vadd.f32 v2, v0  }
0x4c9: {  	v2 =	vld [tilespmem:s0+$0x70]  }
0x4ca: {  	v0 =	vadd.f32 v1, v0;
	_ =	sdelay $0x1  }
0x4cb: {  	v0 =	vadd.f32 v3, v0;
	_ =	sdelay $0x1  }
0x4cc: {  	v0 =	vadd.f32 v2, v0;
	_ =	sdelay $0x1  }
0x4cd: {  	s31 =	simm.s32 $0x0;
	[tilespmem:$0x1F800] =	vst v0  }
0x4ce: {  	v0 =	vld [tilespmem:s31+$0x80];
	_ =	sdelay $0x1  }
0x4cf: {  	v1 =	vld [tilespmem:s31+$0x90];
	_ =	sdelay $0x1  }
0x4d0: {  	v2 =	vimm.f32 $0.0e+00;
	v3 =	vld [tilespmem:s31+$0xA0]  }
0x4d1: {  	v0 =	vadd.f32 v0, v2  }
0x4d2: {  	v2 =	vld [tilespmem:s31+$0xB0]  }
0x4d3: {  	v0 =	vadd.f32 v1, v0  }
0x4d4: {  	v1 =	vld [tilespmem:s31+$0xC0]  }
0x4d5: {  	v0 =	vadd.f32 v3, v0;
	_ =	sdelay $0x1  }
0x4d6: {  	v3 =	vld [tilespmem:s31+$0xD0];
	v0 =	vadd.f32 v2, v0;
	_ =	sdelay $0x1  }
0x4d7: {  	v2 =	vadd.f32 v1, v0;
	v1 =	vld [tilespmem:s31+$0xE0];
	_ =	sdelay $0x1  }
0x4d8: {  	v0 =	vld [tilespmem:s31+$0xF0]  }
0x4d9: {  	s2 =	simm.s32 $0x2000;
	s0 =	simm.s32 $0x400;
	v2 =	vadd.f32 v3, v2  }
.LBB2_54:
0x4da: {  	p0 =	sne.s32 s2, $0x1F000;
	v3 =	vld [tilespmem:s0+$0x80]  }
0x4db: {  	v1 =	vadd.f32 v1, v2  }
0x4dc: {  	v2 =	vld [tilespmem:s0+$0x90]  }
0x4dd: {  	v0 =	vadd.f32 v0, v1  }
0x4de: {  	v1 =	vld [tilespmem:s0+$0xA0]  }
0x4df: {  	v0 =	vadd.f32 v3, v0  }
0x4e0: {  	v3 =	vld [tilespmem:s0+$0xB0]  }
0x4e1: {  	v0 =	vadd.f32 v2, v0  }
0x4e2: {  	v2 =	vld [tilespmem:s0+$0xC0]  }
0x4e3: {  	v0 =	vadd.f32 v1, v0  }
0x4e4: {  	v4 =	vld [tilespmem:s0+$0xD0]  }
.Ltmp26:
0x4e5: {  	v0 =	vadd.f32 v3, v0;
	(pc) =	sbr.rel @p0 .LBB2_54-.Ltmp26, $4  }
0x4e6: {  	v1 =	vld [tilespmem:s0+$0xE0]  }
0x4e7: {  	v2 =	vadd.f32 v2, v0  }
0x4e8: {  	v0 =	vld [tilespmem:s0+$0xF0]  }
0x4e9: {  	s0 =	sshra.s32 s2, $0x2;
	s2 =	sadd.s32 $0x1000, s2;
	v2 =	vadd.f32 v4, v2  }
0x4ea: {  	v3 =	vld [tilespmem:s0+$0x80]  }
0x4eb: {  	v1 =	vadd.f32 v1, v2  }
0x4ec: {  	v2 =	vld [tilespmem:s0+$0x90]  }
0x4ed: {  	v0 =	vadd.f32 v0, v1  }
0x4ee: {  	v1 =	vld [tilespmem:s0+$0xA0]  }
0x4ef: {  	v0 =	vadd.f32 v3, v0  }
0x4f0: {  	v3 =	vld [tilespmem:s0+$0xB0]  }
0x4f1: {  	v0 =	vadd.f32 v2, v0  }
0x4f2: {  	v2 =	vld [tilespmem:s0+$0xC0]  }
0x4f3: {  	v0 =	vadd.f32 v1, v0  }
0x4f4: {  	v1 =	vld [tilespmem:s0+$0xD0]  }
0x4f5: {  	v0 =	vadd.f32 v3, v0  }
0x4f6: {  	v3 =	vld [tilespmem:s0+$0xE0]  }
0x4f7: {  	v0 =	vadd.f32 v2, v0  }
0x4f8: {  	v2 =	vld [tilespmem:s0+$0xF0]  }
0x4f9: {  	v0 =	vadd.f32 v1, v0;
	_ =	sdelay $0x1  }
0x4fa: {  	v0 =	vadd.f32 v3, v0;
	_ =	sdelay $0x1  }
0x4fb: {  	v0 =	vadd.f32 v2, v0;
	_ =	sdelay $0x1  }
0x4fc: {  	s31 =	simm.s32 $0x0;
	[tilespmem:$0x1F880] =	vst v0  }
0x4fd: {  	v0 =	vld [tilespmem:s31+$0x100];
	_ =	sdelay $0x1  }
0x4fe: {  	v1 =	vld [tilespmem:s31+$0x110];
	_ =	sdelay $0x1  }
0x4ff: {  	v2 =	vimm.f32 $0.0e+00;
	v3 =	vld [tilespmem:s31+$0x120]  }
0x500: {  	v0 =	vadd.f32 v0, v2  }
0x501: {  	v2 =	vld [tilespmem:s31+$0x130]  }
0x502: {  	v0 =	vadd.f32 v1, v0  }
0x503: {  	v1 =	vld [tilespmem:s31+$0x140]  }
0x504: {  	v0 =	vadd.f32 v3, v0;
	_ =	sdelay $0x1  }
0x505: {  	v3 =	vld [tilespmem:s31+$0x150];
	v0 =	vadd.f32 v2, v0;
	_ =	sdelay $0x1  }
0x506: {  	v2 =	vadd.f32 v1, v0;
	v1 =	vld [tilespmem:s31+$0x160];
	_ =	sdelay $0x1  }
0x507: {  	v0 =	vld [tilespmem:s31+$0x170]  }
0x508: {  	s2 =	simm.s32 $0x2000;
	s0 =	simm.s32 $0x400;
	v2 =	vadd.f32 v3, v2  }
.LBB2_56:
0x509: {  	p0 =	sne.s32 s2, $0x1F000;
	v3 =	vld [tilespmem:s0+$0x100]  }
0x50a: {  	v1 =	vadd.f32 v1, v2  }
0x50b: {  	v2 =	vld [tilespmem:s0+$0x110]  }
0x50c: {  	v0 =	vadd.f32 v0, v1  }
0x50d: {  	v1 =	vld [tilespmem:s0+$0x120]  }
0x50e: {  	v0 =	vadd.f32 v3, v0  }
0x50f: {  	v3 =	vld [tilespmem:s0+$0x130]  }
0x510: {  	v0 =	vadd.f32 v2, v0  }
0x511: {  	v2 =	vld [tilespmem:s0+$0x140]  }
0x512: {  	v0 =	vadd.f32 v1, v0  }
0x513: {  	v4 =	vld [tilespmem:s0+$0x150]  }
.Ltmp27:
0x514: {  	v0 =	vadd.f32 v3, v0;
	(pc) =	sbr.rel @p0 .LBB2_56-.Ltmp27, $4  }
0x515: {  	v1 =	vld [tilespmem:s0+$0x160]  }
0x516: {  	v2 =	vadd.f32 v2, v0  }
0x517: {  	v0 =	vld [tilespmem:s0+$0x170]  }
0x518: {  	s0 =	sshra.s32 s2, $0x2;
	s2 =	sadd.s32 $0x1000, s2;
	v2 =	vadd.f32 v4, v2  }
0x519: {  	v3 =	vld [tilespmem:s0+$0x100]  }
0x51a: {  	v1 =	vadd.f32 v1, v2  }
0x51b: {  	v2 =	vld [tilespmem:s0+$0x110]  }
0x51c: {  	v0 =	vadd.f32 v0, v1  }
0x51d: {  	v1 =	vld [tilespmem:s0+$0x120]  }
0x51e: {  	v0 =	vadd.f32 v3, v0  }
0x51f: {  	v3 =	vld [tilespmem:s0+$0x130]  }
0x520: {  	v0 =	vadd.f32 v2, v0  }
0x521: {  	v2 =	vld [tilespmem:s0+$0x140]  }
0x522: {  	v0 =	vadd.f32 v1, v0  }
0x523: {  	v1 =	vld [tilespmem:s0+$0x150]  }
0x524: {  	v0 =	vadd.f32 v3, v0  }
0x525: {  	v3 =	vld [tilespmem:s0+$0x160]  }
0x526: {  	v0 =	vadd.f32 v2, v0  }
0x527: {  	v2 =	vld [tilespmem:s0+$0x170]  }
0x528: {  	v0 =	vadd.f32 v1, v0;
	_ =	sdelay $0x1  }
0x529: {  	v0 =	vadd.f32 v3, v0;
	_ =	sdelay $0x1  }
0x52a: {  	v0 =	vadd.f32 v2, v0;
	_ =	sdelay $0x1  }
0x52b: {  	s31 =	simm.s32 $0x0;
	[tilespmem:$0x1F900] =	vst v0  }
0x52c: {  	v0 =	vld [tilespmem:s31+$0x180];
	_ =	sdelay $0x1  }
0x52d: {  	v1 =	vld [tilespmem:s31+$0x190];
	_ =	sdelay $0x1  }
0x52e: {  	v2 =	vimm.f32 $0.0e+00;
	v3 =	vld [tilespmem:s31+$0x1A0]  }
0x52f: {  	v0 =	vadd.f32 v0, v2  }
0x530: {  	v2 =	vld [tilespmem:s31+$0x1B0]  }
0x531: {  	v0 =	vadd.f32 v1, v0  }
0x532: {  	v1 =	vld [tilespmem:s31+$0x1C0]  }
0x533: {  	v0 =	vadd.f32 v3, v0;
	_ =	sdelay $0x1  }
0x534: {  	v3 =	vld [tilespmem:s31+$0x1D0];
	v0 =	vadd.f32 v2, v0;
	_ =	sdelay $0x1  }
0x535: {  	v2 =	vadd.f32 v1, v0;
	v1 =	vld [tilespmem:s31+$0x1E0];
	_ =	sdelay $0x1  }
0x536: {  	v0 =	vld [tilespmem:s31+$0x1F0]  }
0x537: {  	s2 =	simm.s32 $0x2000;
	s0 =	simm.s32 $0x400;
	v2 =	vadd.f32 v3, v2  }
.LBB2_58:
0x538: {  	p0 =	sne.s32 s2, $0x1F000;
	v3 =	vld [tilespmem:s0+$0x180]  }
0x539: {  	v1 =	vadd.f32 v1, v2  }
0x53a: {  	v2 =	vld [tilespmem:s0+$0x190]  }
0x53b: {  	v0 =	vadd.f32 v0, v1  }
0x53c: {  	v1 =	vld [tilespmem:s0+$0x1A0]  }
0x53d: {  	v0 =	vadd.f32 v3, v0  }
0x53e: {  	v3 =	vld [tilespmem:s0+$0x1B0]  }
0x53f: {  	v0 =	vadd.f32 v2, v0  }
0x540: {  	v2 =	vld [tilespmem:s0+$0x1C0]  }
0x541: {  	v0 =	vadd.f32 v1, v0  }
0x542: {  	v4 =	vld [tilespmem:s0+$0x1D0]  }
.Ltmp28:
0x543: {  	v0 =	vadd.f32 v3, v0;
	(pc) =	sbr.rel @p0 .LBB2_58-.Ltmp28, $4  }
0x544: {  	v1 =	vld [tilespmem:s0+$0x1E0]  }
0x545: {  	v2 =	vadd.f32 v2, v0  }
0x546: {  	v0 =	vld [tilespmem:s0+$0x1F0]  }
0x547: {  	s0 =	sshra.s32 s2, $0x2;
	s2 =	sadd.s32 $0x1000, s2;
	v2 =	vadd.f32 v4, v2  }
0x548: {  	v3 =	vld [tilespmem:s0+$0x180]  }
0x549: {  	v1 =	vadd.f32 v1, v2  }
0x54a: {  	v2 =	vld [tilespmem:s0+$0x190]  }
0x54b: {  	v0 =	vadd.f32 v0, v1  }
0x54c: {  	v1 =	vld [tilespmem:s0+$0x1A0]  }
0x54d: {  	v0 =	vadd.f32 v3, v0  }
0x54e: {  	v3 =	vld [tilespmem:s0+$0x1B0]  }
0x54f: {  	v0 =	vadd.f32 v2, v0  }
0x550: {  	v2 =	vld [tilespmem:s0+$0x1C0]  }
0x551: {  	v0 =	vadd.f32 v1, v0  }
0x552: {  	v1 =	vld [tilespmem:s0+$0x1D0]  }
0x553: {  	v0 =	vadd.f32 v3, v0  }
0x554: {  	v3 =	vld [tilespmem:s0+$0x1E0]  }
0x555: {  	v0 =	vadd.f32 v2, v0  }
0x556: {  	v2 =	vld [tilespmem:s0+$0x1F0]  }
0x557: {  	v0 =	vadd.f32 v1, v0;
	_ =	sdelay $0x1  }
0x558: {  	v0 =	vadd.f32 v3, v0;
	_ =	sdelay $0x1  }
0x559: {  	v0 =	vadd.f32 v2, v0;
	_ =	sdelay $0x1  }
0x55a: {  	s31 =	simm.s32 $0x0;
	[tilespmem:$0x1F980] =	vst v0  }
0x55b: {  	v0 =	vld [tilespmem:s31+$0x200];
	_ =	sdelay $0x1  }
0x55c: {  	v1 =	vld [tilespmem:s31+$0x210];
	_ =	sdelay $0x1  }
0x55d: {  	v2 =	vimm.f32 $0.0e+00;
	v3 =	vld [tilespmem:s31+$0x220]  }
0x55e: {  	v0 =	vadd.f32 v0, v2  }
0x55f: {  	v2 =	vld [tilespmem:s31+$0x230]  }
0x560: {  	v0 =	vadd.f32 v1, v0  }
0x561: {  	v1 =	vld [tilespmem:s31+$0x240]  }
0x562: {  	v0 =	vadd.f32 v3, v0;
	_ =	sdelay $0x1  }
0x563: {  	v3 =	vld [tilespmem:s31+$0x250];
	v0 =	vadd.f32 v2, v0;
	_ =	sdelay $0x1  }
0x564: {  	v2 =	vadd.f32 v1, v0;
	v1 =	vld [tilespmem:s31+$0x260];
	_ =	sdelay $0x1  }
0x565: {  	v0 =	vld [tilespmem:s31+$0x270]  }
0x566: {  	s2 =	simm.s32 $0x2000;
	s0 =	simm.s32 $0x400;
	v2 =	vadd.f32 v3, v2  }
.LBB2_60:
0x567: {  	p0 =	sne.s32 s2, $0x1F000;
	v3 =	vld [tilespmem:s0+$0x200]  }
0x568: {  	v1 =	vadd.f32 v1, v2  }
0x569: {  	v2 =	vld [tilespmem:s0+$0x210]  }
0x56a: {  	v0 =	vadd.f32 v0, v1  }
0x56b: {  	v1 =	vld [tilespmem:s0+$0x220]  }
0x56c: {  	v0 =	vadd.f32 v3, v0  }
0x56d: {  	v3 =	vld [tilespmem:s0+$0x230]  }
0x56e: {  	v0 =	vadd.f32 v2, v0  }
0x56f: {  	v2 =	vld [tilespmem:s0+$0x240]  }
0x570: {  	v0 =	vadd.f32 v1, v0  }
0x571: {  	v4 =	vld [tilespmem:s0+$0x250]  }
.Ltmp29:
0x572: {  	v0 =	vadd.f32 v3, v0;
	(pc) =	sbr.rel @p0 .LBB2_60-.Ltmp29, $4  }
0x573: {  	v1 =	vld [tilespmem:s0+$0x260]  }
0x574: {  	v2 =	vadd.f32 v2, v0  }
0x575: {  	v0 =	vld [tilespmem:s0+$0x270]  }
0x576: {  	s0 =	sshra.s32 s2, $0x2;
	s2 =	sadd.s32 $0x1000, s2;
	v2 =	vadd.f32 v4, v2  }
0x577: {  	v3 =	vld [tilespmem:s0+$0x200]  }
0x578: {  	v1 =	vadd.f32 v1, v2  }
0x579: {  	v2 =	vld [tilespmem:s0+$0x210]  }
0x57a: {  	v0 =	vadd.f32 v0, v1  }
0x57b: {  	v1 =	vld [tilespmem:s0+$0x220]  }
0x57c: {  	v0 =	vadd.f32 v3, v0  }
0x57d: {  	v3 =	vld [tilespmem:s0+$0x230]  }
0x57e: {  	v0 =	vadd.f32 v2, v0  }
0x57f: {  	v2 =	vld [tilespmem:s0+$0x240]  }
0x580: {  	v0 =	vadd.f32 v1, v0  }
0x581: {  	v1 =	vld [tilespmem:s0+$0x250]  }
0x582: {  	v0 =	vadd.f32 v3, v0  }
0x583: {  	v3 =	vld [tilespmem:s0+$0x260]  }
0x584: {  	v0 =	vadd.f32 v2, v0  }
0x585: {  	v2 =	vld [tilespmem:s0+$0x270]  }
0x586: {  	v0 =	vadd.f32 v1, v0;
	_ =	sdelay $0x1  }
0x587: {  	v0 =	vadd.f32 v3, v0;
	_ =	sdelay $0x1  }
0x588: {  	v0 =	vadd.f32 v2, v0;
	_ =	sdelay $0x1  }
0x589: {  	s31 =	simm.s32 $0x0;
	[tilespmem:$0x1FA00] =	vst v0  }
0x58a: {  	v0 =	vld [tilespmem:s31+$0x280];
	_ =	sdelay $0x1  }
0x58b: {  	v1 =	vld [tilespmem:s31+$0x290];
	_ =	sdelay $0x1  }
0x58c: {  	v2 =	vimm.f32 $0.0e+00;
	v3 =	vld [tilespmem:s31+$0x2A0]  }
0x58d: {  	v0 =	vadd.f32 v0, v2  }
0x58e: {  	v2 =	vld [tilespmem:s31+$0x2B0]  }
0x58f: {  	v0 =	vadd.f32 v1, v0  }
0x590: {  	v1 =	vld [tilespmem:s31+$0x2C0]  }
0x591: {  	v0 =	vadd.f32 v3, v0;
	_ =	sdelay $0x1  }
0x592: {  	v3 =	vld [tilespmem:s31+$0x2D0];
	v0 =	vadd.f32 v2, v0;
	_ =	sdelay $0x1  }
0x593: {  	v2 =	vadd.f32 v1, v0;
	v1 =	vld [tilespmem:s31+$0x2E0];
	_ =	sdelay $0x1  }
0x594: {  	v0 =	vld [tilespmem:s31+$0x2F0]  }
0x595: {  	s2 =	simm.s32 $0x2000;
	s0 =	simm.s32 $0x400;
	v2 =	vadd.f32 v3, v2  }
.LBB2_62:
0x596: {  	p0 =	sne.s32 s2, $0x1F000;
	v3 =	vld [tilespmem:s0+$0x280]  }
0x597: {  	v1 =	vadd.f32 v1, v2  }
0x598: {  	v2 =	vld [tilespmem:s0+$0x290]  }
0x599: {  	v0 =	vadd.f32 v0, v1  }
0x59a: {  	v1 =	vld [tilespmem:s0+$0x2A0]  }
0x59b: {  	v0 =	vadd.f32 v3, v0  }
0x59c: {  	v3 =	vld [tilespmem:s0+$0x2B0]  }
0x59d: {  	v0 =	vadd.f32 v2, v0  }
0x59e: {  	v2 =	vld [tilespmem:s0+$0x2C0]  }
0x59f: {  	v0 =	vadd.f32 v1, v0  }
0x5a0: {  	v4 =	vld [tilespmem:s0+$0x2D0]  }
.Ltmp30:
0x5a1: {  	v0 =	vadd.f32 v3, v0;
	(pc) =	sbr.rel @p0 .LBB2_62-.Ltmp30, $4  }
0x5a2: {  	v1 =	vld [tilespmem:s0+$0x2E0]  }
0x5a3: {  	v2 =	vadd.f32 v2, v0  }
0x5a4: {  	v0 =	vld [tilespmem:s0+$0x2F0]  }
0x5a5: {  	s0 =	sshra.s32 s2, $0x2;
	s2 =	sadd.s32 $0x1000, s2;
	v2 =	vadd.f32 v4, v2  }
0x5a6: {  	v3 =	vld [tilespmem:s0+$0x280]  }
0x5a7: {  	v1 =	vadd.f32 v1, v2  }
0x5a8: {  	v2 =	vld [tilespmem:s0+$0x290]  }
0x5a9: {  	v0 =	vadd.f32 v0, v1  }
0x5aa: {  	v1 =	vld [tilespmem:s0+$0x2A0]  }
0x5ab: {  	v0 =	vadd.f32 v3, v0  }
0x5ac: {  	v3 =	vld [tilespmem:s0+$0x2B0]  }
0x5ad: {  	v0 =	vadd.f32 v2, v0  }
0x5ae: {  	v2 =	vld [tilespmem:s0+$0x2C0]  }
0x5af: {  	v0 =	vadd.f32 v1, v0  }
0x5b0: {  	v1 =	vld [tilespmem:s0+$0x2D0]  }
0x5b1: {  	v0 =	vadd.f32 v3, v0  }
0x5b2: {  	v3 =	vld [tilespmem:s0+$0x2E0]  }
0x5b3: {  	v0 =	vadd.f32 v2, v0  }
0x5b4: {  	v2 =	vld [tilespmem:s0+$0x2F0]  }
0x5b5: {  	v0 =	vadd.f32 v1, v0;
	_ =	sdelay $0x1  }
0x5b6: {  	v0 =	vadd.f32 v3, v0;
	_ =	sdelay $0x1  }
0x5b7: {  	v0 =	vadd.f32 v2, v0;
	_ =	sdelay $0x1  }
0x5b8: {  	s31 =	simm.s32 $0x0;
	[tilespmem:$0x1FA80] =	vst v0  }
0x5b9: {  	v0 =	vld [tilespmem:s31+$0x300];
	_ =	sdelay $0x1  }
0x5ba: {  	v1 =	vld [tilespmem:s31+$0x310];
	_ =	sdelay $0x1  }
0x5bb: {  	v2 =	vimm.f32 $0.0e+00;
	v3 =	vld [tilespmem:s31+$0x320]  }
0x5bc: {  	v0 =	vadd.f32 v0, v2  }
0x5bd: {  	v2 =	vld [tilespmem:s31+$0x330]  }
0x5be: {  	v0 =	vadd.f32 v1, v0  }
0x5bf: {  	v1 =	vld [tilespmem:s31+$0x340]  }
0x5c0: {  	v0 =	vadd.f32 v3, v0;
	_ =	sdelay $0x1  }
0x5c1: {  	v3 =	vld [tilespmem:s31+$0x350];
	v0 =	vadd.f32 v2, v0;
	_ =	sdelay $0x1  }
0x5c2: {  	v2 =	vadd.f32 v1, v0;
	v1 =	vld [tilespmem:s31+$0x360];
	_ =	sdelay $0x1  }
0x5c3: {  	v0 =	vld [tilespmem:s31+$0x370]  }
0x5c4: {  	s2 =	simm.s32 $0x2000;
	s0 =	simm.s32 $0x400;
	v2 =	vadd.f32 v3, v2  }
.LBB2_64:
0x5c5: {  	p0 =	sne.s32 s2, $0x1F000;
	v3 =	vld [tilespmem:s0+$0x300]  }
0x5c6: {  	v1 =	vadd.f32 v1, v2  }
0x5c7: {  	v2 =	vld [tilespmem:s0+$0x310]  }
0x5c8: {  	v0 =	vadd.f32 v0, v1  }
0x5c9: {  	v1 =	vld [tilespmem:s0+$0x320]  }
0x5ca: {  	v0 =	vadd.f32 v3, v0  }
0x5cb: {  	v3 =	vld [tilespmem:s0+$0x330]  }
0x5cc: {  	v0 =	vadd.f32 v2, v0  }
0x5cd: {  	v2 =	vld [tilespmem:s0+$0x340]  }
0x5ce: {  	v0 =	vadd.f32 v1, v0  }
0x5cf: {  	v4 =	vld [tilespmem:s0+$0x350]  }
.Ltmp31:
0x5d0: {  	v0 =	vadd.f32 v3, v0;
	(pc) =	sbr.rel @p0 .LBB2_64-.Ltmp31, $4  }
0x5d1: {  	v1 =	vld [tilespmem:s0+$0x360]  }
0x5d2: {  	v2 =	vadd.f32 v2, v0  }
0x5d3: {  	v0 =	vld [tilespmem:s0+$0x370]  }
0x5d4: {  	s0 =	sshra.s32 s2, $0x2;
	s2 =	sadd.s32 $0x1000, s2;
	v2 =	vadd.f32 v4, v2  }
0x5d5: {  	v3 =	vld [tilespmem:s0+$0x300]  }
0x5d6: {  	v1 =	vadd.f32 v1, v2  }
0x5d7: {  	v2 =	vld [tilespmem:s0+$0x310]  }
0x5d8: {  	v0 =	vadd.f32 v0, v1  }
0x5d9: {  	v1 =	vld [tilespmem:s0+$0x320]  }
0x5da: {  	v0 =	vadd.f32 v3, v0  }
0x5db: {  	v3 =	vld [tilespmem:s0+$0x330]  }
0x5dc: {  	v0 =	vadd.f32 v2, v0  }
0x5dd: {  	v2 =	vld [tilespmem:s0+$0x340]  }
0x5de: {  	v0 =	vadd.f32 v1, v0  }
0x5df: {  	v1 =	vld [tilespmem:s0+$0x350]  }
0x5e0: {  	v0 =	vadd.f32 v3, v0  }
0x5e1: {  	v3 =	vld [tilespmem:s0+$0x360]  }
0x5e2: {  	v0 =	vadd.f32 v2, v0  }
0x5e3: {  	v2 =	vld [tilespmem:s0+$0x370]  }
0x5e4: {  	v0 =	vadd.f32 v1, v0;
	_ =	sdelay $0x1  }
0x5e5: {  	v0 =	vadd.f32 v3, v0;
	_ =	sdelay $0x1  }
0x5e6: {  	v0 =	vadd.f32 v2, v0;
	_ =	sdelay $0x1  }
0x5e7: {  	s31 =	simm.s32 $0x0;
	[tilespmem:$0x1FB00] =	vst v0  }
0x5e8: {  	v0 =	vld [tilespmem:s31+$0x380];
	_ =	sdelay $0x1  }
0x5e9: {  	v1 =	vld [tilespmem:s31+$0x390];
	_ =	sdelay $0x1  }
0x5ea: {  	v2 =	vimm.f32 $0.0e+00;
	v3 =	vld [tilespmem:s31+$0x3A0]  }
0x5eb: {  	v0 =	vadd.f32 v0, v2  }
0x5ec: {  	v2 =	vld [tilespmem:s31+$0x3B0]  }
0x5ed: {  	v0 =	vadd.f32 v1, v0  }
0x5ee: {  	v1 =	vld [tilespmem:s31+$0x3C0]  }
0x5ef: {  	v0 =	vadd.f32 v3, v0;
	_ =	sdelay $0x1  }
0x5f0: {  	v3 =	vld [tilespmem:s31+$0x3D0];
	v0 =	vadd.f32 v2, v0;
	_ =	sdelay $0x1  }
0x5f1: {  	v2 =	vadd.f32 v1, v0;
	v1 =	vld [tilespmem:s31+$0x3E0];
	_ =	sdelay $0x1  }
0x5f2: {  	v0 =	vld [tilespmem:s31+$0x3F0]  }
0x5f3: {  	s2 =	simm.s32 $0x2000;
	s0 =	simm.s32 $0x400;
	v2 =	vadd.f32 v3, v2  }
.LBB2_66:
0x5f4: {  	p0 =	sne.s32 s2, $0x1F000;
	v3 =	vld [tilespmem:s0+$0x380]  }
0x5f5: {  	v1 =	vadd.f32 v1, v2  }
0x5f6: {  	v2 =	vld [tilespmem:s0+$0x390]  }
0x5f7: {  	v0 =	vadd.f32 v0, v1  }
0x5f8: {  	v1 =	vld [tilespmem:s0+$0x3A0]  }
0x5f9: {  	v0 =	vadd.f32 v3, v0  }
0x5fa: {  	v3 =	vld [tilespmem:s0+$0x3B0]  }
0x5fb: {  	v0 =	vadd.f32 v2, v0  }
0x5fc: {  	v2 =	vld [tilespmem:s0+$0x3C0]  }
0x5fd: {  	v0 =	vadd.f32 v1, v0  }
0x5fe: {  	v4 =	vld [tilespmem:s0+$0x3D0]  }
.Ltmp32:
0x5ff: {  	v0 =	vadd.f32 v3, v0;
	(pc) =	sbr.rel @p0 .LBB2_66-.Ltmp32, $4  }
0x600: {  	v1 =	vld [tilespmem:s0+$0x3E0]  }
0x601: {  	v2 =	vadd.f32 v2, v0  }
0x602: {  	v0 =	vld [tilespmem:s0+$0x3F0]  }
0x603: {  	s0 =	sshra.s32 s2, $0x2;
	s2 =	sadd.s32 $0x1000, s2;
	v2 =	vadd.f32 v4, v2  }
0x604: {  	v3 =	vld [tilespmem:s0+$0x380]  }
0x605: {  	v1 =	vadd.f32 v1, v2  }
0x606: {  	v2 =	vld [tilespmem:s0+$0x390]  }
0x607: {  	v0 =	vadd.f32 v0, v1  }
0x608: {  	v1 =	vld [tilespmem:s0+$0x3A0]  }
0x609: {  	v0 =	vadd.f32 v3, v0  }
0x60a: {  	v3 =	vld [tilespmem:s0+$0x3B0]  }
0x60b: {  	v0 =	vadd.f32 v2, v0  }
0x60c: {  	v2 =	vld [tilespmem:s0+$0x3C0]  }
0x60d: {  	v0 =	vadd.f32 v1, v0  }
0x60e: {  	v1 =	vld [tilespmem:s0+$0x3D0]  }
0x60f: {  	v0 =	vadd.f32 v3, v0  }
0x610: {  	v3 =	vld [tilespmem:s0+$0x3E0]  }
0x611: {  	v0 =	vadd.f32 v2, v0  }
0x612: {  	v2 =	vld [tilespmem:s0+$0x3F0]  }
0x613: {  	v0 =	vadd.f32 v1, v0;
	_ =	sdelay $0x1  }
0x614: {  	v0 =	vadd.f32 v3, v0;
	_ =	sdelay $0x1  }
0x615: {  	v0 =	vadd.f32 v2, v0;
	_ =	sdelay $0x1  }
0x616: {  	s30 =	simm.s32 $0x0;
	[tilespmem:$0x1FB80] =	vst v0  }
0x617: {  	[hbm4b:s11+s30] =	stream.linear.scatter [tilespmem:s30], [sflag:$0x4], $0x8000, $0x38;
	v63 =	vld [tilespmem:$0x0]  }
0x618: {  	_ =	swait.ge [sflag:s18], $0x8000  }
0x619: {  	[sflag:s18] =	ssyncset.done $0x0  }
0x61a: {  	s31 =	simm.s32 $0x0;
	[sflag:s18] =	ssyncadd.s32 $0xFFFF8000  }
0x61b: {  	v0 =	vld [tilespmem:s31+$0x8000];
	_ =	sdelay $0x1  }
0x61c: {  	v1 =	vld [tilespmem:s31+$0x8010];
	_ =	sdelay $0x1  }
0x61d: {  	v2 =	vimm.f32 $0.0e+00;
	v3 =	vld [tilespmem:s31+$0x8020]  }
0x61e: {  	v0 =	vadd.f32 v0, v2  }
0x61f: {  	v2 =	vld [tilespmem:s31+$0x8030]  }
0x620: {  	v0 =	vadd.f32 v1, v0  }
0x621: {  	v1 =	vld [tilespmem:s31+$0x8040]  }
0x622: {  	v0 =	vadd.f32 v3, v0;
	_ =	sdelay $0x1  }
0x623: {  	v3 =	vld [tilespmem:s31+$0x8050];
	v0 =	vadd.f32 v2, v0;
	_ =	sdelay $0x1  }
0x624: {  	v2 =	vadd.f32 v1, v0;
	v1 =	vld [tilespmem:s31+$0x8060];
	_ =	sdelay $0x1  }
0x625: {  	v0 =	vld [tilespmem:s31+$0x8070]  }
0x626: {  	s2 =	simm.s32 $0x2000;
	s0 =	simm.s32 $0x400;
	v2 =	vadd.f32 v3, v2  }
.LBB2_68:
0x627: {  	p0 =	sne.s32 s2, $0x1F000;
	v3 =	vld [tilespmem:s0+$0x8000]  }
0x628: {  	v1 =	vadd.f32 v1, v2  }
0x629: {  	v2 =	vld [tilespmem:s0+$0x8010]  }
0x62a: {  	v0 =	vadd.f32 v0, v1  }
0x62b: {  	v1 =	vld [tilespmem:s0+$0x8020]  }
0x62c: {  	v0 =	vadd.f32 v3, v0  }
0x62d: {  	v3 =	vld [tilespmem:s0+$0x8030]  }
0x62e: {  	v0 =	vadd.f32 v2, v0  }
0x62f: {  	v2 =	vld [tilespmem:s0+$0x8040]  }
0x630: {  	v0 =	vadd.f32 v1, v0  }
0x631: {  	v4 =	vld [tilespmem:s0+$0x8050]  }
.Ltmp33:
0x632: {  	v0 =	vadd.f32 v3, v0;
	(pc) =	sbr.rel @p0 .LBB2_68-.Ltmp33, $4  }
0x633: {  	v1 =	vld [tilespmem:s0+$0x8060]  }
0x634: {  	v2 =	vadd.f32 v2, v0  }
0x635: {  	v0 =	vld [tilespmem:s0+$0x8070]  }
0x636: {  	s0 =	sshra.s32 s2, $0x2;
	s2 =	sadd.s32 $0x1000, s2;
	v2 =	vadd.f32 v4, v2  }
0x637: {  	v3 =	vld [tilespmem:s0+$0x8000]  }
0x638: {  	v1 =	vadd.f32 v1, v2  }
0x639: {  	v2 =	vld [tilespmem:s0+$0x8010]  }
0x63a: {  	v0 =	vadd.f32 v0, v1  }
0x63b: {  	v1 =	vld [tilespmem:s0+$0x8020]  }
0x63c: {  	v0 =	vadd.f32 v3, v0  }
0x63d: {  	v3 =	vld [tilespmem:s0+$0x8030]  }
0x63e: {  	v0 =	vadd.f32 v2, v0  }
0x63f: {  	v2 =	vld [tilespmem:s0+$0x8040]  }
0x640: {  	v0 =	vadd.f32 v1, v0  }
0x641: {  	v1 =	vld [tilespmem:s0+$0x8050]  }
0x642: {  	v0 =	vadd.f32 v3, v0  }
0x643: {  	v3 =	vld [tilespmem:s0+$0x8060]  }
0x644: {  	v0 =	vadd.f32 v2, v0  }
0x645: {  	v2 =	vld [tilespmem:s0+$0x8070]  }
0x646: {  	v0 =	vadd.f32 v1, v0;
	_ =	sdelay $0x1  }
0x647: {  	v0 =	vadd.f32 v3, v0;
	_ =	sdelay $0x1  }
0x648: {  	v0 =	vadd.f32 v2, v0;
	_ =	sdelay $0x1  }
0x649: {  	s31 =	simm.s32 $0x0;
	[tilespmem:$0x1FC00] =	vst v0  }
0x64a: {  	v0 =	vld [tilespmem:s31+$0x8080];
	_ =	sdelay $0x1  }
0x64b: {  	v1 =	vld [tilespmem:s31+$0x8090];
	_ =	sdelay $0x1  }
0x64c: {  	v2 =	vimm.f32 $0.0e+00;
	v3 =	vld [tilespmem:s31+$0x80A0]  }
0x64d: {  	v0 =	vadd.f32 v0, v2  }
0x64e: {  	v2 =	vld [tilespmem:s31+$0x80B0]  }
0x64f: {  	v0 =	vadd.f32 v1, v0  }
0x650: {  	v1 =	vld [tilespmem:s31+$0x80C0]  }
0x651: {  	v0 =	vadd.f32 v3, v0;
	_ =	sdelay $0x1  }
0x652: {  	v3 =	vld [tilespmem:s31+$0x80D0];
	v0 =	vadd.f32 v2, v0;
	_ =	sdelay $0x1  }
0x653: {  	v2 =	vadd.f32 v1, v0;
	v1 =	vld [tilespmem:s31+$0x80E0];
	_ =	sdelay $0x1  }
0x654: {  	v0 =	vld [tilespmem:s31+$0x80F0]  }
0x655: {  	s2 =	simm.s32 $0x2000;
	s0 =	simm.s32 $0x400;
	v2 =	vadd.f32 v3, v2  }
.LBB2_70:
0x656: {  	p0 =	sne.s32 s2, $0x1F000;
	v3 =	vld [tilespmem:s0+$0x8080]  }
0x657: {  	v1 =	vadd.f32 v1, v2  }
0x658: {  	v2 =	vld [tilespmem:s0+$0x8090]  }
0x659: {  	v0 =	vadd.f32 v0, v1  }
0x65a: {  	v1 =	vld [tilespmem:s0+$0x80A0]  }
0x65b: {  	v0 =	vadd.f32 v3, v0  }
0x65c: {  	v3 =	vld [tilespmem:s0+$0x80B0]  }
0x65d: {  	v0 =	vadd.f32 v2, v0  }
0x65e: {  	v2 =	vld [tilespmem:s0+$0x80C0]  }
0x65f: {  	v0 =	vadd.f32 v1, v0  }
0x660: {  	v4 =	vld [tilespmem:s0+$0x80D0]  }
.Ltmp34:
0x661: {  	v0 =	vadd.f32 v3, v0;
	(pc) =	sbr.rel @p0 .LBB2_70-.Ltmp34, $4  }
0x662: {  	v1 =	vld [tilespmem:s0+$0x80E0]  }
0x663: {  	v2 =	vadd.f32 v2, v0  }
0x664: {  	v0 =	vld [tilespmem:s0+$0x80F0]  }
0x665: {  	s0 =	sshra.s32 s2, $0x2;
	s2 =	sadd.s32 $0x1000, s2;
	v2 =	vadd.f32 v4, v2  }
0x666: {  	v3 =	vld [tilespmem:s0+$0x8080]  }
0x667: {  	v1 =	vadd.f32 v1, v2  }
0x668: {  	v2 =	vld [tilespmem:s0+$0x8090]  }
0x669: {  	v0 =	vadd.f32 v0, v1  }
0x66a: {  	v1 =	vld [tilespmem:s0+$0x80A0]  }
0x66b: {  	v0 =	vadd.f32 v3, v0  }
0x66c: {  	v3 =	vld [tilespmem:s0+$0x80B0]  }
0x66d: {  	v0 =	vadd.f32 v2, v0  }
0x66e: {  	v2 =	vld [tilespmem:s0+$0x80C0]  }
0x66f: {  	v0 =	vadd.f32 v1, v0  }
0x670: {  	v1 =	vld [tilespmem:s0+$0x80D0]  }
0x671: {  	v0 =	vadd.f32 v3, v0  }
0x672: {  	v3 =	vld [tilespmem:s0+$0x80E0]  }
0x673: {  	v0 =	vadd.f32 v2, v0  }
0x674: {  	v2 =	vld [tilespmem:s0+$0x80F0]  }
0x675: {  	v0 =	vadd.f32 v1, v0;
	_ =	sdelay $0x1  }
0x676: {  	v0 =	vadd.f32 v3, v0;
	_ =	sdelay $0x1  }
0x677: {  	v0 =	vadd.f32 v2, v0;
	_ =	sdelay $0x1  }
0x678: {  	s31 =	simm.s32 $0x0;
	[tilespmem:$0x1FC80] =	vst v0  }
0x679: {  	v0 =	vld [tilespmem:s31+$0x8100];
	_ =	sdelay $0x1  }
0x67a: {  	v1 =	vld [tilespmem:s31+$0x8110];
	_ =	sdelay $0x1  }
0x67b: {  	v2 =	vimm.f32 $0.0e+00;
	v3 =	vld [tilespmem:s31+$0x8120]  }
0x67c: {  	v0 =	vadd.f32 v0, v2  }
0x67d: {  	v2 =	vld [tilespmem:s31+$0x8130]  }
0x67e: {  	v0 =	vadd.f32 v1, v0  }
0x67f: {  	v1 =	vld [tilespmem:s31+$0x8140]  }
0x680: {  	v0 =	vadd.f32 v3, v0;
	_ =	sdelay $0x1  }
0x681: {  	v3 =	vld [tilespmem:s31+$0x8150];
	v0 =	vadd.f32 v2, v0;
	_ =	sdelay $0x1  }
0x682: {  	v2 =	vadd.f32 v1, v0;
	v1 =	vld [tilespmem:s31+$0x8160];
	_ =	sdelay $0x1  }
0x683: {  	v0 =	vld [tilespmem:s31+$0x8170]  }
0x684: {  	s2 =	simm.s32 $0x2000;
	s0 =	simm.s32 $0x400;
	v2 =	vadd.f32 v3, v2  }
.LBB2_72:
0x685: {  	p0 =	sne.s32 s2, $0x1F000;
	v3 =	vld [tilespmem:s0+$0x8100]  }
0x686: {  	v1 =	vadd.f32 v1, v2  }
0x687: {  	v2 =	vld [tilespmem:s0+$0x8110]  }
0x688: {  	v0 =	vadd.f32 v0, v1  }
0x689: {  	v1 =	vld [tilespmem:s0+$0x8120]  }
0x68a: {  	v0 =	vadd.f32 v3, v0  }
0x68b: {  	v3 =	vld [tilespmem:s0+$0x8130]  }
0x68c: {  	v0 =	vadd.f32 v2, v0  }
0x68d: {  	v2 =	vld [tilespmem:s0+$0x8140]  }
0x68e: {  	v0 =	vadd.f32 v1, v0  }
0x68f: {  	v4 =	vld [tilespmem:s0+$0x8150]  }
.Ltmp35:
0x690: {  	v0 =	vadd.f32 v3, v0;
	(pc) =	sbr.rel @p0 .LBB2_72-.Ltmp35, $4  }
0x691: {  	v1 =	vld [tilespmem:s0+$0x8160]  }
0x692: {  	v2 =	vadd.f32 v2, v0  }
0x693: {  	v0 =	vld [tilespmem:s0+$0x8170]  }
0x694: {  	s0 =	sshra.s32 s2, $0x2;
	s2 =	sadd.s32 $0x1000, s2;
	v2 =	vadd.f32 v4, v2  }
0x695: {  	v3 =	vld [tilespmem:s0+$0x8100]  }
0x696: {  	v1 =	vadd.f32 v1, v2  }
0x697: {  	v2 =	vld [tilespmem:s0+$0x8110]  }
0x698: {  	v0 =	vadd.f32 v0, v1  }
0x699: {  	v1 =	vld [tilespmem:s0+$0x8120]  }
0x69a: {  	v0 =	vadd.f32 v3, v0  }
0x69b: {  	v3 =	vld [tilespmem:s0+$0x8130]  }
0x69c: {  	v0 =	vadd.f32 v2, v0  }
0x69d: {  	v2 =	vld [tilespmem:s0+$0x8140]  }
0x69e: {  	v0 =	vadd.f32 v1, v0  }
0x69f: {  	v1 =	vld [tilespmem:s0+$0x8150]  }
0x6a0: {  	v0 =	vadd.f32 v3, v0  }
0x6a1: {  	v3 =	vld [tilespmem:s0+$0x8160]  }
0x6a2: {  	v0 =	vadd.f32 v2, v0  }
0x6a3: {  	v2 =	vld [tilespmem:s0+$0x8170]  }
0x6a4: {  	v0 =	vadd.f32 v1, v0;
	_ =	sdelay $0x1  }
0x6a5: {  	v0 =	vadd.f32 v3, v0;
	_ =	sdelay $0x1  }
0x6a6: {  	v0 =	vadd.f32 v2, v0;
	_ =	sdelay $0x1  }
0x6a7: {  	s31 =	simm.s32 $0x0;
	[tilespmem:$0x1FD00] =	vst v0  }
0x6a8: {  	v0 =	vld [tilespmem:s31+$0x8180];
	_ =	sdelay $0x1  }
0x6a9: {  	v1 =	vld [tilespmem:s31+$0x8190];
	_ =	sdelay $0x1  }
0x6aa: {  	v2 =	vimm.f32 $0.0e+00;
	v3 =	vld [tilespmem:s31+$0x81A0]  }
0x6ab: {  	v0 =	vadd.f32 v0, v2  }
0x6ac: {  	v2 =	vld [tilespmem:s31+$0x81B0]  }
0x6ad: {  	v0 =	vadd.f32 v1, v0  }
0x6ae: {  	v1 =	vld [tilespmem:s31+$0x81C0]  }
0x6af: {  	v0 =	vadd.f32 v3, v0;
	_ =	sdelay $0x1  }
0x6b0: {  	v3 =	vld [tilespmem:s31+$0x81D0];
	v0 =	vadd.f32 v2, v0;
	_ =	sdelay $0x1  }
0x6b1: {  	v2 =	vadd.f32 v1, v0;
	v1 =	vld [tilespmem:s31+$0x81E0];
	_ =	sdelay $0x1  }
0x6b2: {  	v0 =	vld [tilespmem:s31+$0x81F0]  }
0x6b3: {  	s2 =	simm.s32 $0x2000;
	s0 =	simm.s32 $0x400;
	v2 =	vadd.f32 v3, v2  }
.LBB2_74:
0x6b4: {  	p0 =	sne.s32 s2, $0x1F000;
	v3 =	vld [tilespmem:s0+$0x8180]  }
0x6b5: {  	v1 =	vadd.f32 v1, v2  }
0x6b6: {  	v2 =	vld [tilespmem:s0+$0x8190]  }
0x6b7: {  	v0 =	vadd.f32 v0, v1  }
0x6b8: {  	v1 =	vld [tilespmem:s0+$0x81A0]  }
0x6b9: {  	v0 =	vadd.f32 v3, v0  }
0x6ba: {  	v3 =	vld [tilespmem:s0+$0x81B0]  }
0x6bb: {  	v0 =	vadd.f32 v2, v0  }
0x6bc: {  	v2 =	vld [tilespmem:s0+$0x81C0]  }
0x6bd: {  	v0 =	vadd.f32 v1, v0  }
0x6be: {  	v4 =	vld [tilespmem:s0+$0x81D0]  }
.Ltmp36:
0x6bf: {  	v0 =	vadd.f32 v3, v0;
	(pc) =	sbr.rel @p0 .LBB2_74-.Ltmp36, $4  }
0x6c0: {  	v1 =	vld [tilespmem:s0+$0x81E0]  }
0x6c1: {  	v2 =	vadd.f32 v2, v0  }
0x6c2: {  	v0 =	vld [tilespmem:s0+$0x81F0]  }
0x6c3: {  	s0 =	sshra.s32 s2, $0x2;
	s2 =	sadd.s32 $0x1000, s2;
	v2 =	vadd.f32 v4, v2  }
0x6c4: {  	v3 =	vld [tilespmem:s0+$0x8180]  }
0x6c5: {  	v1 =	vadd.f32 v1, v2  }
0x6c6: {  	v2 =	vld [tilespmem:s0+$0x8190]  }
0x6c7: {  	v0 =	vadd.f32 v0, v1  }
0x6c8: {  	v1 =	vld [tilespmem:s0+$0x81A0]  }
0x6c9: {  	v0 =	vadd.f32 v3, v0  }
0x6ca: {  	v3 =	vld [tilespmem:s0+$0x81B0]  }
0x6cb: {  	v0 =	vadd.f32 v2, v0  }
0x6cc: {  	v2 =	vld [tilespmem:s0+$0x81C0]  }
0x6cd: {  	v0 =	vadd.f32 v1, v0  }
0x6ce: {  	v1 =	vld [tilespmem:s0+$0x81D0]  }
0x6cf: {  	v0 =	vadd.f32 v3, v0  }
0x6d0: {  	v3 =	vld [tilespmem:s0+$0x81E0]  }
0x6d1: {  	v0 =	vadd.f32 v2, v0  }
0x6d2: {  	v2 =	vld [tilespmem:s0+$0x81F0]  }
0x6d3: {  	v0 =	vadd.f32 v1, v0;
	_ =	sdelay $0x1  }
0x6d4: {  	v0 =	vadd.f32 v3, v0;
	_ =	sdelay $0x1  }
0x6d5: {  	v0 =	vadd.f32 v2, v0;
	_ =	sdelay $0x1  }
0x6d6: {  	s31 =	simm.s32 $0x0;
	[tilespmem:$0x1FD80] =	vst v0  }
0x6d7: {  	v0 =	vld [tilespmem:s31+$0x8200];
	_ =	sdelay $0x1  }
0x6d8: {  	v1 =	vld [tilespmem:s31+$0x8210];
	_ =	sdelay $0x1  }
0x6d9: {  	v2 =	vimm.f32 $0.0e+00;
	v3 =	vld [tilespmem:s31+$0x8220]  }
0x6da: {  	v0 =	vadd.f32 v0, v2  }
0x6db: {  	v2 =	vld [tilespmem:s31+$0x8230]  }
0x6dc: {  	v0 =	vadd.f32 v1, v0  }
0x6dd: {  	v1 =	vld [tilespmem:s31+$0x8240]  }
0x6de: {  	v0 =	vadd.f32 v3, v0;
	_ =	sdelay $0x1  }
0x6df: {  	v3 =	vld [tilespmem:s31+$0x8250];
	v0 =	vadd.f32 v2, v0;
	_ =	sdelay $0x1  }
0x6e0: {  	v2 =	vadd.f32 v1, v0;
	v1 =	vld [tilespmem:s31+$0x8260];
	_ =	sdelay $0x1  }
0x6e1: {  	v0 =	vld [tilespmem:s31+$0x8270]  }
0x6e2: {  	s2 =	simm.s32 $0x2000;
	s0 =	simm.s32 $0x400;
	v2 =	vadd.f32 v3, v2  }
.LBB2_76:
0x6e3: {  	p0 =	sne.s32 s2, $0x1F000;
	v3 =	vld [tilespmem:s0+$0x8200]  }
0x6e4: {  	v1 =	vadd.f32 v1, v2  }
0x6e5: {  	v2 =	vld [tilespmem:s0+$0x8210]  }
0x6e6: {  	v0 =	vadd.f32 v0, v1  }
0x6e7: {  	v1 =	vld [tilespmem:s0+$0x8220]  }
0x6e8: {  	v0 =	vadd.f32 v3, v0  }
0x6e9: {  	v3 =	vld [tilespmem:s0+$0x8230]  }
0x6ea: {  	v0 =	vadd.f32 v2, v0  }
0x6eb: {  	v2 =	vld [tilespmem:s0+$0x8240]  }
0x6ec: {  	v0 =	vadd.f32 v1, v0  }
0x6ed: {  	v4 =	vld [tilespmem:s0+$0x8250]  }
.Ltmp37:
0x6ee: {  	v0 =	vadd.f32 v3, v0;
	(pc) =	sbr.rel @p0 .LBB2_76-.Ltmp37, $4  }
0x6ef: {  	v1 =	vld [tilespmem:s0+$0x8260]  }
0x6f0: {  	v2 =	vadd.f32 v2, v0  }
0x6f1: {  	v0 =	vld [tilespmem:s0+$0x8270]  }
0x6f2: {  	s0 =	sshra.s32 s2, $0x2;
	s2 =	sadd.s32 $0x1000, s2;
	v2 =	vadd.f32 v4, v2  }
0x6f3: {  	v3 =	vld [tilespmem:s0+$0x8200]  }
0x6f4: {  	v1 =	vadd.f32 v1, v2  }
0x6f5: {  	v2 =	vld [tilespmem:s0+$0x8210]  }
0x6f6: {  	v0 =	vadd.f32 v0, v1  }
0x6f7: {  	v1 =	vld [tilespmem:s0+$0x8220]  }
0x6f8: {  	v0 =	vadd.f32 v3, v0  }
0x6f9: {  	v3 =	vld [tilespmem:s0+$0x8230]  }
0x6fa: {  	v0 =	vadd.f32 v2, v0  }
0x6fb: {  	v2 =	vld [tilespmem:s0+$0x8240]  }
0x6fc: {  	v0 =	vadd.f32 v1, v0  }
0x6fd: {  	v1 =	vld [tilespmem:s0+$0x8250]  }
0x6fe: {  	v0 =	vadd.f32 v3, v0  }
0x6ff: {  	v3 =	vld [tilespmem:s0+$0x8260]  }
0x700: {  	v0 =	vadd.f32 v2, v0  }
0x701: {  	v2 =	vld [tilespmem:s0+$0x8270]  }
0x702: {  	v0 =	vadd.f32 v1, v0;
	_ =	sdelay $0x1  }
0x703: {  	v0 =	vadd.f32 v3, v0;
	_ =	sdelay $0x1  }
0x704: {  	v0 =	vadd.f32 v2, v0;
	_ =	sdelay $0x1  }
0x705: {  	s31 =	simm.s32 $0x0;
	[tilespmem:$0x1FE00] =	vst v0  }
0x706: {  	v0 =	vld [tilespmem:s31+$0x8280];
	_ =	sdelay $0x1  }
0x707: {  	v1 =	vld [tilespmem:s31+$0x8290];
	_ =	sdelay $0x1  }
0x708: {  	v2 =	vimm.f32 $0.0e+00;
	v3 =	vld [tilespmem:s31+$0x82A0]  }
0x709: {  	v0 =	vadd.f32 v0, v2  }
0x70a: {  	v2 =	vld [tilespmem:s31+$0x82B0]  }
0x70b: {  	v0 =	vadd.f32 v1, v0  }
0x70c: {  	v1 =	vld [tilespmem:s31+$0x82C0]  }
0x70d: {  	v0 =	vadd.f32 v3, v0;
	_ =	sdelay $0x1  }
0x70e: {  	v3 =	vld [tilespmem:s31+$0x82D0];
	v0 =	vadd.f32 v2, v0;
	_ =	sdelay $0x1  }
0x70f: {  	v2 =	vadd.f32 v1, v0;
	v1 =	vld [tilespmem:s31+$0x82E0];
	_ =	sdelay $0x1  }
0x710: {  	v0 =	vld [tilespmem:s31+$0x82F0]  }
0x711: {  	s2 =	simm.s32 $0x2000;
	s0 =	simm.s32 $0x400;
	v2 =	vadd.f32 v3, v2  }
.LBB2_78:
0x712: {  	p0 =	sne.s32 s2, $0x1F000;
	v3 =	vld [tilespmem:s0+$0x8280]  }
0x713: {  	v1 =	vadd.f32 v1, v2  }
0x714: {  	v2 =	vld [tilespmem:s0+$0x8290]  }
0x715: {  	v0 =	vadd.f32 v0, v1  }
0x716: {  	v1 =	vld [tilespmem:s0+$0x82A0]  }
0x717: {  	v0 =	vadd.f32 v3, v0  }
0x718: {  	v3 =	vld [tilespmem:s0+$0x82B0]  }
0x719: {  	v0 =	vadd.f32 v2, v0  }
0x71a: {  	v2 =	vld [tilespmem:s0+$0x82C0]  }
0x71b: {  	v0 =	vadd.f32 v1, v0  }
0x71c: {  	v4 =	vld [tilespmem:s0+$0x82D0]  }
.Ltmp38:
0x71d: {  	v0 =	vadd.f32 v3, v0;
	(pc) =	sbr.rel @p0 .LBB2_78-.Ltmp38, $4  }
0x71e: {  	v1 =	vld [tilespmem:s0+$0x82E0]  }
0x71f: {  	v2 =	vadd.f32 v2, v0  }
0x720: {  	v0 =	vld [tilespmem:s0+$0x82F0]  }
0x721: {  	s0 =	sshra.s32 s2, $0x2;
	s2 =	sadd.s32 $0x1000, s2;
	v2 =	vadd.f32 v4, v2  }
0x722: {  	v3 =	vld [tilespmem:s0+$0x8280]  }
0x723: {  	v1 =	vadd.f32 v1, v2  }
0x724: {  	v2 =	vld [tilespmem:s0+$0x8290]  }
0x725: {  	v0 =	vadd.f32 v0, v1  }
0x726: {  	v1 =	vld [tilespmem:s0+$0x82A0]  }
0x727: {  	v0 =	vadd.f32 v3, v0  }
0x728: {  	v3 =	vld [tilespmem:s0+$0x82B0]  }
0x729: {  	v0 =	vadd.f32 v2, v0  }
0x72a: {  	v2 =	vld [tilespmem:s0+$0x82C0]  }
0x72b: {  	v0 =	vadd.f32 v1, v0  }
0x72c: {  	v1 =	vld [tilespmem:s0+$0x82D0]  }
0x72d: {  	v0 =	vadd.f32 v3, v0  }
0x72e: {  	v3 =	vld [tilespmem:s0+$0x82E0]  }
0x72f: {  	v0 =	vadd.f32 v2, v0  }
0x730: {  	v2 =	vld [tilespmem:s0+$0x82F0]  }
0x731: {  	v0 =	vadd.f32 v1, v0;
	_ =	sdelay $0x1  }
0x732: {  	v0 =	vadd.f32 v3, v0;
	_ =	sdelay $0x1  }
0x733: {  	v0 =	vadd.f32 v2, v0;
	_ =	sdelay $0x1  }
0x734: {  	s31 =	simm.s32 $0x0;
	[tilespmem:$0x1FE80] =	vst v0  }
0x735: {  	v0 =	vld [tilespmem:s31+$0x8300];
	_ =	sdelay $0x1  }
0x736: {  	v1 =	vld [tilespmem:s31+$0x8310];
	_ =	sdelay $0x1  }
0x737: {  	v2 =	vimm.f32 $0.0e+00;
	v3 =	vld [tilespmem:s31+$0x8320]  }
0x738: {  	v0 =	vadd.f32 v0, v2  }
0x739: {  	v2 =	vld [tilespmem:s31+$0x8330]  }
0x73a: {  	v0 =	vadd.f32 v1, v0  }
0x73b: {  	v1 =	vld [tilespmem:s31+$0x8340]  }
0x73c: {  	v0 =	vadd.f32 v3, v0;
	_ =	sdelay $0x1  }
0x73d: {  	v3 =	vld [tilespmem:s31+$0x8350];
	v0 =	vadd.f32 v2, v0;
	_ =	sdelay $0x1  }
0x73e: {  	v2 =	vadd.f32 v1, v0;
	v1 =	vld [tilespmem:s31+$0x8360];
	_ =	sdelay $0x1  }
0x73f: {  	v0 =	vld [tilespmem:s31+$0x8370]  }
0x740: {  	s2 =	simm.s32 $0x2000;
	s0 =	simm.s32 $0x400;
	v2 =	vadd.f32 v3, v2  }
.LBB2_80:
0x741: {  	p0 =	sne.s32 s2, $0x1F000;
	v3 =	vld [tilespmem:s0+$0x8300]  }
0x742: {  	v1 =	vadd.f32 v1, v2  }
0x743: {  	v2 =	vld [tilespmem:s0+$0x8310]  }
0x744: {  	v0 =	vadd.f32 v0, v1  }
0x745: {  	v1 =	vld [tilespmem:s0+$0x8320]  }
0x746: {  	v0 =	vadd.f32 v3, v0  }
0x747: {  	v3 =	vld [tilespmem:s0+$0x8330]  }
0x748: {  	v0 =	vadd.f32 v2, v0  }
0x749: {  	v2 =	vld [tilespmem:s0+$0x8340]  }
0x74a: {  	v0 =	vadd.f32 v1, v0  }
0x74b: {  	v4 =	vld [tilespmem:s0+$0x8350]  }
.Ltmp39:
0x74c: {  	v0 =	vadd.f32 v3, v0;
	(pc) =	sbr.rel @p0 .LBB2_80-.Ltmp39, $4  }
0x74d: {  	v1 =	vld [tilespmem:s0+$0x8360]  }
0x74e: {  	v2 =	vadd.f32 v2, v0  }
0x74f: {  	v0 =	vld [tilespmem:s0+$0x8370]  }
0x750: {  	s0 =	sshra.s32 s2, $0x2;
	s2 =	sadd.s32 $0x1000, s2;
	v2 =	vadd.f32 v4, v2  }
0x751: {  	v3 =	vld [tilespmem:s0+$0x8300]  }
0x752: {  	v1 =	vadd.f32 v1, v2  }
0x753: {  	v2 =	vld [tilespmem:s0+$0x8310]  }
0x754: {  	v0 =	vadd.f32 v0, v1  }
0x755: {  	v1 =	vld [tilespmem:s0+$0x8320]  }
0x756: {  	v0 =	vadd.f32 v3, v0  }
0x757: {  	v3 =	vld [tilespmem:s0+$0x8330]  }
0x758: {  	v0 =	vadd.f32 v2, v0  }
0x759: {  	v2 =	vld [tilespmem:s0+$0x8340]  }
0x75a: {  	v0 =	vadd.f32 v1, v0  }
0x75b: {  	v1 =	vld [tilespmem:s0+$0x8350]  }
0x75c: {  	v0 =	vadd.f32 v3, v0  }
0x75d: {  	v3 =	vld [tilespmem:s0+$0x8360]  }
0x75e: {  	v0 =	vadd.f32 v2, v0  }
0x75f: {  	v2 =	vld [tilespmem:s0+$0x8370]  }
0x760: {  	v0 =	vadd.f32 v1, v0;
	_ =	sdelay $0x1  }
0x761: {  	v0 =	vadd.f32 v3, v0;
	_ =	sdelay $0x1  }
0x762: {  	v0 =	vadd.f32 v2, v0;
	_ =	sdelay $0x1  }
0x763: {  	s31 =	simm.s32 $0x0;
	[tilespmem:$0x1FF00] =	vst v0  }
0x764: {  	v0 =	vld [tilespmem:s31+$0x8380];
	_ =	sdelay $0x1  }
0x765: {  	v1 =	vld [tilespmem:s31+$0x8390];
	_ =	sdelay $0x1  }
0x766: {  	v2 =	vimm.f32 $0.0e+00;
	v3 =	vld [tilespmem:s31+$0x83A0]  }
0x767: {  	v0 =	vadd.f32 v0, v2  }
0x768: {  	v2 =	vld [tilespmem:s31+$0x83B0]  }
0x769: {  	v0 =	vadd.f32 v1, v0  }
0x76a: {  	v1 =	vld [tilespmem:s31+$0x83C0]  }
0x76b: {  	v0 =	vadd.f32 v3, v0;
	_ =	sdelay $0x1  }
0x76c: {  	v3 =	vld [tilespmem:s31+$0x83D0];
	v0 =	vadd.f32 v2, v0;
	_ =	sdelay $0x1  }
0x76d: {  	v2 =	vadd.f32 v1, v0;
	v1 =	vld [tilespmem:s31+$0x83E0];
	_ =	sdelay $0x1  }
0x76e: {  	v0 =	vld [tilespmem:s31+$0x83F0]  }
0x76f: {  	s2 =	simm.s32 $0x2000;
	s0 =	simm.s32 $0x400;
	v2 =	vadd.f32 v3, v2  }
.LBB2_82:
0x770: {  	p0 =	sne.s32 s2, $0x1F000;
	v3 =	vld [tilespmem:s0+$0x8380]  }
0x771: {  	v1 =	vadd.f32 v1, v2  }
0x772: {  	v2 =	vld [tilespmem:s0+$0x8390]  }
0x773: {  	v0 =	vadd.f32 v0, v1  }
0x774: {  	v1 =	vld [tilespmem:s0+$0x83A0]  }
0x775: {  	v0 =	vadd.f32 v3, v0  }
0x776: {  	v3 =	vld [tilespmem:s0+$0x83B0]  }
0x777: {  	v0 =	vadd.f32 v2, v0  }
0x778: {  	v2 =	vld [tilespmem:s0+$0x83C0]  }
0x779: {  	v0 =	vadd.f32 v1, v0  }
0x77a: {  	v4 =	vld [tilespmem:s0+$0x83D0]  }
.Ltmp40:
0x77b: {  	v0 =	vadd.f32 v3, v0;
	(pc) =	sbr.rel @p0 .LBB2_82-.Ltmp40, $4  }
0x77c: {  	v1 =	vld [tilespmem:s0+$0x83E0]  }
0x77d: {  	v2 =	vadd.f32 v2, v0  }
0x77e: {  	v0 =	vld [tilespmem:s0+$0x83F0]  }
0x77f: {  	s0 =	sshra.s32 s2, $0x2;
	s2 =	sadd.s32 $0x1000, s2;
	v2 =	vadd.f32 v4, v2  }
0x780: {  	v3 =	vld [tilespmem:s0+$0x8380]  }
0x781: {  	v1 =	vadd.f32 v1, v2  }
0x782: {  	v56 =	vld [tilespmem:s0+$0x8390]  }
0x783: {  	v0 =	vadd.f32 v0, v1  }
0x784: {  	v57 =	vld [tilespmem:s0+$0x83A0]  }
0x785: {  	v0 =	vadd.f32 v3, v0  }
0x786: {  	v58 =	vld [tilespmem:s0+$0x83B0]  }
0x787: {  	v0 =	vadd.f32 v56, v0  }
0x788: {  	v59 =	vld [tilespmem:s0+$0x83C0]  }
0x789: {  	v0 =	vadd.f32 v57, v0  }
0x78a: {  	v60 =	vld [tilespmem:s0+$0x83D0]  }
0x78b: {  	v0 =	vadd.f32 v58, v0  }
0x78c: {  	v61 =	vld [tilespmem:s0+$0x83E0]  }
0x78d: {  	v0 =	vadd.f32 v59, v0  }
0x78e: {  	v62 =	vld [tilespmem:s0+$0x83F0]  }
0x78f: {  	v0 =	vadd.f32 v60, v0;
	_ =	sdelay $0x1  }
0x790: {  	v0 =	vadd.f32 v61, v0;
	_ =	sdelay $0x1  }
0x791: {  	v0 =	vadd.f32 v62, v0;
	_ =	sdelay $0x1  }
0x792: {  	[tilespmem:$0x1FF80] =	vst v0  }
0x793: {  	[hbm4b:s12+s3] =	stream.linear.scatter [tilespmem:s15], [sflag:$0x5], $0x8000, $0x38;
	v63 =	vld [tilespmem:$0x0]  }
0x794: {  	_ =	swait.ge [sflag:s22], $0x8000  }
0x795: {  	[sflag:s22] =	ssyncset.done $0x0  }
0x796: {  	[sflag:s22] =	ssyncadd.s32 $0xFFFF8000  }
0x797: {  	_ =	swait.ge [sflag:s19], $0x8000  }
0x798: {  	[sflag:s19] =	ssyncset.done $0x0  }
0x799: {  	[sflag:s19] =	ssyncadd.s32 $0xFFFF8000  }
0x79a: {  	s25 =	sadd.s32 $0x1, s25;
	_ =	swait.ge [sflag:s21], $0x8000  }
0x79b: {  	p0 =	sne.s32 s25, s14;
	[sflag:s21] =	ssyncset.done $0x0  }
.Ltmp41:
0x79c: {  	s31 =	simm.s32 $0x18000;
	[sflag:s21] =	ssyncadd.s32 $0xFFFF8000;
	(pc) =	sbr.rel @p0 .LBB2_1-.Ltmp41, $4  }
0x79d: {  	[hbm4b:s13+s3] =	stream.linear.scatter [tilespmem:s31], [sflag:$0x7], $0x8000, $0x38;
	v63 =	vld [tilespmem:$0x0]  }
0x79e: {  	_ =	swait.ge [sflag:s24], $0x8000  }
0x79f: {  	[sflag:s24] =	ssyncset.done $0x0  }
0x7a0: {  	[sflag:s24] =	ssyncadd.s32 $0xFFFF8000  }
0x7a1: {  	_ =	sfence.sel $0x180000  }
0x7a2: {  	[bflag:$0x0] =	sbarrier.arrive $0xFFFF  }
0x7a3: {  	_ =	strace $0x9000004A  }
0x7a4: {  	s0 =	stileid.u32;
	[bflag:$0x2] =	sbarrier.arrive $0xFFFF  }
0x7a5: {  	p0 =	sne.s32 s0, $0x0;
	s0 =	rddreg [dreg:$0x2]  }
0x7a6: {  	s0 =	sadd.s32 @!p0 $0x100000, s0  }
0x7a7: {  	[sflag:s0] =	ssyncadd.tile.s32 @!p0 $0x1;
	_ =	shalt  }
.Lfunc_end2:
_tile_overlayer_lowered:
.L_overlay_start_2:
0x7a8: {  	(tag) =	ssettag $0x2  }
0x7a9: {  	s0 =	rddreg [dreg:$0x0];
	s2 =	stileid.u32  }
0x7aa: {  	s1 =	rddreg [dreg:$0x1];
	p0 =	sne.s32 s2, $0x0  }
0x7ab: {  	s3 =	rddreg [dreg:$0x2];
	[bflag:$0x3] =	sbarrier.arrive $0xFFFF;
	s2 =	simm.s32 @!p0 $0x1C07  }
0x7ac: {  	[timem:s3], [sflag:s2] =	dma.local @!p0 [hbm:s0], s1  }
0x7ad: {  	s0 =	simm.s32 @!p0 $0x7  }
0x7ae: {  	_ =	swait.ge @!p0 [sflag:s0], s1  }
0x7af: {  	s1 =	ssub.s32 @!p0 $0x0, s1;
	[sflag:s0] =	ssyncset.done @!p0 $0x0  }
0x7b0: {  	[sflag:s0] =	ssyncadd.s32 @!p0 s1  }
0x7b1: {  	[bflag:$0x3] =	sbarrier.arrive $0xFFFF  }
0x7b2: {  	_ =	shalt  }

// kernel: sparse-core-data-format-call.cloned.1.call-start
scs
called_computation_lowered:
.L_overlay_start_0:
0x0: {  	s2 =	sld [smem:$0x3FD9]  }
0x1: {  	s3 =	sld [smem:$0x3FFE];
	_ =	sdelay $0x1  }
0x2: {  	s1 =	srdreg.scid  }
0x3: {  	s0 =	sand.u32 $0x1, s1  }
0x4: {  	s18 =	sshll.u32 s0, $0xA;
	s2 =	sadd.s32 s3, s2  }
0x5: {  	s2 =	sadd.s32 s2, s18  }
0x6: {  	[smem:$0x3FC2] =	sst s2  }
0x7: {  	_ = 	snop  }
0x8: {  	s2 =	sld [smem:$0x3FC9];
	(tm) =	ssettm $0x1  }
0x9: {  	s19 =	sld [smem:$0x3FFB];
	_ =	sdelay $0x3  }
0xa: {  	_ =	strace s19  }
0xb: {  	s3 =	sld [smem:$0x3FFC];
	_ =	sdelay $0x3  }
0xc: {  	_ =	strace s3  }
0xd: {  	s3 =	sld [smem:$0x3FFD];
	_ =	sdelay $0x3  }
0xe: {  	_ =	strace s3  }
0xf: {  	_ =	strace $0x8FFFFFFF  }
0x10: {  	s20 =	sld [smem:$0x3FDB];
	_ =	sdelay $0x1  }
0x11: {  	s4 =	simm.s32 $_scs_section_size  }
0x12: {  	s5 =	simm.s32 $_size__tile_overlayer_lowered;
	s6 =	simm.s32 $_tile_overlayer_lowered  }
0x13: {  	s23 =	simm.s32 $0x1BFF;
	s22 =	sshll.u32 s6, $0x1;
	s3 =	sadd.s32 s4, s20  }
0x14: {  	s7 =	simm.s32 $0x0;
	s21 =	sshll.u32 s5, $0x1;
	s5 =	sadd.s32 s22, s3  }
0x15: {  	[timem:s7], [sflag:s23] =	dma.local [hbm:s5], s21  }
0x16: {  	_ =	swait.ge [sflag:s23], s21  }
0x17: {  	s4 =	ssub.s32 $0x0, s21;
	[sflag:s23] =	ssyncset.done $0x0  }
0x18: {  	[sflag:s23] =	ssyncadd.s32 s4;
	_ =	sdelay $0x1  }
0x19: {  	s24 =	simm.s32 $0x1B8B  }
0x1a: {  	_ =	swait.ge [sflag:s24], $0x1  }
0x1b: {  	[sflag:s24] =	ssyncset.done $0x0  }
0x1c: {  	s26 =	simm.s32 $0x1B8E;
	s25 =	sld [smem:$0x3FFE];
	[sflag:s24] =	ssyncadd.s32 $0xFFFFFFFF  }
0x1d: {  	s27 =	simm.s32 $execute0_lowered;
	[smem:$0x3FD2] =	sst s26  }
0x1e: {  	s5 =	sshll.u32 s27, $0x1;
	_ =	strace $0x80000046;
	[dreg:$0x1] =	wrdreg $0xFFFFFFFF  }
0x1f: {  	s28 =	simm.s32 $_size_execute0_lowered;
	s3 =	sadd.s32 s3, s5;
	[dreg:$0x0] =	wrdreg $0x0  }
0x20: {  	s5 =	sshll.u32 s28, $0x1;
	[dreg:$0x2] =	wrdreg s3  }
0x21: {  	[dreg:$0x3] =	wrdreg s5  }
0x22: {  	[dreg:$0x4] =	wrdreg $0xC0  }
0x23: {  	_ =	task [dreg:s7], $0x5FFFF  }
0x24: {  	[dreg:$0x1] =	wrdreg $0xFFFFFFFF  }
0x25: {  	[dreg:$0x0] =	wrdreg $0x60  }
0x26: {  	[dreg:$0x2] =	wrdreg s2  }
0x27: {  	[dreg:$0x3] =	wrdreg s25  }
0x28: {  	[dreg:$0x4] =	wrdreg $0x9  }
0x29: {  	_ =	task.clear_ibuf [dreg:s7], $0x5FFFF;
	_ =	strace $0x90000046  }
0x2a: {  	s29 =	simm.s32 $0x9;
	_ =	strace $0x80000048  }
0x2b: {  	_ =	swait.ge [sflag:s29], $0x1  }
0x2c: {  	[sflag:s29] =	ssyncadd.s32 $0xFFFFFFFF  }
0x2d: {  	_ =	strace $0x90000048  }
0x2e: {  	_ =	sfence  }
0x2f: {  	s30 =	sld [smem:$0x0];
	_ =	sdelay $0x2  }
0x30: {  	s31 =	sshll.u32 s1, $0xD;
	s1 =	sshrl.u32 s1, $0x2  }
0x31: {  	s3 =	sand.u32 $0x4000, s31;
	s1 =	sadd.s32 s1, s30  }
0x32: {  	s0 =	sor.u32 s3, s0;
	s1 =	sshll.u32 s1, $0x11  }
0x33: {  	s0 =	sor.u32 s1, s0  }
0x34: {  	s0 =	sadd.s32 $0x8F2B, s0  }
0x35: {  	[sflag:s0] =	ssyncadd.remote.s32 $0x1  }
0x36: {  	_ =	sfence.sel $0xFFFF  }
0x37: {  	[dreg:$0x0] =	wrdreg $0xFFFFFFFF;
	(pc) =	sbr.abs _section_cstart, $3  }
0x38: {  	[dreg:$0x1] =	wrdreg $0xFFFFFFFF  }
0x39: {  	_ =	task.clear_ibuf [dreg:s7], $0x2FFFF;
	_ =	strace $0x9FFFFFFF  }
0x3a: {  	(tm) =	ssettm $0x7FFFFFFF  }
0x3b: {  	_ =	shalt  }
tec
execute0_lowered:
.L_overlay_start_1:
0x0: {  	(tag) =	ssettag $0x1  }
0x1: {  	s2 =	rddreg [dreg:$0x0]  }
0x2: {  	s1 =	rddreg [dreg:$0x1]  }
0x3: {  	s0 =	rddreg [dreg:$0x2];
	s4 =	srdreg.scid  }
0x4: {  	_ =	strace $0x80000047;
	s7 =	simm.s32 $0x2;
	s14 =	simm.s32 $0x0  }
0x5: {  	p0 =	por $0x0, $0x0;
	s13 =	simm.s32 $0x0;
	s16 =	simm.s32 $0x0  }
0x6: {  	s15 =	simm.s32 $0x0;
	s9 =	simm.s32 $0x0;
	s10 =	simm.s32 $0x0  }
.Ltmp0:
0x7: {  	s3 =	sadd.s32 $0x1600, s1;
	s4 =	sshll.u32 s4, $0x4;
	(pc) =	sbr.rel .LBB1_1-.Ltmp0, $4  }
0x8: {  	s1 =	stileid.u32;
	s5 =	sand.u32 $0x10, s4;
	s4 =	simm.s32 $0x1  }
0x9: {  	s8 =	simm.s32 $0x0;
	s6 =	sor.u32 s1, s5;
	[sflag:s4] =	ssyncpa.u1 $0x0  }
0xa: {  	s5 =	sand.u32 $0x7, s1;
	s6 =	sshrl.u32 s6, $0x3;
	[sflag:s7] =	ssyncpa.u1 $0x0  }
0xb: {  	s7 =	simm.s32 $0x2000;
	s12 =	smov.u32 s5;
	s11 =	smov.u32 s6  }
.LBB1_5:
0xc: {  	s17 =	sadd.s32 $0x100, s9  }
0xd: {  	s13 =	sadd.s32 $0x40, s10;
	s18 =	smov.u32 s10;
	p2 =	sgt.s32 s17, $0x3FF  }
0xe: {  	s18 =	smov.u32 @p2 s13  }
0xf: {  	s19 =	smov.u32 s11;
	s13 =	sadd.s32 $0x4, s11;
	p3 =	sgt.s32 s18, $0x3F  }
0x10: {  	s19 =	smov.u32 @p3 s13  }
0x11: {  	s20 =	smov.u32 s12;
	s13 =	sadd.s32 $0x8, s12;
	p4 =	sgt.s32 s19, $0x3F  }
0x12: {  	p1 =	slt.u32 s8, $0x2;
	s20 =	smov.u32 @p4 s13  }
0x13: {  	s8 =	sadd.s32 $0x1, s8;
	s17 =	simm.s32 @p2 $0x0;
	p2 =	sgt.s32 s20, $0x7  }
0x14: {  	s14 =	smov.u32 s9;
	s20 =	smov.u32 @p2 s5;
	p2 =	sne.s32 s8, $0x42  }
.Ltmp1:
0x15: {  	s16 =	smov.u32 s11;
	s21 =	simm.s32 @!p1 $0x2;
	(pc) =	sbr.rel @!p2 .LBB1_6-.Ltmp1, $4  }
0x16: {  	s15 =	smov.u32 s12;
	p0 =	por !p0, !p0;
	_ =	swait.ge @!p1 [sflag:s21], $0x4000  }
0x17: {  	[sflag:s21] =	ssyncset.done @!p1 $0x0;
	s9 =	smov.u32 s17;
	s18 =	simm.s32 @p3 $0x0  }
0x18: {  	[sflag:s21] =	ssyncadd.s32 @!p1 $0xFFFFC000;
	s19 =	smov.u32 @p4 s6;
	s13 =	smov.u32 s10  }
0x19: {  	s10 =	smov.u32 s18;
	s11 =	smov.u32 s19;
	s12 =	smov.u32 s20  }
.LBB1_1:
0x1a: {  	p1 =	sgt.u32 s8, $0x3F  }
0x1b: {  	s17 =	sxor.u32 @!p1 $0xFFFFFFFF, s8;
	s18 =	sshll.u32 @!p1 s10, $0x7;
	s19 =	sand.u32 @!p1 $0x78, s9  }
0x1c: {  	s21 =	sshll.u32 @!p1 s11, $0xD;
	s17 =	sshll.u32 @!p1 s17, $0xE;
	s20 =	sand.u32 @!p1 $0x380, s18  }
0x1d: {  	s18 =	sand.u32 @!p1 $0x1C00, s18;
	s19 =	sor.u32 @!p1 s19, s20;
	s20 =	sshll.u32 @!p1 s12, $0x13  }
0x1e: {  	s17 =	sand.u32 @!p1 $0x4000, s17;
	s18 =	sadd.s32 @!p1 s9, s18;
	s20 =	sadd.s32 @!p1 s2, s20  }
0x1f: {  	s19 =	sshrl.u32 @!p1 s19, $0x3;
	s20 =	sadd.s32 @!p1 s21, s20;
	s21 =	sand.u32 @!p1 $0x7, s9  }
0x20: {  	s18 =	sand.u32 @!p1 $0x1F80, s18;
	s19 =	sadd.s32 @!p1 s19, s20;
	s20 =	sshll.u32 @!p1 s21, $0x12  }
0x21: {  	s18 =	sadd.s32 @!p1 s18, s19;
	s19 =	sor.u32 @!p1 $0x800, s20;
	s20 =	simm.s32 @!p1 $0x2000  }
0x22: {  	[tilespmem:s17], [sflag:$0x1] =	stream.strided.gather @!p1 [hbm4b:s18+s19], $0x4000, s20, s19, $0x38;
	[tilespmem:$0x10200] =	vst v63  }
0x23: {  	p1 =	seq.s32 s8, $0x0  }
0x24: {  	p2 =	seq.s32 @!p1 s8, $0x41  }
0x25: {  	p1 =	por p1, p2  }
.Ltmp2:
0x26: {  	_ = 	snop;
	(pc) =	sbr.rel @p1 .LBB1_5-.Ltmp2, $1  }
0x27: {  	_ =	sdelay $0x3  }
0x28: {  	s20 =	simm.s32 $0x0  }
0x29: {  	s19 =	sand.u32 $0x3800, s20;
	s21 =	sand.u32 $0x380, s20  }
0x2a: {  	s17 =	sand.u32 $0x1, s8;
	s19 =	sor.u32 s21, s19  }
0x2b: {  	_ =	swait.ge [sflag:s4], $0x4000;
	s18 =	sshll.u32 s17, $0xE;
	s21 =	sand.u32 $0x3B00, s19  }
0x2c: {  	[sflag:s4] =	ssyncset.done $0x0;
	s20 =	sand.u32 $0x80, s20;
	s21 =	sadd.s32 s21, s18  }
0x2d: {  	[sflag:s4] =	ssyncadd.s32 $0xFFFFC000;
	s23 =	sadd.s32 s20, s21  }
0x2e: {  	v4 =	vld [tilespmem:s23+$0x400]  }
0x2f: {  	s22 =	simm.s32 $0x1;
	v5 =	vld [tilespmem:s23+$0x0]  }
0x30: {  	s22 =	simm.s32 @!p0 $0x0;
	v6 =	vld [tilespmem:s23+$0x10]  }
0x31: {  	v0 =	vmov s18;
	s31 =	smul.u32 $0x10400, s22;
	v7 =	vld [tilespmem:s23+$0x20]  }
0x32: {  	v9 =	vld [tilespmem:s23+$0x30]  }
0x33: {  	s20 =	sshrl.u32 s31, $0x2;
	v10 =	vld [tilespmem:s23+$0x40]  }
0x34: {  	s20 =	sor.u32 $0x8000, s20;
	v11 =	vld [tilespmem:s23+$0x50]  }
0x35: {  	v8 =	vld [tilespmem:s23+$0x60];
	s21 =	sadd.s32 $0x0, s20  }
0x36: {  	v1 =	vld.idx.msk [tilespmem:v0+s19+$0x410 ss:$0x1], $0xffff;
	[tilespmem:s21+$0x2080 ss:$0x41] =	vst.msk $0xffff, v4  }
0x37: {  	v2 =	vld.idx.msk [tilespmem:v0+s19+$0x420 ss:$0x1], $0xffff;
	[tilespmem:s21+$0x0 ss:$0x41] =	vst.msk $0xffff, v5  }
0x38: {  	v3 =	vld.idx.msk [tilespmem:v0+s19+$0x430 ss:$0x1], $0xffff;
	[tilespmem:s21+$0x410 ss:$0x41] =	vst.msk $0xffff, v6  }
0x39: {  	s17 =	smul.u32 $0x10400, s17;
	[tilespmem:s21+$0x820 ss:$0x41] =	vst.msk $0xffff, v7;
	v7 =	vld [tilespmem:s23+$0x70]  }
0x3a: {  	s24 =	simm.s32 $0x100;
	s25 =	simm.s32 $0x8;
	[tilespmem:s21+$0xC30 ss:$0x41] =	vst.msk $0xffff, v9;
	v4 =	vld.idx.msk [tilespmem:v0+s19+$0x440 ss:$0x1], $0xffff  }
0x3b: {  	s26 =	sand.u32 $0x3800, s24;
	s17 =	sshrl.u32 s17, $0x2;
	[tilespmem:s21+$0x1040 ss:$0x41] =	vst.msk $0xffff, v10;
	v5 =	vld.idx.msk [tilespmem:v0+s19+$0x450 ss:$0x1], $0xffff;
	s23 =	simm.s32 $0x80  }
0x3c: {  	s22 =	simm.s32 $0x4;
	s17 =	sor.u32 $0x8000, s17;
	[tilespmem:s21+$0x1450 ss:$0x41] =	vst.msk $0xffff, v11;
	v6 =	vld.idx.msk [tilespmem:v0+s19+$0x460 ss:$0x1], $0xffff;
	s27 =	sand.u32 $0x380, s23  }
.LBB1_3:
0x3d: {  	p1 =	sne.s32 s25, $0xFC;
	[tilespmem:s21+$0x1860 ss:$0x41] =	vst.msk $0xffff, v8;
	v8 =	vld.idx.msk [tilespmem:v0+s19+$0x470 ss:$0x1], $0xffff;
	s19 =	sor.u32 s27, s26  }
0x3e: {  	s26 =	sand.u32 $0x3B00, s19;
	v9 =	vld.idx.msk [tilespmem:v0+s19+$0x410 ss:$0x1], $0xffff;
	[tilespmem:s21+$0x1C70 ss:$0x41] =	vst.msk $0xffff, v7  }
0x3f: {  	s27 =	sand.u32 $0x80, s23;
	s26 =	sadd.s32 s26, s18;
	v7 =	vld.idx.msk [tilespmem:v0+s19+$0x420 ss:$0x1], $0xffff;
	[tilespmem:s21+$0x2490 ss:$0x41] =	vst.msk $0xffff, v1  }
0x40: {  	s26 =	sadd.s32 s27, s26;
	v10 =	vld.idx.msk [tilespmem:v0+s19+$0x430 ss:$0x1], $0xffff;
	[tilespmem:s21+$0x28A0 ss:$0x41] =	vst.msk $0xffff, v2  }
0x41: {  	v11 =	vld [tilespmem:s26+$0x400];
	[tilespmem:s21+$0x2CB0 ss:$0x41] =	vst.msk $0xffff, v3  }
0x42: {  	v12 =	vld [tilespmem:s26+$0x0];
	[tilespmem:s21+$0x30C0 ss:$0x41] =	vst.msk $0xffff, v4  }
0x43: {  	v4 =	vld [tilespmem:s26+$0x10];
	[tilespmem:s21+$0x34D0 ss:$0x41] =	vst.msk $0xffff, v5  }
0x44: {  	s27 =	sshra.s32 s22, $0x2;
	s22 =	smov.u32 s25;
	v1 =	vmov v9;
	v5 =	vld [tilespmem:s26+$0x20];
	[tilespmem:s21+$0x38E0 ss:$0x41] =	vst.msk $0xffff, v6  }
0x45: {  	v2 =	vmov v7;
	v6 =	vld [tilespmem:s26+$0x30];
	[tilespmem:s21+$0x3CF0 ss:$0x41] =	vst.msk $0xffff, v8;
	s21 =	sadd.s32 s27, s20  }
0x46: {  	v3 =	vmov v10;
	v9 =	vld [tilespmem:s26+$0x40];
	[tilespmem:s21+$0x2080 ss:$0x41] =	vst.msk $0xffff, v11  }
0x47: {  	[tilespmem:s21+$0x0 ss:$0x41] =	vst.msk $0xffff, v12;
	v10 =	vld [tilespmem:s26+$0x50]  }
.Ltmp3:
0x48: {  	[tilespmem:s21+$0x410 ss:$0x41] =	vst.msk $0xffff, v4;
	v8 =	vld [tilespmem:s26+$0x60];
	(pc) =	sbr.rel @p1 .LBB1_3-.Ltmp3, $4  }
0x49: {  	[tilespmem:s21+$0x820 ss:$0x41] =	vst.msk $0xffff, v5;
	v7 =	vld [tilespmem:s26+$0x70]  }
0x4a: {  	[tilespmem:s21+$0xC30 ss:$0x41] =	vst.msk $0xffff, v6;
	v4 =	vld.idx.msk [tilespmem:v0+s19+$0x440 ss:$0x1], $0xffff  }
0x4b: {  	s23 =	sadd.s32 $0x80, s23;
	s24 =	sadd.s32 $0x100, s24;
	[tilespmem:s21+$0x1040 ss:$0x41] =	vst.msk $0xffff, v9;
	v5 =	vld.idx.msk [tilespmem:v0+s19+$0x450 ss:$0x1], $0xffff  }
0x4c: {  	s25 =	sadd.s32 $0x4, s25;
	s27 =	sand.u32 $0x380, s23;
	s26 =	sand.u32 $0x3800, s24;
	[tilespmem:s21+$0x1450 ss:$0x41] =	vst.msk $0xffff, v10;
	v6 =	vld.idx.msk [tilespmem:v0+s19+$0x460 ss:$0x1], $0xffff  }
0x4d: {  	_ = 	snop  }
0x4e: {  	[tilespmem:s21+$0x1860 ss:$0x41] =	vst.msk $0xffff, v8  }
0x4f: {  	[tilespmem:s21+$0x2490 ss:$0x41] =	vst.msk $0xffff, v1  }
0x50: {  	[tilespmem:s21+$0x28A0 ss:$0x41] =	vst.msk $0xffff, v2  }
0x51: {  	s24 =	sor.u32 s27, s26;
	v47 =	vld.idx.msk [tilespmem:v0+s19+$0x470 ss:$0x1], $0xffff;
	[tilespmem:s21+$0x2CB0 ss:$0x41] =	vst.msk $0xffff, v3  }
0x52: {  	[tilespmem:s21+$0x1C70 ss:$0x41] =	vst.msk $0xffff, v7;
	v57 =	vld.idx.msk [tilespmem:v0+s24+$0x410 ss:$0x1], $0xffff  }
0x53: {  	v58 =	vld.idx.msk [tilespmem:v0+s24+$0x420 ss:$0x1], $0xffff;
	[tilespmem:s21+$0x30C0 ss:$0x41] =	vst.msk $0xffff, v4  }
0x54: {  	v59 =	vld.idx.msk [tilespmem:v0+s24+$0x430 ss:$0x1], $0xffff;
	[tilespmem:s21+$0x34D0 ss:$0x41] =	vst.msk $0xffff, v5  }
0x55: {  	s26 =	sshra.s32 s22, $0x2;
	v60 =	vld.idx.msk [tilespmem:v0+s24+$0x440 ss:$0x1], $0xffff;
	[tilespmem:s21+$0x38E0 ss:$0x41] =	vst.msk $0xffff, v6  }
0x56: {  	s25 =	sand.u32 $0x3B00, s24;
	s19 =	sadd.s32 s26, s20;
	v61 =	vld.idx.msk [tilespmem:v0+s24+$0x450 ss:$0x1], $0xffff;
	[tilespmem:s21+$0x3CF0 ss:$0x41] =	vst.msk $0xffff, v47  }
0x57: {  	s23 =	sand.u32 $0x80, s23;
	v62 =	vld.idx.msk [tilespmem:v0+s24+$0x460 ss:$0x1], $0xffff;
	s18 =	sadd.s32 s25, s18;
	[tilespmem:s19+$0x2490 ss:$0x41] =	vst.msk $0xffff, v57  }
0x58: {  	v63 =	vld.idx.msk [tilespmem:v0+s24+$0x470 ss:$0x1], $0xffff;
	s18 =	sadd.s32 s23, s18;
	[tilespmem:s19+$0x28A0 ss:$0x41] =	vst.msk $0xffff, v58  }
0x59: {  	v48 =	vld [tilespmem:s18+$0x400];
	[tilespmem:s19+$0x2CB0 ss:$0x41] =	vst.msk $0xffff, v59  }
0x5a: {  	v49 =	vld [tilespmem:s18+$0x0];
	[tilespmem:s19+$0x30C0 ss:$0x41] =	vst.msk $0xffff, v60  }
0x5b: {  	v50 =	vld [tilespmem:s18+$0x10];
	[tilespmem:s19+$0x34D0 ss:$0x41] =	vst.msk $0xffff, v61  }
0x5c: {  	v51 =	vld [tilespmem:s18+$0x20];
	[tilespmem:s19+$0x38E0 ss:$0x41] =	vst.msk $0xffff, v62  }
0x5d: {  	v52 =	vld [tilespmem:s18+$0x30];
	[tilespmem:s19+$0x3CF0 ss:$0x41] =	vst.msk $0xffff, v63  }
0x5e: {  	v53 =	vld [tilespmem:s18+$0x40];
	[tilespmem:s19+$0x2080 ss:$0x41] =	vst.msk $0xffff, v48  }
0x5f: {  	s16 =	sshll.u32 s16, $0x7;
	v54 =	vld [tilespmem:s18+$0x50];
	[tilespmem:s19+$0x0 ss:$0x41] =	vst.msk $0xffff, v49  }
0x60: {  	s27 =	sshll.u32 s13, $0x3;
	s15 =	sshll.u32 s15, $0x14;
	s14 =	sshll.u32 s14, $0xA;
	v55 =	vld [tilespmem:s18+$0x60];
	[tilespmem:s19+$0x410 ss:$0x41] =	vst.msk $0xffff, v50  }
0x61: {  	s29 =	sshrl.u32 s13, $0x3;
	s28 =	sand.u32 $0x1C00, s16;
	v56 =	vld [tilespmem:s18+$0x70];
	s18 =	sand.u32 $0x1C00, s27;
	[tilespmem:s19+$0x820 ss:$0x41] =	vst.msk $0xffff, v51  }
0x62: {  	s30 =	sand.u32 $0x7, s13;
	s16 =	sand.u32 $0x380, s16;
	s18 =	sadd.s32 s28, s18;
	[tilespmem:s19+$0xC30 ss:$0x41] =	vst.msk $0xffff, v52  }
.Ltmp4:
0x63: {  	s15 =	sadd.s32 s3, s15;
	s16 =	sor.u32 s16, s18;
	[tilespmem:s19+$0x1040 ss:$0x41] =	vst.msk $0xffff, v53;
	(pc) =	sbr.rel .LBB1_5-.Ltmp4, $4  }
0x64: {  	s14 =	sadd.s32 s14, s15;
	s18 =	sand.u32 $0xF, s29;
	s16 =	sshrl.u32 s16, $0x3;
	[tilespmem:s19+$0x1450 ss:$0x41] =	vst.msk $0xffff, v54  }
0x65: {  	s13 =	sshll.u32 s30, $0x12;
	s14 =	sadd.s32 s18, s14;
	s31 =	sand.u32 $0x3F0, s16;
	[tilespmem:s19+$0x1860 ss:$0x41] =	vst.msk $0xffff, v55  }
0x66: {  	s13 =	sor.u32 $0x40, s13;
	[tilespmem:s19+$0x1C70 ss:$0x41] =	vst.msk $0xffff, v56;
	s14 =	sadd.s32 s31, s14  }
0x67: {  	[hbm4b:s14+s13] =	stream.strided.scatter [tilespmem:s17], [sflag:$0x2], $0x4000, s7, s13, $0x18;
	[tilespmem:$0x10200] =	vst v63  }
.LBB1_6:
0x68: {  	_ =	sfence.sel $0x180000  }
0x69: {  	s2 =	simm.s32 $0x1;
	[bflag:$0x0] =	sbarrier.arrive $0xFFFF  }
0x6a: {  	s31 =	simm.s32 $0x2;
	[sflag:s2] =	ssyncpa.u1 $0x1  }
0x6b: {  	[sflag:s31] =	ssyncpa.u1 $0x1  }
0x6c: {  	p0 =	sne.s32 s1, $0x0;
	_ =	strace $0x90000047  }
0x6d: {  	s0 =	sadd.s32 @!p0 $0x100000, s0;
	[bflag:$0x2] =	sbarrier.arrive $0xFFFF  }
0x6e: {  	[sflag:s0] =	ssyncadd.tile.s32 @!p0 $0x1;
	_ =	shalt  }
.Lfunc_end1:
_tile_overlayer_lowered:
.L_overlay_start_2:
0x6f: {  	(tag) =	ssettag $0x2  }
0x70: {  	s0 =	rddreg [dreg:$0x0];
	s2 =	stileid.u32  }
0x71: {  	s1 =	rddreg [dreg:$0x1];
	p0 =	sne.s32 s2, $0x0  }
0x72: {  	s3 =	rddreg [dreg:$0x2];
	[bflag:$0x3] =	sbarrier.arrive $0xFFFF;
	s2 =	simm.s32 @!p0 $0x1C01  }
0x73: {  	[timem:s3], [sflag:s2] =	dma.local @!p0 [hbm:s0], s1  }
0x74: {  	s0 =	simm.s32 @!p0 $0x1  }
0x75: {  	_ =	swait.ge @!p0 [sflag:s0], s1  }
0x76: {  	s1 =	ssub.s32 @!p0 $0x0, s1;
	[sflag:s0] =	ssyncset.done @!p0 $0x0  }
0x77: {  	[sflag:s0] =	ssyncadd.s32 @!p0 s1  }
0x78: {  	[bflag:$0x3] =	sbarrier.arrive $0xFFFF  }
0x79: {  	_ =	shalt  }

</sc_bundles>
